<compile_context>
chip_gen: v7x
topology: tpu7x:2x2x1
jax: 0.10.2.dev20260603
libtpu: 0.0.44.dev20260713+nightly
codegen_flags: <defaults>
</compile_context>

<pallas_src>
import functools

import jax
import jax.numpy as jnp
from jax import lax
from jax.experimental import pallas as pl
from jax.experimental.pallas import tpu as pltpu
from jax.experimental.pallas import tpu_sc as plsc

N = 10000
E = 320000
D = 128
H = 8
F = 16
L = 16
DM = D + L
NC = 2
NS = 16
NW = NC * NS
EPW = E // NW
K = 80
NCHUNK = EPW // K
NBLK = N // K

BN = 1000



def _tc_pre_body(x_ref, w_ref, ab_ref, ba_ref, h_ref, erl_ref):
    h = jnp.dot(x_ref[...], w_ref[...], preferred_element_type=jnp.float32)
    elr = jnp.dot(h, ab_ref[...], preferred_element_type=jnp.float32)
    h_ref[...] = jnp.concatenate([h, elr], axis=1)
    erl_ref[...] = jnp.dot(h, ba_ref[...], preferred_element_type=jnp.float32)


def _tc_pre(x, W, AB, BA):
    return pl.pallas_call(
        _tc_pre_body,
        grid=(N // BN,),
        in_specs=[
            pl.BlockSpec((BN, D), lambda i: (i, 0)),
            pl.BlockSpec((D, D), lambda i: (0, 0)),
            pl.BlockSpec((D, 2 * H), lambda i: (0, 0)),
            pl.BlockSpec((D, 2 * H), lambda i: (0, 0)),
        ],
        out_specs=[
            pl.BlockSpec((BN, DM), lambda i: (i, 0)),
            pl.BlockSpec((BN, 2 * H), lambda i: (i, 0)),
        ],
        out_shape=[
            jax.ShapeDtypeStruct((N, DM), jnp.float32),
            jax.ShapeDtypeStruct((N, 2 * H), jnp.float32),
        ],
    )(x, W, AB, BA)


def _norm_block(a0_ref, a1_ref, b_ref, r_ref):
    a = a0_ref[...] + a1_ref[...]
    feat = a[:, :D]
    s8 = a[:, D:D + H]
    rec = jnp.where(s8 > 0, 1.0 / s8, 0.0)
    rbig = jnp.dot(rec, r_ref[...], preferred_element_type=jnp.float32)
    return feat * rbig + b_ref[...]


def _tc_post1_body(a0_ref, a1_ref, b_ref, r_ref, w2_ref, ab2_ref, ba2_ref,
                   h2_ref, erl2_ref):
    o = _norm_block(a0_ref, a1_ref, b_ref, r_ref)
    o = jnp.where(o > 0, o, jnp.exp(o) - 1.0)
    h2 = jnp.dot(o, w2_ref[...], preferred_element_type=jnp.float32)
    elr2 = jnp.dot(h2, ab2_ref[...], preferred_element_type=jnp.float32)
    h2_ref[...] = jnp.concatenate([h2, elr2], axis=1)
    erl2_ref[...] = jnp.dot(h2, ba2_ref[...], preferred_element_type=jnp.float32)


def _tc_post1(a0, a1, b, R, W2, AB2, BA2):
    return pl.pallas_call(
        _tc_post1_body,
        grid=(N // BN,),
        in_specs=[
            pl.BlockSpec((BN, DM), lambda i: (i, 0)),
            pl.BlockSpec((BN, DM), lambda i: (i, 0)),
            pl.BlockSpec((1, D), lambda i: (0, 0)),
            pl.BlockSpec((H, D), lambda i: (0, 0)),
            pl.BlockSpec((D, D), lambda i: (0, 0)),
            pl.BlockSpec((D, 2 * H), lambda i: (0, 0)),
            pl.BlockSpec((D, 2 * H), lambda i: (0, 0)),
        ],
        out_specs=[
            pl.BlockSpec((BN, DM), lambda i: (i, 0)),
            pl.BlockSpec((BN, 2 * H), lambda i: (i, 0)),
        ],
        out_shape=[
            jax.ShapeDtypeStruct((N, DM), jnp.float32),
            jax.ShapeDtypeStruct((N, 2 * H), jnp.float32),
        ],
    )(a0, a1, b, R, W2, AB2, BA2)


def _tc_post2_body(a0_ref, a1_ref, b_ref, r_ref, m_ref, out_ref):
    o = _norm_block(a0_ref, a1_ref, b_ref, r_ref)
    out_ref[...] = jnp.dot(o, m_ref[...], preferred_element_type=jnp.float32)


def _tc_post2(a0, a1, b, R, M):
    return pl.pallas_call(
        _tc_post2_body,
        grid=(N // BN,),
        in_specs=[
            pl.BlockSpec((BN, DM), lambda i: (i, 0)),
            pl.BlockSpec((BN, DM), lambda i: (i, 0)),
            pl.BlockSpec((1, D), lambda i: (0, 0)),
            pl.BlockSpec((H, D), lambda i: (0, 0)),
            pl.BlockSpec((D, F), lambda i: (0, 0)),
        ],
        out_specs=pl.BlockSpec((BN, F), lambda i: (i, 0)),
        out_shape=jax.ShapeDtypeStruct((N, F), jnp.float32),
    )(a0, a1, b, R, M)



def _sc_edge_body(h_hbm, erl_hbm, src_hbm, dst_hbm, acc_out,
                  acc_sh, srcv, dstv, dsts, hrows, erdst,
                  gsem, ssem, isem):
    c = lax.axis_index("c")
    s_ = lax.axis_index("s")
    zero16 = jnp.zeros((L,), jnp.float32)
    lane_iota = lax.iota(jnp.int32, L)

    def _zero_buf(i, _):
        for jj in range(DM // L):
            hrows[0, i, pl.ds(jj * L, L)] = zero16
        return 0
    lax.fori_loop(0, K, _zero_buf, 0)

    def _zero_acc(b, _):
        @pl.when((b % NS) == s_)
        def _():
            pltpu.sync_copy(hrows.at[0],
                            acc_sh.at[pl.ds(pl.multiple_of(b * K, 8), K)])
        return 0
    lax.fori_loop(0, NBLK, _zero_acc, 0)

    plsc.subcore_barrier()

    ebase = (c * NS + s_) * EPW

    def _fire_idx(j, par):
        base = pl.multiple_of(ebase + j * K, 8)
        pltpu.async_copy(src_hbm.at[pl.ds(base, K)], srcv.at[par], isem)
        pltpu.async_copy(dst_hbm.at[pl.ds(base, K)], dstv.at[par], isem)

    def _wait_idx(par):
        pltpu.make_async_copy(src_hbm.at[pl.ds(0, K)], srcv.at[par], isem).wait()
        pltpu.make_async_copy(dst_hbm.at[pl.ds(0, K)], dstv.at[par], isem).wait()

    def _fire_gathers(ring, par):
        pltpu.async_copy(h_hbm.at[srcv.at[par]], hrows.at[ring], gsem)
        pltpu.async_copy(erl_hbm.at[dstv.at[par]], erdst.at[par], gsem)

    def _drain_gathers():
        pltpu.make_async_copy(h_hbm.at[srcv.at[0]], hrows.at[0], gsem).wait()
        pltpu.make_async_copy(erl_hbm.at[dstv.at[0]], erdst.at[0], gsem).wait()

    def _drain_scatter():
        pltpu.make_async_copy(hrows.at[0], acc_sh.at[dsts.at[0]], ssem).wait()

    def _compute(ring, par):
        def _edge(kk, _):
            for u in range(4):
                k = kk * 4 + u
                e16 = hrows[ring, k, pl.ds(D, L)] + erdst[par, k, :]
                e16 = jnp.where(e16 > 0.0, e16, 0.2 * e16)
                ee = jnp.where(lane_iota < H, jnp.exp(e16), 0.0)
                hrows[ring, k, pl.ds(D, L)] = ee
                for hh in range(H):
                    hrows[ring, k, pl.ds(hh * L, L)] = (
                        hrows[ring, k, pl.ds(hh * L, L)] * ee[hh])
            return 0
        lax.fori_loop(0, K // 4, _edge, 0)

    def _fire_scatter(ring, par):
        for g in range(K // L):
            dsts[par, pl.ds(g * L, L)] = dstv[par, pl.ds(g * L, L)]
        pltpu.async_copy(hrows.at[ring], acc_sh.at[dsts.at[par]], ssem,
                         add=True)

    pltpu.sync_copy(src_hbm.at[pl.ds(pl.multiple_of(ebase, 8), K)], srcv.at[0])
    pltpu.sync_copy(dst_hbm.at[pl.ds(pl.multiple_of(ebase, 8), K)], dstv.at[0])
    _fire_gathers(0, 0)
    _fire_idx(1, 1)

    def _iter(j, _):
        p2 = lax.rem(j, 2)
        p3 = lax.rem(j, 3)
        _drain_gathers()

        @pl.when(j >= 2)
        def _():
            _drain_scatter()

        @pl.when(j <= NCHUNK - 2)
        def _():
            _wait_idx(1 - p2)
            _fire_gathers(lax.rem(j + 1, 3), 1 - p2)

        _compute(p3, p2)
        _fire_scatter(p3, p2)

        @pl.when(j <= NCHUNK - 3)
        def _():
            _fire_idx(j + 2, p2)
        return 0

    lax.fori_loop(0, NCHUNK, _iter, 0)
    _drain_scatter()
    _drain_scatter()

    plsc.subcore_barrier()

    def _wb(b, _):
        @pl.when((b % NS) == s_)
        def _():
            r = pl.multiple_of(b * K, 8)
            pltpu.sync_copy(acc_sh.at[pl.ds(r, K)], hrows.at[0])
            pltpu.sync_copy(hrows.at[0], acc_out.at[c, pl.ds(r, K)])
        return 0
    lax.fori_loop(0, NBLK, _wb, 0)


@functools.lru_cache(maxsize=1)
def _sc_edges_fn():
    return pl.kernel(
        _sc_edge_body,
        out_type=jax.ShapeDtypeStruct((NC, N, DM), jnp.float32),
        mesh=plsc.VectorSubcoreMesh(core_axis_name="c", subcore_axis_name="s",
                                    num_cores=NC, num_subcores=NS),
        compiler_params=pltpu.CompilerParams(use_tc_tiling_on_sc=False),
        scratch_types=[
            pltpu.VMEM_SHARED((N, DM), jnp.float32),
            pltpu.VMEM((2, K), jnp.int32),
            pltpu.VMEM((2, K), jnp.int32),
            pltpu.VMEM((2, K), jnp.int32),
            pltpu.VMEM((3, K, DM), jnp.float32),
            pltpu.VMEM((2, K, L), jnp.float32),
            pltpu.SemaphoreType.DMA,
            pltpu.SemaphoreType.DMA,
            pltpu.SemaphoreType.DMA,
        ],
    )


def _sc_edges(h, erl, src, dst):
    return _sc_edges_fn()(h, erl, src, dst)



def _attn_mat(al, ar):
    eye = jnp.eye(H, dtype=jnp.float32)
    A = (eye[:, None, :] * al[:, :, None]).reshape(D, H)
    B = (eye[:, None, :] * ar[:, :, None]).reshape(D, H)
    return jnp.concatenate([A, B], axis=1)


def _head_bcast_mat():
    return jnp.repeat(jnp.eye(H, dtype=jnp.float32), F, axis=1)


def _head_mean_mat():
    return jnp.tile(jnp.eye(F, dtype=jnp.float32), (H, 1)) / H



def kernel(x, edge_index, W1, al1, ar1, b1, W2, al2, ar2, b2):
    src = edge_index[0]
    dst = edge_index[1]
    AB1 = _attn_mat(al1, ar1)
    BA1 = _attn_mat(ar1, al1)
    AB2 = _attn_mat(al2, ar2)
    BA2 = _attn_mat(ar2, al2)
    R = _head_bcast_mat()
    M = _head_mean_mat()
    b1r = b1.reshape(1, D)
    b2r = b2.reshape(1, D)

    h1, erl1 = _tc_pre(x, W1, AB1, BA1)
    acc1 = _sc_edges(h1, erl1, src, dst)
    h2, erl2 = _tc_post1(acc1[0], acc1[1], b1r, R, W2, AB2, BA2)
    acc2 = _sc_edges(h2, erl2, src, dst)
    return _tc_post2(acc2[0], acc2[1], b2r, R, M)

# --- scband reference (transcript-rebuilt; emitter-appended) ---
"""Pipeline reference for scband-gat-21912923144583 (READ-ONLY COPY).

The authoritative reference and input builder live on the scoring server;
editing this copy changes nothing except your own understanding.
"""

import jax, jax.numpy as jnp
import numpy as np

N = 10000
E = 320000
IN_CH = 128
HID = 16
OUT = 16
HEADS = 8


def setup_inputs(seed: int = 0) -> dict:
    key = jax.random.key(seed)
    ks = jax.random.split(key, 12)
    x = jax.random.normal(ks[0], (N, IN_CH), dtype=jnp.float32)
    edge_index = jax.random.randint(ks[1], (2, E), 0, N, dtype=jnp.int32)
    # layer 1 params: fc [IN, HEADS*HID], attn_l/attn_r [HEADS, HID], bias [HEADS*HID]
    W1 = jax.random.normal(ks[2], (IN_CH, HEADS * HID), dtype=jnp.float32) * 0.1
    al1 = jax.random.normal(ks[3], (HEADS, HID), dtype=jnp.float32) * 0.1
    ar1 = jax.random.normal(ks[4], (HEADS, HID), dtype=jnp.float32) * 0.1
    b1 = jnp.zeros((HEADS * HID,), dtype=jnp.float32)
    # layer 2 params: fc [HEADS*HID, HEADS*OUT]
    W2 = jax.random.normal(ks[5], (HEADS * HID, HEADS * OUT), dtype=jnp.float32) * 0.1
    al2 = jax.random.normal(ks[6], (HEADS, OUT), dtype=jnp.float32) * 0.1
    ar2 = jax.random.normal(ks[7], (HEADS, OUT), dtype=jnp.float32) * 0.1
    b2 = jnp.zeros((HEADS * OUT,), dtype=jnp.float32)
    return {"x": x, "edge_index": edge_index, "W1": W1, "al1": al1, "ar1": ar1,
            "b1": b1, "W2": W2, "al2": al2, "ar2": ar2, "b2": b2}


def _gat_layer(x, src, dst, W, al, ar, b, heads, feats, act):
    n = x.shape[0]
    h = (x @ W).reshape(n, heads, feats)  # [N, H, F]
    el = jnp.sum(h * al[None, :, :], axis=-1)  # [N, H]
    er = jnp.sum(h * ar[None, :, :], axis=-1)  # [N, H]
    e = el[src] + er[dst]  # [E, H]
    e = jnp.where(e > 0, e, 0.2 * e)  # LeakyReLU(0.2)
    m = jax.ops.segment_max(e, dst, num_segments=n)  # [N, H]
    m = jax.lax.stop_gradient(jnp.where(jnp.isfinite(m), m, 0.0))
    ee = jnp.exp(e - m[dst])
    s = jax.ops.segment_sum(ee, dst, num_segments=n)
    alpha = ee / s[dst]  # edge softmax per dst node, [E, H]
    msg = h[src] * alpha[:, :, None]  # [E, H, F]
    out = jax.ops.segment_sum(msg, dst, num_segments=n)  # [N, H, F]
    out = out + b.reshape(1, heads, feats)
    if act is not None:
        out = act(out)
    return out


def reference(x, edge_index, W1, al1, ar1, b1, W2, al2, ar2, b2):
    # eval mode: dropout is identity
    src = edge_index[0]
    dst = edge_index[1]
    h1 = _gat_layer(x, src, dst, W1, al1, ar1, b1, HEADS, HID, jax.nn.elu)
    h1 = h1.reshape(x.shape[0], HEADS * HID)  # flatten(1)
    h2 = _gat_layer(h1, src, dst, W2, al2, ar2, b2, HEADS, OUT, None)
    return h2.mean(axis=1)  # mean over heads -> [N, OUT]

if __name__ == "__main__":
    import jax
    _d = setup_inputs()
    print(jax.jit(kernel)(*tuple(_d.values())))

</pallas_src>

<mosaic_0001>
#map = affine_map<(d0, d1) -> (0, 0)>
#map1 = affine_map<(d0, d1) -> (0)>
#map2 = affine_map<(d0, d1) -> (0, 0, 0)>
module attributes {stable_mosaic.version = 14 : i64} {
  func.func @_sc_edge_body(%arg0: i32, %arg1: i32, %arg2: memref<10000x144xf32, #tpu.memory_space<hbm>>, %arg3: memref<10000x16xf32, #tpu.memory_space<hbm>>, %arg4: memref<320000xi32, #tpu.memory_space<hbm>>, %arg5: memref<320000xi32, #tpu.memory_space<hbm>>, %arg6: memref<2x10000x144xf32, #tpu.memory_space<hbm>>, %arg7: memref<10000x144xf32, #tpu.memory_space<vmem_shared>>, %arg8: memref<2x80xi32, #tpu.memory_space<vmem>>, %arg9: memref<2x80xi32, #tpu.memory_space<vmem>>, %arg10: memref<2x80xi32, #tpu.memory_space<vmem>>, %arg11: memref<3x80x144xf32, #tpu.memory_space<vmem>>, %arg12: memref<2x80x16xf32, #tpu.memory_space<vmem>>, %arg13: memref<!tpu.dma_semaphore, #tpu.memory_space<semaphore_mem>>, %arg14: memref<!tpu.dma_semaphore, #tpu.memory_space<semaphore_mem>>, %arg15: memref<!tpu.dma_semaphore, #tpu.memory_space<semaphore_mem>>) attributes {dimension_semantics = [#tpu.dimension_semantics<core_parallel>, #tpu.dimension_semantics<subcore_parallel>], iteration_bounds = array<i64: 2, 16>, scalar_prefetch = 0 : i64, scratch_operands = 9 : i64, tpu.core_type = #tpu.core_type<sc_vector_subcore>, window_params = [{transform_indices = #map}, {transform_indices = #map}, {transform_indices = #map1}, {transform_indices = #map1}, {transform_indices = #map2}]} {
    %broadcast_in_dim3A = arith.constant 0.000000e+00 : f32
    %broadcast_in_dim3A_0 = vector.broadcast %broadcast_in_dim3A : f32 to vector<16xf32>
    %iota3A = tpu.iota {dimensions = array<i32: 0>} : vector<16xi32>
    %scan3A = arith.constant 0 : i32
    %scan3A_1 = arith.constant 0 : i32
    %scan3A_2 = arith.constant 80 : i32
    %scan3A_3 = arith.addi %scan3A_1, %scan3A_2 : i32
    %scan3A_4 = arith.constant 1 : i32
    %scan3A_5 = scf.for %scan3A_101 = %scan3A_1 to %scan3A_3 step %scan3A_4 iter_args(%scan3A_102 = %scan3A) -> (i32)  : i32 {
      %swap3A = arith.constant 0 : i32
      %swap3A_103 = arith.index_cast %swap3A : i32 to index
      %swap3A_104 = arith.index_cast %scan3A_101 : i32 to index
      %swap3A_105 = arith.constant 0 : index
      %swap3A_106 = tpu.vector_load %arg11[%swap3A_103, %swap3A_104, %swap3A_105] {strides = array<i32>} : memref<3x80x144xf32, #tpu.memory_space<vmem>>, vector<1x1x16xf32>,
      %swap3A_107 = vector.shape_cast %swap3A_106 : vector<1x1x16xf32> to vector<16xf32>
      %swap3A_108 = vector.shape_cast %broadcast_in_dim3A_0 : vector<16xf32> to vector<1x1x16xf32>
      tpu.vector_store %arg11[%swap3A_103, %swap3A_104, %swap3A_105], %swap3A_108 {strides = array<i32>} : memref<3x80x144xf32, #tpu.memory_space<vmem>>, vector<1x1x16xf32>,
      %swap3A_109 = arith.constant 0 : i32
      %swap3A_110 = arith.index_cast %swap3A_109 : i32 to index
      %swap3A_111 = arith.index_cast %scan3A_101 : i32 to index
      %swap3A_112 = arith.constant 16 : index
      %swap3A_113 = tpu.vector_load %arg11[%swap3A_110, %swap3A_111, %swap3A_112] {strides = array<i32>} : memref<3x80x144xf32, #tpu.memory_space<vmem>>, vector<1x1x16xf32>,
      %swap3A_114 = vector.shape_cast %swap3A_113 : vector<1x1x16xf32> to vector<16xf32>
      %swap3A_115 = vector.shape_cast %broadcast_in_dim3A_0 : vector<16xf32> to vector<1x1x16xf32>
      tpu.vector_store %arg11[%swap3A_110, %swap3A_111, %swap3A_112], %swap3A_115 {strides = array<i32>} : memref<3x80x144xf32, #tpu.memory_space<vmem>>, vector<1x1x16xf32>,
      %swap3A_116 = arith.constant 0 : i32
      %swap3A_117 = arith.index_cast %swap3A_116 : i32 to index
      %swap3A_118 = arith.index_cast %scan3A_101 : i32 to index
      %swap3A_119 = arith.constant 32 : index
      %swap3A_120 = tpu.vector_load %arg11[%swap3A_117, %swap3A_118, %swap3A_119] {strides = array<i32>} : memref<3x80x144xf32, #tpu.memory_space<vmem>>, vector<1x1x16xf32>,
      %swap3A_121 = vector.shape_cast %swap3A_120 : vector<1x1x16xf32> to vector<16xf32>
      %swap3A_122 = vector.shape_cast %broadcast_in_dim3A_0 : vector<16xf32> to vector<1x1x16xf32>
      tpu.vector_store %arg11[%swap3A_117, %swap3A_118, %swap3A_119], %swap3A_122 {strides = array<i32>} : memref<3x80x144xf32, #tpu.memory_space<vmem>>, vector<1x1x16xf32>,
      %swap3A_123 = arith.constant 0 : i32
      %swap3A_124 = arith.index_cast %swap3A_123 : i32 to index
      %swap3A_125 = arith.index_cast %scan3A_101 : i32 to index
      %swap3A_126 = arith.constant 48 : index
      %swap3A_127 = tpu.vector_load %arg11[%swap3A_124, %swap3A_125, %swap3A_126] {strides = array<i32>} : memref<3x80x144xf32, #tpu.memory_space<vmem>>, vector<1x1x16xf32>,
      %swap3A_128 = vector.shape_cast %swap3A_127 : vector<1x1x16xf32> to vector<16xf32>
      %swap3A_129 = vector.shape_cast %broadcast_in_dim3A_0 : vector<16xf32> to vector<1x1x16xf32>
      tpu.vector_store %arg11[%swap3A_124, %swap3A_125, %swap3A_126], %swap3A_129 {strides = array<i32>} : memref<3x80x144xf32, #tpu.memory_space<vmem>>, vector<1x1x16xf32>,
      %swap3A_130 = arith.constant 0 : i32
      %swap3A_131 = arith.index_cast %swap3A_130 : i32 to index
      %swap3A_132 = arith.index_cast %scan3A_101 : i32 to index
      %swap3A_133 = arith.constant 64 : index
      %swap3A_134 = tpu.vector_load %arg11[%swap3A_131, %swap3A_132, %swap3A_133] {strides = array<i32>} : memref<3x80x144xf32, #tpu.memory_space<vmem>>, vector<1x1x16xf32>,
      %swap3A_135 = vector.shape_cast %swap3A_134 : vector<1x1x16xf32> to vector<16xf32>
      %swap3A_136 = vector.shape_cast %broadcast_in_dim3A_0 : vector<16xf32> to vector<1x1x16xf32>
      tpu.vector_store %arg11[%swap3A_131, %swap3A_132, %swap3A_133], %swap3A_136 {strides = array<i32>} : memref<3x80x144xf32, #tpu.memory_space<vmem>>, vector<1x1x16xf32>,
      %swap3A_137 = arith.constant 0 : i32
      %swap3A_138 = arith.index_cast %swap3A_137 : i32 to index
      %swap3A_139 = arith.index_cast %scan3A_101 : i32 to index
      %swap3A_140 = arith.constant 80 : index
      %swap3A_141 = tpu.vector_load %arg11[%swap3A_138, %swap3A_139, %swap3A_140] {strides = array<i32>} : memref<3x80x144xf32, #tpu.memory_space<vmem>>, vector<1x1x16xf32>,
      %swap3A_142 = vector.shape_cast %swap3A_141 : vector<1x1x16xf32> to vector<16xf32>
      %swap3A_143 = vector.shape_cast %broadcast_in_dim3A_0 : vector<16xf32> to vector<1x1x16xf32>
      tpu.vector_store %arg11[%swap3A_138, %swap3A_139, %swap3A_140], %swap3A_143 {strides = array<i32>} : memref<3x80x144xf32, #tpu.memory_space<vmem>>, vector<1x1x16xf32>,
      %swap3A_144 = arith.constant 0 : i32
      %swap3A_145 = arith.index_cast %swap3A_144 : i32 to index
      %swap3A_146 = arith.index_cast %scan3A_101 : i32 to index
      %swap3A_147 = arith.constant 96 : index
      %swap3A_148 = tpu.vector_load %arg11[%swap3A_145, %swap3A_146, %swap3A_147] {strides = array<i32>} : memref<3x80x144xf32, #tpu.memory_space<vmem>>, vector<1x1x16xf32>,
      %swap3A_149 = vector.shape_cast %swap3A_148 : vector<1x1x16xf32> to vector<16xf32>
      %swap3A_150 = vector.shape_cast %broadcast_in_dim3A_0 : vector<16xf32> to vector<1x1x16xf32>
      tpu.vector_store %arg11[%swap3A_145, %swap3A_146, %swap3A_147], %swap3A_150 {strides = array<i32>} : memref<3x80x144xf32, #tpu.memory_space<vmem>>, vector<1x1x16xf32>,
      %swap3A_151 = arith.constant 0 : i32
      %swap3A_152 = arith.index_cast %swap3A_151 : i32 to index
      %swap3A_153 = arith.index_cast %scan3A_101 : i32 to index
      %swap3A_154 = arith.constant 112 : index
      %swap3A_155 = tpu.vector_load %arg11[%swap3A_152, %swap3A_153, %swap3A_154] {strides = array<i32>} : memref<3x80x144xf32, #tpu.memory_space<vmem>>, vector<1x1x16xf32>,
      %swap3A_156 = vector.shape_cast %swap3A_155 : vector<1x1x16xf32> to vector<16xf32>
      %swap3A_157 = vector.shape_cast %broadcast_in_dim3A_0 : vector<16xf32> to vector<1x1x16xf32>
      tpu.vector_store %arg11[%swap3A_152, %swap3A_153, %swap3A_154], %swap3A_157 {strides = array<i32>} : memref<3x80x144xf32, #tpu.memory_space<vmem>>, vector<1x1x16xf32>,
      %swap3A_158 = arith.constant 0 : i32
      %swap3A_159 = arith.index_cast %swap3A_158 : i32 to index
      %swap3A_160 = arith.index_cast %scan3A_101 : i32 to index
      %swap3A_161 = arith.constant 128 : index
      %swap3A_162 = tpu.vector_load %arg11[%swap3A_159, %swap3A_160, %swap3A_161] {strides = array<i32>} : memref<3x80x144xf32, #tpu.memory_space<vmem>>, vector<1x1x16xf32>,
      %swap3A_163 = vector.shape_cast %swap3A_162 : vector<1x1x16xf32> to vector<16xf32>
      %swap3A_164 = vector.shape_cast %broadcast_in_dim3A_0 : vector<16xf32> to vector<1x1x16xf32>
      tpu.vector_store %arg11[%swap3A_159, %swap3A_160, %swap3A_161], %swap3A_164 {strides = array<i32>} : memref<3x80x144xf32, #tpu.memory_space<vmem>>, vector<1x1x16xf32>,
      %scan3A_165 = arith.constant 0 : i32
      scf.yield %scan3A_165 : i32
    }
    %scan3A_6 = arith.constant 80 : i32
    %scan3A_7 = arith.constant 0 : i32
    %scan3A_8 = arith.constant 0 : i32
    %scan3A_9 = arith.constant 125 : i32
    %scan3A_10 = arith.addi %scan3A_8, %scan3A_9 : i32
    %scan3A_11 = arith.constant 1 : i32
    %scan3A_12 = scf.for %scan3A_101 = %scan3A_8 to %scan3A_10 step %scan3A_11 iter_args(%scan3A_102 = %scan3A_7) -> (i32)  : i32 {
      %jit3A = arith.constant 16 : i32
      %eq3A = arith.constant 0 : i32
      %eq3A_103 = arith.cmpi eq, %jit3A, %eq3A : i32
      %jit3A_104 = arith.constant 1 : i32
      %select_n3A = arith.select %eq3A_103, %jit3A_104, %jit3A : i32
      %rem3A = arith.remsi %scan3A_101, %select_n3A : i32
      %ne3A = arith.constant 0 : i32
      %ne3A_105 = arith.cmpi ne, %rem3A, %ne3A : i32
      %lt3A = arith.constant 0 : i32
      %lt3A_106 = arith.cmpi slt, %rem3A, %lt3A : i32
      %lt3A_107 = arith.constant 0 : i32
      %lt3A_108 = arith.cmpi slt, %select_n3A, %lt3A_107 : i32
      %ne3A_109 = arith.xori %lt3A_106, %lt3A_108 : i1
      %and3A = arith.andi %ne3A_109, %ne3A_105 : i1
      %add3A_110 = arith.addi %rem3A, %select_n3A : i32
      %select_n3A_111 = arith.select %and3A, %add3A_110, %rem3A : i32
      %eq3A_112 = arith.cmpi eq, %select_n3A_111, %arg1 : i32
      %convert_element_type3A = arith.extui %eq3A_112 : i1 to i32
      %cond3A = arith.constant 0 : i32
      %cond3A_113 = arith.cmpi ne, %convert_element_type3A, %cond3A : i32
      scf.if %cond3A_113 {
        %mul3A_115 = arith.constant 80 : i32
        %mul3A_116 = arith.muli %scan3A_101, %mul3A_115 : i32
        %multiple_of3A_117 = tpu.assume_multiple %mul3A_116, 8 : i32
        %run_scoped3A_118 = arith.constant 0 : i32
        "tpu.region"() ({
          %run_scoped3A_119 = tpu.sem_alloc : memref<!tpu.dma_semaphore, #tpu.memory_space<semaphore_mem>>
          %dma_start3A_120 = arith.constant 0 : i32
          %dma_start3A_121 = arith.constant 0 : i32
          %dma_start3A_122 = tpu.memref_slice %arg11[%run_scoped3A_118, %dma_start3A_120, %dma_start3A_121] : memref<3x80x144xf32, #tpu.memory_space<vmem>> -> memref<1x80x144xf32, #tpu.memory_space<vmem>>
          %dma_start3A_123 = tpu.memref_squeeze %dma_start3A_122 : memref<1x80x144xf32, #tpu.memory_space<vmem>> -> memref<80x144xf32, #tpu.memory_space<vmem>>
          %dma_start3A_124 = arith.constant 0 : i32
          %dma_start3A_125 = tpu.memref_slice %arg7[%multiple_of3A_117, %dma_start3A_124] : memref<10000x144xf32, #tpu.memory_space<vmem_shared>> -> memref<80x144xf32, #tpu.memory_space<vmem_shared>>
          %dma_start3A_126 = arith.constant 0 : i32
          %dma_start3A_127 = tpu.memref_slice %arg7[%multiple_of3A_117, %dma_start3A_126] : memref<10000x144xf32, #tpu.memory_space<vmem_shared>> -> memref<80x144xf32, #tpu.memory_space<vmem_shared>>
          %dma_start3A_128 = arith.constant 0 : i32
          %dma_start3A_129 = arith.constant 0 : i32
          %dma_start3A_130 = tpu.memref_slice %arg11[%run_scoped3A_118, %dma_start3A_128, %dma_start3A_129] : memref<3x80x144xf32, #tpu.memory_space<vmem>> -> memref<1x80x144xf32, #tpu.memory_space<vmem>>
          %dma_start3A_131 = tpu.memref_squeeze %dma_start3A_130 : memref<1x80x144xf32, #tpu.memory_space<vmem>> -> memref<80x144xf32, #tpu.memory_space<vmem>>
          tpu.enqueue_dma source(%dma_start3A_131 : memref<80x144xf32, #tpu.memory_space<vmem>>) target(%dma_start3A_127 : memref<80x144xf32, #tpu.memory_space<vmem_shared>>) target_semaphore(%run_scoped3A_119 : memref<!tpu.dma_semaphore, #tpu.memory_space<semaphore_mem>>)
          %dma_wait3A_132 = arith.constant 0 : i32
          %dma_wait3A_133 = arith.constant 0 : i32
          %dma_wait3A_134 = tpu.memref_slice %arg11[%run_scoped3A_118, %dma_wait3A_132, %dma_wait3A_133] : memref<3x80x144xf32, #tpu.memory_space<vmem>> -> memref<1x80x144xf32, #tpu.memory_space<vmem>>
          %dma_wait3A_135 = tpu.memref_squeeze %dma_wait3A_134 : memref<1x80x144xf32, #tpu.memory_space<vmem>> -> memref<80x144xf32, #tpu.memory_space<vmem>>
          %dma_wait3A_136 = arith.constant 0 : i32
          %dma_wait3A_137 = tpu.memref_slice %arg7[%multiple_of3A_117, %dma_wait3A_136] : memref<10000x144xf32, #tpu.memory_space<vmem_shared>> -> memref<80x144xf32, #tpu.memory_space<vmem_shared>>
          %dma_wait3A_138 = arith.constant 0 : i32
          %dma_wait3A_139 = tpu.memref_slice %arg7[%multiple_of3A_117, %dma_wait3A_138] : memref<10000x144xf32, #tpu.memory_space<vmem_shared>> -> memref<80x144xf32, #tpu.memory_space<vmem_shared>>
          %dma_wait3A_140 = arith.constant 0 : i32
          %dma_wait3A_141 = arith.constant 0 : i32
          %dma_wait3A_142 = tpu.memref_slice %arg11[%run_scoped3A_118, %dma_wait3A_140, %dma_wait3A_141] : memref<3x80x144xf32, #tpu.memory_space<vmem>> -> memref<1x80x144xf32, #tpu.memory_space<vmem>>
          %dma_wait3A_143 = tpu.memref_squeeze %dma_wait3A_142 : memref<1x80x144xf32, #tpu.memory_space<vmem>> -> memref<80x144xf32, #tpu.memory_space<vmem>>
          tpu.wait_dma2 semaphore(%run_scoped3A_119 : memref<!tpu.dma_semaphore, #tpu.memory_space<semaphore_mem>>) src(%dma_wait3A_143 : memref<80x144xf32, #tpu.memory_space<vmem>>) dst(%dma_wait3A_139 : memref<80x144xf32, #tpu.memory_space<vmem_shared>>)
          tpu.yield
        }) : () -> ()
      } else {
      }
      %scan3A_114 = arith.constant 0 : i32
      scf.yield %scan3A_114 : i32
    }
    %scan3A_13 = arith.constant 125 : i32
    %barrier3A = arith.constant 0 : index
    tpu.barrier barrier_id(%barrier3A)
    %mul3A = arith.constant 16 : i32
    %mul3A_14 = arith.muli %arg0, %mul3A : i32
    %add3A = arith.addi %mul3A_14, %arg1 : i32
    %mul3A_15 = arith.constant 10000 : i32
    %mul3A_16 = arith.muli %add3A, %mul3A_15 : i32
    %multiple_of3A = tpu.assume_multiple %mul3A_16, 8 : i32
    %run_scoped3A = arith.constant 0 : i32
    "tpu.region"() ({
      %run_scoped3A_101 = tpu.sem_alloc : memref<!tpu.dma_semaphore, #tpu.memory_space<semaphore_mem>>
      %dma_start3A_102 = arith.constant 0 : i32
      %dma_start3A_103 = tpu.memref_slice %arg8[%run_scoped3A, %dma_start3A_102] : memref<2x80xi32, #tpu.memory_space<vmem>> -> memref<1x80xi32, #tpu.memory_space<vmem>>
      %dma_start3A_104 = tpu.memref_squeeze %dma_start3A_103 : memref<1x80xi32, #tpu.memory_space<vmem>> -> memref<80xi32, #tpu.memory_space<vmem>>
      %dma_start3A_105 = tpu.memref_slice %arg4[%multiple_of3A] : memref<320000xi32, #tpu.memory_space<hbm>> -> memref<80xi32, #tpu.memory_space<hbm>>
      %dma_start3A_106 = arith.constant 0 : i32
      %dma_start3A_107 = tpu.memref_slice %arg8[%run_scoped3A, %dma_start3A_106] : memref<2x80xi32, #tpu.memory_space<vmem>> -> memref<1x80xi32, #tpu.memory_space<vmem>>
      %dma_start3A_108 = tpu.memref_squeeze %dma_start3A_107 : memref<1x80xi32, #tpu.memory_space<vmem>> -> memref<80xi32, #tpu.memory_space<vmem>>
      %dma_start3A_109 = tpu.memref_slice %arg4[%multiple_of3A] : memref<320000xi32, #tpu.memory_space<hbm>> -> memref<80xi32, #tpu.memory_space<hbm>>
      tpu.enqueue_dma source(%dma_start3A_109 : memref<80xi32, #tpu.memory_space<hbm>>) target(%dma_start3A_108 : memref<80xi32, #tpu.memory_space<vmem>>) target_semaphore(%run_scoped3A_101 : memref<!tpu.dma_semaphore, #tpu.memory_space<semaphore_mem>>)
      %dma_wait3A_110 = arith.constant 0 : i32
      %dma_wait3A_111 = tpu.memref_slice %arg8[%run_scoped3A, %dma_wait3A_110] : memref<2x80xi32, #tpu.memory_space<vmem>> -> memref<1x80xi32, #tpu.memory_space<vmem>>
      %dma_wait3A_112 = tpu.memref_squeeze %dma_wait3A_111 : memref<1x80xi32, #tpu.memory_space<vmem>> -> memref<80xi32, #tpu.memory_space<vmem>>
      %dma_wait3A_113 = tpu.memref_slice %arg4[%multiple_of3A] : memref<320000xi32, #tpu.memory_space<hbm>> -> memref<80xi32, #tpu.memory_space<hbm>>
      %dma_wait3A_114 = arith.constant 0 : i32
      %dma_wait3A_115 = tpu.memref_slice %arg8[%run_scoped3A, %dma_wait3A_114] : memref<2x80xi32, #tpu.memory_space<vmem>> -> memref<1x80xi32, #tpu.memory_space<vmem>>
      %dma_wait3A_116 = tpu.memref_squeeze %dma_wait3A_115 : memref<1x80xi32, #tpu.memory_space<vmem>> -> memref<80xi32, #tpu.memory_space<vmem>>
      %dma_wait3A_117 = tpu.memref_slice %arg4[%multiple_of3A] : memref<320000xi32, #tpu.memory_space<hbm>> -> memref<80xi32, #tpu.memory_space<hbm>>
      tpu.wait_dma2 semaphore(%run_scoped3A_101 : memref<!tpu.dma_semaphore, #tpu.memory_space<semaphore_mem>>) src(%dma_wait3A_117 : memref<80xi32, #tpu.memory_space<hbm>>) dst(%dma_wait3A_116 : memref<80xi32, #tpu.memory_space<vmem>>)
      tpu.yield
    }) : () -> ()
    %multiple_of3A_17 = tpu.assume_multiple %mul3A_16, 8 : i32
    %run_scoped3A_18 = arith.constant 0 : i32
    "tpu.region"() ({
      %run_scoped3A_101 = tpu.sem_alloc : memref<!tpu.dma_semaphore, #tpu.memory_space<semaphore_mem>>
      %dma_start3A_102 = arith.constant 0 : i32
      %dma_start3A_103 = tpu.memref_slice %arg9[%run_scoped3A_18, %dma_start3A_102] : memref<2x80xi32, #tpu.memory_space<vmem>> -> memref<1x80xi32, #tpu.memory_space<vmem>>
      %dma_start3A_104 = tpu.memref_squeeze %dma_start3A_103 : memref<1x80xi32, #tpu.memory_space<vmem>> -> memref<80xi32, #tpu.memory_space<vmem>>
      %dma_start3A_105 = tpu.memref_slice %arg5[%multiple_of3A_17] : memref<320000xi32, #tpu.memory_space<hbm>> -> memref<80xi32, #tpu.memory_space<hbm>>
      %dma_start3A_106 = arith.constant 0 : i32
      %dma_start3A_107 = tpu.memref_slice %arg9[%run_scoped3A_18, %dma_start3A_106] : memref<2x80xi32, #tpu.memory_space<vmem>> -> memref<1x80xi32, #tpu.memory_space<vmem>>
      %dma_start3A_108 = tpu.memref_squeeze %dma_start3A_107 : memref<1x80xi32, #tpu.memory_space<vmem>> -> memref<80xi32, #tpu.memory_space<vmem>>
      %dma_start3A_109 = tpu.memref_slice %arg5[%multiple_of3A_17] : memref<320000xi32, #tpu.memory_space<hbm>> -> memref<80xi32, #tpu.memory_space<hbm>>
      tpu.enqueue_dma source(%dma_start3A_109 : memref<80xi32, #tpu.memory_space<hbm>>) target(%dma_start3A_108 : memref<80xi32, #tpu.memory_space<vmem>>) target_semaphore(%run_scoped3A_101 : memref<!tpu.dma_semaphore, #tpu.memory_space<semaphore_mem>>)
      %dma_wait3A_110 = arith.constant 0 : i32
      %dma_wait3A_111 = tpu.memref_slice %arg9[%run_scoped3A_18, %dma_wait3A_110] : memref<2x80xi32, #tpu.memory_space<vmem>> -> memref<1x80xi32, #tpu.memory_space<vmem>>
      %dma_wait3A_112 = tpu.memref_squeeze %dma_wait3A_111 : memref<1x80xi32, #tpu.memory_space<vmem>> -> memref<80xi32, #tpu.memory_space<vmem>>
      %dma_wait3A_113 = tpu.memref_slice %arg5[%multiple_of3A_17] : memref<320000xi32, #tpu.memory_space<hbm>> -> memref<80xi32, #tpu.memory_space<hbm>>
      %dma_wait3A_114 = arith.constant 0 : i32
      %dma_wait3A_115 = tpu.memref_slice %arg9[%run_scoped3A_18, %dma_wait3A_114] : memref<2x80xi32, #tpu.memory_space<vmem>> -> memref<1x80xi32, #tpu.memory_space<vmem>>
      %dma_wait3A_116 = tpu.memref_squeeze %dma_wait3A_115 : memref<1x80xi32, #tpu.memory_space<vmem>> -> memref<80xi32, #tpu.memory_space<vmem>>
      %dma_wait3A_117 = tpu.memref_slice %arg5[%multiple_of3A_17] : memref<320000xi32, #tpu.memory_space<hbm>> -> memref<80xi32, #tpu.memory_space<hbm>>
      tpu.wait_dma2 semaphore(%run_scoped3A_101 : memref<!tpu.dma_semaphore, #tpu.memory_space<semaphore_mem>>) src(%dma_wait3A_117 : memref<80xi32, #tpu.memory_space<hbm>>) dst(%dma_wait3A_116 : memref<80xi32, #tpu.memory_space<vmem>>)
      tpu.yield
    }) : () -> ()
    %dma_start3A = arith.constant 0 : i32
    %dma_start3A_19 = arith.constant 0 : i32
    %dma_start3A_20 = arith.constant 0 : i32
    %dma_start3A_21 = arith.constant 0 : i32
    %dma_start3A_22 = tpu.memref_slice %arg11[%dma_start3A_19, %dma_start3A_20, %dma_start3A_21] : memref<3x80x144xf32, #tpu.memory_space<vmem>> -> memref<1x80x144xf32, #tpu.memory_space<vmem>>
    %dma_start3A_23 = tpu.memref_squeeze %dma_start3A_22 : memref<1x80x144xf32, #tpu.memory_space<vmem>> -> memref<80x144xf32, #tpu.memory_space<vmem>>
    %dma_start3A_24 = arith.constant 0 : i32
    %dma_start3A_25 = tpu.memref_slice %arg8[%dma_start3A, %dma_start3A_24] : memref<2x80xi32, #tpu.memory_space<vmem>> -> memref<1x80xi32, #tpu.memory_space<vmem>>
    %dma_start3A_26 = tpu.memref_squeeze %dma_start3A_25 : memref<1x80xi32, #tpu.memory_space<vmem>> -> memref<80xi32, #tpu.memory_space<vmem>>
    %dma_start3A_27 = arith.constant 0 : i32
    %dma_start3A_28 = arith.constant 0 : i32
    %dma_start3A_29 = tpu.memref_slice %arg2[%dma_start3A_27, %dma_start3A_28] : memref<10000x144xf32, #tpu.memory_space<hbm>> -> memref<10000x144xf32, #tpu.memory_space<hbm>>
    tpu.enqueue_indirect_dma source(%dma_start3A_29 : memref<10000x144xf32, #tpu.memory_space<hbm>>) target(%dma_start3A_23 : memref<80x144xf32, #tpu.memory_space<vmem>>) offsets(%dma_start3A_26 : memref<80xi32, #tpu.memory_space<vmem>>) semaphore(%arg13 : memref<!tpu.dma_semaphore, #tpu.memory_space<semaphore_mem>>)
    %dma_start3A_30 = arith.constant 0 : i32
    %dma_start3A_31 = arith.constant 0 : i32
    %dma_start3A_32 = arith.constant 0 : i32
    %dma_start3A_33 = arith.constant 0 : i32
    %dma_start3A_34 = tpu.memref_slice %arg12[%dma_start3A_31, %dma_start3A_32, %dma_start3A_33] : memref<2x80x16xf32, #tpu.memory_space<vmem>> -> memref<1x80x16xf32, #tpu.memory_space<vmem>>
    %dma_start3A_35 = tpu.memref_squeeze %dma_start3A_34 : memref<1x80x16xf32, #tpu.memory_space<vmem>> -> memref<80x16xf32, #tpu.memory_space<vmem>>
    %dma_start3A_36 = arith.constant 0 : i32
    %dma_start3A_37 = tpu.memref_slice %arg9[%dma_start3A_30, %dma_start3A_36] : memref<2x80xi32, #tpu.memory_space<vmem>> -> memref<1x80xi32, #tpu.memory_space<vmem>>
    %dma_start3A_38 = tpu.memref_squeeze %dma_start3A_37 : memref<1x80xi32, #tpu.memory_space<vmem>> -> memref<80xi32, #tpu.memory_space<vmem>>
    %dma_start3A_39 = arith.constant 0 : i32
    %dma_start3A_40 = arith.constant 0 : i32
    %dma_start3A_41 = tpu.memref_slice %arg3[%dma_start3A_39, %dma_start3A_40] : memref<10000x16xf32, #tpu.memory_space<hbm>> -> memref<10000x16xf32, #tpu.memory_space<hbm>>
    tpu.enqueue_indirect_dma source(%dma_start3A_41 : memref<10000x16xf32, #tpu.memory_space<hbm>>) target(%dma_start3A_35 : memref<80x16xf32, #tpu.memory_space<vmem>>) offsets(%dma_start3A_38 : memref<80xi32, #tpu.memory_space<vmem>>) semaphore(%arg13 : memref<!tpu.dma_semaphore, #tpu.memory_space<semaphore_mem>>)
    %add3A_42 = arith.constant 80 : i32
    %add3A_43 = arith.addi %mul3A_16, %add3A_42 : i32
    %multiple_of3A_44 = tpu.assume_multiple %add3A_43, 8 : i32
    %dma_start3A_45 = arith.constant 1 : i32
    %dma_start3A_46 = arith.constant 0 : i32
    %dma_start3A_47 = tpu.memref_slice %arg8[%dma_start3A_45, %dma_start3A_46] : memref<2x80xi32, #tpu.memory_space<vmem>> -> memref<1x80xi32, #tpu.memory_space<vmem>>
    %dma_start3A_48 = tpu.memref_squeeze %dma_start3A_47 : memref<1x80xi32, #tpu.memory_space<vmem>> -> memref<80xi32, #tpu.memory_space<vmem>>
    %dma_start3A_49 = tpu.memref_slice %arg4[%multiple_of3A_44] : memref<320000xi32, #tpu.memory_space<hbm>> -> memref<80xi32, #tpu.memory_space<hbm>>
    %dma_start3A_50 = arith.constant 0 : i32
    %dma_start3A_51 = tpu.memref_slice %arg8[%dma_start3A_45, %dma_start3A_50] : memref<2x80xi32, #tpu.memory_space<vmem>> -> memref<1x80xi32, #tpu.memory_space<vmem>>
    %dma_start3A_52 = tpu.memref_squeeze %dma_start3A_51 : memref<1x80xi32, #tpu.memory_space<vmem>> -> memref<80xi32, #tpu.memory_space<vmem>>
    %dma_start3A_53 = tpu.memref_slice %arg4[%multiple_of3A_44] : memref<320000xi32, #tpu.memory_space<hbm>> -> memref<80xi32, #tpu.memory_space<hbm>>
    tpu.enqueue_dma source(%dma_start3A_53 : memref<80xi32, #tpu.memory_space<hbm>>) target(%dma_start3A_52 : memref<80xi32, #tpu.memory_space<vmem>>) target_semaphore(%arg15 : memref<!tpu.dma_semaphore, #tpu.memory_space<semaphore_mem>>)
    %dma_start3A_54 = arith.constant 1 : i32
    %dma_start3A_55 = arith.constant 0 : i32
    %dma_start3A_56 = tpu.memref_slice %arg9[%dma_start3A_54, %dma_start3A_55] : memref<2x80xi32, #tpu.memory_space<vmem>> -> memref<1x80xi32, #tpu.memory_space<vmem>>
    %dma_start3A_57 = tpu.memref_squeeze %dma_start3A_56 : memref<1x80xi32, #tpu.memory_space<vmem>> -> memref<80xi32, #tpu.memory_space<vmem>>
    %dma_start3A_58 = tpu.memref_slice %arg5[%multiple_of3A_44] : memref<320000xi32, #tpu.memory_space<hbm>> -> memref<80xi32, #tpu.memory_space<hbm>>
    %dma_start3A_59 = arith.constant 0 : i32
    %dma_start3A_60 = tpu.memref_slice %arg9[%dma_start3A_54, %dma_start3A_59] : memref<2x80xi32, #tpu.memory_space<vmem>> -> memref<1x80xi32, #tpu.memory_space<vmem>>
    %dma_start3A_61 = tpu.memref_squeeze %dma_start3A_60 : memref<1x80xi32, #tpu.memory_space<vmem>> -> memref<80xi32, #tpu.memory_space<vmem>>
    %dma_start3A_62 = tpu.memref_slice %arg5[%multiple_of3A_44] : memref<320000xi32, #tpu.memory_space<hbm>> -> memref<80xi32, #tpu.memory_space<hbm>>
    tpu.enqueue_dma source(%dma_start3A_62 : memref<80xi32, #tpu.memory_space<hbm>>) target(%dma_start3A_61 : memref<80xi32, #tpu.memory_space<vmem>>) target_semaphore(%arg15 : memref<!tpu.dma_semaphore, #tpu.memory_space<semaphore_mem>>)
    %scan3A_63 = arith.constant 0 : i32
    %scan3A_64 = arith.constant 0 : i32
    %scan3A_65 = arith.constant 125 : i32
    %scan3A_66 = arith.addi %scan3A_64, %scan3A_65 : i32
    %scan3A_67 = arith.constant 1 : i32
    %scan3A_68 = scf.for %scan3A_101 = %scan3A_64 to %scan3A_66 step %scan3A_67 iter_args(%scan3A_102 = %scan3A_63) -> (i32)  : i32 {
      %rem3A = arith.constant 2 : i32
      %rem3A_103 = arith.remsi %scan3A_101, %rem3A : i32
      %rem3A_104 = arith.constant 3 : i32
      %rem3A_105 = arith.remsi %scan3A_101, %rem3A_104 : i32
      %dma_wait3A_106 = arith.constant 0 : i32
      %dma_wait3A_107 = arith.constant 0 : i32
      %dma_wait3A_108 = arith.constant 0 : i32
      %dma_wait3A_109 = arith.constant 0 : i32
      %dma_wait3A_110 = tpu.memref_slice %arg11[%dma_wait3A_107, %dma_wait3A_108, %dma_wait3A_109] : memref<3x80x144xf32, #tpu.memory_space<vmem>> -> memref<1x80x144xf32, #tpu.memory_space<vmem>>
      %dma_wait3A_111 = tpu.memref_squeeze %dma_wait3A_110 : memref<1x80x144xf32, #tpu.memory_space<vmem>> -> memref<80x144xf32, #tpu.memory_space<vmem>>
      %dma_wait3A_112 = arith.constant 0 : i32
      %dma_wait3A_113 = tpu.memref_slice %arg8[%dma_wait3A_106, %dma_wait3A_112] : memref<2x80xi32, #tpu.memory_space<vmem>> -> memref<1x80xi32, #tpu.memory_space<vmem>>
      %dma_wait3A_114 = tpu.memref_squeeze %dma_wait3A_113 : memref<1x80xi32, #tpu.memory_space<vmem>> -> memref<80xi32, #tpu.memory_space<vmem>>
      %dma_wait3A_115 = arith.constant 0 : i32
      %dma_wait3A_116 = arith.constant 0 : i32
      %dma_wait3A_117 = tpu.memref_slice %arg2[%dma_wait3A_115, %dma_wait3A_116] : memref<10000x144xf32, #tpu.memory_space<hbm>> -> memref<10000x144xf32, #tpu.memory_space<hbm>>
      tpu.wait_indirect_dma semaphore(%arg13 : memref<!tpu.dma_semaphore, #tpu.memory_space<semaphore_mem>>) src(%dma_wait3A_117 : memref<10000x144xf32, #tpu.memory_space<hbm>>) dst(%dma_wait3A_111 : memref<80x144xf32, #tpu.memory_space<vmem>>)
      %dma_wait3A_118 = arith.constant 0 : i32
      %dma_wait3A_119 = arith.constant 0 : i32
      %dma_wait3A_120 = arith.constant 0 : i32
      %dma_wait3A_121 = arith.constant 0 : i32
      %dma_wait3A_122 = tpu.memref_slice %arg12[%dma_wait3A_119, %dma_wait3A_120, %dma_wait3A_121] : memref<2x80x16xf32, #tpu.memory_space<vmem>> -> memref<1x80x16xf32, #tpu.memory_space<vmem>>
      %dma_wait3A_123 = tpu.memref_squeeze %dma_wait3A_122 : memref<1x80x16xf32, #tpu.memory_space<vmem>> -> memref<80x16xf32, #tpu.memory_space<vmem>>
      %dma_wait3A_124 = arith.constant 0 : i32
      %dma_wait3A_125 = tpu.memref_slice %arg9[%dma_wait3A_118, %dma_wait3A_124] : memref<2x80xi32, #tpu.memory_space<vmem>> -> memref<1x80xi32, #tpu.memory_space<vmem>>
      %dma_wait3A_126 = tpu.memref_squeeze %dma_wait3A_125 : memref<1x80xi32, #tpu.memory_space<vmem>> -> memref<80xi32, #tpu.memory_space<vmem>>
      %dma_wait3A_127 = arith.constant 0 : i32
      %dma_wait3A_128 = arith.constant 0 : i32
      %dma_wait3A_129 = tpu.memref_slice %arg3[%dma_wait3A_127, %dma_wait3A_128] : memref<10000x16xf32, #tpu.memory_space<hbm>> -> memref<10000x16xf32, #tpu.memory_space<hbm>>
      tpu.wait_indirect_dma semaphore(%arg13 : memref<!tpu.dma_semaphore, #tpu.memory_space<semaphore_mem>>) src(%dma_wait3A_129 : memref<10000x16xf32, #tpu.memory_space<hbm>>) dst(%dma_wait3A_123 : memref<80x16xf32, #tpu.memory_space<vmem>>)
      %ge3A = arith.constant 2 : i32
      %ge3A_130 = arith.cmpi sge, %scan3A_101, %ge3A : i32
      %convert_element_type3A = arith.extui %ge3A_130 : i1 to i32
      %cond3A = arith.constant 0 : i32
      %cond3A_131 = arith.cmpi ne, %convert_element_type3A, %cond3A : i32
      scf.if %cond3A_131 {
        %dma_wait3A_202 = arith.constant 0 : i32
        %dma_wait3A_203 = arith.constant 0 : i32
        %dma_wait3A_204 = arith.constant 0 : i32
        %dma_wait3A_205 = arith.constant 0 : i32
        %dma_wait3A_206 = tpu.memref_slice %arg11[%dma_wait3A_202, %dma_wait3A_204, %dma_wait3A_205] : memref<3x80x144xf32, #tpu.memory_space<vmem>> -> memref<1x80x144xf32, #tpu.memory_space<vmem>>
        %dma_wait3A_207 = tpu.memref_squeeze %dma_wait3A_206 : memref<1x80x144xf32, #tpu.memory_space<vmem>> -> memref<80x144xf32, #tpu.memory_space<vmem>>
        %dma_wait3A_208 = arith.constant 0 : i32
        %dma_wait3A_209 = tpu.memref_slice %arg10[%dma_wait3A_203, %dma_wait3A_208] : memref<2x80xi32, #tpu.memory_space<vmem>> -> memref<1x80xi32, #tpu.memory_space<vmem>>
        %dma_wait3A_210 = tpu.memref_squeeze %dma_wait3A_209 : memref<1x80xi32, #tpu.memory_space<vmem>> -> memref<80xi32, #tpu.memory_space<vmem>>
        %dma_wait3A_211 = arith.constant 0 : i32
        %dma_wait3A_212 = arith.constant 0 : i32
        %dma_wait3A_213 = tpu.memref_slice %arg7[%dma_wait3A_211, %dma_wait3A_212] : memref<10000x144xf32, #tpu.memory_space<vmem_shared>> -> memref<10000x144xf32, #tpu.memory_space<vmem_shared>>
        tpu.wait_indirect_dma semaphore(%arg14 : memref<!tpu.dma_semaphore, #tpu.memory_space<semaphore_mem>>) src(%dma_wait3A_207 : memref<80x144xf32, #tpu.memory_space<vmem>>) dst(%dma_wait3A_213 : memref<10000x144xf32, #tpu.memory_space<vmem_shared>>)
      } else {
      }
      %le3A = arith.constant 123 : i32
      %le3A_132 = arith.cmpi sle, %scan3A_101, %le3A : i32
      %convert_element_type3A_133 = arith.extui %le3A_132 : i1 to i32
      %cond3A_134 = arith.constant 0 : i32
      %cond3A_135 = arith.cmpi ne, %convert_element_type3A_133, %cond3A_134 : i32
      scf.if %cond3A_135 {
        %sub3A = arith.constant 1 : i32
        %sub3A_202 = arith.subi %sub3A, %rem3A_103 : i32
        %dma_wait3A_203 = arith.constant 0 : i32
        %dma_wait3A_204 = tpu.memref_slice %arg8[%sub3A_202, %dma_wait3A_203] : memref<2x80xi32, #tpu.memory_space<vmem>> -> memref<1x80xi32, #tpu.memory_space<vmem>>
        %dma_wait3A_205 = tpu.memref_squeeze %dma_wait3A_204 : memref<1x80xi32, #tpu.memory_space<vmem>> -> memref<80xi32, #tpu.memory_space<vmem>>
        %dma_wait3A_206 = arith.constant 0 : i32
        %dma_wait3A_207 = tpu.memref_slice %arg4[%dma_wait3A_206] : memref<320000xi32, #tpu.memory_space<hbm>> -> memref<80xi32, #tpu.memory_space<hbm>>
        %dma_wait3A_208 = arith.constant 0 : i32
        %dma_wait3A_209 = tpu.memref_slice %arg8[%sub3A_202, %dma_wait3A_208] : memref<2x80xi32, #tpu.memory_space<vmem>> -> memref<1x80xi32, #tpu.memory_space<vmem>>
        %dma_wait3A_210 = tpu.memref_squeeze %dma_wait3A_209 : memref<1x80xi32, #tpu.memory_space<vmem>> -> memref<80xi32, #tpu.memory_space<vmem>>
        %dma_wait3A_211 = arith.constant 0 : i32
        %dma_wait3A_212 = tpu.memref_slice %arg4[%dma_wait3A_211] : memref<320000xi32, #tpu.memory_space<hbm>> -> memref<80xi32, #tpu.memory_space<hbm>>
        tpu.wait_dma2 semaphore(%arg15 : memref<!tpu.dma_semaphore, #tpu.memory_space<semaphore_mem>>) src(%dma_wait3A_212 : memref<80xi32, #tpu.memory_space<hbm>>) dst(%dma_wait3A_210 : memref<80xi32, #tpu.memory_space<vmem>>)
        %dma_wait3A_213 = arith.constant 0 : i32
        %dma_wait3A_214 = tpu.memref_slice %arg9[%sub3A_202, %dma_wait3A_213] : memref<2x80xi32, #tpu.memory_space<vmem>> -> memref<1x80xi32, #tpu.memory_space<vmem>>
        %dma_wait3A_215 = tpu.memref_squeeze %dma_wait3A_214 : memref<1x80xi32, #tpu.memory_space<vmem>> -> memref<80xi32, #tpu.memory_space<vmem>>
        %dma_wait3A_216 = arith.constant 0 : i32
        %dma_wait3A_217 = tpu.memref_slice %arg5[%dma_wait3A_216] : memref<320000xi32, #tpu.memory_space<hbm>> -> memref<80xi32, #tpu.memory_space<hbm>>
        %dma_wait3A_218 = arith.constant 0 : i32
        %dma_wait3A_219 = tpu.memref_slice %arg9[%sub3A_202, %dma_wait3A_218] : memref<2x80xi32, #tpu.memory_space<vmem>> -> memref<1x80xi32, #tpu.memory_space<vmem>>
        %dma_wait3A_220 = tpu.memref_squeeze %dma_wait3A_219 : memref<1x80xi32, #tpu.memory_space<vmem>> -> memref<80xi32, #tpu.memory_space<vmem>>
        %dma_wait3A_221 = arith.constant 0 : i32
        %dma_wait3A_222 = tpu.memref_slice %arg5[%dma_wait3A_221] : memref<320000xi32, #tpu.memory_space<hbm>> -> memref<80xi32, #tpu.memory_space<hbm>>
        tpu.wait_dma2 semaphore(%arg15 : memref<!tpu.dma_semaphore, #tpu.memory_space<semaphore_mem>>) src(%dma_wait3A_222 : memref<80xi32, #tpu.memory_space<hbm>>) dst(%dma_wait3A_220 : memref<80xi32, #tpu.memory_space<vmem>>)
        %add3A_223 = arith.constant 1 : i32
        %add3A_224 = arith.addi %scan3A_101, %add3A_223 : i32
        %rem3A_225 = arith.constant 3 : i32
        %rem3A_226 = arith.remsi %add3A_224, %rem3A_225 : i32
        %sub3A_227 = arith.constant 1 : i32
        %sub3A_228 = arith.subi %sub3A_227, %rem3A_103 : i32
        %dma_start3A_229 = arith.constant 0 : i32
        %dma_start3A_230 = arith.constant 0 : i32
        %dma_start3A_231 = tpu.memref_slice %arg11[%rem3A_226, %dma_start3A_229, %dma_start3A_230] : memref<3x80x144xf32, #tpu.memory_space<vmem>> -> memref<1x80x144xf32, #tpu.memory_space<vmem>>
        %dma_start3A_232 = tpu.memref_squeeze %dma_start3A_231 : memref<1x80x144xf32, #tpu.memory_space<vmem>> -> memref<80x144xf32, #tpu.memory_space<vmem>>
        %dma_start3A_233 = arith.constant 0 : i32
        %dma_start3A_234 = tpu.memref_slice %arg8[%sub3A_228, %dma_start3A_233] : memref<2x80xi32, #tpu.memory_space<vmem>> -> memref<1x80xi32, #tpu.memory_space<vmem>>
        %dma_start3A_235 = tpu.memref_squeeze %dma_start3A_234 : memref<1x80xi32, #tpu.memory_space<vmem>> -> memref<80xi32, #tpu.memory_space<vmem>>
        %dma_start3A_236 = arith.constant 0 : i32
        %dma_start3A_237 = arith.constant 0 : i32
        %dma_start3A_238 = tpu.memref_slice %arg2[%dma_start3A_236, %dma_start3A_237] : memref<10000x144xf32, #tpu.memory_space<hbm>> -> memref<10000x144xf32, #tpu.memory_space<hbm>>
        tpu.enqueue_indirect_dma source(%dma_start3A_238 : memref<10000x144xf32, #tpu.memory_space<hbm>>) target(%dma_start3A_232 : memref<80x144xf32, #tpu.memory_space<vmem>>) offsets(%dma_start3A_235 : memref<80xi32, #tpu.memory_space<vmem>>) semaphore(%arg13 : memref<!tpu.dma_semaphore, #tpu.memory_space<semaphore_mem>>)
        %dma_start3A_239 = arith.constant 0 : i32
        %dma_start3A_240 = arith.constant 0 : i32
        %dma_start3A_241 = tpu.memref_slice %arg12[%sub3A_228, %dma_start3A_239, %dma_start3A_240] : memref<2x80x16xf32, #tpu.memory_space<vmem>> -> memref<1x80x16xf32, #tpu.memory_space<vmem>>
        %dma_start3A_242 = tpu.memref_squeeze %dma_start3A_241 : memref<1x80x16xf32, #tpu.memory_space<vmem>> -> memref<80x16xf32, #tpu.memory_space<vmem>>
        %dma_start3A_243 = arith.constant 0 : i32
        %dma_start3A_244 = tpu.memref_slice %arg9[%sub3A_228, %dma_start3A_243] : memref<2x80xi32, #tpu.memory_space<vmem>> -> memref<1x80xi32, #tpu.memory_space<vmem>>
        %dma_start3A_245 = tpu.memref_squeeze %dma_start3A_244 : memref<1x80xi32, #tpu.memory_space<vmem>> -> memref<80xi32, #tpu.memory_space<vmem>>
        %dma_start3A_246 = arith.constant 0 : i32
        %dma_start3A_247 = arith.constant 0 : i32
        %dma_start3A_248 = tpu.memref_slice %arg3[%dma_start3A_246, %dma_start3A_247] : memref<10000x16xf32, #tpu.memory_space<hbm>> -> memref<10000x16xf32, #tpu.memory_space<hbm>>
        tpu.enqueue_indirect_dma source(%dma_start3A_248 : memref<10000x16xf32, #tpu.memory_space<hbm>>) target(%dma_start3A_242 : memref<80x16xf32, #tpu.memory_space<vmem>>) offsets(%dma_start3A_245 : memref<80xi32, #tpu.memory_space<vmem>>) semaphore(%arg13 : memref<!tpu.dma_semaphore, #tpu.memory_space<semaphore_mem>>)
      } else {
      }
      %scan3A_136 = arith.constant 0 : i32
      %scan3A_137 = arith.constant 0 : i32
      %scan3A_138 = arith.constant 20 : i32
      %scan3A_139 = arith.addi %scan3A_137, %scan3A_138 : i32
      %scan3A_140 = arith.constant 1 : i32
      %scan3A_141 = scf.for %scan3A_202 = %scan3A_137 to %scan3A_139 step %scan3A_140 iter_args(%scan3A_203 = %scan3A_136) -> (i32)  : i32 {
        %mul3A_204 = arith.constant 4 : i32
        %mul3A_205 = arith.muli %scan3A_202, %mul3A_204 : i32
        %add3A_206 = arith.constant 0 : i32
        %add3A_207 = arith.addi %mul3A_205, %add3A_206 : i32
        %get3A_208 = arith.index_cast %rem3A_105 : i32 to index
        %get3A_209 = arith.index_cast %add3A_207 : i32 to index
        %get3A_210 = arith.constant 128 : index
        %get3A_211 = tpu.vector_load %arg11[%get3A_208, %get3A_209, %get3A_210] {strides = array<i32>} : memref<3x80x144xf32, #tpu.memory_space<vmem>>, vector<1x1x16xf32>,
        %get3A_212 = vector.shape_cast %get3A_211 : vector<1x1x16xf32> to vector<16xf32>
        %get3A_213 = arith.index_cast %rem3A_103 : i32 to index
        %get3A_214 = arith.index_cast %add3A_207 : i32 to index
        %get3A_215 = arith.constant 0 : index
        %get3A_216 = tpu.vector_load %arg12[%get3A_213, %get3A_214, %get3A_215] {strides = array<i32>} : memref<2x80x16xf32, #tpu.memory_space<vmem>>, vector<1x1x16xf32>,
        %get3A_217 = vector.shape_cast %get3A_216 : vector<1x1x16xf32> to vector<16xf32>
        %add3A_218 = arith.addf %get3A_212, %get3A_217 : vector<16xf32>
        %gt3A = arith.constant 0.000000e+00 : f32
        %gt3A_219 = vector.broadcast %gt3A : f32 to vector<16xf32>
        %gt3A_220 = arith.cmpf ogt, %add3A_218, %gt3A_219 : vector<16xf32>
        %mul3A_221 = arith.constant 2.000000e-01 : f32
        %mul3A_222 = vector.broadcast %mul3A_221 : f32 to vector<16xf32>
        %mul3A_223 = arith.mulf %mul3A_222, %add3A_218 : vector<16xf32>
        %select_n3A = arith.select %gt3A_220, %add3A_218, %mul3A_223 : vector<16xi1>, vector<16xf32>
        %lt3A = arith.constant 8 : i32
        %lt3A_224 = vector.broadcast %lt3A : i32 to vector<16xi32>
        %lt3A_225 = arith.cmpi slt, %iota3A, %lt3A_224 : vector<16xi32>
        %exp3A = math.exp %select_n3A : vector<16xf32>
        %jit3A = arith.constant 0.000000e+00 : f32
        %broadcast_in_dim3A_226 = vector.broadcast %jit3A : f32 to vector<16xf32>
        %select_n3A_227 = arith.select %lt3A_225, %exp3A, %broadcast_in_dim3A_226 : vector<16xi1>, vector<16xf32>
        %swap3A_228 = arith.index_cast %rem3A_105 : i32 to index
        %swap3A_229 = arith.index_cast %add3A_207 : i32 to index
        %swap3A_230 = arith.constant 128 : index
        %swap3A_231 = tpu.vector_load %arg11[%swap3A_228, %swap3A_229, %swap3A_230] {strides = array<i32>} : memref<3x80x144xf32, #tpu.memory_space<vmem>>, vector<1x1x16xf32>,
        %swap3A_232 = vector.shape_cast %swap3A_231 : vector<1x1x16xf32> to vector<16xf32>
        %swap3A_233 = vector.shape_cast %select_n3A_227 : vector<16xf32> to vector<1x1x16xf32>
        tpu.vector_store %arg11[%swap3A_228, %swap3A_229, %swap3A_230], %swap3A_233 {strides = array<i32>} : memref<3x80x144xf32, #tpu.memory_space<vmem>>, vector<1x1x16xf32>,
        %get3A_234 = arith.index_cast %rem3A_105 : i32 to index
        %get3A_235 = arith.index_cast %add3A_207 : i32 to index
        %get3A_236 = arith.constant 0 : index
        %get3A_237 = tpu.vector_load %arg11[%get3A_234, %get3A_235, %get3A_236] {strides = array<i32>} : memref<3x80x144xf32, #tpu.memory_space<vmem>>, vector<1x1x16xf32>,
        %get3A_238 = vector.shape_cast %get3A_237 : vector<1x1x16xf32> to vector<16xf32>
        %slice3A = vector.extract_strided_slice %select_n3A_227 {offsets = [0], sizes = [1], strides = [1]} : vector<16xf32> to vector<1xf32>
        %squeeze3A = vector.extract %slice3A[0] : f32 from vector<1xf32>
        %mul3A_239 = vector.broadcast %squeeze3A : f32 to vector<16xf32>
        %mul3A_240 = arith.mulf %get3A_238, %mul3A_239 : vector<16xf32>
        %swap3A_241 = arith.index_cast %rem3A_105 : i32 to index
        %swap3A_242 = arith.index_cast %add3A_207 : i32 to index
        %swap3A_243 = arith.constant 0 : index
        %swap3A_244 = tpu.vector_load %arg11[%swap3A_241, %swap3A_242, %swap3A_243] {strides = array<i32>} : memref<3x80x144xf32, #tpu.memory_space<vmem>>, vector<1x1x16xf32>,
        %swap3A_245 = vector.shape_cast %swap3A_244 : vector<1x1x16xf32> to vector<16xf32>
        %swap3A_246 = vector.shape_cast %mul3A_240 : vector<16xf32> to vector<1x1x16xf32>
        tpu.vector_store %arg11[%swap3A_241, %swap3A_242, %swap3A_243], %swap3A_246 {strides = array<i32>} : memref<3x80x144xf32, #tpu.memory_space<vmem>>, vector<1x1x16xf32>,
        %get3A_247 = arith.index_cast %rem3A_105 : i32 to index
        %get3A_248 = arith.index_cast %add3A_207 : i32 to index
        %get3A_249 = arith.constant 16 : index
        %get3A_250 = tpu.vector_load %arg11[%get3A_247, %get3A_248, %get3A_249] {strides = array<i32>} : memref<3x80x144xf32, #tpu.memory_space<vmem>>, vector<1x1x16xf32>,
        %get3A_251 = vector.shape_cast %get3A_250 : vector<1x1x16xf32> to vector<16xf32>
        %slice3A_252 = vector.extract_strided_slice %select_n3A_227 {offsets = [1], sizes = [1], strides = [1]} : vector<16xf32> to vector<1xf32>
        %squeeze3A_253 = vector.extract %slice3A_252[0] : f32 from vector<1xf32>
        %mul3A_254 = vector.broadcast %squeeze3A_253 : f32 to vector<16xf32>
        %mul3A_255 = arith.mulf %get3A_251, %mul3A_254 : vector<16xf32>
        %swap3A_256 = arith.index_cast %rem3A_105 : i32 to index
        %swap3A_257 = arith.index_cast %add3A_207 : i32 to index
        %swap3A_258 = arith.constant 16 : index
        %swap3A_259 = tpu.vector_load %arg11[%swap3A_256, %swap3A_257, %swap3A_258] {strides = array<i32>} : memref<3x80x144xf32, #tpu.memory_space<vmem>>, vector<1x1x16xf32>,
        %swap3A_260 = vector.shape_cast %swap3A_259 : vector<1x1x16xf32> to vector<16xf32>
        %swap3A_261 = vector.shape_cast %mul3A_255 : vector<16xf32> to vector<1x1x16xf32>
        tpu.vector_store %arg11[%swap3A_256, %swap3A_257, %swap3A_258], %swap3A_261 {strides = array<i32>} : memref<3x80x144xf32, #tpu.memory_space<vmem>>, vector<1x1x16xf32>,
        %get3A_262 = arith.index_cast %rem3A_105 : i32 to index
        %get3A_263 = arith.index_cast %add3A_207 : i32 to index
        %get3A_264 = arith.constant 32 : index
        %get3A_265 = tpu.vector_load %arg11[%get3A_262, %get3A_263, %get3A_264] {strides = array<i32>} : memref<3x80x144xf32, #tpu.memory_space<vmem>>, vector<1x1x16xf32>,
        %get3A_266 = vector.shape_cast %get3A_265 : vector<1x1x16xf32> to vector<16xf32>
        %slice3A_267 = vector.extract_strided_slice %select_n3A_227 {offsets = [2], sizes = [1], strides = [1]} : vector<16xf32> to vector<1xf32>
        %squeeze3A_268 = vector.extract %slice3A_267[0] : f32 from vector<1xf32>
        %mul3A_269 = vector.broadcast %squeeze3A_268 : f32 to vector<16xf32>
        %mul3A_270 = arith.mulf %get3A_266, %mul3A_269 : vector<16xf32>
        %swap3A_271 = arith.index_cast %rem3A_105 : i32 to index
        %swap3A_272 = arith.index_cast %add3A_207 : i32 to index
        %swap3A_273 = arith.constant 32 : index
        %swap3A_274 = tpu.vector_load %arg11[%swap3A_271, %swap3A_272, %swap3A_273] {strides = array<i32>} : memref<3x80x144xf32, #tpu.memory_space<vmem>>, vector<1x1x16xf32>,
        %swap3A_275 = vector.shape_cast %swap3A_274 : vector<1x1x16xf32> to vector<16xf32>
        %swap3A_276 = vector.shape_cast %mul3A_270 : vector<16xf32> to vector<1x1x16xf32>
        tpu.vector_store %arg11[%swap3A_271, %swap3A_272, %swap3A_273], %swap3A_276 {strides = array<i32>} : memref<3x80x144xf32, #tpu.memory_space<vmem>>, vector<1x1x16xf32>,
        %get3A_277 = arith.index_cast %rem3A_105 : i32 to index
        %get3A_278 = arith.index_cast %add3A_207 : i32 to index
        %get3A_279 = arith.constant 48 : index
        %get3A_280 = tpu.vector_load %arg11[%get3A_277, %get3A_278, %get3A_279] {strides = array<i32>} : memref<3x80x144xf32, #tpu.memory_space<vmem>>, vector<1x1x16xf32>,
        %get3A_281 = vector.shape_cast %get3A_280 : vector<1x1x16xf32> to vector<16xf32>
        %slice3A_282 = vector.extract_strided_slice %select_n3A_227 {offsets = [3], sizes = [1], strides = [1]} : vector<16xf32> to vector<1xf32>
        %squeeze3A_283 = vector.extract %slice3A_282[0] : f32 from vector<1xf32>
        %mul3A_284 = vector.broadcast %squeeze3A_283 : f32 to vector<16xf32>
        %mul3A_285 = arith.mulf %get3A_281, %mul3A_284 : vector<16xf32>
        %swap3A_286 = arith.index_cast %rem3A_105 : i32 to index
        %swap3A_287 = arith.index_cast %add3A_207 : i32 to index
        %swap3A_288 = arith.constant 48 : index
        %swap3A_289 = tpu.vector_load %arg11[%swap3A_286, %swap3A_287, %swap3A_288] {strides = array<i32>} : memref<3x80x144xf32, #tpu.memory_space<vmem>>, vector<1x1x16xf32>,
        %swap3A_290 = vector.shape_cast %swap3A_289 : vector<1x1x16xf32> to vector<16xf32>
        %swap3A_291 = vector.shape_cast %mul3A_285 : vector<16xf32> to vector<1x1x16xf32>
        tpu.vector_store %arg11[%swap3A_286, %swap3A_287, %swap3A_288], %swap3A_291 {strides = array<i32>} : memref<3x80x144xf32, #tpu.memory_space<vmem>>, vector<1x1x16xf32>,
        %get3A_292 = arith.index_cast %rem3A_105 : i32 to index
        %get3A_293 = arith.index_cast %add3A_207 : i32 to index
        %get3A_294 = arith.constant 64 : index
        %get3A_295 = tpu.vector_load %arg11[%get3A_292, %get3A_293, %get3A_294] {strides = array<i32>} : memref<3x80x144xf32, #tpu.memory_space<vmem>>, vector<1x1x16xf32>,
        %get3A_296 = vector.shape_cast %get3A_295 : vector<1x1x16xf32> to vector<16xf32>
        %slice3A_297 = vector.extract_strided_slice %select_n3A_227 {offsets = [4], sizes = [1], strides = [1]} : vector<16xf32> to vector<1xf32>
        %squeeze3A_298 = vector.extract %slice3A_297[0] : f32 from vector<1xf32>
        %mul3A_299 = vector.broadcast %squeeze3A_298 : f32 to vector<16xf32>
        %mul3A_300 = arith.mulf %get3A_296, %mul3A_299 : vector<16xf32>
        %swap3A_301 = arith.index_cast %rem3A_105 : i32 to index
        %swap3A_302 = arith.index_cast %add3A_207 : i32 to index
        %swap3A_303 = arith.constant 64 : index
        %swap3A_304 = tpu.vector_load %arg11[%swap3A_301, %swap3A_302, %swap3A_303] {strides = array<i32>} : memref<3x80x144xf32, #tpu.memory_space<vmem>>, vector<1x1x16xf32>,
        %swap3A_305 = vector.shape_cast %swap3A_304 : vector<1x1x16xf32> to vector<16xf32>
        %swap3A_306 = vector.shape_cast %mul3A_300 : vector<16xf32> to vector<1x1x16xf32>
        tpu.vector_store %arg11[%swap3A_301, %swap3A_302, %swap3A_303], %swap3A_306 {strides = array<i32>} : memref<3x80x144xf32, #tpu.memory_space<vmem>>, vector<1x1x16xf32>,
        %get3A_307 = arith.index_cast %rem3A_105 : i32 to index
        %get3A_308 = arith.index_cast %add3A_207 : i32 to index
        %get3A_309 = arith.constant 80 : index
        %get3A_310 = tpu.vector_load %arg11[%get3A_307, %get3A_308, %get3A_309] {strides = array<i32>} : memref<3x80x144xf32, #tpu.memory_space<vmem>>, vector<1x1x16xf32>,
        %get3A_311 = vector.shape_cast %get3A_310 : vector<1x1x16xf32> to vector<16xf32>
        %slice3A_312 = vector.extract_strided_slice %select_n3A_227 {offsets = [5], sizes = [1], strides = [1]} : vector<16xf32> to vector<1xf32>
        %squeeze3A_313 = vector.extract %slice3A_312[0] : f32 from vector<1xf32>
        %mul3A_314 = vector.broadcast %squeeze3A_313 : f32 to vector<16xf32>
        %mul3A_315 = arith.mulf %get3A_311, %mul3A_314 : vector<16xf32>
        %swap3A_316 = arith.index_cast %rem3A_105 : i32 to index
        %swap3A_317 = arith.index_cast %add3A_207 : i32 to index
        %swap3A_318 = arith.constant 80 : index
        %swap3A_319 = tpu.vector_load %arg11[%swap3A_316, %swap3A_317, %swap3A_318] {strides = array<i32>} : memref<3x80x144xf32, #tpu.memory_space<vmem>>, vector<1x1x16xf32>,
        %swap3A_320 = vector.shape_cast %swap3A_319 : vector<1x1x16xf32> to vector<16xf32>
        %swap3A_321 = vector.shape_cast %mul3A_315 : vector<16xf32> to vector<1x1x16xf32>
        tpu.vector_store %arg11[%swap3A_316, %swap3A_317, %swap3A_318], %swap3A_321 {strides = array<i32>} : memref<3x80x144xf32, #tpu.memory_space<vmem>>, vector<1x1x16xf32>,
        %get3A_322 = arith.index_cast %rem3A_105 : i32 to index
        %get3A_323 = arith.index_cast %add3A_207 : i32 to index
        %get3A_324 = arith.constant 96 : index
        %get3A_325 = tpu.vector_load %arg11[%get3A_322, %get3A_323, %get3A_324] {strides = array<i32>} : memref<3x80x144xf32, #tpu.memory_space<vmem>>, vector<1x1x16xf32>,
        %get3A_326 = vector.shape_cast %get3A_325 : vector<1x1x16xf32> to vector<16xf32>
        %slice3A_327 = vector.extract_strided_slice %select_n3A_227 {offsets = [6], sizes = [1], strides = [1]} : vector<16xf32> to vector<1xf32>
        %squeeze3A_328 = vector.extract %slice3A_327[0] : f32 from vector<1xf32>
        %mul3A_329 = vector.broadcast %squeeze3A_328 : f32 to vector<16xf32>
        %mul3A_330 = arith.mulf %get3A_326, %mul3A_329 : vector<16xf32>
        %swap3A_331 = arith.index_cast %rem3A_105 : i32 to index
        %swap3A_332 = arith.index_cast %add3A_207 : i32 to index
        %swap3A_333 = arith.constant 96 : index
        %swap3A_334 = tpu.vector_load %arg11[%swap3A_331, %swap3A_332, %swap3A_333] {strides = array<i32>} : memref<3x80x144xf32, #tpu.memory_space<vmem>>, vector<1x1x16xf32>,
        %swap3A_335 = vector.shape_cast %swap3A_334 : vector<1x1x16xf32> to vector<16xf32>
        %swap3A_336 = vector.shape_cast %mul3A_330 : vector<16xf32> to vector<1x1x16xf32>
        tpu.vector_store %arg11[%swap3A_331, %swap3A_332, %swap3A_333], %swap3A_336 {strides = array<i32>} : memref<3x80x144xf32, #tpu.memory_space<vmem>>, vector<1x1x16xf32>,
        %get3A_337 = arith.index_cast %rem3A_105 : i32 to index
        %get3A_338 = arith.index_cast %add3A_207 : i32 to index
        %get3A_339 = arith.constant 112 : index
        %get3A_340 = tpu.vector_load %arg11[%get3A_337, %get3A_338, %get3A_339] {strides = array<i32>} : memref<3x80x144xf32, #tpu.memory_space<vmem>>, vector<1x1x16xf32>,
        %get3A_341 = vector.shape_cast %get3A_340 : vector<1x1x16xf32> to vector<16xf32>
        %slice3A_342 = vector.extract_strided_slice %select_n3A_227 {offsets = [7], sizes = [1], strides = [1]} : vector<16xf32> to vector<1xf32>
        %squeeze3A_343 = vector.extract %slice3A_342[0] : f32 from vector<1xf32>
        %mul3A_344 = vector.broadcast %squeeze3A_343 : f32 to vector<16xf32>
        %mul3A_345 = arith.mulf %get3A_341, %mul3A_344 : vector<16xf32>
        %swap3A_346 = arith.index_cast %rem3A_105 : i32 to index
        %swap3A_347 = arith.index_cast %add3A_207 : i32 to index
        %swap3A_348 = arith.constant 112 : index
        %swap3A_349 = tpu.vector_load %arg11[%swap3A_346, %swap3A_347, %swap3A_348] {strides = array<i32>} : memref<3x80x144xf32, #tpu.memory_space<vmem>>, vector<1x1x16xf32>,
        %swap3A_350 = vector.shape_cast %swap3A_349 : vector<1x1x16xf32> to vector<16xf32>
        %swap3A_351 = vector.shape_cast %mul3A_345 : vector<16xf32> to vector<1x1x16xf32>
        tpu.vector_store %arg11[%swap3A_346, %swap3A_347, %swap3A_348], %swap3A_351 {strides = array<i32>} : memref<3x80x144xf32, #tpu.memory_space<vmem>>, vector<1x1x16xf32>,
        %mul3A_352 = arith.constant 4 : i32
        %mul3A_353 = arith.muli %scan3A_202, %mul3A_352 : i32
        %add3A_354 = arith.constant 1 : i32
        %add3A_355 = arith.addi %mul3A_353, %add3A_354 : i32
        %get3A_356 = arith.index_cast %rem3A_105 : i32 to index
        %get3A_357 = arith.index_cast %add3A_355 : i32 to index
        %get3A_358 = arith.constant 128 : index
        %get3A_359 = tpu.vector_load %arg11[%get3A_356, %get3A_357, %get3A_358] {strides = array<i32>} : memref<3x80x144xf32, #tpu.memory_space<vmem>>, vector<1x1x16xf32>,
        %get3A_360 = vector.shape_cast %get3A_359 : vector<1x1x16xf32> to vector<16xf32>
        %get3A_361 = arith.index_cast %rem3A_103 : i32 to index
        %get3A_362 = arith.index_cast %add3A_355 : i32 to index
        %get3A_363 = arith.constant 0 : index
        %get3A_364 = tpu.vector_load %arg12[%get3A_361, %get3A_362, %get3A_363] {strides = array<i32>} : memref<2x80x16xf32, #tpu.memory_space<vmem>>, vector<1x1x16xf32>,
        %get3A_365 = vector.shape_cast %get3A_364 : vector<1x1x16xf32> to vector<16xf32>
        %add3A_366 = arith.addf %get3A_360, %get3A_365 : vector<16xf32>
        %gt3A_367 = arith.constant 0.000000e+00 : f32
        %gt3A_368 = vector.broadcast %gt3A_367 : f32 to vector<16xf32>
        %gt3A_369 = arith.cmpf ogt, %add3A_366, %gt3A_368 : vector<16xf32>
        %mul3A_370 = arith.constant 2.000000e-01 : f32
        %mul3A_371 = vector.broadcast %mul3A_370 : f32 to vector<16xf32>
        %mul3A_372 = arith.mulf %mul3A_371, %add3A_366 : vector<16xf32>
        %select_n3A_373 = arith.select %gt3A_369, %add3A_366, %mul3A_372 : vector<16xi1>, vector<16xf32>
        %lt3A_374 = arith.constant 8 : i32
        %lt3A_375 = vector.broadcast %lt3A_374 : i32 to vector<16xi32>
        %lt3A_376 = arith.cmpi slt, %iota3A, %lt3A_375 : vector<16xi32>
        %exp3A_377 = math.exp %select_n3A_373 : vector<16xf32>
        %jit3A_378 = arith.constant 0.000000e+00 : f32
        %broadcast_in_dim3A_379 = vector.broadcast %jit3A_378 : f32 to vector<16xf32>
        %select_n3A_380 = arith.select %lt3A_376, %exp3A_377, %broadcast_in_dim3A_379 : vector<16xi1>, vector<16xf32>
        %swap3A_381 = arith.index_cast %rem3A_105 : i32 to index
        %swap3A_382 = arith.index_cast %add3A_355 : i32 to index
        %swap3A_383 = arith.constant 128 : index
        %swap3A_384 = tpu.vector_load %arg11[%swap3A_381, %swap3A_382, %swap3A_383] {strides = array<i32>} : memref<3x80x144xf32, #tpu.memory_space<vmem>>, vector<1x1x16xf32>,
        %swap3A_385 = vector.shape_cast %swap3A_384 : vector<1x1x16xf32> to vector<16xf32>
        %swap3A_386 = vector.shape_cast %select_n3A_380 : vector<16xf32> to vector<1x1x16xf32>
        tpu.vector_store %arg11[%swap3A_381, %swap3A_382, %swap3A_383], %swap3A_386 {strides = array<i32>} : memref<3x80x144xf32, #tpu.memory_space<vmem>>, vector<1x1x16xf32>,
        %get3A_387 = arith.index_cast %rem3A_105 : i32 to index
        %get3A_388 = arith.index_cast %add3A_355 : i32 to index
        %get3A_389 = arith.constant 0 : index
        %get3A_390 = tpu.vector_load %arg11[%get3A_387, %get3A_388, %get3A_389] {strides = array<i32>} : memref<3x80x144xf32, #tpu.memory_space<vmem>>, vector<1x1x16xf32>,
        %get3A_391 = vector.shape_cast %get3A_390 : vector<1x1x16xf32> to vector<16xf32>
        %slice3A_392 = vector.extract_strided_slice %select_n3A_380 {offsets = [0], sizes = [1], strides = [1]} : vector<16xf32> to vector<1xf32>
        %squeeze3A_393 = vector.extract %slice3A_392[0] : f32 from vector<1xf32>
        %mul3A_394 = vector.broadcast %squeeze3A_393 : f32 to vector<16xf32>
        %mul3A_395 = arith.mulf %get3A_391, %mul3A_394 : vector<16xf32>
        %swap3A_396 = arith.index_cast %rem3A_105 : i32 to index
        %swap3A_397 = arith.index_cast %add3A_355 : i32 to index
        %swap3A_398 = arith.constant 0 : index
        %swap3A_399 = tpu.vector_load %arg11[%swap3A_396, %swap3A_397, %swap3A_398] {strides = array<i32>} : memref<3x80x144xf32, #tpu.memory_space<vmem>>, vector<1x1x16xf32>,
        %swap3A_400 = vector.shape_cast %swap3A_399 : vector<1x1x16xf32> to vector<16xf32>
        %swap3A_401 = vector.shape_cast %mul3A_395 : vector<16xf32> to vector<1x1x16xf32>
        tpu.vector_store %arg11[%swap3A_396, %swap3A_397, %swap3A_398], %swap3A_401 {strides = array<i32>} : memref<3x80x144xf32, #tpu.memory_space<vmem>>, vector<1x1x16xf32>,
        %get3A_402 = arith.index_cast %rem3A_105 : i32 to index
        %get3A_403 = arith.index_cast %add3A_355 : i32 to index
        %get3A_404 = arith.constant 16 : index
        %get3A_405 = tpu.vector_load %arg11[%get3A_402, %get3A_403, %get3A_404] {strides = array<i32>} : memref<3x80x144xf32, #tpu.memory_space<vmem>>, vector<1x1x16xf32>,
        %get3A_406 = vector.shape_cast %get3A_405 : vector<1x1x16xf32> to vector<16xf32>
        %slice3A_407 = vector.extract_strided_slice %select_n3A_380 {offsets = [1], sizes = [1], strides = [1]} : vector<16xf32> to vector<1xf32>
        %squeeze3A_408 = vector.extract %slice3A_407[0] : f32 from vector<1xf32>
        %mul3A_409 = vector.broadcast %squeeze3A_408 : f32 to vector<16xf32>
        %mul3A_410 = arith.mulf %get3A_406, %mul3A_409 : vector<16xf32>
        %swap3A_411 = arith.index_cast %rem3A_105 : i32 to index
        %swap3A_412 = arith.index_cast %add3A_355 : i32 to index
        %swap3A_413 = arith.constant 16 : index
        %swap3A_414 = tpu.vector_load %arg11[%swap3A_411, %swap3A_412, %swap3A_413] {strides = array<i32>} : memref<3x80x144xf32, #tpu.memory_space<vmem>>, vector<1x1x16xf32>,
        %swap3A_415 = vector.shape_cast %swap3A_414 : vector<1x1x16xf32> to vector<16xf32>
        %swap3A_416 = vector.shape_cast %mul3A_410 : vector<16xf32> to vector<1x1x16xf32>
        tpu.vector_store %arg11[%swap3A_411, %swap3A_412, %swap3A_413], %swap3A_416 {strides = array<i32>} : memref<3x80x144xf32, #tpu.memory_space<vmem>>, vector<1x1x16xf32>,
        %get3A_417 = arith.index_cast %rem3A_105 : i32 to index
        %get3A_418 = arith.index_cast %add3A_355 : i32 to index
        %get3A_419 = arith.constant 32 : index
        %get3A_420 = tpu.vector_load %arg11[%get3A_417, %get3A_418, %get3A_419] {strides = array<i32>} : memref<3x80x144xf32, #tpu.memory_space<vmem>>, vector<1x1x16xf32>,
        %get3A_421 = vector.shape_cast %get3A_420 : vector<1x1x16xf32> to vector<16xf32>
        %slice3A_422 = vector.extract_strided_slice %select_n3A_380 {offsets = [2], sizes = [1], strides = [1]} : vector<16xf32> to vector<1xf32>
        %squeeze3A_423 = vector.extract %slice3A_422[0] : f32 from vector<1xf32>
        %mul3A_424 = vector.broadcast %squeeze3A_423 : f32 to vector<16xf32>
        %mul3A_425 = arith.mulf %get3A_421, %mul3A_424 : vector<16xf32>
        %swap3A_426 = arith.index_cast %rem3A_105 : i32 to index
        %swap3A_427 = arith.index_cast %add3A_355 : i32 to index
        %swap3A_428 = arith.constant 32 : index
        %swap3A_429 = tpu.vector_load %arg11[%swap3A_426, %swap3A_427, %swap3A_428] {strides = array<i32>} : memref<3x80x144xf32, #tpu.memory_space<vmem>>, vector<1x1x16xf32>,
        %swap3A_430 = vector.shape_cast %swap3A_429 : vector<1x1x16xf32> to vector<16xf32>
        %swap3A_431 = vector.shape_cast %mul3A_425 : vector<16xf32> to vector<1x1x16xf32>
        tpu.vector_store %arg11[%swap3A_426, %swap3A_427, %swap3A_428], %swap3A_431 {strides = array<i32>} : memref<3x80x144xf32, #tpu.memory_space<vmem>>, vector<1x1x16xf32>,
        %get3A_432 = arith.index_cast %rem3A_105 : i32 to index
        %get3A_433 = arith.index_cast %add3A_355 : i32 to index
        %get3A_434 = arith.constant 48 : index
        %get3A_435 = tpu.vector_load %arg11[%get3A_432, %get3A_433, %get3A_434] {strides = array<i32>} : memref<3x80x144xf32, #tpu.memory_space<vmem>>, vector<1x1x16xf32>,
        %get3A_436 = vector.shape_cast %get3A_435 : vector<1x1x16xf32> to vector<16xf32>
        %slice3A_437 = vector.extract_strided_slice %select_n3A_380 {offsets = [3], sizes = [1], strides = [1]} : vector<16xf32> to vector<1xf32>
        %squeeze3A_438 = vector.extract %slice3A_437[0] : f32 from vector<1xf32>
        %mul3A_439 = vector.broadcast %squeeze3A_438 : f32 to vector<16xf32>
        %mul3A_440 = arith.mulf %get3A_436, %mul3A_439 : vector<16xf32>
        %swap3A_441 = arith.index_cast %rem3A_105 : i32 to index
        %swap3A_442 = arith.index_cast %add3A_355 : i32 to index
        %swap3A_443 = arith.constant 48 : index
        %swap3A_444 = tpu.vector_load %arg11[%swap3A_441, %swap3A_442, %swap3A_443] {strides = array<i32>} : memref<3x80x144xf32, #tpu.memory_space<vmem>>, vector<1x1x16xf32>,
        %swap3A_445 = vector.shape_cast %swap3A_444 : vector<1x1x16xf32> to vector<16xf32>
        %swap3A_446 = vector.shape_cast %mul3A_440 : vector<16xf32> to vector<1x1x16xf32>
        tpu.vector_store %arg11[%swap3A_441, %swap3A_442, %swap3A_443], %swap3A_446 {strides = array<i32>} : memref<3x80x144xf32, #tpu.memory_space<vmem>>, vector<1x1x16xf32>,
        %get3A_447 = arith.index_cast %rem3A_105 : i32 to index
        %get3A_448 = arith.index_cast %add3A_355 : i32 to index
        %get3A_449 = arith.constant 64 : index
        %get3A_450 = tpu.vector_load %arg11[%get3A_447, %get3A_448, %get3A_449] {strides = array<i32>} : memref<3x80x144xf32, #tpu.memory_space<vmem>>, vector<1x1x16xf32>,
        %get3A_451 = vector.shape_cast %get3A_450 : vector<1x1x16xf32> to vector<16xf32>
        %slice3A_452 = vector.extract_strided_slice %select_n3A_380 {offsets = [4], sizes = [1], strides = [1]} : vector<16xf32> to vector<1xf32>
        %squeeze3A_453 = vector.extract %slice3A_452[0] : f32 from vector<1xf32>
        %mul3A_454 = vector.broadcast %squeeze3A_453 : f32 to vector<16xf32>
        %mul3A_455 = arith.mulf %get3A_451, %mul3A_454 : vector<16xf32>
        %swap3A_456 = arith.index_cast %rem3A_105 : i32 to index
        %swap3A_457 = arith.index_cast %add3A_355 : i32 to index
        %swap3A_458 = arith.constant 64 : index
        %swap3A_459 = tpu.vector_load %arg11[%swap3A_456, %swap3A_457, %swap3A_458] {strides = array<i32>} : memref<3x80x144xf32, #tpu.memory_space<vmem>>, vector<1x1x16xf32>,
        %swap3A_460 = vector.shape_cast %swap3A_459 : vector<1x1x16xf32> to vector<16xf32>
        %swap3A_461 = vector.shape_cast %mul3A_455 : vector<16xf32> to vector<1x1x16xf32>
        tpu.vector_store %arg11[%swap3A_456, %swap3A_457, %swap3A_458], %swap3A_461 {strides = array<i32>} : memref<3x80x144xf32, #tpu.memory_space<vmem>>, vector<1x1x16xf32>,
        %get3A_462 = arith.index_cast %rem3A_105 : i32 to index
        %get3A_463 = arith.index_cast %add3A_355 : i32 to index
        %get3A_464 = arith.constant 80 : index
        %get3A_465 = tpu.vector_load %arg11[%get3A_462, %get3A_463, %get3A_464] {strides = array<i32>} : memref<3x80x144xf32, #tpu.memory_space<vmem>>, vector<1x1x16xf32>,
        %get3A_466 = vector.shape_cast %get3A_465 : vector<1x1x16xf32> to vector<16xf32>
        %slice3A_467 = vector.extract_strided_slice %select_n3A_380 {offsets = [5], sizes = [1], strides = [1]} : vector<16xf32> to vector<1xf32>
        %squeeze3A_468 = vector.extract %slice3A_467[0] : f32 from vector<1xf32>
        %mul3A_469 = vector.broadcast %squeeze3A_468 : f32 to vector<16xf32>
        %mul3A_470 = arith.mulf %get3A_466, %mul3A_469 : vector<16xf32>
        %swap3A_471 = arith.index_cast %rem3A_105 : i32 to index
        %swap3A_472 = arith.index_cast %add3A_355 : i32 to index
        %swap3A_473 = arith.constant 80 : index
        %swap3A_474 = tpu.vector_load %arg11[%swap3A_471, %swap3A_472, %swap3A_473] {strides = array<i32>} : memref<3x80x144xf32, #tpu.memory_space<vmem>>, vector<1x1x16xf32>,
        %swap3A_475 = vector.shape_cast %swap3A_474 : vector<1x1x16xf32> to vector<16xf32>
        %swap3A_476 = vector.shape_cast %mul3A_470 : vector<16xf32> to vector<1x1x16xf32>
        tpu.vector_store %arg11[%swap3A_471, %swap3A_472, %swap3A_473], %swap3A_476 {strides = array<i32>} : memref<3x80x144xf32, #tpu.memory_space<vmem>>, vector<1x1x16xf32>,
        %get3A_477 = arith.index_cast %rem3A_105 : i32 to index
        %get3A_478 = arith.index_cast %add3A_355 : i32 to index
        %get3A_479 = arith.constant 96 : index
        %get3A_480 = tpu.vector_load %arg11[%get3A_477, %get3A_478, %get3A_479] {strides = array<i32>} : memref<3x80x144xf32, #tpu.memory_space<vmem>>, vector<1x1x16xf32>,
        %get3A_481 = vector.shape_cast %get3A_480 : vector<1x1x16xf32> to vector<16xf32>
        %slice3A_482 = vector.extract_strided_slice %select_n3A_380 {offsets = [6], sizes = [1], strides = [1]} : vector<16xf32> to vector<1xf32>
        %squeeze3A_483 = vector.extract %slice3A_482[0] : f32 from vector<1xf32>
        %mul3A_484 = vector.broadcast %squeeze3A_483 : f32 to vector<16xf32>
        %mul3A_485 = arith.mulf %get3A_481, %mul3A_484 : vector<16xf32>
        %swap3A_486 = arith.index_cast %rem3A_105 : i32 to index
        %swap3A_487 = arith.index_cast %add3A_355 : i32 to index
        %swap3A_488 = arith.constant 96 : index
        %swap3A_489 = tpu.vector_load %arg11[%swap3A_486, %swap3A_487, %swap3A_488] {strides = array<i32>} : memref<3x80x144xf32, #tpu.memory_space<vmem>>, vector<1x1x16xf32>,
        %swap3A_490 = vector.shape_cast %swap3A_489 : vector<1x1x16xf32> to vector<16xf32>
        %swap3A_491 = vector.shape_cast %mul3A_485 : vector<16xf32> to vector<1x1x16xf32>
        tpu.vector_store %arg11[%swap3A_486, %swap3A_487, %swap3A_488], %swap3A_491 {strides = array<i32>} : memref<3x80x144xf32, #tpu.memory_space<vmem>>, vector<1x1x16xf32>,
        %get3A_492 = arith.index_cast %rem3A_105 : i32 to index
        %get3A_493 = arith.index_cast %add3A_355 : i32 to index
        %get3A_494 = arith.constant 112 : index
        %get3A_495 = tpu.vector_load %arg11[%get3A_492, %get3A_493, %get3A_494] {strides = array<i32>} : memref<3x80x144xf32, #tpu.memory_space<vmem>>, vector<1x1x16xf32>,
        %get3A_496 = vector.shape_cast %get3A_495 : vector<1x1x16xf32> to vector<16xf32>
        %slice3A_497 = vector.extract_strided_slice %select_n3A_380 {offsets = [7], sizes = [1], strides = [1]} : vector<16xf32> to vector<1xf32>
        %squeeze3A_498 = vector.extract %slice3A_497[0] : f32 from vector<1xf32>
        %mul3A_499 = vector.broadcast %squeeze3A_498 : f32 to vector<16xf32>
        %mul3A_500 = arith.mulf %get3A_496, %mul3A_499 : vector<16xf32>
        %swap3A_501 = arith.index_cast %rem3A_105 : i32 to index
        %swap3A_502 = arith.index_cast %add3A_355 : i32 to index
        %swap3A_503 = arith.constant 112 : index
        %swap3A_504 = tpu.vector_load %arg11[%swap3A_501, %swap3A_502, %swap3A_503] {strides = array<i32>} : memref<3x80x144xf32, #tpu.memory_space<vmem>>, vector<1x1x16xf32>,
        %swap3A_505 = vector.shape_cast %swap3A_504 : vector<1x1x16xf32> to vector<16xf32>
        %swap3A_506 = vector.shape_cast %mul3A_500 : vector<16xf32> to vector<1x1x16xf32>
        tpu.vector_store %arg11[%swap3A_501, %swap3A_502, %swap3A_503], %swap3A_506 {strides = array<i32>} : memref<3x80x144xf32, #tpu.memory_space<vmem>>, vector<1x1x16xf32>,
        %mul3A_507 = arith.constant 4 : i32
        %mul3A_508 = arith.muli %scan3A_202, %mul3A_507 : i32
        %add3A_509 = arith.constant 2 : i32
        %add3A_510 = arith.addi %mul3A_508, %add3A_509 : i32
        %get3A_511 = arith.index_cast %rem3A_105 : i32 to index
        %get3A_512 = arith.index_cast %add3A_510 : i32 to index
        %get3A_513 = arith.constant 128 : index
        %get3A_514 = tpu.vector_load %arg11[%get3A_511, %get3A_512, %get3A_513] {strides = array<i32>} : memref<3x80x144xf32, #tpu.memory_space<vmem>>, vector<1x1x16xf32>,
        %get3A_515 = vector.shape_cast %get3A_514 : vector<1x1x16xf32> to vector<16xf32>
        %get3A_516 = arith.index_cast %rem3A_103 : i32 to index
        %get3A_517 = arith.index_cast %add3A_510 : i32 to index
        %get3A_518 = arith.constant 0 : index
        %get3A_519 = tpu.vector_load %arg12[%get3A_516, %get3A_517, %get3A_518] {strides = array<i32>} : memref<2x80x16xf32, #tpu.memory_space<vmem>>, vector<1x1x16xf32>,
        %get3A_520 = vector.shape_cast %get3A_519 : vector<1x1x16xf32> to vector<16xf32>
        %add3A_521 = arith.addf %get3A_515, %get3A_520 : vector<16xf32>
        %gt3A_522 = arith.constant 0.000000e+00 : f32
        %gt3A_523 = vector.broadcast %gt3A_522 : f32 to vector<16xf32>
        %gt3A_524 = arith.cmpf ogt, %add3A_521, %gt3A_523 : vector<16xf32>
        %mul3A_525 = arith.constant 2.000000e-01 : f32
        %mul3A_526 = vector.broadcast %mul3A_525 : f32 to vector<16xf32>
        %mul3A_527 = arith.mulf %mul3A_526, %add3A_521 : vector<16xf32>
        %select_n3A_528 = arith.select %gt3A_524, %add3A_521, %mul3A_527 : vector<16xi1>, vector<16xf32>
        %lt3A_529 = arith.constant 8 : i32
        %lt3A_530 = vector.broadcast %lt3A_529 : i32 to vector<16xi32>
        %lt3A_531 = arith.cmpi slt, %iota3A, %lt3A_530 : vector<16xi32>
        %exp3A_532 = math.exp %select_n3A_528 : vector<16xf32>
        %jit3A_533 = arith.constant 0.000000e+00 : f32
        %broadcast_in_dim3A_534 = vector.broadcast %jit3A_533 : f32 to vector<16xf32>
        %select_n3A_535 = arith.select %lt3A_531, %exp3A_532, %broadcast_in_dim3A_534 : vector<16xi1>, vector<16xf32>
        %swap3A_536 = arith.index_cast %rem3A_105 : i32 to index
        %swap3A_537 = arith.index_cast %add3A_510 : i32 to index
        %swap3A_538 = arith.constant 128 : index
        %swap3A_539 = tpu.vector_load %arg11[%swap3A_536, %swap3A_537, %swap3A_538] {strides = array<i32>} : memref<3x80x144xf32, #tpu.memory_space<vmem>>, vector<1x1x16xf32>,
        %swap3A_540 = vector.shape_cast %swap3A_539 : vector<1x1x16xf32> to vector<16xf32>
        %swap3A_541 = vector.shape_cast %select_n3A_535 : vector<16xf32> to vector<1x1x16xf32>
        tpu.vector_store %arg11[%swap3A_536, %swap3A_537, %swap3A_538], %swap3A_541 {strides = array<i32>} : memref<3x80x144xf32, #tpu.memory_space<vmem>>, vector<1x1x16xf32>,
        %get3A_542 = arith.index_cast %rem3A_105 : i32 to index
        %get3A_543 = arith.index_cast %add3A_510 : i32 to index
        %get3A_544 = arith.constant 0 : index
        %get3A_545 = tpu.vector_load %arg11[%get3A_542, %get3A_543, %get3A_544] {strides = array<i32>} : memref<3x80x144xf32, #tpu.memory_space<vmem>>, vector<1x1x16xf32>,
        %get3A_546 = vector.shape_cast %get3A_545 : vector<1x1x16xf32> to vector<16xf32>
        %slice3A_547 = vector.extract_strided_slice %select_n3A_535 {offsets = [0], sizes = [1], strides = [1]} : vector<16xf32> to vector<1xf32>
        %squeeze3A_548 = vector.extract %slice3A_547[0] : f32 from vector<1xf32>
        %mul3A_549 = vector.broadcast %squeeze3A_548 : f32 to vector<16xf32>
        %mul3A_550 = arith.mulf %get3A_546, %mul3A_549 : vector<16xf32>
        %swap3A_551 = arith.index_cast %rem3A_105 : i32 to index
        %swap3A_552 = arith.index_cast %add3A_510 : i32 to index
        %swap3A_553 = arith.constant 0 : index
        %swap3A_554 = tpu.vector_load %arg11[%swap3A_551, %swap3A_552, %swap3A_553] {strides = array<i32>} : memref<3x80x144xf32, #tpu.memory_space<vmem>>, vector<1x1x16xf32>,
        %swap3A_555 = vector.shape_cast %swap3A_554 : vector<1x1x16xf32> to vector<16xf32>
        %swap3A_556 = vector.shape_cast %mul3A_550 : vector<16xf32> to vector<1x1x16xf32>
        tpu.vector_store %arg11[%swap3A_551, %swap3A_552, %swap3A_553], %swap3A_556 {strides = array<i32>} : memref<3x80x144xf32, #tpu.memory_space<vmem>>, vector<1x1x16xf32>,
        %get3A_557 = arith.index_cast %rem3A_105 : i32 to index
        %get3A_558 = arith.index_cast %add3A_510 : i32 to index
        %get3A_559 = arith.constant 16 : index
        %get3A_560 = tpu.vector_load %arg11[%get3A_557, %get3A_558, %get3A_559] {strides = array<i32>} : memref<3x80x144xf32, #tpu.memory_space<vmem>>, vector<1x1x16xf32>,
        %get3A_561 = vector.shape_cast %get3A_560 : vector<1x1x16xf32> to vector<16xf32>
        %slice3A_562 = vector.extract_strided_slice %select_n3A_535 {offsets = [1], sizes = [1], strides = [1]} : vector<16xf32> to vector<1xf32>
        %squeeze3A_563 = vector.extract %slice3A_562[0] : f32 from vector<1xf32>
        %mul3A_564 = vector.broadcast %squeeze3A_563 : f32 to vector<16xf32>
        %mul3A_565 = arith.mulf %get3A_561, %mul3A_564 : vector<16xf32>
        %swap3A_566 = arith.index_cast %rem3A_105 : i32 to index
        %swap3A_567 = arith.index_cast %add3A_510 : i32 to index
        %swap3A_568 = arith.constant 16 : index
        %swap3A_569 = tpu.vector_load %arg11[%swap3A_566, %swap3A_567, %swap3A_568] {strides = array<i32>} : memref<3x80x144xf32, #tpu.memory_space<vmem>>, vector<1x1x16xf32>,
        %swap3A_570 = vector.shape_cast %swap3A_569 : vector<1x1x16xf32> to vector<16xf32>
        %swap3A_571 = vector.shape_cast %mul3A_565 : vector<16xf32> to vector<1x1x16xf32>
        tpu.vector_store %arg11[%swap3A_566, %swap3A_567, %swap3A_568], %swap3A_571 {strides = array<i32>} : memref<3x80x144xf32, #tpu.memory_space<vmem>>, vector<1x1x16xf32>,
        %get3A_572 = arith.index_cast %rem3A_105 : i32 to index
        %get3A_573 = arith.index_cast %add3A_510 : i32 to index
        %get3A_574 = arith.constant 32 : index
        %get3A_575 = tpu.vector_load %arg11[%get3A_572, %get3A_573, %get3A_574] {strides = array<i32>} : memref<3x80x144xf32, #tpu.memory_space<vmem>>, vector<1x1x16xf32>,
        %get3A_576 = vector.shape_cast %get3A_575 : vector<1x1x16xf32> to vector<16xf32>
        %slice3A_577 = vector.extract_strided_slice %select_n3A_535 {offsets = [2], sizes = [1], strides = [1]} : vector<16xf32> to vector<1xf32>
        %squeeze3A_578 = vector.extract %slice3A_577[0] : f32 from vector<1xf32>
        %mul3A_579 = vector.broadcast %squeeze3A_578 : f32 to vector<16xf32>
        %mul3A_580 = arith.mulf %get3A_576, %mul3A_579 : vector<16xf32>
        %swap3A_581 = arith.index_cast %rem3A_105 : i32 to index
        %swap3A_582 = arith.index_cast %add3A_510 : i32 to index
        %swap3A_583 = arith.constant 32 : index
        %swap3A_584 = tpu.vector_load %arg11[%swap3A_581, %swap3A_582, %swap3A_583] {strides = array<i32>} : memref<3x80x144xf32, #tpu.memory_space<vmem>>, vector<1x1x16xf32>,
        %swap3A_585 = vector.shape_cast %swap3A_584 : vector<1x1x16xf32> to vector<16xf32>
        %swap3A_586 = vector.shape_cast %mul3A_580 : vector<16xf32> to vector<1x1x16xf32>
        tpu.vector_store %arg11[%swap3A_581, %swap3A_582, %swap3A_583], %swap3A_586 {strides = array<i32>} : memref<3x80x144xf32, #tpu.memory_space<vmem>>, vector<1x1x16xf32>,
        %get3A_587 = arith.index_cast %rem3A_105 : i32 to index
        %get3A_588 = arith.index_cast %add3A_510 : i32 to index
        %get3A_589 = arith.constant 48 : index
        %get3A_590 = tpu.vector_load %arg11[%get3A_587, %get3A_588, %get3A_589] {strides = array<i32>} : memref<3x80x144xf32, #tpu.memory_space<vmem>>, vector<1x1x16xf32>,
        %get3A_591 = vector.shape_cast %get3A_590 : vector<1x1x16xf32> to vector<16xf32>
        %slice3A_592 = vector.extract_strided_slice %select_n3A_535 {offsets = [3], sizes = [1], strides = [1]} : vector<16xf32> to vector<1xf32>
        %squeeze3A_593 = vector.extract %slice3A_592[0] : f32 from vector<1xf32>
        %mul3A_594 = vector.broadcast %squeeze3A_593 : f32 to vector<16xf32>
        %mul3A_595 = arith.mulf %get3A_591, %mul3A_594 : vector<16xf32>
        %swap3A_596 = arith.index_cast %rem3A_105 : i32 to index
        %swap3A_597 = arith.index_cast %add3A_510 : i32 to index
        %swap3A_598 = arith.constant 48 : index
        %swap3A_599 = tpu.vector_load %arg11[%swap3A_596, %swap3A_597, %swap3A_598] {strides = array<i32>} : memref<3x80x144xf32, #tpu.memory_space<vmem>>, vector<1x1x16xf32>,
        %swap3A_600 = vector.shape_cast %swap3A_599 : vector<1x1x16xf32> to vector<16xf32>
        %swap3A_601 = vector.shape_cast %mul3A_595 : vector<16xf32> to vector<1x1x16xf32>
        tpu.vector_store %arg11[%swap3A_596, %swap3A_597, %swap3A_598], %swap3A_601 {strides = array<i32>} : memref<3x80x144xf32, #tpu.memory_space<vmem>>, vector<1x1x16xf32>,
        %get3A_602 = arith.index_cast %rem3A_105 : i32 to index
        %get3A_603 = arith.index_cast %add3A_510 : i32 to index
        %get3A_604 = arith.constant 64 : index
        %get3A_605 = tpu.vector_load %arg11[%get3A_602, %get3A_603, %get3A_604] {strides = array<i32>} : memref<3x80x144xf32, #tpu.memory_space<vmem>>, vector<1x1x16xf32>,
        %get3A_606 = vector.shape_cast %get3A_605 : vector<1x1x16xf32> to vector<16xf32>
        %slice3A_607 = vector.extract_strided_slice %select_n3A_535 {offsets = [4], sizes = [1], strides = [1]} : vector<16xf32> to vector<1xf32>
        %squeeze3A_608 = vector.extract %slice3A_607[0] : f32 from vector<1xf32>
        %mul3A_609 = vector.broadcast %squeeze3A_608 : f32 to vector<16xf32>
        %mul3A_610 = arith.mulf %get3A_606, %mul3A_609 : vector<16xf32>
        %swap3A_611 = arith.index_cast %rem3A_105 : i32 to index
        %swap3A_612 = arith.index_cast %add3A_510 : i32 to index
        %swap3A_613 = arith.constant 64 : index
        %swap3A_614 = tpu.vector_load %arg11[%swap3A_611, %swap3A_612, %swap3A_613] {strides = array<i32>} : memref<3x80x144xf32, #tpu.memory_space<vmem>>, vector<1x1x16xf32>,
        %swap3A_615 = vector.shape_cast %swap3A_614 : vector<1x1x16xf32> to vector<16xf32>
        %swap3A_616 = vector.shape_cast %mul3A_610 : vector<16xf32> to vector<1x1x16xf32>
        tpu.vector_store %arg11[%swap3A_611, %swap3A_612, %swap3A_613], %swap3A_616 {strides = array<i32>} : memref<3x80x144xf32, #tpu.memory_space<vmem>>, vector<1x1x16xf32>,
        %get3A_617 = arith.index_cast %rem3A_105 : i32 to index
        %get3A_618 = arith.index_cast %add3A_510 : i32 to index
        %get3A_619 = arith.constant 80 : index
        %get3A_620 = tpu.vector_load %arg11[%get3A_617, %get3A_618, %get3A_619] {strides = array<i32>} : memref<3x80x144xf32, #tpu.memory_space<vmem>>, vector<1x1x16xf32>,
        %get3A_621 = vector.shape_cast %get3A_620 : vector<1x1x16xf32> to vector<16xf32>
        %slice3A_622 = vector.extract_strided_slice %select_n3A_535 {offsets = [5], sizes = [1], strides = [1]} : vector<16xf32> to vector<1xf32>
        %squeeze3A_623 = vector.extract %slice3A_622[0] : f32 from vector<1xf32>
        %mul3A_624 = vector.broadcast %squeeze3A_623 : f32 to vector<16xf32>
        %mul3A_625 = arith.mulf %get3A_621, %mul3A_624 : vector<16xf32>
        %swap3A_626 = arith.index_cast %rem3A_105 : i32 to index
        %swap3A_627 = arith.index_cast %add3A_510 : i32 to index
        %swap3A_628 = arith.constant 80 : index
        %swap3A_629 = tpu.vector_load %arg11[%swap3A_626, %swap3A_627, %swap3A_628] {strides = array<i32>} : memref<3x80x144xf32, #tpu.memory_space<vmem>>, vector<1x1x16xf32>,
        %swap3A_630 = vector.shape_cast %swap3A_629 : vector<1x1x16xf32> to vector<16xf32>
        %swap3A_631 = vector.shape_cast %mul3A_625 : vector<16xf32> to vector<1x1x16xf32>
        tpu.vector_store %arg11[%swap3A_626, %swap3A_627, %swap3A_628], %swap3A_631 {strides = array<i32>} : memref<3x80x144xf32, #tpu.memory_space<vmem>>, vector<1x1x16xf32>,
        %get3A_632 = arith.index_cast %rem3A_105 : i32 to index
        %get3A_633 = arith.index_cast %add3A_510 : i32 to index
        %get3A_634 = arith.constant 96 : index
        %get3A_635 = tpu.vector_load %arg11[%get3A_632, %get3A_633, %get3A_634] {strides = array<i32>} : memref<3x80x144xf32, #tpu.memory_space<vmem>>, vector<1x1x16xf32>,
        %get3A_636 = vector.shape_cast %get3A_635 : vector<1x1x16xf32> to vector<16xf32>
        %slice3A_637 = vector.extract_strided_slice %select_n3A_535 {offsets = [6], sizes = [1], strides = [1]} : vector<16xf32> to vector<1xf32>
        %squeeze3A_638 = vector.extract %slice3A_637[0] : f32 from vector<1xf32>
        %mul3A_639 = vector.broadcast %squeeze3A_638 : f32 to vector<16xf32>
        %mul3A_640 = arith.mulf %get3A_636, %mul3A_639 : vector<16xf32>
        %swap3A_641 = arith.index_cast %rem3A_105 : i32 to index
        %swap3A_642 = arith.index_cast %add3A_510 : i32 to index
        %swap3A_643 = arith.constant 96 : index
        %swap3A_644 = tpu.vector_load %arg11[%swap3A_641, %swap3A_642, %swap3A_643] {strides = array<i32>} : memref<3x80x144xf32, #tpu.memory_space<vmem>>, vector<1x1x16xf32>,
        %swap3A_645 = vector.shape_cast %swap3A_644 : vector<1x1x16xf32> to vector<16xf32>
        %swap3A_646 = vector.shape_cast %mul3A_640 : vector<16xf32> to vector<1x1x16xf32>
        tpu.vector_store %arg11[%swap3A_641, %swap3A_642, %swap3A_643], %swap3A_646 {strides = array<i32>} : memref<3x80x144xf32, #tpu.memory_space<vmem>>, vector<1x1x16xf32>,
        %get3A_647 = arith.index_cast %rem3A_105 : i32 to index
        %get3A_648 = arith.index_cast %add3A_510 : i32 to index
        %get3A_649 = arith.constant 112 : index
        %get3A_650 = tpu.vector_load %arg11[%get3A_647, %get3A_648, %get3A_649] {strides = array<i32>} : memref<3x80x144xf32, #tpu.memory_space<vmem>>, vector<1x1x16xf32>,
        %get3A_651 = vector.shape_cast %get3A_650 : vector<1x1x16xf32> to vector<16xf32>
        %slice3A_652 = vector.extract_strided_slice %select_n3A_535 {offsets = [7], sizes = [1], strides = [1]} : vector<16xf32> to vector<1xf32>
        %squeeze3A_653 = vector.extract %slice3A_652[0] : f32 from vector<1xf32>
        %mul3A_654 = vector.broadcast %squeeze3A_653 : f32 to vector<16xf32>
        %mul3A_655 = arith.mulf %get3A_651, %mul3A_654 : vector<16xf32>
        %swap3A_656 = arith.index_cast %rem3A_105 : i32 to index
        %swap3A_657 = arith.index_cast %add3A_510 : i32 to index
        %swap3A_658 = arith.constant 112 : index
        %swap3A_659 = tpu.vector_load %arg11[%swap3A_656, %swap3A_657, %swap3A_658] {strides = array<i32>} : memref<3x80x144xf32, #tpu.memory_space<vmem>>, vector<1x1x16xf32>,
        %swap3A_660 = vector.shape_cast %swap3A_659 : vector<1x1x16xf32> to vector<16xf32>
        %swap3A_661 = vector.shape_cast %mul3A_655 : vector<16xf32> to vector<1x1x16xf32>
        tpu.vector_store %arg11[%swap3A_656, %swap3A_657, %swap3A_658], %swap3A_661 {strides = array<i32>} : memref<3x80x144xf32, #tpu.memory_space<vmem>>, vector<1x1x16xf32>,
        %mul3A_662 = arith.constant 4 : i32
        %mul3A_663 = arith.muli %scan3A_202, %mul3A_662 : i32
        %add3A_664 = arith.constant 3 : i32
        %add3A_665 = arith.addi %mul3A_663, %add3A_664 : i32
        %get3A_666 = arith.index_cast %rem3A_105 : i32 to index
        %get3A_667 = arith.index_cast %add3A_665 : i32 to index
        %get3A_668 = arith.constant 128 : index
        %get3A_669 = tpu.vector_load %arg11[%get3A_666, %get3A_667, %get3A_668] {strides = array<i32>} : memref<3x80x144xf32, #tpu.memory_space<vmem>>, vector<1x1x16xf32>,
        %get3A_670 = vector.shape_cast %get3A_669 : vector<1x1x16xf32> to vector<16xf32>
        %get3A_671 = arith.index_cast %rem3A_103 : i32 to index
        %get3A_672 = arith.index_cast %add3A_665 : i32 to index
        %get3A_673 = arith.constant 0 : index
        %get3A_674 = tpu.vector_load %arg12[%get3A_671, %get3A_672, %get3A_673] {strides = array<i32>} : memref<2x80x16xf32, #tpu.memory_space<vmem>>, vector<1x1x16xf32>,
        %get3A_675 = vector.shape_cast %get3A_674 : vector<1x1x16xf32> to vector<16xf32>
        %add3A_676 = arith.addf %get3A_670, %get3A_675 : vector<16xf32>
        %gt3A_677 = arith.constant 0.000000e+00 : f32
        %gt3A_678 = vector.broadcast %gt3A_677 : f32 to vector<16xf32>
        %gt3A_679 = arith.cmpf ogt, %add3A_676, %gt3A_678 : vector<16xf32>
        %mul3A_680 = arith.constant 2.000000e-01 : f32
        %mul3A_681 = vector.broadcast %mul3A_680 : f32 to vector<16xf32>
        %mul3A_682 = arith.mulf %mul3A_681, %add3A_676 : vector<16xf32>
        %select_n3A_683 = arith.select %gt3A_679, %add3A_676, %mul3A_682 : vector<16xi1>, vector<16xf32>
        %lt3A_684 = arith.constant 8 : i32
        %lt3A_685 = vector.broadcast %lt3A_684 : i32 to vector<16xi32>
        %lt3A_686 = arith.cmpi slt, %iota3A, %lt3A_685 : vector<16xi32>
        %exp3A_687 = math.exp %select_n3A_683 : vector<16xf32>
        %jit3A_688 = arith.constant 0.000000e+00 : f32
        %broadcast_in_dim3A_689 = vector.broadcast %jit3A_688 : f32 to vector<16xf32>
        %select_n3A_690 = arith.select %lt3A_686, %exp3A_687, %broadcast_in_dim3A_689 : vector<16xi1>, vector<16xf32>
        %swap3A_691 = arith.index_cast %rem3A_105 : i32 to index
        %swap3A_692 = arith.index_cast %add3A_665 : i32 to index
        %swap3A_693 = arith.constant 128 : index
        %swap3A_694 = tpu.vector_load %arg11[%swap3A_691, %swap3A_692, %swap3A_693] {strides = array<i32>} : memref<3x80x144xf32, #tpu.memory_space<vmem>>, vector<1x1x16xf32>,
        %swap3A_695 = vector.shape_cast %swap3A_694 : vector<1x1x16xf32> to vector<16xf32>
        %swap3A_696 = vector.shape_cast %select_n3A_690 : vector<16xf32> to vector<1x1x16xf32>
        tpu.vector_store %arg11[%swap3A_691, %swap3A_692, %swap3A_693], %swap3A_696 {strides = array<i32>} : memref<3x80x144xf32, #tpu.memory_space<vmem>>, vector<1x1x16xf32>,
        %get3A_697 = arith.index_cast %rem3A_105 : i32 to index
        %get3A_698 = arith.index_cast %add3A_665 : i32 to index
        %get3A_699 = arith.constant 0 : index
        %get3A_700 = tpu.vector_load %arg11[%get3A_697, %get3A_698, %get3A_699] {strides = array<i32>} : memref<3x80x144xf32, #tpu.memory_space<vmem>>, vector<1x1x16xf32>,
        %get3A_701 = vector.shape_cast %get3A_700 : vector<1x1x16xf32> to vector<16xf32>
        %slice3A_702 = vector.extract_strided_slice %select_n3A_690 {offsets = [0], sizes = [1], strides = [1]} : vector<16xf32> to vector<1xf32>
        %squeeze3A_703 = vector.extract %slice3A_702[0] : f32 from vector<1xf32>
        %mul3A_704 = vector.broadcast %squeeze3A_703 : f32 to vector<16xf32>
        %mul3A_705 = arith.mulf %get3A_701, %mul3A_704 : vector<16xf32>
        %swap3A_706 = arith.index_cast %rem3A_105 : i32 to index
        %swap3A_707 = arith.index_cast %add3A_665 : i32 to index
        %swap3A_708 = arith.constant 0 : index
        %swap3A_709 = tpu.vector_load %arg11[%swap3A_706, %swap3A_707, %swap3A_708] {strides = array<i32>} : memref<3x80x144xf32, #tpu.memory_space<vmem>>, vector<1x1x16xf32>,
        %swap3A_710 = vector.shape_cast %swap3A_709 : vector<1x1x16xf32> to vector<16xf32>
        %swap3A_711 = vector.shape_cast %mul3A_705 : vector<16xf32> to vector<1x1x16xf32>
        tpu.vector_store %arg11[%swap3A_706, %swap3A_707, %swap3A_708], %swap3A_711 {strides = array<i32>} : memref<3x80x144xf32, #tpu.memory_space<vmem>>, vector<1x1x16xf32>,
        %get3A_712 = arith.index_cast %rem3A_105 : i32 to index
        %get3A_713 = arith.index_cast %add3A_665 : i32 to index
        %get3A_714 = arith.constant 16 : index
        %get3A_715 = tpu.vector_load %arg11[%get3A_712, %get3A_713, %get3A_714] {strides = array<i32>} : memref<3x80x144xf32, #tpu.memory_space<vmem>>, vector<1x1x16xf32>,
        %get3A_716 = vector.shape_cast %get3A_715 : vector<1x1x16xf32> to vector<16xf32>
        %slice3A_717 = vector.extract_strided_slice %select_n3A_690 {offsets = [1], sizes = [1], strides = [1]} : vector<16xf32> to vector<1xf32>
        %squeeze3A_718 = vector.extract %slice3A_717[0] : f32 from vector<1xf32>
        %mul3A_719 = vector.broadcast %squeeze3A_718 : f32 to vector<16xf32>
        %mul3A_720 = arith.mulf %get3A_716, %mul3A_719 : vector<16xf32>
        %swap3A_721 = arith.index_cast %rem3A_105 : i32 to index
        %swap3A_722 = arith.index_cast %add3A_665 : i32 to index
        %swap3A_723 = arith.constant 16 : index
        %swap3A_724 = tpu.vector_load %arg11[%swap3A_721, %swap3A_722, %swap3A_723] {strides = array<i32>} : memref<3x80x144xf32, #tpu.memory_space<vmem>>, vector<1x1x16xf32>,
        %swap3A_725 = vector.shape_cast %swap3A_724 : vector<1x1x16xf32> to vector<16xf32>
        %swap3A_726 = vector.shape_cast %mul3A_720 : vector<16xf32> to vector<1x1x16xf32>
        tpu.vector_store %arg11[%swap3A_721, %swap3A_722, %swap3A_723], %swap3A_726 {strides = array<i32>} : memref<3x80x144xf32, #tpu.memory_space<vmem>>, vector<1x1x16xf32>,
        %get3A_727 = arith.index_cast %rem3A_105 : i32 to index
        %get3A_728 = arith.index_cast %add3A_665 : i32 to index
        %get3A_729 = arith.constant 32 : index
        %get3A_730 = tpu.vector_load %arg11[%get3A_727, %get3A_728, %get3A_729] {strides = array<i32>} : memref<3x80x144xf32, #tpu.memory_space<vmem>>, vector<1x1x16xf32>,
        %get3A_731 = vector.shape_cast %get3A_730 : vector<1x1x16xf32> to vector<16xf32>
        %slice3A_732 = vector.extract_strided_slice %select_n3A_690 {offsets = [2], sizes = [1], strides = [1]} : vector<16xf32> to vector<1xf32>
        %squeeze3A_733 = vector.extract %slice3A_732[0] : f32 from vector<1xf32>
        %mul3A_734 = vector.broadcast %squeeze3A_733 : f32 to vector<16xf32>
        %mul3A_735 = arith.mulf %get3A_731, %mul3A_734 : vector<16xf32>
        %swap3A_736 = arith.index_cast %rem3A_105 : i32 to index
        %swap3A_737 = arith.index_cast %add3A_665 : i32 to index
        %swap3A_738 = arith.constant 32 : index
        %swap3A_739 = tpu.vector_load %arg11[%swap3A_736, %swap3A_737, %swap3A_738] {strides = array<i32>} : memref<3x80x144xf32, #tpu.memory_space<vmem>>, vector<1x1x16xf32>,
        %swap3A_740 = vector.shape_cast %swap3A_739 : vector<1x1x16xf32> to vector<16xf32>
        %swap3A_741 = vector.shape_cast %mul3A_735 : vector<16xf32> to vector<1x1x16xf32>
        tpu.vector_store %arg11[%swap3A_736, %swap3A_737, %swap3A_738], %swap3A_741 {strides = array<i32>} : memref<3x80x144xf32, #tpu.memory_space<vmem>>, vector<1x1x16xf32>,
        %get3A_742 = arith.index_cast %rem3A_105 : i32 to index
        %get3A_743 = arith.index_cast %add3A_665 : i32 to index
        %get3A_744 = arith.constant 48 : index
        %get3A_745 = tpu.vector_load %arg11[%get3A_742, %get3A_743, %get3A_744] {strides = array<i32>} : memref<3x80x144xf32, #tpu.memory_space<vmem>>, vector<1x1x16xf32>,
        %get3A_746 = vector.shape_cast %get3A_745 : vector<1x1x16xf32> to vector<16xf32>
        %slice3A_747 = vector.extract_strided_slice %select_n3A_690 {offsets = [3], sizes = [1], strides = [1]} : vector<16xf32> to vector<1xf32>
        %squeeze3A_748 = vector.extract %slice3A_747[0] : f32 from vector<1xf32>
        %mul3A_749 = vector.broadcast %squeeze3A_748 : f32 to vector<16xf32>
        %mul3A_750 = arith.mulf %get3A_746, %mul3A_749 : vector<16xf32>
        %swap3A_751 = arith.index_cast %rem3A_105 : i32 to index
        %swap3A_752 = arith.index_cast %add3A_665 : i32 to index
        %swap3A_753 = arith.constant 48 : index
        %swap3A_754 = tpu.vector_load %arg11[%swap3A_751, %swap3A_752, %swap3A_753] {strides = array<i32>} : memref<3x80x144xf32, #tpu.memory_space<vmem>>, vector<1x1x16xf32>,
        %swap3A_755 = vector.shape_cast %swap3A_754 : vector<1x1x16xf32> to vector<16xf32>
        %swap3A_756 = vector.shape_cast %mul3A_750 : vector<16xf32> to vector<1x1x16xf32>
        tpu.vector_store %arg11[%swap3A_751, %swap3A_752, %swap3A_753], %swap3A_756 {strides = array<i32>} : memref<3x80x144xf32, #tpu.memory_space<vmem>>, vector<1x1x16xf32>,
        %get3A_757 = arith.index_cast %rem3A_105 : i32 to index
        %get3A_758 = arith.index_cast %add3A_665 : i32 to index
        %get3A_759 = arith.constant 64 : index
        %get3A_760 = tpu.vector_load %arg11[%get3A_757, %get3A_758, %get3A_759] {strides = array<i32>} : memref<3x80x144xf32, #tpu.memory_space<vmem>>, vector<1x1x16xf32>,
        %get3A_761 = vector.shape_cast %get3A_760 : vector<1x1x16xf32> to vector<16xf32>
        %slice3A_762 = vector.extract_strided_slice %select_n3A_690 {offsets = [4], sizes = [1], strides = [1]} : vector<16xf32> to vector<1xf32>
        %squeeze3A_763 = vector.extract %slice3A_762[0] : f32 from vector<1xf32>
        %mul3A_764 = vector.broadcast %squeeze3A_763 : f32 to vector<16xf32>
        %mul3A_765 = arith.mulf %get3A_761, %mul3A_764 : vector<16xf32>
        %swap3A_766 = arith.index_cast %rem3A_105 : i32 to index
        %swap3A_767 = arith.index_cast %add3A_665 : i32 to index
        %swap3A_768 = arith.constant 64 : index
        %swap3A_769 = tpu.vector_load %arg11[%swap3A_766, %swap3A_767, %swap3A_768] {strides = array<i32>} : memref<3x80x144xf32, #tpu.memory_space<vmem>>, vector<1x1x16xf32>,
        %swap3A_770 = vector.shape_cast %swap3A_769 : vector<1x1x16xf32> to vector<16xf32>
        %swap3A_771 = vector.shape_cast %mul3A_765 : vector<16xf32> to vector<1x1x16xf32>
        tpu.vector_store %arg11[%swap3A_766, %swap3A_767, %swap3A_768], %swap3A_771 {strides = array<i32>} : memref<3x80x144xf32, #tpu.memory_space<vmem>>, vector<1x1x16xf32>,
        %get3A_772 = arith.index_cast %rem3A_105 : i32 to index
        %get3A_773 = arith.index_cast %add3A_665 : i32 to index
        %get3A_774 = arith.constant 80 : index
        %get3A_775 = tpu.vector_load %arg11[%get3A_772, %get3A_773, %get3A_774] {strides = array<i32>} : memref<3x80x144xf32, #tpu.memory_space<vmem>>, vector<1x1x16xf32>,
        %get3A_776 = vector.shape_cast %get3A_775 : vector<1x1x16xf32> to vector<16xf32>
        %slice3A_777 = vector.extract_strided_slice %select_n3A_690 {offsets = [5], sizes = [1], strides = [1]} : vector<16xf32> to vector<1xf32>
        %squeeze3A_778 = vector.extract %slice3A_777[0] : f32 from vector<1xf32>
        %mul3A_779 = vector.broadcast %squeeze3A_778 : f32 to vector<16xf32>
        %mul3A_780 = arith.mulf %get3A_776, %mul3A_779 : vector<16xf32>
        %swap3A_781 = arith.index_cast %rem3A_105 : i32 to index
        %swap3A_782 = arith.index_cast %add3A_665 : i32 to index
        %swap3A_783 = arith.constant 80 : index
        %swap3A_784 = tpu.vector_load %arg11[%swap3A_781, %swap3A_782, %swap3A_783] {strides = array<i32>} : memref<3x80x144xf32, #tpu.memory_space<vmem>>, vector<1x1x16xf32>,
        %swap3A_785 = vector.shape_cast %swap3A_784 : vector<1x1x16xf32> to vector<16xf32>
        %swap3A_786 = vector.shape_cast %mul3A_780 : vector<16xf32> to vector<1x1x16xf32>
        tpu.vector_store %arg11[%swap3A_781, %swap3A_782, %swap3A_783], %swap3A_786 {strides = array<i32>} : memref<3x80x144xf32, #tpu.memory_space<vmem>>, vector<1x1x16xf32>,
        %get3A_787 = arith.index_cast %rem3A_105 : i32 to index
        %get3A_788 = arith.index_cast %add3A_665 : i32 to index
        %get3A_789 = arith.constant 96 : index
        %get3A_790 = tpu.vector_load %arg11[%get3A_787, %get3A_788, %get3A_789] {strides = array<i32>} : memref<3x80x144xf32, #tpu.memory_space<vmem>>, vector<1x1x16xf32>,
        %get3A_791 = vector.shape_cast %get3A_790 : vector<1x1x16xf32> to vector<16xf32>
        %slice3A_792 = vector.extract_strided_slice %select_n3A_690 {offsets = [6], sizes = [1], strides = [1]} : vector<16xf32> to vector<1xf32>
        %squeeze3A_793 = vector.extract %slice3A_792[0] : f32 from vector<1xf32>
        %mul3A_794 = vector.broadcast %squeeze3A_793 : f32 to vector<16xf32>
        %mul3A_795 = arith.mulf %get3A_791, %mul3A_794 : vector<16xf32>
        %swap3A_796 = arith.index_cast %rem3A_105 : i32 to index
        %swap3A_797 = arith.index_cast %add3A_665 : i32 to index
        %swap3A_798 = arith.constant 96 : index
        %swap3A_799 = tpu.vector_load %arg11[%swap3A_796, %swap3A_797, %swap3A_798] {strides = array<i32>} : memref<3x80x144xf32, #tpu.memory_space<vmem>>, vector<1x1x16xf32>,
        %swap3A_800 = vector.shape_cast %swap3A_799 : vector<1x1x16xf32> to vector<16xf32>
        %swap3A_801 = vector.shape_cast %mul3A_795 : vector<16xf32> to vector<1x1x16xf32>
        tpu.vector_store %arg11[%swap3A_796, %swap3A_797, %swap3A_798], %swap3A_801 {strides = array<i32>} : memref<3x80x144xf32, #tpu.memory_space<vmem>>, vector<1x1x16xf32>,
        %get3A_802 = arith.index_cast %rem3A_105 : i32 to index
        %get3A_803 = arith.index_cast %add3A_665 : i32 to index
        %get3A_804 = arith.constant 112 : index
        %get3A_805 = tpu.vector_load %arg11[%get3A_802, %get3A_803, %get3A_804] {strides = array<i32>} : memref<3x80x144xf32, #tpu.memory_space<vmem>>, vector<1x1x16xf32>,
        %get3A_806 = vector.shape_cast %get3A_805 : vector<1x1x16xf32> to vector<16xf32>
        %slice3A_807 = vector.extract_strided_slice %select_n3A_690 {offsets = [7], sizes = [1], strides = [1]} : vector<16xf32> to vector<1xf32>
        %squeeze3A_808 = vector.extract %slice3A_807[0] : f32 from vector<1xf32>
        %mul3A_809 = vector.broadcast %squeeze3A_808 : f32 to vector<16xf32>
        %mul3A_810 = arith.mulf %get3A_806, %mul3A_809 : vector<16xf32>
        %swap3A_811 = arith.index_cast %rem3A_105 : i32 to index
        %swap3A_812 = arith.index_cast %add3A_665 : i32 to index
        %swap3A_813 = arith.constant 112 : index
        %swap3A_814 = tpu.vector_load %arg11[%swap3A_811, %swap3A_812, %swap3A_813] {strides = array<i32>} : memref<3x80x144xf32, #tpu.memory_space<vmem>>, vector<1x1x16xf32>,
        %swap3A_815 = vector.shape_cast %swap3A_814 : vector<1x1x16xf32> to vector<16xf32>
        %swap3A_816 = vector.shape_cast %mul3A_810 : vector<16xf32> to vector<1x1x16xf32>
        tpu.vector_store %arg11[%swap3A_811, %swap3A_812, %swap3A_813], %swap3A_816 {strides = array<i32>} : memref<3x80x144xf32, #tpu.memory_space<vmem>>, vector<1x1x16xf32>,
        %scan3A_817 = arith.constant 0 : i32
        scf.yield %scan3A_817 : i32
      }
      %scan3A_142 = arith.constant 20 : i32
      %get3A = arith.index_cast %rem3A_103 : i32 to index
      %get3A_143 = arith.constant 0 : index
      %get3A_144 = tpu.vector_load %arg9[%get3A, %get3A_143] {strides = array<i32>} : memref<2x80xi32, #tpu.memory_space<vmem>>, vector<1x16xi32>,
      %get3A_145 = vector.shape_cast %get3A_144 : vector<1x16xi32> to vector<16xi32>
      %swap3A = arith.index_cast %rem3A_103 : i32 to index
      %swap3A_146 = arith.constant 0 : index
      %swap3A_147 = tpu.vector_load %arg10[%swap3A, %swap3A_146] {strides = array<i32>} : memref<2x80xi32, #tpu.memory_space<vmem>>, vector<1x16xi32>,
      %swap3A_148 = vector.shape_cast %swap3A_147 : vector<1x16xi32> to vector<16xi32>
      %swap3A_149 = vector.shape_cast %get3A_145 : vector<16xi32> to vector<1x16xi32>
      tpu.vector_store %arg10[%swap3A, %swap3A_146], %swap3A_149 {strides = array<i32>} : memref<2x80xi32, #tpu.memory_space<vmem>>, vector<1x16xi32>,
      %get3A_150 = arith.index_cast %rem3A_103 : i32 to index
      %get3A_151 = arith.constant 16 : index
      %get3A_152 = tpu.vector_load %arg9[%get3A_150, %get3A_151] {strides = array<i32>} : memref<2x80xi32, #tpu.memory_space<vmem>>, vector<1x16xi32>,
      %get3A_153 = vector.shape_cast %get3A_152 : vector<1x16xi32> to vector<16xi32>
      %swap3A_154 = arith.index_cast %rem3A_103 : i32 to index
      %swap3A_155 = arith.constant 16 : index
      %swap3A_156 = tpu.vector_load %arg10[%swap3A_154, %swap3A_155] {strides = array<i32>} : memref<2x80xi32, #tpu.memory_space<vmem>>, vector<1x16xi32>,
      %swap3A_157 = vector.shape_cast %swap3A_156 : vector<1x16xi32> to vector<16xi32>
      %swap3A_158 = vector.shape_cast %get3A_153 : vector<16xi32> to vector<1x16xi32>
      tpu.vector_store %arg10[%swap3A_154, %swap3A_155], %swap3A_158 {strides = array<i32>} : memref<2x80xi32, #tpu.memory_space<vmem>>, vector<1x16xi32>,
      %get3A_159 = arith.index_cast %rem3A_103 : i32 to index
      %get3A_160 = arith.constant 32 : index
      %get3A_161 = tpu.vector_load %arg9[%get3A_159, %get3A_160] {strides = array<i32>} : memref<2x80xi32, #tpu.memory_space<vmem>>, vector<1x16xi32>,
      %get3A_162 = vector.shape_cast %get3A_161 : vector<1x16xi32> to vector<16xi32>
      %swap3A_163 = arith.index_cast %rem3A_103 : i32 to index
      %swap3A_164 = arith.constant 32 : index
      %swap3A_165 = tpu.vector_load %arg10[%swap3A_163, %swap3A_164] {strides = array<i32>} : memref<2x80xi32, #tpu.memory_space<vmem>>, vector<1x16xi32>,
      %swap3A_166 = vector.shape_cast %swap3A_165 : vector<1x16xi32> to vector<16xi32>
      %swap3A_167 = vector.shape_cast %get3A_162 : vector<16xi32> to vector<1x16xi32>
      tpu.vector_store %arg10[%swap3A_163, %swap3A_164], %swap3A_167 {strides = array<i32>} : memref<2x80xi32, #tpu.memory_space<vmem>>, vector<1x16xi32>,
      %get3A_168 = arith.index_cast %rem3A_103 : i32 to index
      %get3A_169 = arith.constant 48 : index
      %get3A_170 = tpu.vector_load %arg9[%get3A_168, %get3A_169] {strides = array<i32>} : memref<2x80xi32, #tpu.memory_space<vmem>>, vector<1x16xi32>,
      %get3A_171 = vector.shape_cast %get3A_170 : vector<1x16xi32> to vector<16xi32>
      %swap3A_172 = arith.index_cast %rem3A_103 : i32 to index
      %swap3A_173 = arith.constant 48 : index
      %swap3A_174 = tpu.vector_load %arg10[%swap3A_172, %swap3A_173] {strides = array<i32>} : memref<2x80xi32, #tpu.memory_space<vmem>>, vector<1x16xi32>,
      %swap3A_175 = vector.shape_cast %swap3A_174 : vector<1x16xi32> to vector<16xi32>
      %swap3A_176 = vector.shape_cast %get3A_171 : vector<16xi32> to vector<1x16xi32>
      tpu.vector_store %arg10[%swap3A_172, %swap3A_173], %swap3A_176 {strides = array<i32>} : memref<2x80xi32, #tpu.memory_space<vmem>>, vector<1x16xi32>,
      %get3A_177 = arith.index_cast %rem3A_103 : i32 to index
      %get3A_178 = arith.constant 64 : index
      %get3A_179 = tpu.vector_load %arg9[%get3A_177, %get3A_178] {strides = array<i32>} : memref<2x80xi32, #tpu.memory_space<vmem>>, vector<1x16xi32>,
      %get3A_180 = vector.shape_cast %get3A_179 : vector<1x16xi32> to vector<16xi32>
      %swap3A_181 = arith.index_cast %rem3A_103 : i32 to index
      %swap3A_182 = arith.constant 64 : index
      %swap3A_183 = tpu.vector_load %arg10[%swap3A_181, %swap3A_182] {strides = array<i32>} : memref<2x80xi32, #tpu.memory_space<vmem>>, vector<1x16xi32>,
      %swap3A_184 = vector.shape_cast %swap3A_183 : vector<1x16xi32> to vector<16xi32>
      %swap3A_185 = vector.shape_cast %get3A_180 : vector<16xi32> to vector<1x16xi32>
      tpu.vector_store %arg10[%swap3A_181, %swap3A_182], %swap3A_185 {strides = array<i32>} : memref<2x80xi32, #tpu.memory_space<vmem>>, vector<1x16xi32>,
      %dma_start3A_186 = arith.constant 0 : i32
      %dma_start3A_187 = arith.constant 0 : i32
      %dma_start3A_188 = tpu.memref_slice %arg11[%rem3A_105, %dma_start3A_186, %dma_start3A_187] : memref<3x80x144xf32, #tpu.memory_space<vmem>> -> memref<1x80x144xf32, #tpu.memory_space<vmem>>
      %dma_start3A_189 = tpu.memref_squeeze %dma_start3A_188 : memref<1x80x144xf32, #tpu.memory_space<vmem>> -> memref<80x144xf32, #tpu.memory_space<vmem>>
      %dma_start3A_190 = arith.constant 0 : i32
      %dma_start3A_191 = tpu.memref_slice %arg10[%rem3A_103, %dma_start3A_190] : memref<2x80xi32, #tpu.memory_space<vmem>> -> memref<1x80xi32, #tpu.memory_space<vmem>>
      %dma_start3A_192 = tpu.memref_squeeze %dma_start3A_191 : memref<1x80xi32, #tpu.memory_space<vmem>> -> memref<80xi32, #tpu.memory_space<vmem>>
      %dma_start3A_193 = arith.constant 0 : i32
      %dma_start3A_194 = arith.constant 0 : i32
      %dma_start3A_195 = tpu.memref_slice %arg7[%dma_start3A_193, %dma_start3A_194] : memref<10000x144xf32, #tpu.memory_space<vmem_shared>> -> memref<10000x144xf32, #tpu.memory_space<vmem_shared>>
      tpu.enqueue_indirect_dma source(%dma_start3A_189 : memref<80x144xf32, #tpu.memory_space<vmem>>) target(%dma_start3A_195 : memref<10000x144xf32, #tpu.memory_space<vmem_shared>>) offsets(%dma_start3A_192 : memref<80xi32, #tpu.memory_space<vmem>>) semaphore(%arg14 : memref<!tpu.dma_semaphore, #tpu.memory_space<semaphore_mem>>) {add = true}
      %le3A_196 = arith.constant 122 : i32
      %le3A_197 = arith.cmpi sle, %scan3A_101, %le3A_196 : i32
      %convert_element_type3A_198 = arith.extui %le3A_197 : i1 to i32
      %cond3A_199 = arith.constant 0 : i32
      %cond3A_200 = arith.cmpi ne, %convert_element_type3A_198, %cond3A_199 : i32
      scf.if %cond3A_200 {
        %add3A_202 = arith.constant 2 : i32
        %add3A_203 = arith.addi %scan3A_101, %add3A_202 : i32
        %mul3A_204 = arith.constant 80 : i32
        %mul3A_205 = arith.muli %add3A_203, %mul3A_204 : i32
        %add3A_206 = arith.addi %mul3A_16, %mul3A_205 : i32
        %multiple_of3A_207 = tpu.assume_multiple %add3A_206, 8 : i32
        %dma_start3A_208 = arith.constant 0 : i32
        %dma_start3A_209 = tpu.memref_slice %arg8[%rem3A_103, %dma_start3A_208] : memref<2x80xi32, #tpu.memory_space<vmem>> -> memref<1x80xi32, #tpu.memory_space<vmem>>
        %dma_start3A_210 = tpu.memref_squeeze %dma_start3A_209 : memref<1x80xi32, #tpu.memory_space<vmem>> -> memref<80xi32, #tpu.memory_space<vmem>>
        %dma_start3A_211 = tpu.memref_slice %arg4[%multiple_of3A_207] : memref<320000xi32, #tpu.memory_space<hbm>> -> memref<80xi32, #tpu.memory_space<hbm>>
        %dma_start3A_212 = arith.constant 0 : i32
        %dma_start3A_213 = tpu.memref_slice %arg8[%rem3A_103, %dma_start3A_212] : memref<2x80xi32, #tpu.memory_space<vmem>> -> memref<1x80xi32, #tpu.memory_space<vmem>>
        %dma_start3A_214 = tpu.memref_squeeze %dma_start3A_213 : memref<1x80xi32, #tpu.memory_space<vmem>> -> memref<80xi32, #tpu.memory_space<vmem>>
        %dma_start3A_215 = tpu.memref_slice %arg4[%multiple_of3A_207] : memref<320000xi32, #tpu.memory_space<hbm>> -> memref<80xi32, #tpu.memory_space<hbm>>
        tpu.enqueue_dma source(%dma_start3A_215 : memref<80xi32, #tpu.memory_space<hbm>>) target(%dma_start3A_214 : memref<80xi32, #tpu.memory_space<vmem>>) target_semaphore(%arg15 : memref<!tpu.dma_semaphore, #tpu.memory_space<semaphore_mem>>)
        %dma_start3A_216 = arith.constant 0 : i32
        %dma_start3A_217 = tpu.memref_slice %arg9[%rem3A_103, %dma_start3A_216] : memref<2x80xi32, #tpu.memory_space<vmem>> -> memref<1x80xi32, #tpu.memory_space<vmem>>
        %dma_start3A_218 = tpu.memref_squeeze %dma_start3A_217 : memref<1x80xi32, #tpu.memory_space<vmem>> -> memref<80xi32, #tpu.memory_space<vmem>>
        %dma_start3A_219 = tpu.memref_slice %arg5[%multiple_of3A_207] : memref<320000xi32, #tpu.memory_space<hbm>> -> memref<80xi32, #tpu.memory_space<hbm>>
        %dma_start3A_220 = arith.constant 0 : i32
        %dma_start3A_221 = tpu.memref_slice %arg9[%rem3A_103, %dma_start3A_220] : memref<2x80xi32, #tpu.memory_space<vmem>> -> memref<1x80xi32, #tpu.memory_space<vmem>>
        %dma_start3A_222 = tpu.memref_squeeze %dma_start3A_221 : memref<1x80xi32, #tpu.memory_space<vmem>> -> memref<80xi32, #tpu.memory_space<vmem>>
        %dma_start3A_223 = tpu.memref_slice %arg5[%multiple_of3A_207] : memref<320000xi32, #tpu.memory_space<hbm>> -> memref<80xi32, #tpu.memory_space<hbm>>
        tpu.enqueue_dma source(%dma_start3A_223 : memref<80xi32, #tpu.memory_space<hbm>>) target(%dma_start3A_222 : memref<80xi32, #tpu.memory_space<vmem>>) target_semaphore(%arg15 : memref<!tpu.dma_semaphore, #tpu.memory_space<semaphore_mem>>)
      } else {
      }
      %scan3A_201 = arith.constant 0 : i32
      scf.yield %scan3A_201 : i32
    }
    %scan3A_69 = arith.constant 125 : i32
    %dma_wait3A = arith.constant 0 : i32
    %dma_wait3A_70 = arith.constant 0 : i32
    %dma_wait3A_71 = arith.constant 0 : i32
    %dma_wait3A_72 = arith.constant 0 : i32
    %dma_wait3A_73 = tpu.memref_slice %arg11[%dma_wait3A, %dma_wait3A_71, %dma_wait3A_72] : memref<3x80x144xf32, #tpu.memory_space<vmem>> -> memref<1x80x144xf32, #tpu.memory_space<vmem>>
    %dma_wait3A_74 = tpu.memref_squeeze %dma_wait3A_73 : memref<1x80x144xf32, #tpu.memory_space<vmem>> -> memref<80x144xf32, #tpu.memory_space<vmem>>
    %dma_wait3A_75 = arith.constant 0 : i32
    %dma_wait3A_76 = tpu.memref_slice %arg10[%dma_wait3A_70, %dma_wait3A_75] : memref<2x80xi32, #tpu.memory_space<vmem>> -> memref<1x80xi32, #tpu.memory_space<vmem>>
    %dma_wait3A_77 = tpu.memref_squeeze %dma_wait3A_76 : memref<1x80xi32, #tpu.memory_space<vmem>> -> memref<80xi32, #tpu.memory_space<vmem>>
    %dma_wait3A_78 = arith.constant 0 : i32
    %dma_wait3A_79 = arith.constant 0 : i32
    %dma_wait3A_80 = tpu.memref_slice %arg7[%dma_wait3A_78, %dma_wait3A_79] : memref<10000x144xf32, #tpu.memory_space<vmem_shared>> -> memref<10000x144xf32, #tpu.memory_space<vmem_shared>>
    tpu.wait_indirect_dma semaphore(%arg14 : memref<!tpu.dma_semaphore, #tpu.memory_space<semaphore_mem>>) src(%dma_wait3A_74 : memref<80x144xf32, #tpu.memory_space<vmem>>) dst(%dma_wait3A_80 : memref<10000x144xf32, #tpu.memory_space<vmem_shared>>)
    %dma_wait3A_81 = arith.constant 0 : i32
    %dma_wait3A_82 = arith.constant 0 : i32
    %dma_wait3A_83 = arith.constant 0 : i32
    %dma_wait3A_84 = arith.constant 0 : i32
    %dma_wait3A_85 = tpu.memref_slice %arg11[%dma_wait3A_81, %dma_wait3A_83, %dma_wait3A_84] : memref<3x80x144xf32, #tpu.memory_space<vmem>> -> memref<1x80x144xf32, #tpu.memory_space<vmem>>
    %dma_wait3A_86 = tpu.memref_squeeze %dma_wait3A_85 : memref<1x80x144xf32, #tpu.memory_space<vmem>> -> memref<80x144xf32, #tpu.memory_space<vmem>>
    %dma_wait3A_87 = arith.constant 0 : i32
    %dma_wait3A_88 = tpu.memref_slice %arg10[%dma_wait3A_82, %dma_wait3A_87] : memref<2x80xi32, #tpu.memory_space<vmem>> -> memref<1x80xi32, #tpu.memory_space<vmem>>
    %dma_wait3A_89 = tpu.memref_squeeze %dma_wait3A_88 : memref<1x80xi32, #tpu.memory_space<vmem>> -> memref<80xi32, #tpu.memory_space<vmem>>
    %dma_wait3A_90 = arith.constant 0 : i32
    %dma_wait3A_91 = arith.constant 0 : i32
    %dma_wait3A_92 = tpu.memref_slice %arg7[%dma_wait3A_90, %dma_wait3A_91] : memref<10000x144xf32, #tpu.memory_space<vmem_shared>> -> memref<10000x144xf32, #tpu.memory_space<vmem_shared>>
    tpu.wait_indirect_dma semaphore(%arg14 : memref<!tpu.dma_semaphore, #tpu.memory_space<semaphore_mem>>) src(%dma_wait3A_86 : memref<80x144xf32, #tpu.memory_space<vmem>>) dst(%dma_wait3A_92 : memref<10000x144xf32, #tpu.memory_space<vmem_shared>>)
    %barrier3A_93 = arith.constant 0 : index
    tpu.barrier barrier_id(%barrier3A_93)
    %scan3A_94 = arith.constant 0 : i32
    %scan3A_95 = arith.constant 0 : i32
    %scan3A_96 = arith.constant 125 : i32
    %scan3A_97 = arith.addi %scan3A_95, %scan3A_96 : i32
    %scan3A_98 = arith.constant 1 : i32
    %scan3A_99 = scf.for %scan3A_101 = %scan3A_95 to %scan3A_97 step %scan3A_98 iter_args(%scan3A_102 = %scan3A_94) -> (i32)  : i32 {
      %jit3A = arith.constant 16 : i32
      %eq3A = arith.constant 0 : i32
      %eq3A_103 = arith.cmpi eq, %jit3A, %eq3A : i32
      %jit3A_104 = arith.constant 1 : i32
      %select_n3A = arith.select %eq3A_103, %jit3A_104, %jit3A : i32
      %rem3A = arith.remsi %scan3A_101, %select_n3A : i32
      %ne3A = arith.constant 0 : i32
      %ne3A_105 = arith.cmpi ne, %rem3A, %ne3A : i32
      %lt3A = arith.constant 0 : i32
      %lt3A_106 = arith.cmpi slt, %rem3A, %lt3A : i32
      %lt3A_107 = arith.constant 0 : i32
      %lt3A_108 = arith.cmpi slt, %select_n3A, %lt3A_107 : i32
      %ne3A_109 = arith.xori %lt3A_106, %lt3A_108 : i1
      %and3A = arith.andi %ne3A_109, %ne3A_105 : i1
      %add3A_110 = arith.addi %rem3A, %select_n3A : i32
      %select_n3A_111 = arith.select %and3A, %add3A_110, %rem3A : i32
      %eq3A_112 = arith.cmpi eq, %select_n3A_111, %arg1 : i32
      %convert_element_type3A = arith.extui %eq3A_112 : i1 to i32
      %cond3A = arith.constant 0 : i32
      %cond3A_113 = arith.cmpi ne, %convert_element_type3A, %cond3A : i32
      scf.if %cond3A_113 {
        %mul3A_115 = arith.constant 80 : i32
        %mul3A_116 = arith.muli %scan3A_101, %mul3A_115 : i32
        %multiple_of3A_117 = tpu.assume_multiple %mul3A_116, 8 : i32
        %run_scoped3A_118 = arith.constant 0 : i32
        "tpu.region"() ({
          %run_scoped3A_120 = tpu.sem_alloc : memref<!tpu.dma_semaphore, #tpu.memory_space<semaphore_mem>>
          %dma_start3A_121 = arith.constant 0 : i32
          %dma_start3A_122 = arith.constant 0 : i32
          %dma_start3A_123 = tpu.memref_slice %arg11[%run_scoped3A_118, %dma_start3A_121, %dma_start3A_122] : memref<3x80x144xf32, #tpu.memory_space<vmem>> -> memref<1x80x144xf32, #tpu.memory_space<vmem>>
          %dma_start3A_124 = tpu.memref_squeeze %dma_start3A_123 : memref<1x80x144xf32, #tpu.memory_space<vmem>> -> memref<80x144xf32, #tpu.memory_space<vmem>>
          %dma_start3A_125 = arith.constant 0 : i32
          %dma_start3A_126 = tpu.memref_slice %arg7[%multiple_of3A_117, %dma_start3A_125] : memref<10000x144xf32, #tpu.memory_space<vmem_shared>> -> memref<80x144xf32, #tpu.memory_space<vmem_shared>>
          %dma_start3A_127 = arith.constant 0 : i32
          %dma_start3A_128 = arith.constant 0 : i32
          %dma_start3A_129 = tpu.memref_slice %arg11[%run_scoped3A_118, %dma_start3A_127, %dma_start3A_128] : memref<3x80x144xf32, #tpu.memory_space<vmem>> -> memref<1x80x144xf32, #tpu.memory_space<vmem>>
          %dma_start3A_130 = tpu.memref_squeeze %dma_start3A_129 : memref<1x80x144xf32, #tpu.memory_space<vmem>> -> memref<80x144xf32, #tpu.memory_space<vmem>>
          %dma_start3A_131 = arith.constant 0 : i32
          %dma_start3A_132 = tpu.memref_slice %arg7[%multiple_of3A_117, %dma_start3A_131] : memref<10000x144xf32, #tpu.memory_space<vmem_shared>> -> memref<80x144xf32, #tpu.memory_space<vmem_shared>>
          tpu.enqueue_dma source(%dma_start3A_132 : memref<80x144xf32, #tpu.memory_space<vmem_shared>>) target(%dma_start3A_130 : memref<80x144xf32, #tpu.memory_space<vmem>>) target_semaphore(%run_scoped3A_120 : memref<!tpu.dma_semaphore, #tpu.memory_space<semaphore_mem>>)
          %dma_wait3A_133 = arith.constant 0 : i32
          %dma_wait3A_134 = arith.constant 0 : i32
          %dma_wait3A_135 = tpu.memref_slice %arg11[%run_scoped3A_118, %dma_wait3A_133, %dma_wait3A_134] : memref<3x80x144xf32, #tpu.memory_space<vmem>> -> memref<1x80x144xf32, #tpu.memory_space<vmem>>
          %dma_wait3A_136 = tpu.memref_squeeze %dma_wait3A_135 : memref<1x80x144xf32, #tpu.memory_space<vmem>> -> memref<80x144xf32, #tpu.memory_space<vmem>>
          %dma_wait3A_137 = arith.constant 0 : i32
          %dma_wait3A_138 = tpu.memref_slice %arg7[%multiple_of3A_117, %dma_wait3A_137] : memref<10000x144xf32, #tpu.memory_space<vmem_shared>> -> memref<80x144xf32, #tpu.memory_space<vmem_shared>>
          %dma_wait3A_139 = arith.constant 0 : i32
          %dma_wait3A_140 = arith.constant 0 : i32
          %dma_wait3A_141 = tpu.memref_slice %arg11[%run_scoped3A_118, %dma_wait3A_139, %dma_wait3A_140] : memref<3x80x144xf32, #tpu.memory_space<vmem>> -> memref<1x80x144xf32, #tpu.memory_space<vmem>>
          %dma_wait3A_142 = tpu.memref_squeeze %dma_wait3A_141 : memref<1x80x144xf32, #tpu.memory_space<vmem>> -> memref<80x144xf32, #tpu.memory_space<vmem>>
          %dma_wait3A_143 = arith.constant 0 : i32
          %dma_wait3A_144 = tpu.memref_slice %arg7[%multiple_of3A_117, %dma_wait3A_143] : memref<10000x144xf32, #tpu.memory_space<vmem_shared>> -> memref<80x144xf32, #tpu.memory_space<vmem_shared>>
          tpu.wait_dma2 semaphore(%run_scoped3A_120 : memref<!tpu.dma_semaphore, #tpu.memory_space<semaphore_mem>>) src(%dma_wait3A_144 : memref<80x144xf32, #tpu.memory_space<vmem_shared>>) dst(%dma_wait3A_142 : memref<80x144xf32, #tpu.memory_space<vmem>>)
          tpu.yield
        }) : () -> ()
        %run_scoped3A_119 = arith.constant 0 : i32
        "tpu.region"() ({
          %run_scoped3A_120 = tpu.sem_alloc : memref<!tpu.dma_semaphore, #tpu.memory_space<semaphore_mem>>
          %dma_start3A_121 = arith.constant 0 : i32
          %dma_start3A_122 = arith.constant 0 : i32
          %dma_start3A_123 = tpu.memref_slice %arg11[%run_scoped3A_119, %dma_start3A_121, %dma_start3A_122] : memref<3x80x144xf32, #tpu.memory_space<vmem>> -> memref<1x80x144xf32, #tpu.memory_space<vmem>>
          %dma_start3A_124 = tpu.memref_squeeze %dma_start3A_123 : memref<1x80x144xf32, #tpu.memory_space<vmem>> -> memref<80x144xf32, #tpu.memory_space<vmem>>
          %dma_start3A_125 = arith.constant 0 : i32
          %dma_start3A_126 = tpu.memref_slice %arg6[%arg0, %multiple_of3A_117, %dma_start3A_125] : memref<2x10000x144xf32, #tpu.memory_space<hbm>> -> memref<1x80x144xf32, #tpu.memory_space<hbm>>
          %dma_start3A_127 = tpu.memref_squeeze %dma_start3A_126 : memref<1x80x144xf32, #tpu.memory_space<hbm>> -> memref<80x144xf32, #tpu.memory_space<hbm>>
          %dma_start3A_128 = arith.constant 0 : i32
          %dma_start3A_129 = tpu.memref_slice %arg6[%arg0, %multiple_of3A_117, %dma_start3A_128] : memref<2x10000x144xf32, #tpu.memory_space<hbm>> -> memref<1x80x144xf32, #tpu.memory_space<hbm>>
          %dma_start3A_130 = tpu.memref_squeeze %dma_start3A_129 : memref<1x80x144xf32, #tpu.memory_space<hbm>> -> memref<80x144xf32, #tpu.memory_space<hbm>>
          %dma_start3A_131 = arith.constant 0 : i32
          %dma_start3A_132 = arith.constant 0 : i32
          %dma_start3A_133 = tpu.memref_slice %arg11[%run_scoped3A_119, %dma_start3A_131, %dma_start3A_132] : memref<3x80x144xf32, #tpu.memory_space<vmem>> -> memref<1x80x144xf32, #tpu.memory_space<vmem>>
          %dma_start3A_134 = tpu.memref_squeeze %dma_start3A_133 : memref<1x80x144xf32, #tpu.memory_space<vmem>> -> memref<80x144xf32, #tpu.memory_space<vmem>>
          tpu.enqueue_dma source(%dma_start3A_134 : memref<80x144xf32, #tpu.memory_space<vmem>>) target(%dma_start3A_130 : memref<80x144xf32, #tpu.memory_space<hbm>>) target_semaphore(%run_scoped3A_120 : memref<!tpu.dma_semaphore, #tpu.memory_space<semaphore_mem>>)
          %dma_wait3A_135 = arith.constant 0 : i32
          %dma_wait3A_136 = arith.constant 0 : i32
          %dma_wait3A_137 = tpu.memref_slice %arg11[%run_scoped3A_119, %dma_wait3A_135, %dma_wait3A_136] : memref<3x80x144xf32, #tpu.memory_space<vmem>> -> memref<1x80x144xf32, #tpu.memory_space<vmem>>
          %dma_wait3A_138 = tpu.memref_squeeze %dma_wait3A_137 : memref<1x80x144xf32, #tpu.memory_space<vmem>> -> memref<80x144xf32, #tpu.memory_space<vmem>>
          %dma_wait3A_139 = arith.constant 0 : i32
          %dma_wait3A_140 = tpu.memref_slice %arg6[%arg0, %multiple_of3A_117, %dma_wait3A_139] : memref<2x10000x144xf32, #tpu.memory_space<hbm>> -> memref<1x80x144xf32, #tpu.memory_space<hbm>>
          %dma_wait3A_141 = tpu.memref_squeeze %dma_wait3A_140 : memref<1x80x144xf32, #tpu.memory_space<hbm>> -> memref<80x144xf32, #tpu.memory_space<hbm>>
          %dma_wait3A_142 = arith.constant 0 : i32
          %dma_wait3A_143 = tpu.memref_slice %arg6[%arg0, %multiple_of3A_117, %dma_wait3A_142] : memref<2x10000x144xf32, #tpu.memory_space<hbm>> -> memref<1x80x144xf32, #tpu.memory_space<hbm>>
          %dma_wait3A_144 = tpu.memref_squeeze %dma_wait3A_143 : memref<1x80x144xf32, #tpu.memory_space<hbm>> -> memref<80x144xf32, #tpu.memory_space<hbm>>
          %dma_wait3A_145 = arith.constant 0 : i32
          %dma_wait3A_146 = arith.constant 0 : i32
          %dma_wait3A_147 = tpu.memref_slice %arg11[%run_scoped3A_119, %dma_wait3A_145, %dma_wait3A_146] : memref<3x80x144xf32, #tpu.memory_space<vmem>> -> memref<1x80x144xf32, #tpu.memory_space<vmem>>
          %dma_wait3A_148 = tpu.memref_squeeze %dma_wait3A_147 : memref<1x80x144xf32, #tpu.memory_space<vmem>> -> memref<80x144xf32, #tpu.memory_space<vmem>>
          tpu.wait_dma2 semaphore(%run_scoped3A_120 : memref<!tpu.dma_semaphore, #tpu.memory_space<semaphore_mem>>) src(%dma_wait3A_148 : memref<80x144xf32, #tpu.memory_space<vmem>>) dst(%dma_wait3A_144 : memref<80x144xf32, #tpu.memory_space<hbm>>)
          tpu.yield
        }) : () -> ()
      } else {
      }
      %scan3A_114 = arith.constant 0 : i32
      scf.yield %scan3A_114 : i32
    }
    %scan3A_100 = arith.constant 125 : i32
    return
  }
}

#map = affine_map<(d0, d1) -> (0, 0)>
#map1 = affine_map<(d0, d1) -> (0)>
#map2 = affine_map<(d0, d1) -> (0, 0, 0)>
module attributes {stable_mosaic.version = 14 : i64} {
  func.func @_sc_edge_body(%arg0: i32, %arg1: i32, %arg2: memref<10000x144xf32, #tpu.memory_space<hbm>>, %arg3: memref<10000x16xf32, #tpu.memory_space<hbm>>, %arg4: memref<320000xi32, #tpu.memory_space<hbm>>, %arg5: memref<320000xi32, #tpu.memory_space<hbm>>, %arg6: memref<2x10000x144xf32, #tpu.memory_space<hbm>>, %arg7: memref<10000x144xf32, #tpu.memory_space<vmem_shared>>, %arg8: memref<2x80xi32, #tpu.memory_space<vmem>>, %arg9: memref<2x80xi32, #tpu.memory_space<vmem>>, %arg10: memref<2x80xi32, #tpu.memory_space<vmem>>, %arg11: memref<3x80x144xf32, #tpu.memory_space<vmem>>, %arg12: memref<2x80x16xf32, #tpu.memory_space<vmem>>, %arg13: memref<!tpu.dma_semaphore, #tpu.memory_space<semaphore_mem>>, %arg14: memref<!tpu.dma_semaphore, #tpu.memory_space<semaphore_mem>>, %arg15: memref<!tpu.dma_semaphore, #tpu.memory_space<semaphore_mem>>) attributes {dimension_semantics = [#tpu.dimension_semantics<core_parallel>, #tpu.dimension_semantics<subcore_parallel>], iteration_bounds = array<i64: 2, 16>, scalar_prefetch = 0 : i64, scratch_operands = 9 : i64, tpu.core_type = #tpu.core_type<sc_vector_subcore>, window_params = [{transform_indices = #map}, {transform_indices = #map}, {transform_indices = #map1}, {transform_indices = #map1}, {transform_indices = #map2}]} {
    %broadcast_in_dim3A = arith.constant 0.000000e+00 : f32
    %broadcast_in_dim3A_0 = vector.broadcast %broadcast_in_dim3A : f32 to vector<16xf32>
    %iota3A = tpu.iota {dimensions = array<i32: 0>} : vector<16xi32>
    %scan3A = arith.constant 0 : i32
    %scan3A_1 = arith.constant 0 : i32
    %scan3A_2 = arith.constant 80 : i32
    %scan3A_3 = arith.addi %scan3A_1, %scan3A_2 : i32
    %scan3A_4 = arith.constant 1 : i32
    %scan3A_5 = scf.for %scan3A_101 = %scan3A_1 to %scan3A_3 step %scan3A_4 iter_args(%scan3A_102 = %scan3A) -> (i32)  : i32 {
      %swap3A = arith.constant 0 : i32
      %swap3A_103 = arith.index_cast %swap3A : i32 to index
      %swap3A_104 = arith.index_cast %scan3A_101 : i32 to index
      %swap3A_105 = arith.constant 0 : index
      %swap3A_106 = tpu.vector_load %arg11[%swap3A_103, %swap3A_104, %swap3A_105] {strides = array<i32>} : memref<3x80x144xf32, #tpu.memory_space<vmem>>, vector<1x1x16xf32>,
      %swap3A_107 = vector.shape_cast %swap3A_106 : vector<1x1x16xf32> to vector<16xf32>
      %swap3A_108 = vector.shape_cast %broadcast_in_dim3A_0 : vector<16xf32> to vector<1x1x16xf32>
      tpu.vector_store %arg11[%swap3A_103, %swap3A_104, %swap3A_105], %swap3A_108 {strides = array<i32>} : memref<3x80x144xf32, #tpu.memory_space<vmem>>, vector<1x1x16xf32>,
      %swap3A_109 = arith.constant 0 : i32
      %swap3A_110 = arith.index_cast %swap3A_109 : i32 to index
      %swap3A_111 = arith.index_cast %scan3A_101 : i32 to index
      %swap3A_112 = arith.constant 16 : index
      %swap3A_113 = tpu.vector_load %arg11[%swap3A_110, %swap3A_111, %swap3A_112] {strides = array<i32>} : memref<3x80x144xf32, #tpu.memory_space<vmem>>, vector<1x1x16xf32>,
      %swap3A_114 = vector.shape_cast %swap3A_113 : vector<1x1x16xf32> to vector<16xf32>
      %swap3A_115 = vector.shape_cast %broadcast_in_dim3A_0 : vector<16xf32> to vector<1x1x16xf32>
      tpu.vector_store %arg11[%swap3A_110, %swap3A_111, %swap3A_112], %swap3A_115 {strides = array<i32>} : memref<3x80x144xf32, #tpu.memory_space<vmem>>, vector<1x1x16xf32>,
      %swap3A_116 = arith.constant 0 : i32
      %swap3A_117 = arith.index_cast %swap3A_116 : i32 to index
      %swap3A_118 = arith.index_cast %scan3A_101 : i32 to index
      %swap3A_119 = arith.constant 32 : index
      %swap3A_120 = tpu.vector_load %arg11[%swap3A_117, %swap3A_118, %swap3A_119] {strides = array<i32>} : memref<3x80x144xf32, #tpu.memory_space<vmem>>, vector<1x1x16xf32>,
      %swap3A_121 = vector.shape_cast %swap3A_120 : vector<1x1x16xf32> to vector<16xf32>
      %swap3A_122 = vector.shape_cast %broadcast_in_dim3A_0 : vector<16xf32> to vector<1x1x16xf32>
      tpu.vector_store %arg11[%swap3A_117, %swap3A_118, %swap3A_119], %swap3A_122 {strides = array<i32>} : memref<3x80x144xf32, #tpu.memory_space<vmem>>, vector<1x1x16xf32>,
      %swap3A_123 = arith.constant 0 : i32
      %swap3A_124 = arith.index_cast %swap3A_123 : i32 to index
      %swap3A_125 = arith.index_cast %scan3A_101 : i32 to index
      %swap3A_126 = arith.constant 48 : index
      %swap3A_127 = tpu.vector_load %arg11[%swap3A_124, %swap3A_125, %swap3A_126] {strides = array<i32>} : memref<3x80x144xf32, #tpu.memory_space<vmem>>, vector<1x1x16xf32>,
      %swap3A_128 = vector.shape_cast %swap3A_127 : vector<1x1x16xf32> to vector<16xf32>
      %swap3A_129 = vector.shape_cast %broadcast_in_dim3A_0 : vector<16xf32> to vector<1x1x16xf32>
      tpu.vector_store %arg11[%swap3A_124, %swap3A_125, %swap3A_126], %swap3A_129 {strides = array<i32>} : memref<3x80x144xf32, #tpu.memory_space<vmem>>, vector<1x1x16xf32>,
      %swap3A_130 = arith.constant 0 : i32
      %swap3A_131 = arith.index_cast %swap3A_130 : i32 to index
      %swap3A_132 = arith.index_cast %scan3A_101 : i32 to index
      %swap3A_133 = arith.constant 64 : index
      %swap3A_134 = tpu.vector_load %arg11[%swap3A_131, %swap3A_132, %swap3A_133] {strides = array<i32>} : memref<3x80x144xf32, #tpu.memory_space<vmem>>, vector<1x1x16xf32>,
      %swap3A_135 = vector.shape_cast %swap3A_134 : vector<1x1x16xf32> to vector<16xf32>
      %swap3A_136 = vector.shape_cast %broadcast_in_dim3A_0 : vector<16xf32> to vector<1x1x16xf32>
      tpu.vector_store %arg11[%swap3A_131, %swap3A_132, %swap3A_133], %swap3A_136 {strides = array<i32>} : memref<3x80x144xf32, #tpu.memory_space<vmem>>, vector<1x1x16xf32>,
      %swap3A_137 = arith.constant 0 : i32
      %swap3A_138 = arith.index_cast %swap3A_137 : i32 to index
      %swap3A_139 = arith.index_cast %scan3A_101 : i32 to index
      %swap3A_140 = arith.constant 80 : index
      %swap3A_141 = tpu.vector_load %arg11[%swap3A_138, %swap3A_139, %swap3A_140] {strides = array<i32>} : memref<3x80x144xf32, #tpu.memory_space<vmem>>, vector<1x1x16xf32>,
      %swap3A_142 = vector.shape_cast %swap3A_141 : vector<1x1x16xf32> to vector<16xf32>
      %swap3A_143 = vector.shape_cast %broadcast_in_dim3A_0 : vector<16xf32> to vector<1x1x16xf32>
      tpu.vector_store %arg11[%swap3A_138, %swap3A_139, %swap3A_140], %swap3A_143 {strides = array<i32>} : memref<3x80x144xf32, #tpu.memory_space<vmem>>, vector<1x1x16xf32>,
      %swap3A_144 = arith.constant 0 : i32
      %swap3A_145 = arith.index_cast %swap3A_144 : i32 to index
      %swap3A_146 = arith.index_cast %scan3A_101 : i32 to index
      %swap3A_147 = arith.constant 96 : index
      %swap3A_148 = tpu.vector_load %arg11[%swap3A_145, %swap3A_146, %swap3A_147] {strides = array<i32>} : memref<3x80x144xf32, #tpu.memory_space<vmem>>, vector<1x1x16xf32>,
      %swap3A_149 = vector.shape_cast %swap3A_148 : vector<1x1x16xf32> to vector<16xf32>
      %swap3A_150 = vector.shape_cast %broadcast_in_dim3A_0 : vector<16xf32> to vector<1x1x16xf32>
      tpu.vector_store %arg11[%swap3A_145, %swap3A_146, %swap3A_147], %swap3A_150 {strides = array<i32>} : memref<3x80x144xf32, #tpu.memory_space<vmem>>, vector<1x1x16xf32>,
      %swap3A_151 = arith.constant 0 : i32
      %swap3A_152 = arith.index_cast %swap3A_151 : i32 to index
      %swap3A_153 = arith.index_cast %scan3A_101 : i32 to index
      %swap3A_154 = arith.constant 112 : index
      %swap3A_155 = tpu.vector_load %arg11[%swap3A_152, %swap3A_153, %swap3A_154] {strides = array<i32>} : memref<3x80x144xf32, #tpu.memory_space<vmem>>, vector<1x1x16xf32>,
      %swap3A_156 = vector.shape_cast %swap3A_155 : vector<1x1x16xf32> to vector<16xf32>
      %swap3A_157 = vector.shape_cast %broadcast_in_dim3A_0 : vector<16xf32> to vector<1x1x16xf32>
      tpu.vector_store %arg11[%swap3A_152, %swap3A_153, %swap3A_154], %swap3A_157 {strides = array<i32>} : memref<3x80x144xf32, #tpu.memory_space<vmem>>, vector<1x1x16xf32>,
      %swap3A_158 = arith.constant 0 : i32
      %swap3A_159 = arith.index_cast %swap3A_158 : i32 to index
      %swap3A_160 = arith.index_cast %scan3A_101 : i32 to index
      %swap3A_161 = arith.constant 128 : index
      %swap3A_162 = tpu.vector_load %arg11[%swap3A_159, %swap3A_160, %swap3A_161] {strides = array<i32>} : memref<3x80x144xf32, #tpu.memory_space<vmem>>, vector<1x1x16xf32>,
      %swap3A_163 = vector.shape_cast %swap3A_162 : vector<1x1x16xf32> to vector<16xf32>
      %swap3A_164 = vector.shape_cast %broadcast_in_dim3A_0 : vector<16xf32> to vector<1x1x16xf32>
      tpu.vector_store %arg11[%swap3A_159, %swap3A_160, %swap3A_161], %swap3A_164 {strides = array<i32>} : memref<3x80x144xf32, #tpu.memory_space<vmem>>, vector<1x1x16xf32>,
      %scan3A_165 = arith.constant 0 : i32
      scf.yield %scan3A_165 : i32
    }
    %scan3A_6 = arith.constant 80 : i32
    %scan3A_7 = arith.constant 0 : i32
    %scan3A_8 = arith.constant 0 : i32
    %scan3A_9 = arith.constant 125 : i32
    %scan3A_10 = arith.addi %scan3A_8, %scan3A_9 : i32
    %scan3A_11 = arith.constant 1 : i32
    %scan3A_12 = scf.for %scan3A_101 = %scan3A_8 to %scan3A_10 step %scan3A_11 iter_args(%scan3A_102 = %scan3A_7) -> (i32)  : i32 {
      %jit3A = arith.constant 16 : i32
      %eq3A = arith.constant 0 : i32
      %eq3A_103 = arith.cmpi eq, %jit3A, %eq3A : i32
      %jit3A_104 = arith.constant 1 : i32
      %select_n3A = arith.select %eq3A_103, %jit3A_104, %jit3A : i32
      %rem3A = arith.remsi %scan3A_101, %select_n3A : i32
      %ne3A = arith.constant 0 : i32
      %ne3A_105 = arith.cmpi ne, %rem3A, %ne3A : i32
      %lt3A = arith.constant 0 : i32
      %lt3A_106 = arith.cmpi slt, %rem3A, %lt3A : i32
      %lt3A_107 = arith.constant 0 : i32
      %lt3A_108 = arith.cmpi slt, %select_n3A, %lt3A_107 : i32
      %ne3A_109 = arith.xori %lt3A_106, %lt3A_108 : i1
      %and3A = arith.andi %ne3A_109, %ne3A_105 : i1
      %add3A_110 = arith.addi %rem3A, %select_n3A : i32
      %select_n3A_111 = arith.select %and3A, %add3A_110, %rem3A : i32
      %eq3A_112 = arith.cmpi eq, %select_n3A_111, %arg1 : i32
      %convert_element_type3A = arith.extui %eq3A_112 : i1 to i32
      %cond3A = arith.constant 0 : i32
      %cond3A_113 = arith.cmpi ne, %convert_element_type3A, %cond3A : i32
      scf.if %cond3A_113 {
        %mul3A_115 = arith.constant 80 : i32
        %mul3A_116 = arith.muli %scan3A_101, %mul3A_115 : i32
        %multiple_of3A_117 = tpu.assume_multiple %mul3A_116, 8 : i32
        %run_scoped3A_118 = arith.constant 0 : i32
        "tpu.region"() ({
          %run_scoped3A_119 = tpu.sem_alloc : memref<!tpu.dma_semaphore, #tpu.memory_space<semaphore_mem>>
          %dma_start3A_120 = arith.constant 0 : i32
          %dma_start3A_121 = arith.constant 0 : i32
          %dma_start3A_122 = tpu.memref_slice %arg11[%run_scoped3A_118, %dma_start3A_120, %dma_start3A_121] : memref<3x80x144xf32, #tpu.memory_space<vmem>> -> memref<1x80x144xf32, #tpu.memory_space<vmem>>
          %dma_start3A_123 = tpu.memref_squeeze %dma_start3A_122 : memref<1x80x144xf32, #tpu.memory_space<vmem>> -> memref<80x144xf32, #tpu.memory_space<vmem>>
          %dma_start3A_124 = arith.constant 0 : i32
          %dma_start3A_125 = tpu.memref_slice %arg7[%multiple_of3A_117, %dma_start3A_124] : memref<10000x144xf32, #tpu.memory_space<vmem_shared>> -> memref<80x144xf32, #tpu.memory_space<vmem_shared>>
          %dma_start3A_126 = arith.constant 0 : i32
          %dma_start3A_127 = tpu.memref_slice %arg7[%multiple_of3A_117, %dma_start3A_126] : memref<10000x144xf32, #tpu.memory_space<vmem_shared>> -> memref<80x144xf32, #tpu.memory_space<vmem_shared>>
          %dma_start3A_128 = arith.constant 0 : i32
          %dma_start3A_129 = arith.constant 0 : i32
          %dma_start3A_130 = tpu.memref_slice %arg11[%run_scoped3A_118, %dma_start3A_128, %dma_start3A_129] : memref<3x80x144xf32, #tpu.memory_space<vmem>> -> memref<1x80x144xf32, #tpu.memory_space<vmem>>
          %dma_start3A_131 = tpu.memref_squeeze %dma_start3A_130 : memref<1x80x144xf32, #tpu.memory_space<vmem>> -> memref<80x144xf32, #tpu.memory_space<vmem>>
          tpu.enqueue_dma source(%dma_start3A_131 : memref<80x144xf32, #tpu.memory_space<vmem>>) target(%dma_start3A_127 : memref<80x144xf32, #tpu.memory_space<vmem_shared>>) target_semaphore(%run_scoped3A_119 : memref<!tpu.dma_semaphore, #tpu.memory_space<semaphore_mem>>)
          %dma_wait3A_132 = arith.constant 0 : i32
          %dma_wait3A_133 = arith.constant 0 : i32
          %dma_wait3A_134 = tpu.memref_slice %arg11[%run_scoped3A_118, %dma_wait3A_132, %dma_wait3A_133] : memref<3x80x144xf32, #tpu.memory_space<vmem>> -> memref<1x80x144xf32, #tpu.memory_space<vmem>>
          %dma_wait3A_135 = tpu.memref_squeeze %dma_wait3A_134 : memref<1x80x144xf32, #tpu.memory_space<vmem>> -> memref<80x144xf32, #tpu.memory_space<vmem>>
          %dma_wait3A_136 = arith.constant 0 : i32
          %dma_wait3A_137 = tpu.memref_slice %arg7[%multiple_of3A_117, %dma_wait3A_136] : memref<10000x144xf32, #tpu.memory_space<vmem_shared>> -> memref<80x144xf32, #tpu.memory_space<vmem_shared>>
          %dma_wait3A_138 = arith.constant 0 : i32
          %dma_wait3A_139 = tpu.memref_slice %arg7[%multiple_of3A_117, %dma_wait3A_138] : memref<10000x144xf32, #tpu.memory_space<vmem_shared>> -> memref<80x144xf32, #tpu.memory_space<vmem_shared>>
          %dma_wait3A_140 = arith.constant 0 : i32
          %dma_wait3A_141 = arith.constant 0 : i32
          %dma_wait3A_142 = tpu.memref_slice %arg11[%run_scoped3A_118, %dma_wait3A_140, %dma_wait3A_141] : memref<3x80x144xf32, #tpu.memory_space<vmem>> -> memref<1x80x144xf32, #tpu.memory_space<vmem>>
          %dma_wait3A_143 = tpu.memref_squeeze %dma_wait3A_142 : memref<1x80x144xf32, #tpu.memory_space<vmem>> -> memref<80x144xf32, #tpu.memory_space<vmem>>
          tpu.wait_dma2 semaphore(%run_scoped3A_119 : memref<!tpu.dma_semaphore, #tpu.memory_space<semaphore_mem>>) src(%dma_wait3A_143 : memref<80x144xf32, #tpu.memory_space<vmem>>) dst(%dma_wait3A_139 : memref<80x144xf32, #tpu.memory_space<vmem_shared>>)
          tpu.yield
        }) : () -> ()
      } else {
      }
      %scan3A_114 = arith.constant 0 : i32
      scf.yield %scan3A_114 : i32
    }
    %scan3A_13 = arith.constant 125 : i32
    %barrier3A = arith.constant 0 : index
    tpu.barrier barrier_id(%barrier3A)
    %mul3A = arith.constant 16 : i32
    %mul3A_14 = arith.muli %arg0, %mul3A : i32
    %add3A = arith.addi %mul3A_14, %arg1 : i32
    %mul3A_15 = arith.constant 10000 : i32
    %mul3A_16 = arith.muli %add3A, %mul3A_15 : i32
    %multiple_of3A = tpu.assume_multiple %mul3A_16, 8 : i32
    %run_scoped3A = arith.constant 0 : i32
    "tpu.region"() ({
      %run_scoped3A_101 = tpu.sem_alloc : memref<!tpu.dma_semaphore, #tpu.memory_space<semaphore_mem>>
      %dma_start3A_102 = arith.constant 0 : i32
      %dma_start3A_103 = tpu.memref_slice %arg8[%run_scoped3A, %dma_start3A_102] : memref<2x80xi32, #tpu.memory_space<vmem>> -> memref<1x80xi32, #tpu.memory_space<vmem>>
      %dma_start3A_104 = tpu.memref_squeeze %dma_start3A_103 : memref<1x80xi32, #tpu.memory_space<vmem>> -> memref<80xi32, #tpu.memory_space<vmem>>
      %dma_start3A_105 = tpu.memref_slice %arg4[%multiple_of3A] : memref<320000xi32, #tpu.memory_space<hbm>> -> memref<80xi32, #tpu.memory_space<hbm>>
      %dma_start3A_106 = arith.constant 0 : i32
      %dma_start3A_107 = tpu.memref_slice %arg8[%run_scoped3A, %dma_start3A_106] : memref<2x80xi32, #tpu.memory_space<vmem>> -> memref<1x80xi32, #tpu.memory_space<vmem>>
      %dma_start3A_108 = tpu.memref_squeeze %dma_start3A_107 : memref<1x80xi32, #tpu.memory_space<vmem>> -> memref<80xi32, #tpu.memory_space<vmem>>
      %dma_start3A_109 = tpu.memref_slice %arg4[%multiple_of3A] : memref<320000xi32, #tpu.memory_space<hbm>> -> memref<80xi32, #tpu.memory_space<hbm>>
      tpu.enqueue_dma source(%dma_start3A_109 : memref<80xi32, #tpu.memory_space<hbm>>) target(%dma_start3A_108 : memref<80xi32, #tpu.memory_space<vmem>>) target_semaphore(%run_scoped3A_101 : memref<!tpu.dma_semaphore, #tpu.memory_space<semaphore_mem>>)
      %dma_wait3A_110 = arith.constant 0 : i32
      %dma_wait3A_111 = tpu.memref_slice %arg8[%run_scoped3A, %dma_wait3A_110] : memref<2x80xi32, #tpu.memory_space<vmem>> -> memref<1x80xi32, #tpu.memory_space<vmem>>
      %dma_wait3A_112 = tpu.memref_squeeze %dma_wait3A_111 : memref<1x80xi32, #tpu.memory_space<vmem>> -> memref<80xi32, #tpu.memory_space<vmem>>
      %dma_wait3A_113 = tpu.memref_slice %arg4[%multiple_of3A] : memref<320000xi32, #tpu.memory_space<hbm>> -> memref<80xi32, #tpu.memory_space<hbm>>
      %dma_wait3A_114 = arith.constant 0 : i32
      %dma_wait3A_115 = tpu.memref_slice %arg8[%run_scoped3A, %dma_wait3A_114] : memref<2x80xi32, #tpu.memory_space<vmem>> -> memref<1x80xi32, #tpu.memory_space<vmem>>
      %dma_wait3A_116 = tpu.memref_squeeze %dma_wait3A_115 : memref<1x80xi32, #tpu.memory_space<vmem>> -> memref<80xi32, #tpu.memory_space<vmem>>
      %dma_wait3A_117 = tpu.memref_slice %arg4[%multiple_of3A] : memref<320000xi32, #tpu.memory_space<hbm>> -> memref<80xi32, #tpu.memory_space<hbm>>
      tpu.wait_dma2 semaphore(%run_scoped3A_101 : memref<!tpu.dma_semaphore, #tpu.memory_space<semaphore_mem>>) src(%dma_wait3A_117 : memref<80xi32, #tpu.memory_space<hbm>>) dst(%dma_wait3A_116 : memref<80xi32, #tpu.memory_space<vmem>>)
      tpu.yield
    }) : () -> ()
    %multiple_of3A_17 = tpu.assume_multiple %mul3A_16, 8 : i32
    %run_scoped3A_18 = arith.constant 0 : i32
    "tpu.region"() ({
      %run_scoped3A_101 = tpu.sem_alloc : memref<!tpu.dma_semaphore, #tpu.memory_space<semaphore_mem>>
      %dma_start3A_102 = arith.constant 0 : i32
      %dma_start3A_103 = tpu.memref_slice %arg9[%run_scoped3A_18, %dma_start3A_102] : memref<2x80xi32, #tpu.memory_space<vmem>> -> memref<1x80xi32, #tpu.memory_space<vmem>>
      %dma_start3A_104 = tpu.memref_squeeze %dma_start3A_103 : memref<1x80xi32, #tpu.memory_space<vmem>> -> memref<80xi32, #tpu.memory_space<vmem>>
      %dma_start3A_105 = tpu.memref_slice %arg5[%multiple_of3A_17] : memref<320000xi32, #tpu.memory_space<hbm>> -> memref<80xi32, #tpu.memory_space<hbm>>
      %dma_start3A_106 = arith.constant 0 : i32
      %dma_start3A_107 = tpu.memref_slice %arg9[%run_scoped3A_18, %dma_start3A_106] : memref<2x80xi32, #tpu.memory_space<vmem>> -> memref<1x80xi32, #tpu.memory_space<vmem>>
      %dma_start3A_108 = tpu.memref_squeeze %dma_start3A_107 : memref<1x80xi32, #tpu.memory_space<vmem>> -> memref<80xi32, #tpu.memory_space<vmem>>
      %dma_start3A_109 = tpu.memref_slice %arg5[%multiple_of3A_17] : memref<320000xi32, #tpu.memory_space<hbm>> -> memref<80xi32, #tpu.memory_space<hbm>>
      tpu.enqueue_dma source(%dma_start3A_109 : memref<80xi32, #tpu.memory_space<hbm>>) target(%dma_start3A_108 : memref<80xi32, #tpu.memory_space<vmem>>) target_semaphore(%run_scoped3A_101 : memref<!tpu.dma_semaphore, #tpu.memory_space<semaphore_mem>>)
      %dma_wait3A_110 = arith.constant 0 : i32
      %dma_wait3A_111 = tpu.memref_slice %arg9[%run_scoped3A_18, %dma_wait3A_110] : memref<2x80xi32, #tpu.memory_space<vmem>> -> memref<1x80xi32, #tpu.memory_space<vmem>>
      %dma_wait3A_112 = tpu.memref_squeeze %dma_wait3A_111 : memref<1x80xi32, #tpu.memory_space<vmem>> -> memref<80xi32, #tpu.memory_space<vmem>>
      %dma_wait3A_113 = tpu.memref_slice %arg5[%multiple_of3A_17] : memref<320000xi32, #tpu.memory_space<hbm>> -> memref<80xi32, #tpu.memory_space<hbm>>
      %dma_wait3A_114 = arith.constant 0 : i32
      %dma_wait3A_115 = tpu.memref_slice %arg9[%run_scoped3A_18, %dma_wait3A_114] : memref<2x80xi32, #tpu.memory_space<vmem>> -> memref<1x80xi32, #tpu.memory_space<vmem>>
      %dma_wait3A_116 = tpu.memref_squeeze %dma_wait3A_115 : memref<1x80xi32, #tpu.memory_space<vmem>> -> memref<80xi32, #tpu.memory_space<vmem>>
      %dma_wait3A_117 = tpu.memref_slice %arg5[%multiple_of3A_17] : memref<320000xi32, #tpu.memory_space<hbm>> -> memref<80xi32, #tpu.memory_space<hbm>>
      tpu.wait_dma2 semaphore(%run_scoped3A_101 : memref<!tpu.dma_semaphore, #tpu.memory_space<semaphore_mem>>) src(%dma_wait3A_117 : memref<80xi32, #tpu.memory_space<hbm>>) dst(%dma_wait3A_116 : memref<80xi32, #tpu.memory_space<vmem>>)
      tpu.yield
    }) : () -> ()
    %dma_start3A = arith.constant 0 : i32
    %dma_start3A_19 = arith.constant 0 : i32
    %dma_start3A_20 = arith.constant 0 : i32
    %dma_start3A_21 = arith.constant 0 : i32
    %dma_start3A_22 = tpu.memref_slice %arg11[%dma_start3A_19, %dma_start3A_20, %dma_start3A_21] : memref<3x80x144xf32, #tpu.memory_space<vmem>> -> memref<1x80x144xf32, #tpu.memory_space<vmem>>
    %dma_start3A_23 = tpu.memref_squeeze %dma_start3A_22 : memref<1x80x144xf32, #tpu.memory_space<vmem>> -> memref<80x144xf32, #tpu.memory_space<vmem>>
    %dma_start3A_24 = arith.constant 0 : i32
    %dma_start3A_25 = tpu.memref_slice %arg8[%dma_start3A, %dma_start3A_24] : memref<2x80xi32, #tpu.memory_space<vmem>> -> memref<1x80xi32, #tpu.memory_space<vmem>>
    %dma_start3A_26 = tpu.memref_squeeze %dma_start3A_25 : memref<1x80xi32, #tpu.memory_space<vmem>> -> memref<80xi32, #tpu.memory_space<vmem>>
    %dma_start3A_27 = arith.constant 0 : i32
    %dma_start3A_28 = arith.constant 0 : i32
    %dma_start3A_29 = tpu.memref_slice %arg2[%dma_start3A_27, %dma_start3A_28] : memref<10000x144xf32, #tpu.memory_space<hbm>> -> memref<10000x144xf32, #tpu.memory_space<hbm>>
    tpu.enqueue_indirect_dma source(%dma_start3A_29 : memref<10000x144xf32, #tpu.memory_space<hbm>>) target(%dma_start3A_23 : memref<80x144xf32, #tpu.memory_space<vmem>>) offsets(%dma_start3A_26 : memref<80xi32, #tpu.memory_space<vmem>>) semaphore(%arg13 : memref<!tpu.dma_semaphore, #tpu.memory_space<semaphore_mem>>)
    %dma_start3A_30 = arith.constant 0 : i32
    %dma_start3A_31 = arith.constant 0 : i32
    %dma_start3A_32 = arith.constant 0 : i32
    %dma_start3A_33 = arith.constant 0 : i32
    %dma_start3A_34 = tpu.memref_slice %arg12[%dma_start3A_31, %dma_start3A_32, %dma_start3A_33] : memref<2x80x16xf32, #tpu.memory_space<vmem>> -> memref<1x80x16xf32, #tpu.memory_space<vmem>>
    %dma_start3A_35 = tpu.memref_squeeze %dma_start3A_34 : memref<1x80x16xf32, #tpu.memory_space<vmem>> -> memref<80x16xf32, #tpu.memory_space<vmem>>
    %dma_start3A_36 = arith.constant 0 : i32
    %dma_start3A_37 = tpu.memref_slice %arg9[%dma_start3A_30, %dma_start3A_36] : memref<2x80xi32, #tpu.memory_space<vmem>> -> memref<1x80xi32, #tpu.memory_space<vmem>>
    %dma_start3A_38 = tpu.memref_squeeze %dma_start3A_37 : memref<1x80xi32, #tpu.memory_space<vmem>> -> memref<80xi32, #tpu.memory_space<vmem>>
    %dma_start3A_39 = arith.constant 0 : i32
    %dma_start3A_40 = arith.constant 0 : i32
    %dma_start3A_41 = tpu.memref_slice %arg3[%dma_start3A_39, %dma_start3A_40] : memref<10000x16xf32, #tpu.memory_space<hbm>> -> memref<10000x16xf32, #tpu.memory_space<hbm>>
    tpu.enqueue_indirect_dma source(%dma_start3A_41 : memref<10000x16xf32, #tpu.memory_space<hbm>>) target(%dma_start3A_35 : memref<80x16xf32, #tpu.memory_space<vmem>>) offsets(%dma_start3A_38 : memref<80xi32, #tpu.memory_space<vmem>>) semaphore(%arg13 : memref<!tpu.dma_semaphore, #tpu.memory_space<semaphore_mem>>)
    %add3A_42 = arith.constant 80 : i32
    %add3A_43 = arith.addi %mul3A_16, %add3A_42 : i32
    %multiple_of3A_44 = tpu.assume_multiple %add3A_43, 8 : i32
    %dma_start3A_45 = arith.constant 1 : i32
    %dma_start3A_46 = arith.constant 0 : i32
    %dma_start3A_47 = tpu.memref_slice %arg8[%dma_start3A_45, %dma_start3A_46] : memref<2x80xi32, #tpu.memory_space<vmem>> -> memref<1x80xi32, #tpu.memory_space<vmem>>
    %dma_start3A_48 = tpu.memref_squeeze %dma_start3A_47 : memref<1x80xi32, #tpu.memory_space<vmem>> -> memref<80xi32, #tpu.memory_space<vmem>>
    %dma_start3A_49 = tpu.memref_slice %arg4[%multiple_of3A_44] : memref<320000xi32, #tpu.memory_space<hbm>> -> memref<80xi32, #tpu.memory_space<hbm>>
    %dma_start3A_50 = arith.constant 0 : i32
    %dma_start3A_51 = tpu.memref_slice %arg8[%dma_start3A_45, %dma_start3A_50] : memref<2x80xi32, #tpu.memory_space<vmem>> -> memref<1x80xi32, #tpu.memory_space<vmem>>
    %dma_start3A_52 = tpu.memref_squeeze %dma_start3A_51 : memref<1x80xi32, #tpu.memory_space<vmem>> -> memref<80xi32, #tpu.memory_space<vmem>>
    %dma_start3A_53 = tpu.memref_slice %arg4[%multiple_of3A_44] : memref<320000xi32, #tpu.memory_space<hbm>> -> memref<80xi32, #tpu.memory_space<hbm>>
    tpu.enqueue_dma source(%dma_start3A_53 : memref<80xi32, #tpu.memory_space<hbm>>) target(%dma_start3A_52 : memref<80xi32, #tpu.memory_space<vmem>>) target_semaphore(%arg15 : memref<!tpu.dma_semaphore, #tpu.memory_space<semaphore_mem>>)
    %dma_start3A_54 = arith.constant 1 : i32
    %dma_start3A_55 = arith.constant 0 : i32
    %dma_start3A_56 = tpu.memref_slice %arg9[%dma_start3A_54, %dma_start3A_55] : memref<2x80xi32, #tpu.memory_space<vmem>> -> memref<1x80xi32, #tpu.memory_space<vmem>>
    %dma_start3A_57 = tpu.memref_squeeze %dma_start3A_56 : memref<1x80xi32, #tpu.memory_space<vmem>> -> memref<80xi32, #tpu.memory_space<vmem>>
    %dma_start3A_58 = tpu.memref_slice %arg5[%multiple_of3A_44] : memref<320000xi32, #tpu.memory_space<hbm>> -> memref<80xi32, #tpu.memory_space<hbm>>
    %dma_start3A_59 = arith.constant 0 : i32
    %dma_start3A_60 = tpu.memref_slice %arg9[%dma_start3A_54, %dma_start3A_59] : memref<2x80xi32, #tpu.memory_space<vmem>> -> memref<1x80xi32, #tpu.memory_space<vmem>>
    %dma_start3A_61 = tpu.memref_squeeze %dma_start3A_60 : memref<1x80xi32, #tpu.memory_space<vmem>> -> memref<80xi32, #tpu.memory_space<vmem>>
    %dma_start3A_62 = tpu.memref_slice %arg5[%multiple_of3A_44] : memref<320000xi32, #tpu.memory_space<hbm>> -> memref<80xi32, #tpu.memory_space<hbm>>
    tpu.enqueue_dma source(%dma_start3A_62 : memref<80xi32, #tpu.memory_space<hbm>>) target(%dma_start3A_61 : memref<80xi32, #tpu.memory_space<vmem>>) target_semaphore(%arg15 : memref<!tpu.dma_semaphore, #tpu.memory_space<semaphore_mem>>)
    %scan3A_63 = arith.constant 0 : i32
    %scan3A_64 = arith.constant 0 : i32
    %scan3A_65 = arith.constant 125 : i32
    %scan3A_66 = arith.addi %scan3A_64, %scan3A_65 : i32
    %scan3A_67 = arith.constant 1 : i32
    %scan3A_68 = scf.for %scan3A_101 = %scan3A_64 to %scan3A_66 step %scan3A_67 iter_args(%scan3A_102 = %scan3A_63) -> (i32)  : i32 {
      %rem3A = arith.constant 2 : i32
      %rem3A_103 = arith.remsi %scan3A_101, %rem3A : i32
      %rem3A_104 = arith.constant 3 : i32
      %rem3A_105 = arith.remsi %scan3A_101, %rem3A_104 : i32
      %dma_wait3A_106 = arith.constant 0 : i32
      %dma_wait3A_107 = arith.constant 0 : i32
      %dma_wait3A_108 = arith.constant 0 : i32
      %dma_wait3A_109 = arith.constant 0 : i32
      %dma_wait3A_110 = tpu.memref_slice %arg11[%dma_wait3A_107, %dma_wait3A_108, %dma_wait3A_109] : memref<3x80x144xf32, #tpu.memory_space<vmem>> -> memref<1x80x144xf32, #tpu.memory_space<vmem>>
      %dma_wait3A_111 = tpu.memref_squeeze %dma_wait3A_110 : memref<1x80x144xf32, #tpu.memory_space<vmem>> -> memref<80x144xf32, #tpu.memory_space<vmem>>
      %dma_wait3A_112 = arith.constant 0 : i32
      %dma_wait3A_113 = tpu.memref_slice %arg8[%dma_wait3A_106, %dma_wait3A_112] : memref<2x80xi32, #tpu.memory_space<vmem>> -> memref<1x80xi32, #tpu.memory_space<vmem>>
      %dma_wait3A_114 = tpu.memref_squeeze %dma_wait3A_113 : memref<1x80xi32, #tpu.memory_space<vmem>> -> memref<80xi32, #tpu.memory_space<vmem>>
      %dma_wait3A_115 = arith.constant 0 : i32
      %dma_wait3A_116 = arith.constant 0 : i32
      %dma_wait3A_117 = tpu.memref_slice %arg2[%dma_wait3A_115, %dma_wait3A_116] : memref<10000x144xf32, #tpu.memory_space<hbm>> -> memref<10000x144xf32, #tpu.memory_space<hbm>>
      tpu.wait_indirect_dma semaphore(%arg13 : memref<!tpu.dma_semaphore, #tpu.memory_space<semaphore_mem>>) src(%dma_wait3A_117 : memref<10000x144xf32, #tpu.memory_space<hbm>>) dst(%dma_wait3A_111 : memref<80x144xf32, #tpu.memory_space<vmem>>)
      %dma_wait3A_118 = arith.constant 0 : i32
      %dma_wait3A_119 = arith.constant 0 : i32
      %dma_wait3A_120 = arith.constant 0 : i32
      %dma_wait3A_121 = arith.constant 0 : i32
      %dma_wait3A_122 = tpu.memref_slice %arg12[%dma_wait3A_119, %dma_wait3A_120, %dma_wait3A_121] : memref<2x80x16xf32, #tpu.memory_space<vmem>> -> memref<1x80x16xf32, #tpu.memory_space<vmem>>
      %dma_wait3A_123 = tpu.memref_squeeze %dma_wait3A_122 : memref<1x80x16xf32, #tpu.memory_space<vmem>> -> memref<80x16xf32, #tpu.memory_space<vmem>>
      %dma_wait3A_124 = arith.constant 0 : i32
      %dma_wait3A_125 = tpu.memref_slice %arg9[%dma_wait3A_118, %dma_wait3A_124] : memref<2x80xi32, #tpu.memory_space<vmem>> -> memref<1x80xi32, #tpu.memory_space<vmem>>
      %dma_wait3A_126 = tpu.memref_squeeze %dma_wait3A_125 : memref<1x80xi32, #tpu.memory_space<vmem>> -> memref<80xi32, #tpu.memory_space<vmem>>
      %dma_wait3A_127 = arith.constant 0 : i32
      %dma_wait3A_128 = arith.constant 0 : i32
      %dma_wait3A_129 = tpu.memref_slice %arg3[%dma_wait3A_127, %dma_wait3A_128] : memref<10000x16xf32, #tpu.memory_space<hbm>> -> memref<10000x16xf32, #tpu.memory_space<hbm>>
      tpu.wait_indirect_dma semaphore(%arg13 : memref<!tpu.dma_semaphore, #tpu.memory_space<semaphore_mem>>) src(%dma_wait3A_129 : memref<10000x16xf32, #tpu.memory_space<hbm>>) dst(%dma_wait3A_123 : memref<80x16xf32, #tpu.memory_space<vmem>>)
      %ge3A = arith.constant 2 : i32
      %ge3A_130 = arith.cmpi sge, %scan3A_101, %ge3A : i32
      %convert_element_type3A = arith.extui %ge3A_130 : i1 to i32
      %cond3A = arith.constant 0 : i32
      %cond3A_131 = arith.cmpi ne, %convert_element_type3A, %cond3A : i32
      scf.if %cond3A_131 {
        %dma_wait3A_202 = arith.constant 0 : i32
        %dma_wait3A_203 = arith.constant 0 : i32
        %dma_wait3A_204 = arith.constant 0 : i32
        %dma_wait3A_205 = arith.constant 0 : i32
        %dma_wait3A_206 = tpu.memref_slice %arg11[%dma_wait3A_202, %dma_wait3A_204, %dma_wait3A_205] : memref<3x80x144xf32, #tpu.memory_space<vmem>> -> memref<1x80x144xf32, #tpu.memory_space<vmem>>
        %dma_wait3A_207 = tpu.memref_squeeze %dma_wait3A_206 : memref<1x80x144xf32, #tpu.memory_space<vmem>> -> memref<80x144xf32, #tpu.memory_space<vmem>>
        %dma_wait3A_208 = arith.constant 0 : i32
        %dma_wait3A_209 = tpu.memref_slice %arg10[%dma_wait3A_203, %dma_wait3A_208] : memref<2x80xi32, #tpu.memory_space<vmem>> -> memref<1x80xi32, #tpu.memory_space<vmem>>
        %dma_wait3A_210 = tpu.memref_squeeze %dma_wait3A_209 : memref<1x80xi32, #tpu.memory_space<vmem>> -> memref<80xi32, #tpu.memory_space<vmem>>
        %dma_wait3A_211 = arith.constant 0 : i32
        %dma_wait3A_212 = arith.constant 0 : i32
        %dma_wait3A_213 = tpu.memref_slice %arg7[%dma_wait3A_211, %dma_wait3A_212] : memref<10000x144xf32, #tpu.memory_space<vmem_shared>> -> memref<10000x144xf32, #tpu.memory_space<vmem_shared>>
        tpu.wait_indirect_dma semaphore(%arg14 : memref<!tpu.dma_semaphore, #tpu.memory_space<semaphore_mem>>) src(%dma_wait3A_207 : memref<80x144xf32, #tpu.memory_space<vmem>>) dst(%dma_wait3A_213 : memref<10000x144xf32, #tpu.memory_space<vmem_shared>>)
      } else {
      }
      %le3A = arith.constant 123 : i32
      %le3A_132 = arith.cmpi sle, %scan3A_101, %le3A : i32
      %convert_element_type3A_133 = arith.extui %le3A_132 : i1 to i32
      %cond3A_134 = arith.constant 0 : i32
      %cond3A_135 = arith.cmpi ne, %convert_element_type3A_133, %cond3A_134 : i32
      scf.if %cond3A_135 {
        %sub3A = arith.constant 1 : i32
        %sub3A_202 = arith.subi %sub3A, %rem3A_103 : i32
        %dma_wait3A_203 = arith.constant 0 : i32
        %dma_wait3A_204 = tpu.memref_slice %arg8[%sub3A_202, %dma_wait3A_203] : memref<2x80xi32, #tpu.memory_space<vmem>> -> memref<1x80xi32, #tpu.memory_space<vmem>>
        %dma_wait3A_205 = tpu.memref_squeeze %dma_wait3A_204 : memref<1x80xi32, #tpu.memory_space<vmem>> -> memref<80xi32, #tpu.memory_space<vmem>>
        %dma_wait3A_206 = arith.constant 0 : i32
        %dma_wait3A_207 = tpu.memref_slice %arg4[%dma_wait3A_206] : memref<320000xi32, #tpu.memory_space<hbm>> -> memref<80xi32, #tpu.memory_space<hbm>>
        %dma_wait3A_208 = arith.constant 0 : i32
        %dma_wait3A_209 = tpu.memref_slice %arg8[%sub3A_202, %dma_wait3A_208] : memref<2x80xi32, #tpu.memory_space<vmem>> -> memref<1x80xi32, #tpu.memory_space<vmem>>
        %dma_wait3A_210 = tpu.memref_squeeze %dma_wait3A_209 : memref<1x80xi32, #tpu.memory_space<vmem>> -> memref<80xi32, #tpu.memory_space<vmem>>
        %dma_wait3A_211 = arith.constant 0 : i32
        %dma_wait3A_212 = tpu.memref_slice %arg4[%dma_wait3A_211] : memref<320000xi32, #tpu.memory_space<hbm>> -> memref<80xi32, #tpu.memory_space<hbm>>
        tpu.wait_dma2 semaphore(%arg15 : memref<!tpu.dma_semaphore, #tpu.memory_space<semaphore_mem>>) src(%dma_wait3A_212 : memref<80xi32, #tpu.memory_space<hbm>>) dst(%dma_wait3A_210 : memref<80xi32, #tpu.memory_space<vmem>>)
        %dma_wait3A_213 = arith.constant 0 : i32
        %dma_wait3A_214 = tpu.memref_slice %arg9[%sub3A_202, %dma_wait3A_213] : memref<2x80xi32, #tpu.memory_space<vmem>> -> memref<1x80xi32, #tpu.memory_space<vmem>>
        %dma_wait3A_215 = tpu.memref_squeeze %dma_wait3A_214 : memref<1x80xi32, #tpu.memory_space<vmem>> -> memref<80xi32, #tpu.memory_space<vmem>>
        %dma_wait3A_216 = arith.constant 0 : i32
        %dma_wait3A_217 = tpu.memref_slice %arg5[%dma_wait3A_216] : memref<320000xi32, #tpu.memory_space<hbm>> -> memref<80xi32, #tpu.memory_space<hbm>>
        %dma_wait3A_218 = arith.constant 0 : i32
        %dma_wait3A_219 = tpu.memref_slice %arg9[%sub3A_202, %dma_wait3A_218] : memref<2x80xi32, #tpu.memory_space<vmem>> -> memref<1x80xi32, #tpu.memory_space<vmem>>
        %dma_wait3A_220 = tpu.memref_squeeze %dma_wait3A_219 : memref<1x80xi32, #tpu.memory_space<vmem>> -> memref<80xi32, #tpu.memory_space<vmem>>
        %dma_wait3A_221 = arith.constant 0 : i32
        %dma_wait3A_222 = tpu.memref_slice %arg5[%dma_wait3A_221] : memref<320000xi32, #tpu.memory_space<hbm>> -> memref<80xi32, #tpu.memory_space<hbm>>
        tpu.wait_dma2 semaphore(%arg15 : memref<!tpu.dma_semaphore, #tpu.memory_space<semaphore_mem>>) src(%dma_wait3A_222 : memref<80xi32, #tpu.memory_space<hbm>>) dst(%dma_wait3A_220 : memref<80xi32, #tpu.memory_space<vmem>>)
        %add3A_223 = arith.constant 1 : i32
        %add3A_224 = arith.addi %scan3A_101, %add3A_223 : i32
        %rem3A_225 = arith.constant 3 : i32
        %rem3A_226 = arith.remsi %add3A_224, %rem3A_225 : i32
        %sub3A_227 = arith.constant 1 : i32
        %sub3A_228 = arith.subi %sub3A_227, %rem3A_103 : i32
        %dma_start3A_229 = arith.constant 0 : i32
        %dma_start3A_230 = arith.constant 0 : i32
        %dma_start3A_231 = tpu.memref_slice %arg11[%rem3A_226, %dma_start3A_229, %dma_start3A_230] : memref<3x80x144xf32, #tpu.memory_space<vmem>> -> memref<1x80x144xf32, #tpu.memory_space<vmem>>
        %dma_start3A_232 = tpu.memref_squeeze %dma_start3A_231 : memref<1x80x144xf32, #tpu.memory_space<vmem>> -> memref<80x144xf32, #tpu.memory_space<vmem>>
        %dma_start3A_233 = arith.constant 0 : i32
        %dma_start3A_234 = tpu.memref_slice %arg8[%sub3A_228, %dma_start3A_233] : memref<2x80xi32, #tpu.memory_space<vmem>> -> memref<1x80xi32, #tpu.memory_space<vmem>>
        %dma_start3A_235 = tpu.memref_squeeze %dma_start3A_234 : memref<1x80xi32, #tpu.memory_space<vmem>> -> memref<80xi32, #tpu.memory_space<vmem>>
        %dma_start3A_236 = arith.constant 0 : i32
        %dma_start3A_237 = arith.constant 0 : i32
        %dma_start3A_238 = tpu.memref_slice %arg2[%dma_start3A_236, %dma_start3A_237] : memref<10000x144xf32, #tpu.memory_space<hbm>> -> memref<10000x144xf32, #tpu.memory_space<hbm>>
        tpu.enqueue_indirect_dma source(%dma_start3A_238 : memref<10000x144xf32, #tpu.memory_space<hbm>>) target(%dma_start3A_232 : memref<80x144xf32, #tpu.memory_space<vmem>>) offsets(%dma_start3A_235 : memref<80xi32, #tpu.memory_space<vmem>>) semaphore(%arg13 : memref<!tpu.dma_semaphore, #tpu.memory_space<semaphore_mem>>)
        %dma_start3A_239 = arith.constant 0 : i32
        %dma_start3A_240 = arith.constant 0 : i32
        %dma_start3A_241 = tpu.memref_slice %arg12[%sub3A_228, %dma_start3A_239, %dma_start3A_240] : memref<2x80x16xf32, #tpu.memory_space<vmem>> -> memref<1x80x16xf32, #tpu.memory_space<vmem>>
        %dma_start3A_242 = tpu.memref_squeeze %dma_start3A_241 : memref<1x80x16xf32, #tpu.memory_space<vmem>> -> memref<80x16xf32, #tpu.memory_space<vmem>>
        %dma_start3A_243 = arith.constant 0 : i32
        %dma_start3A_244 = tpu.memref_slice %arg9[%sub3A_228, %dma_start3A_243] : memref<2x80xi32, #tpu.memory_space<vmem>> -> memref<1x80xi32, #tpu.memory_space<vmem>>
        %dma_start3A_245 = tpu.memref_squeeze %dma_start3A_244 : memref<1x80xi32, #tpu.memory_space<vmem>> -> memref<80xi32, #tpu.memory_space<vmem>>
        %dma_start3A_246 = arith.constant 0 : i32
        %dma_start3A_247 = arith.constant 0 : i32
        %dma_start3A_248 = tpu.memref_slice %arg3[%dma_start3A_246, %dma_start3A_247] : memref<10000x16xf32, #tpu.memory_space<hbm>> -> memref<10000x16xf32, #tpu.memory_space<hbm>>
        tpu.enqueue_indirect_dma source(%dma_start3A_248 : memref<10000x16xf32, #tpu.memory_space<hbm>>) target(%dma_start3A_242 : memref<80x16xf32, #tpu.memory_space<vmem>>) offsets(%dma_start3A_245 : memref<80xi32, #tpu.memory_space<vmem>>) semaphore(%arg13 : memref<!tpu.dma_semaphore, #tpu.memory_space<semaphore_mem>>)
      } else {
      }
      %scan3A_136 = arith.constant 0 : i32
      %scan3A_137 = arith.constant 0 : i32
      %scan3A_138 = arith.constant 20 : i32
      %scan3A_139 = arith.addi %scan3A_137, %scan3A_138 : i32
      %scan3A_140 = arith.constant 1 : i32
      %scan3A_141 = scf.for %scan3A_202 = %scan3A_137 to %scan3A_139 step %scan3A_140 iter_args(%scan3A_203 = %scan3A_136) -> (i32)  : i32 {
        %mul3A_204 = arith.constant 4 : i32
        %mul3A_205 = arith.muli %scan3A_202, %mul3A_204 : i32
        %add3A_206 = arith.constant 0 : i32
        %add3A_207 = arith.addi %mul3A_205, %add3A_206 : i32
        %get3A_208 = arith.index_cast %rem3A_105 : i32 to index
        %get3A_209 = arith.index_cast %add3A_207 : i32 to index
        %get3A_210 = arith.constant 128 : index
        %get3A_211 = tpu.vector_load %arg11[%get3A_208, %get3A_209, %get3A_210] {strides = array<i32>} : memref<3x80x144xf32, #tpu.memory_space<vmem>>, vector<1x1x16xf32>,
        %get3A_212 = vector.shape_cast %get3A_211 : vector<1x1x16xf32> to vector<16xf32>
        %get3A_213 = arith.index_cast %rem3A_103 : i32 to index
        %get3A_214 = arith.index_cast %add3A_207 : i32 to index
        %get3A_215 = arith.constant 0 : index
        %get3A_216 = tpu.vector_load %arg12[%get3A_213, %get3A_214, %get3A_215] {strides = array<i32>} : memref<2x80x16xf32, #tpu.memory_space<vmem>>, vector<1x1x16xf32>,
        %get3A_217 = vector.shape_cast %get3A_216 : vector<1x1x16xf32> to vector<16xf32>
        %add3A_218 = arith.addf %get3A_212, %get3A_217 : vector<16xf32>
        %gt3A = arith.constant 0.000000e+00 : f32
        %gt3A_219 = vector.broadcast %gt3A : f32 to vector<16xf32>
        %gt3A_220 = arith.cmpf ogt, %add3A_218, %gt3A_219 : vector<16xf32>
        %mul3A_221 = arith.constant 2.000000e-01 : f32
        %mul3A_222 = vector.broadcast %mul3A_221 : f32 to vector<16xf32>
        %mul3A_223 = arith.mulf %mul3A_222, %add3A_218 : vector<16xf32>
        %select_n3A = arith.select %gt3A_220, %add3A_218, %mul3A_223 : vector<16xi1>, vector<16xf32>
        %lt3A = arith.constant 8 : i32
        %lt3A_224 = vector.broadcast %lt3A : i32 to vector<16xi32>
        %lt3A_225 = arith.cmpi slt, %iota3A, %lt3A_224 : vector<16xi32>
        %exp3A = math.exp %select_n3A : vector<16xf32>
        %jit3A = arith.constant 0.000000e+00 : f32
        %broadcast_in_dim3A_226 = vector.broadcast %jit3A : f32 to vector<16xf32>
        %select_n3A_227 = arith.select %lt3A_225, %exp3A, %broadcast_in_dim3A_226 : vector<16xi1>, vector<16xf32>
        %swap3A_228 = arith.index_cast %rem3A_105 : i32 to index
        %swap3A_229 = arith.index_cast %add3A_207 : i32 to index
        %swap3A_230 = arith.constant 128 : index
        %swap3A_231 = tpu.vector_load %arg11[%swap3A_228, %swap3A_229, %swap3A_230] {strides = array<i32>} : memref<3x80x144xf32, #tpu.memory_space<vmem>>, vector<1x1x16xf32>,
        %swap3A_232 = vector.shape_cast %swap3A_231 : vector<1x1x16xf32> to vector<16xf32>
        %swap3A_233 = vector.shape_cast %select_n3A_227 : vector<16xf32> to vector<1x1x16xf32>
        tpu.vector_store %arg11[%swap3A_228, %swap3A_229, %swap3A_230], %swap3A_233 {strides = array<i32>} : memref<3x80x144xf32, #tpu.memory_space<vmem>>, vector<1x1x16xf32>,
        %get3A_234 = arith.index_cast %rem3A_105 : i32 to index
        %get3A_235 = arith.index_cast %add3A_207 : i32 to index
        %get3A_236 = arith.constant 0 : index
        %get3A_237 = tpu.vector_load %arg11[%get3A_234, %get3A_235, %get3A_236] {strides = array<i32>} : memref<3x80x144xf32, #tpu.memory_space<vmem>>, vector<1x1x16xf32>,
        %get3A_238 = vector.shape_cast %get3A_237 : vector<1x1x16xf32> to vector<16xf32>
        %slice3A = vector.extract_strided_slice %select_n3A_227 {offsets = [0], sizes = [1], strides = [1]} : vector<16xf32> to vector<1xf32>
        %squeeze3A = vector.extract %slice3A[0] : f32 from vector<1xf32>
        %mul3A_239 = vector.broadcast %squeeze3A : f32 to vector<16xf32>
        %mul3A_240 = arith.mulf %get3A_238, %mul3A_239 : vector<16xf32>
        %swap3A_241 = arith.index_cast %rem3A_105 : i32 to index
        %swap3A_242 = arith.index_cast %add3A_207 : i32 to index
        %swap3A_243 = arith.constant 0 : index
        %swap3A_244 = tpu.vector_load %arg11[%swap3A_241, %swap3A_242, %swap3A_243] {strides = array<i32>} : memref<3x80x144xf32, #tpu.memory_space<vmem>>, vector<1x1x16xf32>,
        %swap3A_245 = vector.shape_cast %swap3A_244 : vector<1x1x16xf32> to vector<16xf32>
        %swap3A_246 = vector.shape_cast %mul3A_240 : vector<16xf32> to vector<1x1x16xf32>
        tpu.vector_store %arg11[%swap3A_241, %swap3A_242, %swap3A_243], %swap3A_246 {strides = array<i32>} : memref<3x80x144xf32, #tpu.memory_space<vmem>>, vector<1x1x16xf32>,
        %get3A_247 = arith.index_cast %rem3A_105 : i32 to index
        %get3A_248 = arith.index_cast %add3A_207 : i32 to index
        %get3A_249 = arith.constant 16 : index
        %get3A_250 = tpu.vector_load %arg11[%get3A_247, %get3A_248, %get3A_249] {strides = array<i32>} : memref<3x80x144xf32, #tpu.memory_space<vmem>>, vector<1x1x16xf32>,
        %get3A_251 = vector.shape_cast %get3A_250 : vector<1x1x16xf32> to vector<16xf32>
        %slice3A_252 = vector.extract_strided_slice %select_n3A_227 {offsets = [1], sizes = [1], strides = [1]} : vector<16xf32> to vector<1xf32>
        %squeeze3A_253 = vector.extract %slice3A_252[0] : f32 from vector<1xf32>
        %mul3A_254 = vector.broadcast %squeeze3A_253 : f32 to vector<16xf32>
        %mul3A_255 = arith.mulf %get3A_251, %mul3A_254 : vector<16xf32>
        %swap3A_256 = arith.index_cast %rem3A_105 : i32 to index
        %swap3A_257 = arith.index_cast %add3A_207 : i32 to index
        %swap3A_258 = arith.constant 16 : index
        %swap3A_259 = tpu.vector_load %arg11[%swap3A_256, %swap3A_257, %swap3A_258] {strides = array<i32>} : memref<3x80x144xf32, #tpu.memory_space<vmem>>, vector<1x1x16xf32>,
        %swap3A_260 = vector.shape_cast %swap3A_259 : vector<1x1x16xf32> to vector<16xf32>
        %swap3A_261 = vector.shape_cast %mul3A_255 : vector<16xf32> to vector<1x1x16xf32>
        tpu.vector_store %arg11[%swap3A_256, %swap3A_257, %swap3A_258], %swap3A_261 {strides = array<i32>} : memref<3x80x144xf32, #tpu.memory_space<vmem>>, vector<1x1x16xf32>,
        %get3A_262 = arith.index_cast %rem3A_105 : i32 to index
        %get3A_263 = arith.index_cast %add3A_207 : i32 to index
        %get3A_264 = arith.constant 32 : index
        %get3A_265 = tpu.vector_load %arg11[%get3A_262, %get3A_263, %get3A_264] {strides = array<i32>} : memref<3x80x144xf32, #tpu.memory_space<vmem>>, vector<1x1x16xf32>,
        %get3A_266 = vector.shape_cast %get3A_265 : vector<1x1x16xf32> to vector<16xf32>
        %slice3A_267 = vector.extract_strided_slice %select_n3A_227 {offsets = [2], sizes = [1], strides = [1]} : vector<16xf32> to vector<1xf32>
        %squeeze3A_268 = vector.extract %slice3A_267[0] : f32 from vector<1xf32>
        %mul3A_269 = vector.broadcast %squeeze3A_268 : f32 to vector<16xf32>
        %mul3A_270 = arith.mulf %get3A_266, %mul3A_269 : vector<16xf32>
        %swap3A_271 = arith.index_cast %rem3A_105 : i32 to index
        %swap3A_272 = arith.index_cast %add3A_207 : i32 to index
        %swap3A_273 = arith.constant 32 : index
        %swap3A_274 = tpu.vector_load %arg11[%swap3A_271, %swap3A_272, %swap3A_273] {strides = array<i32>} : memref<3x80x144xf32, #tpu.memory_space<vmem>>, vector<1x1x16xf32>,
        %swap3A_275 = vector.shape_cast %swap3A_274 : vector<1x1x16xf32> to vector<16xf32>
        %swap3A_276 = vector.shape_cast %mul3A_270 : vector<16xf32> to vector<1x1x16xf32>
        tpu.vector_store %arg11[%swap3A_271, %swap3A_272, %swap3A_273], %swap3A_276 {strides = array<i32>} : memref<3x80x144xf32, #tpu.memory_space<vmem>>, vector<1x1x16xf32>,
        %get3A_277 = arith.index_cast %rem3A_105 : i32 to index
        %get3A_278 = arith.index_cast %add3A_207 : i32 to index
        %get3A_279 = arith.constant 48 : index
        %get3A_280 = tpu.vector_load %arg11[%get3A_277, %get3A_278, %get3A_279] {strides = array<i32>} : memref<3x80x144xf32, #tpu.memory_space<vmem>>, vector<1x1x16xf32>,
        %get3A_281 = vector.shape_cast %get3A_280 : vector<1x1x16xf32> to vector<16xf32>
        %slice3A_282 = vector.extract_strided_slice %select_n3A_227 {offsets = [3], sizes = [1], strides = [1]} : vector<16xf32> to vector<1xf32>
        %squeeze3A_283 = vector.extract %slice3A_282[0] : f32 from vector<1xf32>
        %mul3A_284 = vector.broadcast %squeeze3A_283 : f32 to vector<16xf32>
        %mul3A_285 = arith.mulf %get3A_281, %mul3A_284 : vector<16xf32>
        %swap3A_286 = arith.index_cast %rem3A_105 : i32 to index
        %swap3A_287 = arith.index_cast %add3A_207 : i32 to index
        %swap3A_288 = arith.constant 48 : index
        %swap3A_289 = tpu.vector_load %arg11[%swap3A_286, %swap3A_287, %swap3A_288] {strides = array<i32>} : memref<3x80x144xf32, #tpu.memory_space<vmem>>, vector<1x1x16xf32>,
        %swap3A_290 = vector.shape_cast %swap3A_289 : vector<1x1x16xf32> to vector<16xf32>
        %swap3A_291 = vector.shape_cast %mul3A_285 : vector<16xf32> to vector<1x1x16xf32>
        tpu.vector_store %arg11[%swap3A_286, %swap3A_287, %swap3A_288], %swap3A_291 {strides = array<i32>} : memref<3x80x144xf32, #tpu.memory_space<vmem>>, vector<1x1x16xf32>,
        %get3A_292 = arith.index_cast %rem3A_105 : i32 to index
        %get3A_293 = arith.index_cast %add3A_207 : i32 to index
        %get3A_294 = arith.constant 64 : index
        %get3A_295 = tpu.vector_load %arg11[%get3A_292, %get3A_293, %get3A_294] {strides = array<i32>} : memref<3x80x144xf32, #tpu.memory_space<vmem>>, vector<1x1x16xf32>,
        %get3A_296 = vector.shape_cast %get3A_295 : vector<1x1x16xf32> to vector<16xf32>
        %slice3A_297 = vector.extract_strided_slice %select_n3A_227 {offsets = [4], sizes = [1], strides = [1]} : vector<16xf32> to vector<1xf32>
        %squeeze3A_298 = vector.extract %slice3A_297[0] : f32 from vector<1xf32>
        %mul3A_299 = vector.broadcast %squeeze3A_298 : f32 to vector<16xf32>
        %mul3A_300 = arith.mulf %get3A_296, %mul3A_299 : vector<16xf32>
        %swap3A_301 = arith.index_cast %rem3A_105 : i32 to index
        %swap3A_302 = arith.index_cast %add3A_207 : i32 to index
        %swap3A_303 = arith.constant 64 : index
        %swap3A_304 = tpu.vector_load %arg11[%swap3A_301, %swap3A_302, %swap3A_303] {strides = array<i32>} : memref<3x80x144xf32, #tpu.memory_space<vmem>>, vector<1x1x16xf32>,
        %swap3A_305 = vector.shape_cast %swap3A_304 : vector<1x1x16xf32> to vector<16xf32>
        %swap3A_306 = vector.shape_cast %mul3A_300 : vector<16xf32> to vector<1x1x16xf32>
        tpu.vector_store %arg11[%swap3A_301, %swap3A_302, %swap3A_303], %swap3A_306 {strides = array<i32>} : memref<3x80x144xf32, #tpu.memory_space<vmem>>, vector<1x1x16xf32>,
        %get3A_307 = arith.index_cast %rem3A_105 : i32 to index
        %get3A_308 = arith.index_cast %add3A_207 : i32 to index
        %get3A_309 = arith.constant 80 : index
        %get3A_310 = tpu.vector_load %arg11[%get3A_307, %get3A_308, %get3A_309] {strides = array<i32>} : memref<3x80x144xf32, #tpu.memory_space<vmem>>, vector<1x1x16xf32>,
        %get3A_311 = vector.shape_cast %get3A_310 : vector<1x1x16xf32> to vector<16xf32>
        %slice3A_312 = vector.extract_strided_slice %select_n3A_227 {offsets = [5], sizes = [1], strides = [1]} : vector<16xf32> to vector<1xf32>
        %squeeze3A_313 = vector.extract %slice3A_312[0] : f32 from vector<1xf32>
        %mul3A_314 = vector.broadcast %squeeze3A_313 : f32 to vector<16xf32>
        %mul3A_315 = arith.mulf %get3A_311, %mul3A_314 : vector<16xf32>
        %swap3A_316 = arith.index_cast %rem3A_105 : i32 to index
        %swap3A_317 = arith.index_cast %add3A_207 : i32 to index
        %swap3A_318 = arith.constant 80 : index
        %swap3A_319 = tpu.vector_load %arg11[%swap3A_316, %swap3A_317, %swap3A_318] {strides = array<i32>} : memref<3x80x144xf32, #tpu.memory_space<vmem>>, vector<1x1x16xf32>,
        %swap3A_320 = vector.shape_cast %swap3A_319 : vector<1x1x16xf32> to vector<16xf32>
        %swap3A_321 = vector.shape_cast %mul3A_315 : vector<16xf32> to vector<1x1x16xf32>
        tpu.vector_store %arg11[%swap3A_316, %swap3A_317, %swap3A_318], %swap3A_321 {strides = array<i32>} : memref<3x80x144xf32, #tpu.memory_space<vmem>>, vector<1x1x16xf32>,
        %get3A_322 = arith.index_cast %rem3A_105 : i32 to index
        %get3A_323 = arith.index_cast %add3A_207 : i32 to index
        %get3A_324 = arith.constant 96 : index
        %get3A_325 = tpu.vector_load %arg11[%get3A_322, %get3A_323, %get3A_324] {strides = array<i32>} : memref<3x80x144xf32, #tpu.memory_space<vmem>>, vector<1x1x16xf32>,
        %get3A_326 = vector.shape_cast %get3A_325 : vector<1x1x16xf32> to vector<16xf32>
        %slice3A_327 = vector.extract_strided_slice %select_n3A_227 {offsets = [6], sizes = [1], strides = [1]} : vector<16xf32> to vector<1xf32>
        %squeeze3A_328 = vector.extract %slice3A_327[0] : f32 from vector<1xf32>
        %mul3A_329 = vector.broadcast %squeeze3A_328 : f32 to vector<16xf32>
        %mul3A_330 = arith.mulf %get3A_326, %mul3A_329 : vector<16xf32>
        %swap3A_331 = arith.index_cast %rem3A_105 : i32 to index
        %swap3A_332 = arith.index_cast %add3A_207 : i32 to index
        %swap3A_333 = arith.constant 96 : index
        %swap3A_334 = tpu.vector_load %arg11[%swap3A_331, %swap3A_332, %swap3A_333] {strides = array<i32>} : memref<3x80x144xf32, #tpu.memory_space<vmem>>, vector<1x1x16xf32>,
        %swap3A_335 = vector.shape_cast %swap3A_334 : vector<1x1x16xf32> to vector<16xf32>
        %swap3A_336 = vector.shape_cast %mul3A_330 : vector<16xf32> to vector<1x1x16xf32>
        tpu.vector_store %arg11[%swap3A_331, %swap3A_332, %swap3A_333], %swap3A_336 {strides = array<i32>} : memref<3x80x144xf32, #tpu.memory_space<vmem>>, vector<1x1x16xf32>,
        %get3A_337 = arith.index_cast %rem3A_105 : i32 to index
        %get3A_338 = arith.index_cast %add3A_207 : i32 to index
        %get3A_339 = arith.constant 112 : index
        %get3A_340 = tpu.vector_load %arg11[%get3A_337, %get3A_338, %get3A_339] {strides = array<i32>} : memref<3x80x144xf32, #tpu.memory_space<vmem>>, vector<1x1x16xf32>,
        %get3A_341 = vector.shape_cast %get3A_340 : vector<1x1x16xf32> to vector<16xf32>
        %slice3A_342 = vector.extract_strided_slice %select_n3A_227 {offsets = [7], sizes = [1], strides = [1]} : vector<16xf32> to vector<1xf32>
        %squeeze3A_343 = vector.extract %slice3A_342[0] : f32 from vector<1xf32>
        %mul3A_344 = vector.broadcast %squeeze3A_343 : f32 to vector<16xf32>
        %mul3A_345 = arith.mulf %get3A_341, %mul3A_344 : vector<16xf32>
        %swap3A_346 = arith.index_cast %rem3A_105 : i32 to index
        %swap3A_347 = arith.index_cast %add3A_207 : i32 to index
        %swap3A_348 = arith.constant 112 : index
        %swap3A_349 = tpu.vector_load %arg11[%swap3A_346, %swap3A_347, %swap3A_348] {strides = array<i32>} : memref<3x80x144xf32, #tpu.memory_space<vmem>>, vector<1x1x16xf32>,
        %swap3A_350 = vector.shape_cast %swap3A_349 : vector<1x1x16xf32> to vector<16xf32>
        %swap3A_351 = vector.shape_cast %mul3A_345 : vector<16xf32> to vector<1x1x16xf32>
        tpu.vector_store %arg11[%swap3A_346, %swap3A_347, %swap3A_348], %swap3A_351 {strides = array<i32>} : memref<3x80x144xf32, #tpu.memory_space<vmem>>, vector<1x1x16xf32>,
        %mul3A_352 = arith.constant 4 : i32
        %mul3A_353 = arith.muli %scan3A_202, %mul3A_352 : i32
        %add3A_354 = arith.constant 1 : i32
        %add3A_355 = arith.addi %mul3A_353, %add3A_354 : i32
        %get3A_356 = arith.index_cast %rem3A_105 : i32 to index
        %get3A_357 = arith.index_cast %add3A_355 : i32 to index
        %get3A_358 = arith.constant 128 : index
        %get3A_359 = tpu.vector_load %arg11[%get3A_356, %get3A_357, %get3A_358] {strides = array<i32>} : memref<3x80x144xf32, #tpu.memory_space<vmem>>, vector<1x1x16xf32>,
        %get3A_360 = vector.shape_cast %get3A_359 : vector<1x1x16xf32> to vector<16xf32>
        %get3A_361 = arith.index_cast %rem3A_103 : i32 to index
        %get3A_362 = arith.index_cast %add3A_355 : i32 to index
        %get3A_363 = arith.constant 0 : index
        %get3A_364 = tpu.vector_load %arg12[%get3A_361, %get3A_362, %get3A_363] {strides = array<i32>} : memref<2x80x16xf32, #tpu.memory_space<vmem>>, vector<1x1x16xf32>,
        %get3A_365 = vector.shape_cast %get3A_364 : vector<1x1x16xf32> to vector<16xf32>
        %add3A_366 = arith.addf %get3A_360, %get3A_365 : vector<16xf32>
        %gt3A_367 = arith.constant 0.000000e+00 : f32
        %gt3A_368 = vector.broadcast %gt3A_367 : f32 to vector<16xf32>
        %gt3A_369 = arith.cmpf ogt, %add3A_366, %gt3A_368 : vector<16xf32>
        %mul3A_370 = arith.constant 2.000000e-01 : f32
        %mul3A_371 = vector.broadcast %mul3A_370 : f32 to vector<16xf32>
        %mul3A_372 = arith.mulf %mul3A_371, %add3A_366 : vector<16xf32>
        %select_n3A_373 = arith.select %gt3A_369, %add3A_366, %mul3A_372 : vector<16xi1>, vector<16xf32>
        %lt3A_374 = arith.constant 8 : i32
        %lt3A_375 = vector.broadcast %lt3A_374 : i32 to vector<16xi32>
        %lt3A_376 = arith.cmpi slt, %iota3A, %lt3A_375 : vector<16xi32>
        %exp3A_377 = math.exp %select_n3A_373 : vector<16xf32>
        %jit3A_378 = arith.constant 0.000000e+00 : f32
        %broadcast_in_dim3A_379 = vector.broadcast %jit3A_378 : f32 to vector<16xf32>
        %select_n3A_380 = arith.select %lt3A_376, %exp3A_377, %broadcast_in_dim3A_379 : vector<16xi1>, vector<16xf32>
        %swap3A_381 = arith.index_cast %rem3A_105 : i32 to index
        %swap3A_382 = arith.index_cast %add3A_355 : i32 to index
        %swap3A_383 = arith.constant 128 : index
        %swap3A_384 = tpu.vector_load %arg11[%swap3A_381, %swap3A_382, %swap3A_383] {strides = array<i32>} : memref<3x80x144xf32, #tpu.memory_space<vmem>>, vector<1x1x16xf32>,
        %swap3A_385 = vector.shape_cast %swap3A_384 : vector<1x1x16xf32> to vector<16xf32>
        %swap3A_386 = vector.shape_cast %select_n3A_380 : vector<16xf32> to vector<1x1x16xf32>
        tpu.vector_store %arg11[%swap3A_381, %swap3A_382, %swap3A_383], %swap3A_386 {strides = array<i32>} : memref<3x80x144xf32, #tpu.memory_space<vmem>>, vector<1x1x16xf32>,
        %get3A_387 = arith.index_cast %rem3A_105 : i32 to index
        %get3A_388 = arith.index_cast %add3A_355 : i32 to index
        %get3A_389 = arith.constant 0 : index
        %get3A_390 = tpu.vector_load %arg11[%get3A_387, %get3A_388, %get3A_389] {strides = array<i32>} : memref<3x80x144xf32, #tpu.memory_space<vmem>>, vector<1x1x16xf32>,
        %get3A_391 = vector.shape_cast %get3A_390 : vector<1x1x16xf32> to vector<16xf32>
        %slice3A_392 = vector.extract_strided_slice %select_n3A_380 {offsets = [0], sizes = [1], strides = [1]} : vector<16xf32> to vector<1xf32>
        %squeeze3A_393 = vector.extract %slice3A_392[0] : f32 from vector<1xf32>
        %mul3A_394 = vector.broadcast %squeeze3A_393 : f32 to vector<16xf32>
        %mul3A_395 = arith.mulf %get3A_391, %mul3A_394 : vector<16xf32>
        %swap3A_396 = arith.index_cast %rem3A_105 : i32 to index
        %swap3A_397 = arith.index_cast %add3A_355 : i32 to index
        %swap3A_398 = arith.constant 0 : index
        %swap3A_399 = tpu.vector_load %arg11[%swap3A_396, %swap3A_397, %swap3A_398] {strides = array<i32>} : memref<3x80x144xf32, #tpu.memory_space<vmem>>, vector<1x1x16xf32>,
        %swap3A_400 = vector.shape_cast %swap3A_399 : vector<1x1x16xf32> to vector<16xf32>
        %swap3A_401 = vector.shape_cast %mul3A_395 : vector<16xf32> to vector<1x1x16xf32>
        tpu.vector_store %arg11[%swap3A_396, %swap3A_397, %swap3A_398], %swap3A_401 {strides = array<i32>} : memref<3x80x144xf32, #tpu.memory_space<vmem>>, vector<1x1x16xf32>,
        %get3A_402 = arith.index_cast %rem3A_105 : i32 to index
        %get3A_403 = arith.index_cast %add3A_355 : i32 to index
        %get3A_404 = arith.constant 16 : index
        %get3A_405 = tpu.vector_load %arg11[%get3A_402, %get3A_403, %get3A_404] {strides = array<i32>} : memref<3x80x144xf32, #tpu.memory_space<vmem>>, vector<1x1x16xf32>,
        %get3A_406 = vector.shape_cast %get3A_405 : vector<1x1x16xf32> to vector<16xf32>
        %slice3A_407 = vector.extract_strided_slice %select_n3A_380 {offsets = [1], sizes = [1], strides = [1]} : vector<16xf32> to vector<1xf32>
        %squeeze3A_408 = vector.extract %slice3A_407[0] : f32 from vector<1xf32>
        %mul3A_409 = vector.broadcast %squeeze3A_408 : f32 to vector<16xf32>
        %mul3A_410 = arith.mulf %get3A_406, %mul3A_409 : vector<16xf32>
        %swap3A_411 = arith.index_cast %rem3A_105 : i32 to index
        %swap3A_412 = arith.index_cast %add3A_355 : i32 to index
        %swap3A_413 = arith.constant 16 : index
        %swap3A_414 = tpu.vector_load %arg11[%swap3A_411, %swap3A_412, %swap3A_413] {strides = array<i32>} : memref<3x80x144xf32, #tpu.memory_space<vmem>>, vector<1x1x16xf32>,
        %swap3A_415 = vector.shape_cast %swap3A_414 : vector<1x1x16xf32> to vector<16xf32>
        %swap3A_416 = vector.shape_cast %mul3A_410 : vector<16xf32> to vector<1x1x16xf32>
        tpu.vector_store %arg11[%swap3A_411, %swap3A_412, %swap3A_413], %swap3A_416 {strides = array<i32>} : memref<3x80x144xf32, #tpu.memory_space<vmem>>, vector<1x1x16xf32>,
        %get3A_417 = arith.index_cast %rem3A_105 : i32 to index
        %get3A_418 = arith.index_cast %add3A_355 : i32 to index
        %get3A_419 = arith.constant 32 : index
        %get3A_420 = tpu.vector_load %arg11[%get3A_417, %get3A_418, %get3A_419] {strides = array<i32>} : memref<3x80x144xf32, #tpu.memory_space<vmem>>, vector<1x1x16xf32>,
        %get3A_421 = vector.shape_cast %get3A_420 : vector<1x1x16xf32> to vector<16xf32>
        %slice3A_422 = vector.extract_strided_slice %select_n3A_380 {offsets = [2], sizes = [1], strides = [1]} : vector<16xf32> to vector<1xf32>
        %squeeze3A_423 = vector.extract %slice3A_422[0] : f32 from vector<1xf32>
        %mul3A_424 = vector.broadcast %squeeze3A_423 : f32 to vector<16xf32>
        %mul3A_425 = arith.mulf %get3A_421, %mul3A_424 : vector<16xf32>
        %swap3A_426 = arith.index_cast %rem3A_105 : i32 to index
        %swap3A_427 = arith.index_cast %add3A_355 : i32 to index
        %swap3A_428 = arith.constant 32 : index
        %swap3A_429 = tpu.vector_load %arg11[%swap3A_426, %swap3A_427, %swap3A_428] {strides = array<i32>} : memref<3x80x144xf32, #tpu.memory_space<vmem>>, vector<1x1x16xf32>,
        %swap3A_430 = vector.shape_cast %swap3A_429 : vector<1x1x16xf32> to vector<16xf32>
        %swap3A_431 = vector.shape_cast %mul3A_425 : vector<16xf32> to vector<1x1x16xf32>
        tpu.vector_store %arg11[%swap3A_426, %swap3A_427, %swap3A_428], %swap3A_431 {strides = array<i32>} : memref<3x80x144xf32, #tpu.memory_space<vmem>>, vector<1x1x16xf32>,
        %get3A_432 = arith.index_cast %rem3A_105 : i32 to index
        %get3A_433 = arith.index_cast %add3A_355 : i32 to index
        %get3A_434 = arith.constant 48 : index
        %get3A_435 = tpu.vector_load %arg11[%get3A_432, %get3A_433, %get3A_434] {strides = array<i32>} : memref<3x80x144xf32, #tpu.memory_space<vmem>>, vector<1x1x16xf32>,
        %get3A_436 = vector.shape_cast %get3A_435 : vector<1x1x16xf32> to vector<16xf32>
        %slice3A_437 = vector.extract_strided_slice %select_n3A_380 {offsets = [3], sizes = [1], strides = [1]} : vector<16xf32> to vector<1xf32>
        %squeeze3A_438 = vector.extract %slice3A_437[0] : f32 from vector<1xf32>
        %mul3A_439 = vector.broadcast %squeeze3A_438 : f32 to vector<16xf32>
        %mul3A_440 = arith.mulf %get3A_436, %mul3A_439 : vector<16xf32>
        %swap3A_441 = arith.index_cast %rem3A_105 : i32 to index
        %swap3A_442 = arith.index_cast %add3A_355 : i32 to index
        %swap3A_443 = arith.constant 48 : index
        %swap3A_444 = tpu.vector_load %arg11[%swap3A_441, %swap3A_442, %swap3A_443] {strides = array<i32>} : memref<3x80x144xf32, #tpu.memory_space<vmem>>, vector<1x1x16xf32>,
        %swap3A_445 = vector.shape_cast %swap3A_444 : vector<1x1x16xf32> to vector<16xf32>
        %swap3A_446 = vector.shape_cast %mul3A_440 : vector<16xf32> to vector<1x1x16xf32>
        tpu.vector_store %arg11[%swap3A_441, %swap3A_442, %swap3A_443], %swap3A_446 {strides = array<i32>} : memref<3x80x144xf32, #tpu.memory_space<vmem>>, vector<1x1x16xf32>,
        %get3A_447 = arith.index_cast %rem3A_105 : i32 to index
        %get3A_448 = arith.index_cast %add3A_355 : i32 to index
        %get3A_449 = arith.constant 64 : index
        %get3A_450 = tpu.vector_load %arg11[%get3A_447, %get3A_448, %get3A_449] {strides = array<i32>} : memref<3x80x144xf32, #tpu.memory_space<vmem>>, vector<1x1x16xf32>,
        %get3A_451 = vector.shape_cast %get3A_450 : vector<1x1x16xf32> to vector<16xf32>
        %slice3A_452 = vector.extract_strided_slice %select_n3A_380 {offsets = [4], sizes = [1], strides = [1]} : vector<16xf32> to vector<1xf32>
        %squeeze3A_453 = vector.extract %slice3A_452[0] : f32 from vector<1xf32>
        %mul3A_454 = vector.broadcast %squeeze3A_453 : f32 to vector<16xf32>
        %mul3A_455 = arith.mulf %get3A_451, %mul3A_454 : vector<16xf32>
        %swap3A_456 = arith.index_cast %rem3A_105 : i32 to index
        %swap3A_457 = arith.index_cast %add3A_355 : i32 to index
        %swap3A_458 = arith.constant 64 : index
        %swap3A_459 = tpu.vector_load %arg11[%swap3A_456, %swap3A_457, %swap3A_458] {strides = array<i32>} : memref<3x80x144xf32, #tpu.memory_space<vmem>>, vector<1x1x16xf32>,
        %swap3A_460 = vector.shape_cast %swap3A_459 : vector<1x1x16xf32> to vector<16xf32>
        %swap3A_461 = vector.shape_cast %mul3A_455 : vector<16xf32> to vector<1x1x16xf32>
        tpu.vector_store %arg11[%swap3A_456, %swap3A_457, %swap3A_458], %swap3A_461 {strides = array<i32>} : memref<3x80x144xf32, #tpu.memory_space<vmem>>, vector<1x1x16xf32>,
        %get3A_462 = arith.index_cast %rem3A_105 : i32 to index
        %get3A_463 = arith.index_cast %add3A_355 : i32 to index
        %get3A_464 = arith.constant 80 : index
        %get3A_465 = tpu.vector_load %arg11[%get3A_462, %get3A_463, %get3A_464] {strides = array<i32>} : memref<3x80x144xf32, #tpu.memory_space<vmem>>, vector<1x1x16xf32>,
        %get3A_466 = vector.shape_cast %get3A_465 : vector<1x1x16xf32> to vector<16xf32>
        %slice3A_467 = vector.extract_strided_slice %select_n3A_380 {offsets = [5], sizes = [1], strides = [1]} : vector<16xf32> to vector<1xf32>
        %squeeze3A_468 = vector.extract %slice3A_467[0] : f32 from vector<1xf32>
        %mul3A_469 = vector.broadcast %squeeze3A_468 : f32 to vector<16xf32>
        %mul3A_470 = arith.mulf %get3A_466, %mul3A_469 : vector<16xf32>
        %swap3A_471 = arith.index_cast %rem3A_105 : i32 to index
        %swap3A_472 = arith.index_cast %add3A_355 : i32 to index
        %swap3A_473 = arith.constant 80 : index
        %swap3A_474 = tpu.vector_load %arg11[%swap3A_471, %swap3A_472, %swap3A_473] {strides = array<i32>} : memref<3x80x144xf32, #tpu.memory_space<vmem>>, vector<1x1x16xf32>,
        %swap3A_475 = vector.shape_cast %swap3A_474 : vector<1x1x16xf32> to vector<16xf32>
        %swap3A_476 = vector.shape_cast %mul3A_470 : vector<16xf32> to vector<1x1x16xf32>
        tpu.vector_store %arg11[%swap3A_471, %swap3A_472, %swap3A_473], %swap3A_476 {strides = array<i32>} : memref<3x80x144xf32, #tpu.memory_space<vmem>>, vector<1x1x16xf32>,
        %get3A_477 = arith.index_cast %rem3A_105 : i32 to index
        %get3A_478 = arith.index_cast %add3A_355 : i32 to index
        %get3A_479 = arith.constant 96 : index
        %get3A_480 = tpu.vector_load %arg11[%get3A_477, %get3A_478, %get3A_479] {strides = array<i32>} : memref<3x80x144xf32, #tpu.memory_space<vmem>>, vector<1x1x16xf32>,
        %get3A_481 = vector.shape_cast %get3A_480 : vector<1x1x16xf32> to vector<16xf32>
        %slice3A_482 = vector.extract_strided_slice %select_n3A_380 {offsets = [6], sizes = [1], strides = [1]} : vector<16xf32> to vector<1xf32>
        %squeeze3A_483 = vector.extract %slice3A_482[0] : f32 from vector<1xf32>
        %mul3A_484 = vector.broadcast %squeeze3A_483 : f32 to vector<16xf32>
        %mul3A_485 = arith.mulf %get3A_481, %mul3A_484 : vector<16xf32>
        %swap3A_486 = arith.index_cast %rem3A_105 : i32 to index
        %swap3A_487 = arith.index_cast %add3A_355 : i32 to index
        %swap3A_488 = arith.constant 96 : index
        %swap3A_489 = tpu.vector_load %arg11[%swap3A_486, %swap3A_487, %swap3A_488] {strides = array<i32>} : memref<3x80x144xf32, #tpu.memory_space<vmem>>, vector<1x1x16xf32>,
        %swap3A_490 = vector.shape_cast %swap3A_489 : vector<1x1x16xf32> to vector<16xf32>
        %swap3A_491 = vector.shape_cast %mul3A_485 : vector<16xf32> to vector<1x1x16xf32>
        tpu.vector_store %arg11[%swap3A_486, %swap3A_487, %swap3A_488], %swap3A_491 {strides = array<i32>} : memref<3x80x144xf32, #tpu.memory_space<vmem>>, vector<1x1x16xf32>,
        %get3A_492 = arith.index_cast %rem3A_105 : i32 to index
        %get3A_493 = arith.index_cast %add3A_355 : i32 to index
        %get3A_494 = arith.constant 112 : index
        %get3A_495 = tpu.vector_load %arg11[%get3A_492, %get3A_493, %get3A_494] {strides = array<i32>} : memref<3x80x144xf32, #tpu.memory_space<vmem>>, vector<1x1x16xf32>,
        %get3A_496 = vector.shape_cast %get3A_495 : vector<1x1x16xf32> to vector<16xf32>
        %slice3A_497 = vector.extract_strided_slice %select_n3A_380 {offsets = [7], sizes = [1], strides = [1]} : vector<16xf32> to vector<1xf32>
        %squeeze3A_498 = vector.extract %slice3A_497[0] : f32 from vector<1xf32>
        %mul3A_499 = vector.broadcast %squeeze3A_498 : f32 to vector<16xf32>
        %mul3A_500 = arith.mulf %get3A_496, %mul3A_499 : vector<16xf32>
        %swap3A_501 = arith.index_cast %rem3A_105 : i32 to index
        %swap3A_502 = arith.index_cast %add3A_355 : i32 to index
        %swap3A_503 = arith.constant 112 : index
        %swap3A_504 = tpu.vector_load %arg11[%swap3A_501, %swap3A_502, %swap3A_503] {strides = array<i32>} : memref<3x80x144xf32, #tpu.memory_space<vmem>>, vector<1x1x16xf32>,
        %swap3A_505 = vector.shape_cast %swap3A_504 : vector<1x1x16xf32> to vector<16xf32>
        %swap3A_506 = vector.shape_cast %mul3A_500 : vector<16xf32> to vector<1x1x16xf32>
        tpu.vector_store %arg11[%swap3A_501, %swap3A_502, %swap3A_503], %swap3A_506 {strides = array<i32>} : memref<3x80x144xf32, #tpu.memory_space<vmem>>, vector<1x1x16xf32>,
        %mul3A_507 = arith.constant 4 : i32
        %mul3A_508 = arith.muli %scan3A_202, %mul3A_507 : i32
        %add3A_509 = arith.constant 2 : i32
        %add3A_510 = arith.addi %mul3A_508, %add3A_509 : i32
        %get3A_511 = arith.index_cast %rem3A_105 : i32 to index
        %get3A_512 = arith.index_cast %add3A_510 : i32 to index
        %get3A_513 = arith.constant 128 : index
        %get3A_514 = tpu.vector_load %arg11[%get3A_511, %get3A_512, %get3A_513] {strides = array<i32>} : memref<3x80x144xf32, #tpu.memory_space<vmem>>, vector<1x1x16xf32>,
        %get3A_515 = vector.shape_cast %get3A_514 : vector<1x1x16xf32> to vector<16xf32>
        %get3A_516 = arith.index_cast %rem3A_103 : i32 to index
        %get3A_517 = arith.index_cast %add3A_510 : i32 to index
        %get3A_518 = arith.constant 0 : index
        %get3A_519 = tpu.vector_load %arg12[%get3A_516, %get3A_517, %get3A_518] {strides = array<i32>} : memref<2x80x16xf32, #tpu.memory_space<vmem>>, vector<1x1x16xf32>,
        %get3A_520 = vector.shape_cast %get3A_519 : vector<1x1x16xf32> to vector<16xf32>
        %add3A_521 = arith.addf %get3A_515, %get3A_520 : vector<16xf32>
        %gt3A_522 = arith.constant 0.000000e+00 : f32
        %gt3A_523 = vector.broadcast %gt3A_522 : f32 to vector<16xf32>
        %gt3A_524 = arith.cmpf ogt, %add3A_521, %gt3A_523 : vector<16xf32>
        %mul3A_525 = arith.constant 2.000000e-01 : f32
        %mul3A_526 = vector.broadcast %mul3A_525 : f32 to vector<16xf32>
        %mul3A_527 = arith.mulf %mul3A_526, %add3A_521 : vector<16xf32>
        %select_n3A_528 = arith.select %gt3A_524, %add3A_521, %mul3A_527 : vector<16xi1>, vector<16xf32>
        %lt3A_529 = arith.constant 8 : i32
        %lt3A_530 = vector.broadcast %lt3A_529 : i32 to vector<16xi32>
        %lt3A_531 = arith.cmpi slt, %iota3A, %lt3A_530 : vector<16xi32>
        %exp3A_532 = math.exp %select_n3A_528 : vector<16xf32>
        %jit3A_533 = arith.constant 0.000000e+00 : f32
        %broadcast_in_dim3A_534 = vector.broadcast %jit3A_533 : f32 to vector<16xf32>
        %select_n3A_535 = arith.select %lt3A_531, %exp3A_532, %broadcast_in_dim3A_534 : vector<16xi1>, vector<16xf32>
        %swap3A_536 = arith.index_cast %rem3A_105 : i32 to index
        %swap3A_537 = arith.index_cast %add3A_510 : i32 to index
        %swap3A_538 = arith.constant 128 : index
        %swap3A_539 = tpu.vector_load %arg11[%swap3A_536, %swap3A_537, %swap3A_538] {strides = array<i32>} : memref<3x80x144xf32, #tpu.memory_space<vmem>>, vector<1x1x16xf32>,
        %swap3A_540 = vector.shape_cast %swap3A_539 : vector<1x1x16xf32> to vector<16xf32>
        %swap3A_541 = vector.shape_cast %select_n3A_535 : vector<16xf32> to vector<1x1x16xf32>
        tpu.vector_store %arg11[%swap3A_536, %swap3A_537, %swap3A_538], %swap3A_541 {strides = array<i32>} : memref<3x80x144xf32, #tpu.memory_space<vmem>>, vector<1x1x16xf32>,
        %get3A_542 = arith.index_cast %rem3A_105 : i32 to index
        %get3A_543 = arith.index_cast %add3A_510 : i32 to index
        %get3A_544 = arith.constant 0 : index
        %get3A_545 = tpu.vector_load %arg11[%get3A_542, %get3A_543, %get3A_544] {strides = array<i32>} : memref<3x80x144xf32, #tpu.memory_space<vmem>>, vector<1x1x16xf32>,
        %get3A_546 = vector.shape_cast %get3A_545 : vector<1x1x16xf32> to vector<16xf32>
        %slice3A_547 = vector.extract_strided_slice %select_n3A_535 {offsets = [0], sizes = [1], strides = [1]} : vector<16xf32> to vector<1xf32>
        %squeeze3A_548 = vector.extract %slice3A_547[0] : f32 from vector<1xf32>
        %mul3A_549 = vector.broadcast %squeeze3A_548 : f32 to vector<16xf32>
        %mul3A_550 = arith.mulf %get3A_546, %mul3A_549 : vector<16xf32>
        %swap3A_551 = arith.index_cast %rem3A_105 : i32 to index
        %swap3A_552 = arith.index_cast %add3A_510 : i32 to index
        %swap3A_553 = arith.constant 0 : index
        %swap3A_554 = tpu.vector_load %arg11[%swap3A_551, %swap3A_552, %swap3A_553] {strides = array<i32>} : memref<3x80x144xf32, #tpu.memory_space<vmem>>, vector<1x1x16xf32>,
        %swap3A_555 = vector.shape_cast %swap3A_554 : vector<1x1x16xf32> to vector<16xf32>
        %swap3A_556 = vector.shape_cast %mul3A_550 : vector<16xf32> to vector<1x1x16xf32>
        tpu.vector_store %arg11[%swap3A_551, %swap3A_552, %swap3A_553], %swap3A_556 {strides = array<i32>} : memref<3x80x144xf32, #tpu.memory_space<vmem>>, vector<1x1x16xf32>,
        %get3A_557 = arith.index_cast %rem3A_105 : i32 to index
        %get3A_558 = arith.index_cast %add3A_510 : i32 to index
        %get3A_559 = arith.constant 16 : index
        %get3A_560 = tpu.vector_load %arg11[%get3A_557, %get3A_558, %get3A_559] {strides = array<i32>} : memref<3x80x144xf32, #tpu.memory_space<vmem>>, vector<1x1x16xf32>,
        %get3A_561 = vector.shape_cast %get3A_560 : vector<1x1x16xf32> to vector<16xf32>
        %slice3A_562 = vector.extract_strided_slice %select_n3A_535 {offsets = [1], sizes = [1], strides = [1]} : vector<16xf32> to vector<1xf32>
        %squeeze3A_563 = vector.extract %slice3A_562[0] : f32 from vector<1xf32>
        %mul3A_564 = vector.broadcast %squeeze3A_563 : f32 to vector<16xf32>
        %mul3A_565 = arith.mulf %get3A_561, %mul3A_564 : vector<16xf32>
        %swap3A_566 = arith.index_cast %rem3A_105 : i32 to index
        %swap3A_567 = arith.index_cast %add3A_510 : i32 to index
        %swap3A_568 = arith.constant 16 : index
        %swap3A_569 = tpu.vector_load %arg11[%swap3A_566, %swap3A_567, %swap3A_568] {strides = array<i32>} : memref<3x80x144xf32, #tpu.memory_space<vmem>>, vector<1x1x16xf32>,
        %swap3A_570 = vector.shape_cast %swap3A_569 : vector<1x1x16xf32> to vector<16xf32>
        %swap3A_571 = vector.shape_cast %mul3A_565 : vector<16xf32> to vector<1x1x16xf32>
        tpu.vector_store %arg11[%swap3A_566, %swap3A_567, %swap3A_568], %swap3A_571 {strides = array<i32>} : memref<3x80x144xf32, #tpu.memory_space<vmem>>, vector<1x1x16xf32>,
        %get3A_572 = arith.index_cast %rem3A_105 : i32 to index
        %get3A_573 = arith.index_cast %add3A_510 : i32 to index
        %get3A_574 = arith.constant 32 : index
        %get3A_575 = tpu.vector_load %arg11[%get3A_572, %get3A_573, %get3A_574] {strides = array<i32>} : memref<3x80x144xf32, #tpu.memory_space<vmem>>, vector<1x1x16xf32>,
        %get3A_576 = vector.shape_cast %get3A_575 : vector<1x1x16xf32> to vector<16xf32>
        %slice3A_577 = vector.extract_strided_slice %select_n3A_535 {offsets = [2], sizes = [1], strides = [1]} : vector<16xf32> to vector<1xf32>
        %squeeze3A_578 = vector.extract %slice3A_577[0] : f32 from vector<1xf32>
        %mul3A_579 = vector.broadcast %squeeze3A_578 : f32 to vector<16xf32>
        %mul3A_580 = arith.mulf %get3A_576, %mul3A_579 : vector<16xf32>
        %swap3A_581 = arith.index_cast %rem3A_105 : i32 to index
        %swap3A_582 = arith.index_cast %add3A_510 : i32 to index
        %swap3A_583 = arith.constant 32 : index
        %swap3A_584 = tpu.vector_load %arg11[%swap3A_581, %swap3A_582, %swap3A_583] {strides = array<i32>} : memref<3x80x144xf32, #tpu.memory_space<vmem>>, vector<1x1x16xf32>,
        %swap3A_585 = vector.shape_cast %swap3A_584 : vector<1x1x16xf32> to vector<16xf32>
        %swap3A_586 = vector.shape_cast %mul3A_580 : vector<16xf32> to vector<1x1x16xf32>
        tpu.vector_store %arg11[%swap3A_581, %swap3A_582, %swap3A_583], %swap3A_586 {strides = array<i32>} : memref<3x80x144xf32, #tpu.memory_space<vmem>>, vector<1x1x16xf32>,
        %get3A_587 = arith.index_cast %rem3A_105 : i32 to index
        %get3A_588 = arith.index_cast %add3A_510 : i32 to index
        %get3A_589 = arith.constant 48 : index
        %get3A_590 = tpu.vector_load %arg11[%get3A_587, %get3A_588, %get3A_589] {strides = array<i32>} : memref<3x80x144xf32, #tpu.memory_space<vmem>>, vector<1x1x16xf32>,
        %get3A_591 = vector.shape_cast %get3A_590 : vector<1x1x16xf32> to vector<16xf32>
        %slice3A_592 = vector.extract_strided_slice %select_n3A_535 {offsets = [3], sizes = [1], strides = [1]} : vector<16xf32> to vector<1xf32>
        %squeeze3A_593 = vector.extract %slice3A_592[0] : f32 from vector<1xf32>
        %mul3A_594 = vector.broadcast %squeeze3A_593 : f32 to vector<16xf32>
        %mul3A_595 = arith.mulf %get3A_591, %mul3A_594 : vector<16xf32>
        %swap3A_596 = arith.index_cast %rem3A_105 : i32 to index
        %swap3A_597 = arith.index_cast %add3A_510 : i32 to index
        %swap3A_598 = arith.constant 48 : index
        %swap3A_599 = tpu.vector_load %arg11[%swap3A_596, %swap3A_597, %swap3A_598] {strides = array<i32>} : memref<3x80x144xf32, #tpu.memory_space<vmem>>, vector<1x1x16xf32>,
        %swap3A_600 = vector.shape_cast %swap3A_599 : vector<1x1x16xf32> to vector<16xf32>
        %swap3A_601 = vector.shape_cast %mul3A_595 : vector<16xf32> to vector<1x1x16xf32>
        tpu.vector_store %arg11[%swap3A_596, %swap3A_597, %swap3A_598], %swap3A_601 {strides = array<i32>} : memref<3x80x144xf32, #tpu.memory_space<vmem>>, vector<1x1x16xf32>,
        %get3A_602 = arith.index_cast %rem3A_105 : i32 to index
        %get3A_603 = arith.index_cast %add3A_510 : i32 to index
        %get3A_604 = arith.constant 64 : index
        %get3A_605 = tpu.vector_load %arg11[%get3A_602, %get3A_603, %get3A_604] {strides = array<i32>} : memref<3x80x144xf32, #tpu.memory_space<vmem>>, vector<1x1x16xf32>,
        %get3A_606 = vector.shape_cast %get3A_605 : vector<1x1x16xf32> to vector<16xf32>
        %slice3A_607 = vector.extract_strided_slice %select_n3A_535 {offsets = [4], sizes = [1], strides = [1]} : vector<16xf32> to vector<1xf32>
        %squeeze3A_608 = vector.extract %slice3A_607[0] : f32 from vector<1xf32>
        %mul3A_609 = vector.broadcast %squeeze3A_608 : f32 to vector<16xf32>
        %mul3A_610 = arith.mulf %get3A_606, %mul3A_609 : vector<16xf32>
        %swap3A_611 = arith.index_cast %rem3A_105 : i32 to index
        %swap3A_612 = arith.index_cast %add3A_510 : i32 to index
        %swap3A_613 = arith.constant 64 : index
        %swap3A_614 = tpu.vector_load %arg11[%swap3A_611, %swap3A_612, %swap3A_613] {strides = array<i32>} : memref<3x80x144xf32, #tpu.memory_space<vmem>>, vector<1x1x16xf32>,
        %swap3A_615 = vector.shape_cast %swap3A_614 : vector<1x1x16xf32> to vector<16xf32>
        %swap3A_616 = vector.shape_cast %mul3A_610 : vector<16xf32> to vector<1x1x16xf32>
        tpu.vector_store %arg11[%swap3A_611, %swap3A_612, %swap3A_613], %swap3A_616 {strides = array<i32>} : memref<3x80x144xf32, #tpu.memory_space<vmem>>, vector<1x1x16xf32>,
        %get3A_617 = arith.index_cast %rem3A_105 : i32 to index
        %get3A_618 = arith.index_cast %add3A_510 : i32 to index
        %get3A_619 = arith.constant 80 : index
        %get3A_620 = tpu.vector_load %arg11[%get3A_617, %get3A_618, %get3A_619] {strides = array<i32>} : memref<3x80x144xf32, #tpu.memory_space<vmem>>, vector<1x1x16xf32>,
        %get3A_621 = vector.shape_cast %get3A_620 : vector<1x1x16xf32> to vector<16xf32>
        %slice3A_622 = vector.extract_strided_slice %select_n3A_535 {offsets = [5], sizes = [1], strides = [1]} : vector<16xf32> to vector<1xf32>
        %squeeze3A_623 = vector.extract %slice3A_622[0] : f32 from vector<1xf32>
        %mul3A_624 = vector.broadcast %squeeze3A_623 : f32 to vector<16xf32>
        %mul3A_625 = arith.mulf %get3A_621, %mul3A_624 : vector<16xf32>
        %swap3A_626 = arith.index_cast %rem3A_105 : i32 to index
        %swap3A_627 = arith.index_cast %add3A_510 : i32 to index
        %swap3A_628 = arith.constant 80 : index
        %swap3A_629 = tpu.vector_load %arg11[%swap3A_626, %swap3A_627, %swap3A_628] {strides = array<i32>} : memref<3x80x144xf32, #tpu.memory_space<vmem>>, vector<1x1x16xf32>,
        %swap3A_630 = vector.shape_cast %swap3A_629 : vector<1x1x16xf32> to vector<16xf32>
        %swap3A_631 = vector.shape_cast %mul3A_625 : vector<16xf32> to vector<1x1x16xf32>
        tpu.vector_store %arg11[%swap3A_626, %swap3A_627, %swap3A_628], %swap3A_631 {strides = array<i32>} : memref<3x80x144xf32, #tpu.memory_space<vmem>>, vector<1x1x16xf32>,
        %get3A_632 = arith.index_cast %rem3A_105 : i32 to index
        %get3A_633 = arith.index_cast %add3A_510 : i32 to index
        %get3A_634 = arith.constant 96 : index
        %get3A_635 = tpu.vector_load %arg11[%get3A_632, %get3A_633, %get3A_634] {strides = array<i32>} : memref<3x80x144xf32, #tpu.memory_space<vmem>>, vector<1x1x16xf32>,
        %get3A_636 = vector.shape_cast %get3A_635 : vector<1x1x16xf32> to vector<16xf32>
        %slice3A_637 = vector.extract_strided_slice %select_n3A_535 {offsets = [6], sizes = [1], strides = [1]} : vector<16xf32> to vector<1xf32>
        %squeeze3A_638 = vector.extract %slice3A_637[0] : f32 from vector<1xf32>
        %mul3A_639 = vector.broadcast %squeeze3A_638 : f32 to vector<16xf32>
        %mul3A_640 = arith.mulf %get3A_636, %mul3A_639 : vector<16xf32>
        %swap3A_641 = arith.index_cast %rem3A_105 : i32 to index
        %swap3A_642 = arith.index_cast %add3A_510 : i32 to index
        %swap3A_643 = arith.constant 96 : index
        %swap3A_644 = tpu.vector_load %arg11[%swap3A_641, %swap3A_642, %swap3A_643] {strides = array<i32>} : memref<3x80x144xf32, #tpu.memory_space<vmem>>, vector<1x1x16xf32>,
        %swap3A_645 = vector.shape_cast %swap3A_644 : vector<1x1x16xf32> to vector<16xf32>
        %swap3A_646 = vector.shape_cast %mul3A_640 : vector<16xf32> to vector<1x1x16xf32>
        tpu.vector_store %arg11[%swap3A_641, %swap3A_642, %swap3A_643], %swap3A_646 {strides = array<i32>} : memref<3x80x144xf32, #tpu.memory_space<vmem>>, vector<1x1x16xf32>,
        %get3A_647 = arith.index_cast %rem3A_105 : i32 to index
        %get3A_648 = arith.index_cast %add3A_510 : i32 to index
        %get3A_649 = arith.constant 112 : index
        %get3A_650 = tpu.vector_load %arg11[%get3A_647, %get3A_648, %get3A_649] {strides = array<i32>} : memref<3x80x144xf32, #tpu.memory_space<vmem>>, vector<1x1x16xf32>,
        %get3A_651 = vector.shape_cast %get3A_650 : vector<1x1x16xf32> to vector<16xf32>
        %slice3A_652 = vector.extract_strided_slice %select_n3A_535 {offsets = [7], sizes = [1], strides = [1]} : vector<16xf32> to vector<1xf32>
        %squeeze3A_653 = vector.extract %slice3A_652[0] : f32 from vector<1xf32>
        %mul3A_654 = vector.broadcast %squeeze3A_653 : f32 to vector<16xf32>
        %mul3A_655 = arith.mulf %get3A_651, %mul3A_654 : vector<16xf32>
        %swap3A_656 = arith.index_cast %rem3A_105 : i32 to index
        %swap3A_657 = arith.index_cast %add3A_510 : i32 to index
        %swap3A_658 = arith.constant 112 : index
        %swap3A_659 = tpu.vector_load %arg11[%swap3A_656, %swap3A_657, %swap3A_658] {strides = array<i32>} : memref<3x80x144xf32, #tpu.memory_space<vmem>>, vector<1x1x16xf32>,
        %swap3A_660 = vector.shape_cast %swap3A_659 : vector<1x1x16xf32> to vector<16xf32>
        %swap3A_661 = vector.shape_cast %mul3A_655 : vector<16xf32> to vector<1x1x16xf32>
        tpu.vector_store %arg11[%swap3A_656, %swap3A_657, %swap3A_658], %swap3A_661 {strides = array<i32>} : memref<3x80x144xf32, #tpu.memory_space<vmem>>, vector<1x1x16xf32>,
        %mul3A_662 = arith.constant 4 : i32
        %mul3A_663 = arith.muli %scan3A_202, %mul3A_662 : i32
        %add3A_664 = arith.constant 3 : i32
        %add3A_665 = arith.addi %mul3A_663, %add3A_664 : i32
        %get3A_666 = arith.index_cast %rem3A_105 : i32 to index
        %get3A_667 = arith.index_cast %add3A_665 : i32 to index
        %get3A_668 = arith.constant 128 : index
        %get3A_669 = tpu.vector_load %arg11[%get3A_666, %get3A_667, %get3A_668] {strides = array<i32>} : memref<3x80x144xf32, #tpu.memory_space<vmem>>, vector<1x1x16xf32>,
        %get3A_670 = vector.shape_cast %get3A_669 : vector<1x1x16xf32> to vector<16xf32>
        %get3A_671 = arith.index_cast %rem3A_103 : i32 to index
        %get3A_672 = arith.index_cast %add3A_665 : i32 to index
        %get3A_673 = arith.constant 0 : index
        %get3A_674 = tpu.vector_load %arg12[%get3A_671, %get3A_672, %get3A_673] {strides = array<i32>} : memref<2x80x16xf32, #tpu.memory_space<vmem>>, vector<1x1x16xf32>,
        %get3A_675 = vector.shape_cast %get3A_674 : vector<1x1x16xf32> to vector<16xf32>
        %add3A_676 = arith.addf %get3A_670, %get3A_675 : vector<16xf32>
        %gt3A_677 = arith.constant 0.000000e+00 : f32
        %gt3A_678 = vector.broadcast %gt3A_677 : f32 to vector<16xf32>
        %gt3A_679 = arith.cmpf ogt, %add3A_676, %gt3A_678 : vector<16xf32>
        %mul3A_680 = arith.constant 2.000000e-01 : f32
        %mul3A_681 = vector.broadcast %mul3A_680 : f32 to vector<16xf32>
        %mul3A_682 = arith.mulf %mul3A_681, %add3A_676 : vector<16xf32>
        %select_n3A_683 = arith.select %gt3A_679, %add3A_676, %mul3A_682 : vector<16xi1>, vector<16xf32>
        %lt3A_684 = arith.constant 8 : i32
        %lt3A_685 = vector.broadcast %lt3A_684 : i32 to vector<16xi32>
        %lt3A_686 = arith.cmpi slt, %iota3A, %lt3A_685 : vector<16xi32>
        %exp3A_687 = math.exp %select_n3A_683 : vector<16xf32>
        %jit3A_688 = arith.constant 0.000000e+00 : f32
        %broadcast_in_dim3A_689 = vector.broadcast %jit3A_688 : f32 to vector<16xf32>
        %select_n3A_690 = arith.select %lt3A_686, %exp3A_687, %broadcast_in_dim3A_689 : vector<16xi1>, vector<16xf32>
        %swap3A_691 = arith.index_cast %rem3A_105 : i32 to index
        %swap3A_692 = arith.index_cast %add3A_665 : i32 to index
        %swap3A_693 = arith.constant 128 : index
        %swap3A_694 = tpu.vector_load %arg11[%swap3A_691, %swap3A_692, %swap3A_693] {strides = array<i32>} : memref<3x80x144xf32, #tpu.memory_space<vmem>>, vector<1x1x16xf32>,
        %swap3A_695 = vector.shape_cast %swap3A_694 : vector<1x1x16xf32> to vector<16xf32>
        %swap3A_696 = vector.shape_cast %select_n3A_690 : vector<16xf32> to vector<1x1x16xf32>
        tpu.vector_store %arg11[%swap3A_691, %swap3A_692, %swap3A_693], %swap3A_696 {strides = array<i32>} : memref<3x80x144xf32, #tpu.memory_space<vmem>>, vector<1x1x16xf32>,
        %get3A_697 = arith.index_cast %rem3A_105 : i32 to index
        %get3A_698 = arith.index_cast %add3A_665 : i32 to index
        %get3A_699 = arith.constant 0 : index
        %get3A_700 = tpu.vector_load %arg11[%get3A_697, %get3A_698, %get3A_699] {strides = array<i32>} : memref<3x80x144xf32, #tpu.memory_space<vmem>>, vector<1x1x16xf32>,
        %get3A_701 = vector.shape_cast %get3A_700 : vector<1x1x16xf32> to vector<16xf32>
        %slice3A_702 = vector.extract_strided_slice %select_n3A_690 {offsets = [0], sizes = [1], strides = [1]} : vector<16xf32> to vector<1xf32>
        %squeeze3A_703 = vector.extract %slice3A_702[0] : f32 from vector<1xf32>
        %mul3A_704 = vector.broadcast %squeeze3A_703 : f32 to vector<16xf32>
        %mul3A_705 = arith.mulf %get3A_701, %mul3A_704 : vector<16xf32>
        %swap3A_706 = arith.index_cast %rem3A_105 : i32 to index
        %swap3A_707 = arith.index_cast %add3A_665 : i32 to index
        %swap3A_708 = arith.constant 0 : index
        %swap3A_709 = tpu.vector_load %arg11[%swap3A_706, %swap3A_707, %swap3A_708] {strides = array<i32>} : memref<3x80x144xf32, #tpu.memory_space<vmem>>, vector<1x1x16xf32>,
        %swap3A_710 = vector.shape_cast %swap3A_709 : vector<1x1x16xf32> to vector<16xf32>
        %swap3A_711 = vector.shape_cast %mul3A_705 : vector<16xf32> to vector<1x1x16xf32>
        tpu.vector_store %arg11[%swap3A_706, %swap3A_707, %swap3A_708], %swap3A_711 {strides = array<i32>} : memref<3x80x144xf32, #tpu.memory_space<vmem>>, vector<1x1x16xf32>,
        %get3A_712 = arith.index_cast %rem3A_105 : i32 to index
        %get3A_713 = arith.index_cast %add3A_665 : i32 to index
        %get3A_714 = arith.constant 16 : index
        %get3A_715 = tpu.vector_load %arg11[%get3A_712, %get3A_713, %get3A_714] {strides = array<i32>} : memref<3x80x144xf32, #tpu.memory_space<vmem>>, vector<1x1x16xf32>,
        %get3A_716 = vector.shape_cast %get3A_715 : vector<1x1x16xf32> to vector<16xf32>
        %slice3A_717 = vector.extract_strided_slice %select_n3A_690 {offsets = [1], sizes = [1], strides = [1]} : vector<16xf32> to vector<1xf32>
        %squeeze3A_718 = vector.extract %slice3A_717[0] : f32 from vector<1xf32>
        %mul3A_719 = vector.broadcast %squeeze3A_718 : f32 to vector<16xf32>
        %mul3A_720 = arith.mulf %get3A_716, %mul3A_719 : vector<16xf32>
        %swap3A_721 = arith.index_cast %rem3A_105 : i32 to index
        %swap3A_722 = arith.index_cast %add3A_665 : i32 to index
        %swap3A_723 = arith.constant 16 : index
        %swap3A_724 = tpu.vector_load %arg11[%swap3A_721, %swap3A_722, %swap3A_723] {strides = array<i32>} : memref<3x80x144xf32, #tpu.memory_space<vmem>>, vector<1x1x16xf32>,
        %swap3A_725 = vector.shape_cast %swap3A_724 : vector<1x1x16xf32> to vector<16xf32>
        %swap3A_726 = vector.shape_cast %mul3A_720 : vector<16xf32> to vector<1x1x16xf32>
        tpu.vector_store %arg11[%swap3A_721, %swap3A_722, %swap3A_723], %swap3A_726 {strides = array<i32>} : memref<3x80x144xf32, #tpu.memory_space<vmem>>, vector<1x1x16xf32>,
        %get3A_727 = arith.index_cast %rem3A_105 : i32 to index
        %get3A_728 = arith.index_cast %add3A_665 : i32 to index
        %get3A_729 = arith.constant 32 : index
        %get3A_730 = tpu.vector_load %arg11[%get3A_727, %get3A_728, %get3A_729] {strides = array<i32>} : memref<3x80x144xf32, #tpu.memory_space<vmem>>, vector<1x1x16xf32>,
        %get3A_731 = vector.shape_cast %get3A_730 : vector<1x1x16xf32> to vector<16xf32>
        %slice3A_732 = vector.extract_strided_slice %select_n3A_690 {offsets = [2], sizes = [1], strides = [1]} : vector<16xf32> to vector<1xf32>
        %squeeze3A_733 = vector.extract %slice3A_732[0] : f32 from vector<1xf32>
        %mul3A_734 = vector.broadcast %squeeze3A_733 : f32 to vector<16xf32>
        %mul3A_735 = arith.mulf %get3A_731, %mul3A_734 : vector<16xf32>
        %swap3A_736 = arith.index_cast %rem3A_105 : i32 to index
        %swap3A_737 = arith.index_cast %add3A_665 : i32 to index
        %swap3A_738 = arith.constant 32 : index
        %swap3A_739 = tpu.vector_load %arg11[%swap3A_736, %swap3A_737, %swap3A_738] {strides = array<i32>} : memref<3x80x144xf32, #tpu.memory_space<vmem>>, vector<1x1x16xf32>,
        %swap3A_740 = vector.shape_cast %swap3A_739 : vector<1x1x16xf32> to vector<16xf32>
        %swap3A_741 = vector.shape_cast %mul3A_735 : vector<16xf32> to vector<1x1x16xf32>
        tpu.vector_store %arg11[%swap3A_736, %swap3A_737, %swap3A_738], %swap3A_741 {strides = array<i32>} : memref<3x80x144xf32, #tpu.memory_space<vmem>>, vector<1x1x16xf32>,
        %get3A_742 = arith.index_cast %rem3A_105 : i32 to index
        %get3A_743 = arith.index_cast %add3A_665 : i32 to index
        %get3A_744 = arith.constant 48 : index
        %get3A_745 = tpu.vector_load %arg11[%get3A_742, %get3A_743, %get3A_744] {strides = array<i32>} : memref<3x80x144xf32, #tpu.memory_space<vmem>>, vector<1x1x16xf32>,
        %get3A_746 = vector.shape_cast %get3A_745 : vector<1x1x16xf32> to vector<16xf32>
        %slice3A_747 = vector.extract_strided_slice %select_n3A_690 {offsets = [3], sizes = [1], strides = [1]} : vector<16xf32> to vector<1xf32>
        %squeeze3A_748 = vector.extract %slice3A_747[0] : f32 from vector<1xf32>
        %mul3A_749 = vector.broadcast %squeeze3A_748 : f32 to vector<16xf32>
        %mul3A_750 = arith.mulf %get3A_746, %mul3A_749 : vector<16xf32>
        %swap3A_751 = arith.index_cast %rem3A_105 : i32 to index
        %swap3A_752 = arith.index_cast %add3A_665 : i32 to index
        %swap3A_753 = arith.constant 48 : index
        %swap3A_754 = tpu.vector_load %arg11[%swap3A_751, %swap3A_752, %swap3A_753] {strides = array<i32>} : memref<3x80x144xf32, #tpu.memory_space<vmem>>, vector<1x1x16xf32>,
        %swap3A_755 = vector.shape_cast %swap3A_754 : vector<1x1x16xf32> to vector<16xf32>
        %swap3A_756 = vector.shape_cast %mul3A_750 : vector<16xf32> to vector<1x1x16xf32>
        tpu.vector_store %arg11[%swap3A_751, %swap3A_752, %swap3A_753], %swap3A_756 {strides = array<i32>} : memref<3x80x144xf32, #tpu.memory_space<vmem>>, vector<1x1x16xf32>,
        %get3A_757 = arith.index_cast %rem3A_105 : i32 to index
        %get3A_758 = arith.index_cast %add3A_665 : i32 to index
        %get3A_759 = arith.constant 64 : index
        %get3A_760 = tpu.vector_load %arg11[%get3A_757, %get3A_758, %get3A_759] {strides = array<i32>} : memref<3x80x144xf32, #tpu.memory_space<vmem>>, vector<1x1x16xf32>,
        %get3A_761 = vector.shape_cast %get3A_760 : vector<1x1x16xf32> to vector<16xf32>
        %slice3A_762 = vector.extract_strided_slice %select_n3A_690 {offsets = [4], sizes = [1], strides = [1]} : vector<16xf32> to vector<1xf32>
        %squeeze3A_763 = vector.extract %slice3A_762[0] : f32 from vector<1xf32>
        %mul3A_764 = vector.broadcast %squeeze3A_763 : f32 to vector<16xf32>
        %mul3A_765 = arith.mulf %get3A_761, %mul3A_764 : vector<16xf32>
        %swap3A_766 = arith.index_cast %rem3A_105 : i32 to index
        %swap3A_767 = arith.index_cast %add3A_665 : i32 to index
        %swap3A_768 = arith.constant 64 : index
        %swap3A_769 = tpu.vector_load %arg11[%swap3A_766, %swap3A_767, %swap3A_768] {strides = array<i32>} : memref<3x80x144xf32, #tpu.memory_space<vmem>>, vector<1x1x16xf32>,
        %swap3A_770 = vector.shape_cast %swap3A_769 : vector<1x1x16xf32> to vector<16xf32>
        %swap3A_771 = vector.shape_cast %mul3A_765 : vector<16xf32> to vector<1x1x16xf32>
        tpu.vector_store %arg11[%swap3A_766, %swap3A_767, %swap3A_768], %swap3A_771 {strides = array<i32>} : memref<3x80x144xf32, #tpu.memory_space<vmem>>, vector<1x1x16xf32>,
        %get3A_772 = arith.index_cast %rem3A_105 : i32 to index
        %get3A_773 = arith.index_cast %add3A_665 : i32 to index
        %get3A_774 = arith.constant 80 : index
        %get3A_775 = tpu.vector_load %arg11[%get3A_772, %get3A_773, %get3A_774] {strides = array<i32>} : memref<3x80x144xf32, #tpu.memory_space<vmem>>, vector<1x1x16xf32>,
        %get3A_776 = vector.shape_cast %get3A_775 : vector<1x1x16xf32> to vector<16xf32>
        %slice3A_777 = vector.extract_strided_slice %select_n3A_690 {offsets = [5], sizes = [1], strides = [1]} : vector<16xf32> to vector<1xf32>
        %squeeze3A_778 = vector.extract %slice3A_777[0] : f32 from vector<1xf32>
        %mul3A_779 = vector.broadcast %squeeze3A_778 : f32 to vector<16xf32>
        %mul3A_780 = arith.mulf %get3A_776, %mul3A_779 : vector<16xf32>
        %swap3A_781 = arith.index_cast %rem3A_105 : i32 to index
        %swap3A_782 = arith.index_cast %add3A_665 : i32 to index
        %swap3A_783 = arith.constant 80 : index
        %swap3A_784 = tpu.vector_load %arg11[%swap3A_781, %swap3A_782, %swap3A_783] {strides = array<i32>} : memref<3x80x144xf32, #tpu.memory_space<vmem>>, vector<1x1x16xf32>,
        %swap3A_785 = vector.shape_cast %swap3A_784 : vector<1x1x16xf32> to vector<16xf32>
        %swap3A_786 = vector.shape_cast %mul3A_780 : vector<16xf32> to vector<1x1x16xf32>
        tpu.vector_store %arg11[%swap3A_781, %swap3A_782, %swap3A_783], %swap3A_786 {strides = array<i32>} : memref<3x80x144xf32, #tpu.memory_space<vmem>>, vector<1x1x16xf32>,
        %get3A_787 = arith.index_cast %rem3A_105 : i32 to index
        %get3A_788 = arith.index_cast %add3A_665 : i32 to index
        %get3A_789 = arith.constant 96 : index
        %get3A_790 = tpu.vector_load %arg11[%get3A_787, %get3A_788, %get3A_789] {strides = array<i32>} : memref<3x80x144xf32, #tpu.memory_space<vmem>>, vector<1x1x16xf32>,
        %get3A_791 = vector.shape_cast %get3A_790 : vector<1x1x16xf32> to vector<16xf32>
        %slice3A_792 = vector.extract_strided_slice %select_n3A_690 {offsets = [6], sizes = [1], strides = [1]} : vector<16xf32> to vector<1xf32>
        %squeeze3A_793 = vector.extract %slice3A_792[0] : f32 from vector<1xf32>
        %mul3A_794 = vector.broadcast %squeeze3A_793 : f32 to vector<16xf32>
        %mul3A_795 = arith.mulf %get3A_791, %mul3A_794 : vector<16xf32>
        %swap3A_796 = arith.index_cast %rem3A_105 : i32 to index
        %swap3A_797 = arith.index_cast %add3A_665 : i32 to index
        %swap3A_798 = arith.constant 96 : index
        %swap3A_799 = tpu.vector_load %arg11[%swap3A_796, %swap3A_797, %swap3A_798] {strides = array<i32>} : memref<3x80x144xf32, #tpu.memory_space<vmem>>, vector<1x1x16xf32>,
        %swap3A_800 = vector.shape_cast %swap3A_799 : vector<1x1x16xf32> to vector<16xf32>
        %swap3A_801 = vector.shape_cast %mul3A_795 : vector<16xf32> to vector<1x1x16xf32>
        tpu.vector_store %arg11[%swap3A_796, %swap3A_797, %swap3A_798], %swap3A_801 {strides = array<i32>} : memref<3x80x144xf32, #tpu.memory_space<vmem>>, vector<1x1x16xf32>,
        %get3A_802 = arith.index_cast %rem3A_105 : i32 to index
        %get3A_803 = arith.index_cast %add3A_665 : i32 to index
        %get3A_804 = arith.constant 112 : index
        %get3A_805 = tpu.vector_load %arg11[%get3A_802, %get3A_803, %get3A_804] {strides = array<i32>} : memref<3x80x144xf32, #tpu.memory_space<vmem>>, vector<1x1x16xf32>,
        %get3A_806 = vector.shape_cast %get3A_805 : vector<1x1x16xf32> to vector<16xf32>
        %slice3A_807 = vector.extract_strided_slice %select_n3A_690 {offsets = [7], sizes = [1], strides = [1]} : vector<16xf32> to vector<1xf32>
        %squeeze3A_808 = vector.extract %slice3A_807[0] : f32 from vector<1xf32>
        %mul3A_809 = vector.broadcast %squeeze3A_808 : f32 to vector<16xf32>
        %mul3A_810 = arith.mulf %get3A_806, %mul3A_809 : vector<16xf32>
        %swap3A_811 = arith.index_cast %rem3A_105 : i32 to index
        %swap3A_812 = arith.index_cast %add3A_665 : i32 to index
        %swap3A_813 = arith.constant 112 : index
        %swap3A_814 = tpu.vector_load %arg11[%swap3A_811, %swap3A_812, %swap3A_813] {strides = array<i32>} : memref<3x80x144xf32, #tpu.memory_space<vmem>>, vector<1x1x16xf32>,
        %swap3A_815 = vector.shape_cast %swap3A_814 : vector<1x1x16xf32> to vector<16xf32>
        %swap3A_816 = vector.shape_cast %mul3A_810 : vector<16xf32> to vector<1x1x16xf32>
        tpu.vector_store %arg11[%swap3A_811, %swap3A_812, %swap3A_813], %swap3A_816 {strides = array<i32>} : memref<3x80x144xf32, #tpu.memory_space<vmem>>, vector<1x1x16xf32>,
        %scan3A_817 = arith.constant 0 : i32
        scf.yield %scan3A_817 : i32
      }
      %scan3A_142 = arith.constant 20 : i32
      %get3A = arith.index_cast %rem3A_103 : i32 to index
      %get3A_143 = arith.constant 0 : index
      %get3A_144 = tpu.vector_load %arg9[%get3A, %get3A_143] {strides = array<i32>} : memref<2x80xi32, #tpu.memory_space<vmem>>, vector<1x16xi32>,
      %get3A_145 = vector.shape_cast %get3A_144 : vector<1x16xi32> to vector<16xi32>
      %swap3A = arith.index_cast %rem3A_103 : i32 to index
      %swap3A_146 = arith.constant 0 : index
      %swap3A_147 = tpu.vector_load %arg10[%swap3A, %swap3A_146] {strides = array<i32>} : memref<2x80xi32, #tpu.memory_space<vmem>>, vector<1x16xi32>,
      %swap3A_148 = vector.shape_cast %swap3A_147 : vector<1x16xi32> to vector<16xi32>
      %swap3A_149 = vector.shape_cast %get3A_145 : vector<16xi32> to vector<1x16xi32>
      tpu.vector_store %arg10[%swap3A, %swap3A_146], %swap3A_149 {strides = array<i32>} : memref<2x80xi32, #tpu.memory_space<vmem>>, vector<1x16xi32>,
      %get3A_150 = arith.index_cast %rem3A_103 : i32 to index
      %get3A_151 = arith.constant 16 : index
      %get3A_152 = tpu.vector_load %arg9[%get3A_150, %get3A_151] {strides = array<i32>} : memref<2x80xi32, #tpu.memory_space<vmem>>, vector<1x16xi32>,
      %get3A_153 = vector.shape_cast %get3A_152 : vector<1x16xi32> to vector<16xi32>
      %swap3A_154 = arith.index_cast %rem3A_103 : i32 to index
      %swap3A_155 = arith.constant 16 : index
      %swap3A_156 = tpu.vector_load %arg10[%swap3A_154, %swap3A_155] {strides = array<i32>} : memref<2x80xi32, #tpu.memory_space<vmem>>, vector<1x16xi32>,
      %swap3A_157 = vector.shape_cast %swap3A_156 : vector<1x16xi32> to vector<16xi32>
      %swap3A_158 = vector.shape_cast %get3A_153 : vector<16xi32> to vector<1x16xi32>
      tpu.vector_store %arg10[%swap3A_154, %swap3A_155], %swap3A_158 {strides = array<i32>} : memref<2x80xi32, #tpu.memory_space<vmem>>, vector<1x16xi32>,
      %get3A_159 = arith.index_cast %rem3A_103 : i32 to index
      %get3A_160 = arith.constant 32 : index
      %get3A_161 = tpu.vector_load %arg9[%get3A_159, %get3A_160] {strides = array<i32>} : memref<2x80xi32, #tpu.memory_space<vmem>>, vector<1x16xi32>,
      %get3A_162 = vector.shape_cast %get3A_161 : vector<1x16xi32> to vector<16xi32>
      %swap3A_163 = arith.index_cast %rem3A_103 : i32 to index
      %swap3A_164 = arith.constant 32 : index
      %swap3A_165 = tpu.vector_load %arg10[%swap3A_163, %swap3A_164] {strides = array<i32>} : memref<2x80xi32, #tpu.memory_space<vmem>>, vector<1x16xi32>,
      %swap3A_166 = vector.shape_cast %swap3A_165 : vector<1x16xi32> to vector<16xi32>
      %swap3A_167 = vector.shape_cast %get3A_162 : vector<16xi32> to vector<1x16xi32>
      tpu.vector_store %arg10[%swap3A_163, %swap3A_164], %swap3A_167 {strides = array<i32>} : memref<2x80xi32, #tpu.memory_space<vmem>>, vector<1x16xi32>,
      %get3A_168 = arith.index_cast %rem3A_103 : i32 to index
      %get3A_169 = arith.constant 48 : index
      %get3A_170 = tpu.vector_load %arg9[%get3A_168, %get3A_169] {strides = array<i32>} : memref<2x80xi32, #tpu.memory_space<vmem>>, vector<1x16xi32>,
      %get3A_171 = vector.shape_cast %get3A_170 : vector<1x16xi32> to vector<16xi32>
      %swap3A_172 = arith.index_cast %rem3A_103 : i32 to index
      %swap3A_173 = arith.constant 48 : index
      %swap3A_174 = tpu.vector_load %arg10[%swap3A_172, %swap3A_173] {strides = array<i32>} : memref<2x80xi32, #tpu.memory_space<vmem>>, vector<1x16xi32>,
      %swap3A_175 = vector.shape_cast %swap3A_174 : vector<1x16xi32> to vector<16xi32>
      %swap3A_176 = vector.shape_cast %get3A_171 : vector<16xi32> to vector<1x16xi32>
      tpu.vector_store %arg10[%swap3A_172, %swap3A_173], %swap3A_176 {strides = array<i32>} : memref<2x80xi32, #tpu.memory_space<vmem>>, vector<1x16xi32>,
      %get3A_177 = arith.index_cast %rem3A_103 : i32 to index
      %get3A_178 = arith.constant 64 : index
      %get3A_179 = tpu.vector_load %arg9[%get3A_177, %get3A_178] {strides = array<i32>} : memref<2x80xi32, #tpu.memory_space<vmem>>, vector<1x16xi32>,
      %get3A_180 = vector.shape_cast %get3A_179 : vector<1x16xi32> to vector<16xi32>
      %swap3A_181 = arith.index_cast %rem3A_103 : i32 to index
      %swap3A_182 = arith.constant 64 : index
      %swap3A_183 = tpu.vector_load %arg10[%swap3A_181, %swap3A_182] {strides = array<i32>} : memref<2x80xi32, #tpu.memory_space<vmem>>, vector<1x16xi32>,
      %swap3A_184 = vector.shape_cast %swap3A_183 : vector<1x16xi32> to vector<16xi32>
      %swap3A_185 = vector.shape_cast %get3A_180 : vector<16xi32> to vector<1x16xi32>
      tpu.vector_store %arg10[%swap3A_181, %swap3A_182], %swap3A_185 {strides = array<i32>} : memref<2x80xi32, #tpu.memory_space<vmem>>, vector<1x16xi32>,
      %dma_start3A_186 = arith.constant 0 : i32
      %dma_start3A_187 = arith.constant 0 : i32
      %dma_start3A_188 = tpu.memref_slice %arg11[%rem3A_105, %dma_start3A_186, %dma_start3A_187] : memref<3x80x144xf32, #tpu.memory_space<vmem>> -> memref<1x80x144xf32, #tpu.memory_space<vmem>>
      %dma_start3A_189 = tpu.memref_squeeze %dma_start3A_188 : memref<1x80x144xf32, #tpu.memory_space<vmem>> -> memref<80x144xf32, #tpu.memory_space<vmem>>
      %dma_start3A_190 = arith.constant 0 : i32
      %dma_start3A_191 = tpu.memref_slice %arg10[%rem3A_103, %dma_start3A_190] : memref<2x80xi32, #tpu.memory_space<vmem>> -> memref<1x80xi32, #tpu.memory_space<vmem>>
      %dma_start3A_192 = tpu.memref_squeeze %dma_start3A_191 : memref<1x80xi32, #tpu.memory_space<vmem>> -> memref<80xi32, #tpu.memory_space<vmem>>
      %dma_start3A_193 = arith.constant 0 : i32
      %dma_start3A_194 = arith.constant 0 : i32
      %dma_start3A_195 = tpu.memref_slice %arg7[%dma_start3A_193, %dma_start3A_194] : memref<10000x144xf32, #tpu.memory_space<vmem_shared>> -> memref<10000x144xf32, #tpu.memory_space<vmem_shared>>
      tpu.enqueue_indirect_dma source(%dma_start3A_189 : memref<80x144xf32, #tpu.memory_space<vmem>>) target(%dma_start3A_195 : memref<10000x144xf32, #tpu.memory_space<vmem_shared>>) offsets(%dma_start3A_192 : memref<80xi32, #tpu.memory_space<vmem>>) semaphore(%arg14 : memref<!tpu.dma_semaphore, #tpu.memory_space<semaphore_mem>>) {add = true}
      %le3A_196 = arith.constant 122 : i32
      %le3A_197 = arith.cmpi sle, %scan3A_101, %le3A_196 : i32
      %convert_element_type3A_198 = arith.extui %le3A_197 : i1 to i32
      %cond3A_199 = arith.constant 0 : i32
      %cond3A_200 = arith.cmpi ne, %convert_element_type3A_198, %cond3A_199 : i32
      scf.if %cond3A_200 {
        %add3A_202 = arith.constant 2 : i32
        %add3A_203 = arith.addi %scan3A_101, %add3A_202 : i32
        %mul3A_204 = arith.constant 80 : i32
        %mul3A_205 = arith.muli %add3A_203, %mul3A_204 : i32
        %add3A_206 = arith.addi %mul3A_16, %mul3A_205 : i32
        %multiple_of3A_207 = tpu.assume_multiple %add3A_206, 8 : i32
        %dma_start3A_208 = arith.constant 0 : i32
        %dma_start3A_209 = tpu.memref_slice %arg8[%rem3A_103, %dma_start3A_208] : memref<2x80xi32, #tpu.memory_space<vmem>> -> memref<1x80xi32, #tpu.memory_space<vmem>>
        %dma_start3A_210 = tpu.memref_squeeze %dma_start3A_209 : memref<1x80xi32, #tpu.memory_space<vmem>> -> memref<80xi32, #tpu.memory_space<vmem>>
        %dma_start3A_211 = tpu.memref_slice %arg4[%multiple_of3A_207] : memref<320000xi32, #tpu.memory_space<hbm>> -> memref<80xi32, #tpu.memory_space<hbm>>
        %dma_start3A_212 = arith.constant 0 : i32
        %dma_start3A_213 = tpu.memref_slice %arg8[%rem3A_103, %dma_start3A_212] : memref<2x80xi32, #tpu.memory_space<vmem>> -> memref<1x80xi32, #tpu.memory_space<vmem>>
        %dma_start3A_214 = tpu.memref_squeeze %dma_start3A_213 : memref<1x80xi32, #tpu.memory_space<vmem>> -> memref<80xi32, #tpu.memory_space<vmem>>
        %dma_start3A_215 = tpu.memref_slice %arg4[%multiple_of3A_207] : memref<320000xi32, #tpu.memory_space<hbm>> -> memref<80xi32, #tpu.memory_space<hbm>>
        tpu.enqueue_dma source(%dma_start3A_215 : memref<80xi32, #tpu.memory_space<hbm>>) target(%dma_start3A_214 : memref<80xi32, #tpu.memory_space<vmem>>) target_semaphore(%arg15 : memref<!tpu.dma_semaphore, #tpu.memory_space<semaphore_mem>>)
        %dma_start3A_216 = arith.constant 0 : i32
        %dma_start3A_217 = tpu.memref_slice %arg9[%rem3A_103, %dma_start3A_216] : memref<2x80xi32, #tpu.memory_space<vmem>> -> memref<1x80xi32, #tpu.memory_space<vmem>>
        %dma_start3A_218 = tpu.memref_squeeze %dma_start3A_217 : memref<1x80xi32, #tpu.memory_space<vmem>> -> memref<80xi32, #tpu.memory_space<vmem>>
        %dma_start3A_219 = tpu.memref_slice %arg5[%multiple_of3A_207] : memref<320000xi32, #tpu.memory_space<hbm>> -> memref<80xi32, #tpu.memory_space<hbm>>
        %dma_start3A_220 = arith.constant 0 : i32
        %dma_start3A_221 = tpu.memref_slice %arg9[%rem3A_103, %dma_start3A_220] : memref<2x80xi32, #tpu.memory_space<vmem>> -> memref<1x80xi32, #tpu.memory_space<vmem>>
        %dma_start3A_222 = tpu.memref_squeeze %dma_start3A_221 : memref<1x80xi32, #tpu.memory_space<vmem>> -> memref<80xi32, #tpu.memory_space<vmem>>
        %dma_start3A_223 = tpu.memref_slice %arg5[%multiple_of3A_207] : memref<320000xi32, #tpu.memory_space<hbm>> -> memref<80xi32, #tpu.memory_space<hbm>>
        tpu.enqueue_dma source(%dma_start3A_223 : memref<80xi32, #tpu.memory_space<hbm>>) target(%dma_start3A_222 : memref<80xi32, #tpu.memory_space<vmem>>) target_semaphore(%arg15 : memref<!tpu.dma_semaphore, #tpu.memory_space<semaphore_mem>>)
      } else {
      }
      %scan3A_201 = arith.constant 0 : i32
      scf.yield %scan3A_201 : i32
    }
    %scan3A_69 = arith.constant 125 : i32
    %dma_wait3A = arith.constant 0 : i32
    %dma_wait3A_70 = arith.constant 0 : i32
    %dma_wait3A_71 = arith.constant 0 : i32
    %dma_wait3A_72 = arith.constant 0 : i32
    %dma_wait3A_73 = tpu.memref_slice %arg11[%dma_wait3A, %dma_wait3A_71, %dma_wait3A_72] : memref<3x80x144xf32, #tpu.memory_space<vmem>> -> memref<1x80x144xf32, #tpu.memory_space<vmem>>
    %dma_wait3A_74 = tpu.memref_squeeze %dma_wait3A_73 : memref<1x80x144xf32, #tpu.memory_space<vmem>> -> memref<80x144xf32, #tpu.memory_space<vmem>>
    %dma_wait3A_75 = arith.constant 0 : i32
    %dma_wait3A_76 = tpu.memref_slice %arg10[%dma_wait3A_70, %dma_wait3A_75] : memref<2x80xi32, #tpu.memory_space<vmem>> -> memref<1x80xi32, #tpu.memory_space<vmem>>
    %dma_wait3A_77 = tpu.memref_squeeze %dma_wait3A_76 : memref<1x80xi32, #tpu.memory_space<vmem>> -> memref<80xi32, #tpu.memory_space<vmem>>
    %dma_wait3A_78 = arith.constant 0 : i32
    %dma_wait3A_79 = arith.constant 0 : i32
    %dma_wait3A_80 = tpu.memref_slice %arg7[%dma_wait3A_78, %dma_wait3A_79] : memref<10000x144xf32, #tpu.memory_space<vmem_shared>> -> memref<10000x144xf32, #tpu.memory_space<vmem_shared>>
    tpu.wait_indirect_dma semaphore(%arg14 : memref<!tpu.dma_semaphore, #tpu.memory_space<semaphore_mem>>) src(%dma_wait3A_74 : memref<80x144xf32, #tpu.memory_space<vmem>>) dst(%dma_wait3A_80 : memref<10000x144xf32, #tpu.memory_space<vmem_shared>>)
    %dma_wait3A_81 = arith.constant 0 : i32
    %dma_wait3A_82 = arith.constant 0 : i32
    %dma_wait3A_83 = arith.constant 0 : i32
    %dma_wait3A_84 = arith.constant 0 : i32
    %dma_wait3A_85 = tpu.memref_slice %arg11[%dma_wait3A_81, %dma_wait3A_83, %dma_wait3A_84] : memref<3x80x144xf32, #tpu.memory_space<vmem>> -> memref<1x80x144xf32, #tpu.memory_space<vmem>>
    %dma_wait3A_86 = tpu.memref_squeeze %dma_wait3A_85 : memref<1x80x144xf32, #tpu.memory_space<vmem>> -> memref<80x144xf32, #tpu.memory_space<vmem>>
    %dma_wait3A_87 = arith.constant 0 : i32
    %dma_wait3A_88 = tpu.memref_slice %arg10[%dma_wait3A_82, %dma_wait3A_87] : memref<2x80xi32, #tpu.memory_space<vmem>> -> memref<1x80xi32, #tpu.memory_space<vmem>>
    %dma_wait3A_89 = tpu.memref_squeeze %dma_wait3A_88 : memref<1x80xi32, #tpu.memory_space<vmem>> -> memref<80xi32, #tpu.memory_space<vmem>>
    %dma_wait3A_90 = arith.constant 0 : i32
    %dma_wait3A_91 = arith.constant 0 : i32
    %dma_wait3A_92 = tpu.memref_slice %arg7[%dma_wait3A_90, %dma_wait3A_91] : memref<10000x144xf32, #tpu.memory_space<vmem_shared>> -> memref<10000x144xf32, #tpu.memory_space<vmem_shared>>
    tpu.wait_indirect_dma semaphore(%arg14 : memref<!tpu.dma_semaphore, #tpu.memory_space<semaphore_mem>>) src(%dma_wait3A_86 : memref<80x144xf32, #tpu.memory_space<vmem>>) dst(%dma_wait3A_92 : memref<10000x144xf32, #tpu.memory_space<vmem_shared>>)
    %barrier3A_93 = arith.constant 0 : index
    tpu.barrier barrier_id(%barrier3A_93)
    %scan3A_94 = arith.constant 0 : i32
    %scan3A_95 = arith.constant 0 : i32
    %scan3A_96 = arith.constant 125 : i32
    %scan3A_97 = arith.addi %scan3A_95, %scan3A_96 : i32
    %scan3A_98 = arith.constant 1 : i32
    %scan3A_99 = scf.for %scan3A_101 = %scan3A_95 to %scan3A_97 step %scan3A_98 iter_args(%scan3A_102 = %scan3A_94) -> (i32)  : i32 {
      %jit3A = arith.constant 16 : i32
      %eq3A = arith.constant 0 : i32
      %eq3A_103 = arith.cmpi eq, %jit3A, %eq3A : i32
      %jit3A_104 = arith.constant 1 : i32
      %select_n3A = arith.select %eq3A_103, %jit3A_104, %jit3A : i32
      %rem3A = arith.remsi %scan3A_101, %select_n3A : i32
      %ne3A = arith.constant 0 : i32
      %ne3A_105 = arith.cmpi ne, %rem3A, %ne3A : i32
      %lt3A = arith.constant 0 : i32
      %lt3A_106 = arith.cmpi slt, %rem3A, %lt3A : i32
      %lt3A_107 = arith.constant 0 : i32
      %lt3A_108 = arith.cmpi slt, %select_n3A, %lt3A_107 : i32
      %ne3A_109 = arith.xori %lt3A_106, %lt3A_108 : i1
      %and3A = arith.andi %ne3A_109, %ne3A_105 : i1
      %add3A_110 = arith.addi %rem3A, %select_n3A : i32
      %select_n3A_111 = arith.select %and3A, %add3A_110, %rem3A : i32
      %eq3A_112 = arith.cmpi eq, %select_n3A_111, %arg1 : i32
      %convert_element_type3A = arith.extui %eq3A_112 : i1 to i32
      %cond3A = arith.constant 0 : i32
      %cond3A_113 = arith.cmpi ne, %convert_element_type3A, %cond3A : i32
      scf.if %cond3A_113 {
        %mul3A_115 = arith.constant 80 : i32
        %mul3A_116 = arith.muli %scan3A_101, %mul3A_115 : i32
        %multiple_of3A_117 = tpu.assume_multiple %mul3A_116, 8 : i32
        %run_scoped3A_118 = arith.constant 0 : i32
        "tpu.region"() ({
          %run_scoped3A_120 = tpu.sem_alloc : memref<!tpu.dma_semaphore, #tpu.memory_space<semaphore_mem>>
          %dma_start3A_121 = arith.constant 0 : i32
          %dma_start3A_122 = arith.constant 0 : i32
          %dma_start3A_123 = tpu.memref_slice %arg11[%run_scoped3A_118, %dma_start3A_121, %dma_start3A_122] : memref<3x80x144xf32, #tpu.memory_space<vmem>> -> memref<1x80x144xf32, #tpu.memory_space<vmem>>
          %dma_start3A_124 = tpu.memref_squeeze %dma_start3A_123 : memref<1x80x144xf32, #tpu.memory_space<vmem>> -> memref<80x144xf32, #tpu.memory_space<vmem>>
          %dma_start3A_125 = arith.constant 0 : i32
          %dma_start3A_126 = tpu.memref_slice %arg7[%multiple_of3A_117, %dma_start3A_125] : memref<10000x144xf32, #tpu.memory_space<vmem_shared>> -> memref<80x144xf32, #tpu.memory_space<vmem_shared>>
          %dma_start3A_127 = arith.constant 0 : i32
          %dma_start3A_128 = arith.constant 0 : i32
          %dma_start3A_129 = tpu.memref_slice %arg11[%run_scoped3A_118, %dma_start3A_127, %dma_start3A_128] : memref<3x80x144xf32, #tpu.memory_space<vmem>> -> memref<1x80x144xf32, #tpu.memory_space<vmem>>
          %dma_start3A_130 = tpu.memref_squeeze %dma_start3A_129 : memref<1x80x144xf32, #tpu.memory_space<vmem>> -> memref<80x144xf32, #tpu.memory_space<vmem>>
          %dma_start3A_131 = arith.constant 0 : i32
          %dma_start3A_132 = tpu.memref_slice %arg7[%multiple_of3A_117, %dma_start3A_131] : memref<10000x144xf32, #tpu.memory_space<vmem_shared>> -> memref<80x144xf32, #tpu.memory_space<vmem_shared>>
          tpu.enqueue_dma source(%dma_start3A_132 : memref<80x144xf32, #tpu.memory_space<vmem_shared>>) target(%dma_start3A_130 : memref<80x144xf32, #tpu.memory_space<vmem>>) target_semaphore(%run_scoped3A_120 : memref<!tpu.dma_semaphore, #tpu.memory_space<semaphore_mem>>)
          %dma_wait3A_133 = arith.constant 0 : i32
          %dma_wait3A_134 = arith.constant 0 : i32
          %dma_wait3A_135 = tpu.memref_slice %arg11[%run_scoped3A_118, %dma_wait3A_133, %dma_wait3A_134] : memref<3x80x144xf32, #tpu.memory_space<vmem>> -> memref<1x80x144xf32, #tpu.memory_space<vmem>>
          %dma_wait3A_136 = tpu.memref_squeeze %dma_wait3A_135 : memref<1x80x144xf32, #tpu.memory_space<vmem>> -> memref<80x144xf32, #tpu.memory_space<vmem>>
          %dma_wait3A_137 = arith.constant 0 : i32
          %dma_wait3A_138 = tpu.memref_slice %arg7[%multiple_of3A_117, %dma_wait3A_137] : memref<10000x144xf32, #tpu.memory_space<vmem_shared>> -> memref<80x144xf32, #tpu.memory_space<vmem_shared>>
          %dma_wait3A_139 = arith.constant 0 : i32
          %dma_wait3A_140 = arith.constant 0 : i32
          %dma_wait3A_141 = tpu.memref_slice %arg11[%run_scoped3A_118, %dma_wait3A_139, %dma_wait3A_140] : memref<3x80x144xf32, #tpu.memory_space<vmem>> -> memref<1x80x144xf32, #tpu.memory_space<vmem>>
          %dma_wait3A_142 = tpu.memref_squeeze %dma_wait3A_141 : memref<1x80x144xf32, #tpu.memory_space<vmem>> -> memref<80x144xf32, #tpu.memory_space<vmem>>
          %dma_wait3A_143 = arith.constant 0 : i32
          %dma_wait3A_144 = tpu.memref_slice %arg7[%multiple_of3A_117, %dma_wait3A_143] : memref<10000x144xf32, #tpu.memory_space<vmem_shared>> -> memref<80x144xf32, #tpu.memory_space<vmem_shared>>
          tpu.wait_dma2 semaphore(%run_scoped3A_120 : memref<!tpu.dma_semaphore, #tpu.memory_space<semaphore_mem>>) src(%dma_wait3A_144 : memref<80x144xf32, #tpu.memory_space<vmem_shared>>) dst(%dma_wait3A_142 : memref<80x144xf32, #tpu.memory_space<vmem>>)
          tpu.yield
        }) : () -> ()
        %run_scoped3A_119 = arith.constant 0 : i32
        "tpu.region"() ({
          %run_scoped3A_120 = tpu.sem_alloc : memref<!tpu.dma_semaphore, #tpu.memory_space<semaphore_mem>>
          %dma_start3A_121 = arith.constant 0 : i32
          %dma_start3A_122 = arith.constant 0 : i32
          %dma_start3A_123 = tpu.memref_slice %arg11[%run_scoped3A_119, %dma_start3A_121, %dma_start3A_122] : memref<3x80x144xf32, #tpu.memory_space<vmem>> -> memref<1x80x144xf32, #tpu.memory_space<vmem>>
          %dma_start3A_124 = tpu.memref_squeeze %dma_start3A_123 : memref<1x80x144xf32, #tpu.memory_space<vmem>> -> memref<80x144xf32, #tpu.memory_space<vmem>>
          %dma_start3A_125 = arith.constant 0 : i32
          %dma_start3A_126 = tpu.memref_slice %arg6[%arg0, %multiple_of3A_117, %dma_start3A_125] : memref<2x10000x144xf32, #tpu.memory_space<hbm>> -> memref<1x80x144xf32, #tpu.memory_space<hbm>>
          %dma_start3A_127 = tpu.memref_squeeze %dma_start3A_126 : memref<1x80x144xf32, #tpu.memory_space<hbm>> -> memref<80x144xf32, #tpu.memory_space<hbm>>
          %dma_start3A_128 = arith.constant 0 : i32
          %dma_start3A_129 = tpu.memref_slice %arg6[%arg0, %multiple_of3A_117, %dma_start3A_128] : memref<2x10000x144xf32, #tpu.memory_space<hbm>> -> memref<1x80x144xf32, #tpu.memory_space<hbm>>
          %dma_start3A_130 = tpu.memref_squeeze %dma_start3A_129 : memref<1x80x144xf32, #tpu.memory_space<hbm>> -> memref<80x144xf32, #tpu.memory_space<hbm>>
          %dma_start3A_131 = arith.constant 0 : i32
          %dma_start3A_132 = arith.constant 0 : i32
          %dma_start3A_133 = tpu.memref_slice %arg11[%run_scoped3A_119, %dma_start3A_131, %dma_start3A_132] : memref<3x80x144xf32, #tpu.memory_space<vmem>> -> memref<1x80x144xf32, #tpu.memory_space<vmem>>
          %dma_start3A_134 = tpu.memref_squeeze %dma_start3A_133 : memref<1x80x144xf32, #tpu.memory_space<vmem>> -> memref<80x144xf32, #tpu.memory_space<vmem>>
          tpu.enqueue_dma source(%dma_start3A_134 : memref<80x144xf32, #tpu.memory_space<vmem>>) target(%dma_start3A_130 : memref<80x144xf32, #tpu.memory_space<hbm>>) target_semaphore(%run_scoped3A_120 : memref<!tpu.dma_semaphore, #tpu.memory_space<semaphore_mem>>)
          %dma_wait3A_135 = arith.constant 0 : i32
          %dma_wait3A_136 = arith.constant 0 : i32
          %dma_wait3A_137 = tpu.memref_slice %arg11[%run_scoped3A_119, %dma_wait3A_135, %dma_wait3A_136] : memref<3x80x144xf32, #tpu.memory_space<vmem>> -> memref<1x80x144xf32, #tpu.memory_space<vmem>>
          %dma_wait3A_138 = tpu.memref_squeeze %dma_wait3A_137 : memref<1x80x144xf32, #tpu.memory_space<vmem>> -> memref<80x144xf32, #tpu.memory_space<vmem>>
          %dma_wait3A_139 = arith.constant 0 : i32
          %dma_wait3A_140 = tpu.memref_slice %arg6[%arg0, %multiple_of3A_117, %dma_wait3A_139] : memref<2x10000x144xf32, #tpu.memory_space<hbm>> -> memref<1x80x144xf32, #tpu.memory_space<hbm>>
          %dma_wait3A_141 = tpu.memref_squeeze %dma_wait3A_140 : memref<1x80x144xf32, #tpu.memory_space<hbm>> -> memref<80x144xf32, #tpu.memory_space<hbm>>
          %dma_wait3A_142 = arith.constant 0 : i32
          %dma_wait3A_143 = tpu.memref_slice %arg6[%arg0, %multiple_of3A_117, %dma_wait3A_142] : memref<2x10000x144xf32, #tpu.memory_space<hbm>> -> memref<1x80x144xf32, #tpu.memory_space<hbm>>
          %dma_wait3A_144 = tpu.memref_squeeze %dma_wait3A_143 : memref<1x80x144xf32, #tpu.memory_space<hbm>> -> memref<80x144xf32, #tpu.memory_space<hbm>>
          %dma_wait3A_145 = arith.constant 0 : i32
          %dma_wait3A_146 = arith.constant 0 : i32
          %dma_wait3A_147 = tpu.memref_slice %arg11[%run_scoped3A_119, %dma_wait3A_145, %dma_wait3A_146] : memref<3x80x144xf32, #tpu.memory_space<vmem>> -> memref<1x80x144xf32, #tpu.memory_space<vmem>>
          %dma_wait3A_148 = tpu.memref_squeeze %dma_wait3A_147 : memref<1x80x144xf32, #tpu.memory_space<vmem>> -> memref<80x144xf32, #tpu.memory_space<vmem>>
          tpu.wait_dma2 semaphore(%run_scoped3A_120 : memref<!tpu.dma_semaphore, #tpu.memory_space<semaphore_mem>>) src(%dma_wait3A_148 : memref<80x144xf32, #tpu.memory_space<vmem>>) dst(%dma_wait3A_144 : memref<80x144xf32, #tpu.memory_space<hbm>>)
          tpu.yield
        }) : () -> ()
      } else {
      }
      %scan3A_114 = arith.constant 0 : i32
      scf.yield %scan3A_114 : i32
    }
    %scan3A_100 = arith.constant 125 : i32
    return
  }
}

module attributes {stable_mosaic.version = 14 : i64} {
  func.func @_tc_pre_body(%arg0: i32, %arg1: memref<1000x128xf32, #tpu.memory_space<vmem>>, %arg2: memref<128x128xf32, #tpu.memory_space<vmem>>, %arg3: memref<128x16xf32, #tpu.memory_space<vmem>>, %arg4: memref<128x16xf32, #tpu.memory_space<vmem>>, %arg5: memref<1000x144xf32, #tpu.memory_space<vmem>>, %arg6: memref<1000x16xf32, #tpu.memory_space<vmem>>) attributes {dimension_semantics = [#tpu.dimension_semantics<arbitrary>], iteration_bounds = array<i64: 10>, scalar_prefetch = 0 : i64, scratch_operands = 0 : i64, tpu.core_type = #tpu.core_type<tc>, window_params = [{transform_indices = @transform_0, window_bounds = array<i64: 1000, 128>}, {pipeline_mode = #tpu.pipeline_mode<synchronous>, transform_indices = @transform_1, window_bounds = array<i64: 128, 128>}, {pipeline_mode = #tpu.pipeline_mode<synchronous>, transform_indices = @transform_2, window_bounds = array<i64: 128, 16>}, {pipeline_mode = #tpu.pipeline_mode<synchronous>, transform_indices = @transform_3, window_bounds = array<i64: 128, 16>}, {transform_indices = @transform_4, window_bounds = array<i64: 1000, 144>}, {transform_indices = @transform_5, window_bounds = array<i64: 1000, 16>}]} {
    %get3A = arith.constant 0 : index
    %get3A_0 = arith.constant 0 : index
    %get3A_1 = vector.load %arg1[%get3A, %get3A_0] : memref<1000x128xf32, #tpu.memory_space<vmem>>, vector<1000x128xf32>
    %get3A_2 = arith.constant 0 : index
    %get3A_3 = arith.constant 0 : index
    %get3A_4 = vector.load %arg2[%get3A_2, %get3A_3] : memref<128x128xf32, #tpu.memory_space<vmem>>, vector<128x128xf32>
    %dot_general3A = arith.constant dense<0.000000e+00> : vector<1000x128xf32>
    %dot_general3A_5 = tpu.matmul %get3A_1, %get3A_4, %dot_general3A {dimension_numbers = #tpu.dot_dimension_numbers<[1], [0], [0], [1], [0, 0, 1, 1], [], []>, transpose_lhs_hint = false} : vector<1000x128xf32>, vector<128x128xf32>, vector<1000x128xf32> -> vector<1000x128xf32>
    %get3A_6 = arith.constant 0 : index
    %get3A_7 = arith.constant 0 : index
    %get3A_8 = vector.load %arg3[%get3A_6, %get3A_7] : memref<128x16xf32, #tpu.memory_space<vmem>>, vector<128x16xf32>
    %dot_general3A_9 = arith.constant dense<0.000000e+00> : vector<1000x16xf32>
    %dot_general3A_10 = tpu.matmul %dot_general3A_5, %get3A_8, %dot_general3A_9 {dimension_numbers = #tpu.dot_dimension_numbers<[1], [0], [0], [1], [0, 0, 1, 1], [], []>, transpose_lhs_hint = false} : vector<1000x128xf32>, vector<128x16xf32>, vector<1000x16xf32> -> vector<1000x16xf32>
    %concatenate3A = tpu.concatenate %dot_general3A_5, %dot_general3A_10 in 1 : vector<1000x128xf32>, vector<1000x16xf32> -> vector<1000x144xf32>
    %swap3A = arith.constant 0 : index
    %swap3A_11 = arith.constant 0 : index
    %swap3A_12 = vector.load %arg5[%swap3A, %swap3A_11] : memref<1000x144xf32, #tpu.memory_space<vmem>>, vector<1000x144xf32>
    tpu.vector_store %arg5[%swap3A, %swap3A_11], %concatenate3A {strides = array<i32>} : memref<1000x144xf32, #tpu.memory_space<vmem>>, vector<1000x144xf32>,
    %get3A_13 = arith.constant 0 : index
    %get3A_14 = arith.constant 0 : index
    %get3A_15 = vector.load %arg4[%get3A_13, %get3A_14] : memref<128x16xf32, #tpu.memory_space<vmem>>, vector<128x16xf32>
    %dot_general3A_16 = arith.constant dense<0.000000e+00> : vector<1000x16xf32>
    %dot_general3A_17 = tpu.matmul %dot_general3A_5, %get3A_15, %dot_general3A_16 {dimension_numbers = #tpu.dot_dimension_numbers<[1], [0], [0], [1], [0, 0, 1, 1], [], []>, transpose_lhs_hint = false} : vector<1000x128xf32>, vector<128x16xf32>, vector<1000x16xf32> -> vector<1000x16xf32>
    %swap3A_18 = arith.constant 0 : index
    %swap3A_19 = arith.constant 0 : index
    %swap3A_20 = vector.load %arg6[%swap3A_18, %swap3A_19] : memref<1000x16xf32, #tpu.memory_space<vmem>>, vector<1000x16xf32>
    tpu.vector_store %arg6[%swap3A_18, %swap3A_19], %dot_general3A_17 {strides = array<i32>} : memref<1000x16xf32, #tpu.memory_space<vmem>>, vector<1000x16xf32>,
    return
  }
  func.func @transform_0(%arg0: i32) -> (i32, i32) {
    %c0_i32 = arith.constant 0 : i32
    %c0_i32_0 = arith.constant 0 : i32
    return %arg0, %c0_i32 : i32, i32
  }
  func.func @transform_1(%arg0: i32) -> (i32, i32) {
    %c0_i32 = arith.constant 0 : i32
    %c0_i32_0 = arith.constant 0 : i32
    %c0_i32_1 = arith.constant 0 : i32
    return %c0_i32, %c0_i32_0 : i32, i32
  }
  func.func @transform_2(%arg0: i32) -> (i32, i32) {
    %c0_i32 = arith.constant 0 : i32
    %c0_i32_0 = arith.constant 0 : i32
    %c0_i32_1 = arith.constant 0 : i32
    return %c0_i32, %c0_i32_0 : i32, i32
  }
  func.func @transform_3(%arg0: i32) -> (i32, i32) {
    %c0_i32 = arith.constant 0 : i32
    %c0_i32_0 = arith.constant 0 : i32
    %c0_i32_1 = arith.constant 0 : i32
    return %c0_i32, %c0_i32_0 : i32, i32
  }
  func.func @transform_4(%arg0: i32) -> (i32, i32) {
    %c0_i32 = arith.constant 0 : i32
    %c0_i32_0 = arith.constant 0 : i32
    return %arg0, %c0_i32 : i32, i32
  }
  func.func @transform_5(%arg0: i32) -> (i32, i32) {
    %c0_i32 = arith.constant 0 : i32
    %c0_i32_0 = arith.constant 0 : i32
    return %arg0, %c0_i32 : i32, i32
  }
}

module attributes {stable_mosaic.version = 14 : i64} {
  func.func @_tc_post1_body(%arg0: i32, %arg1: memref<1000x144xf32, #tpu.memory_space<vmem>>, %arg2: memref<1000x144xf32, #tpu.memory_space<vmem>>, %arg3: memref<1x128xf32, #tpu.memory_space<vmem>>, %arg4: memref<8x128xf32, #tpu.memory_space<vmem>>, %arg5: memref<128x128xf32, #tpu.memory_space<vmem>>, %arg6: memref<128x16xf32, #tpu.memory_space<vmem>>, %arg7: memref<128x16xf32, #tpu.memory_space<vmem>>, %arg8: memref<1000x144xf32, #tpu.memory_space<vmem>>, %arg9: memref<1000x16xf32, #tpu.memory_space<vmem>>) attributes {dimension_semantics = [#tpu.dimension_semantics<arbitrary>], iteration_bounds = array<i64: 10>, scalar_prefetch = 0 : i64, scratch_operands = 0 : i64, tpu.core_type = #tpu.core_type<tc>, window_params = [{transform_indices = @transform_0, window_bounds = array<i64: 1000, 144>}, {transform_indices = @transform_1, window_bounds = array<i64: 1000, 144>}, {pipeline_mode = #tpu.pipeline_mode<synchronous>, transform_indices = @transform_2, window_bounds = array<i64: 1, 128>}, {pipeline_mode = #tpu.pipeline_mode<synchronous>, transform_indices = @transform_3, window_bounds = array<i64: 8, 128>}, {pipeline_mode = #tpu.pipeline_mode<synchronous>, transform_indices = @transform_4, window_bounds = array<i64: 128, 128>}, {pipeline_mode = #tpu.pipeline_mode<synchronous>, transform_indices = @transform_5, window_bounds = array<i64: 128, 16>}, {pipeline_mode = #tpu.pipeline_mode<synchronous>, transform_indices = @transform_6, window_bounds = array<i64: 128, 16>}, {transform_indices = @transform_7, window_bounds = array<i64: 1000, 144>}, {transform_indices = @transform_8, window_bounds = array<i64: 1000, 16>}]} {
    %get3A = arith.constant 0 : index
    %get3A_0 = arith.constant 0 : index
    %get3A_1 = vector.load %arg1[%get3A, %get3A_0] : memref<1000x144xf32, #tpu.memory_space<vmem>>, vector<1000x144xf32>
    %get3A_2 = arith.constant 0 : index
    %get3A_3 = arith.constant 0 : index
    %get3A_4 = vector.load %arg2[%get3A_2, %get3A_3] : memref<1000x144xf32, #tpu.memory_space<vmem>>, vector<1000x144xf32>
    %add3A = arith.addf %get3A_1, %get3A_4 : vector<1000x144xf32>
    %slice3A = vector.extract_strided_slice %add3A {offsets = [0, 0], sizes = [1000, 128], strides = [1, 1]} : vector<1000x144xf32> to vector<1000x128xf32>
    %slice3A_5 = vector.extract_strided_slice %add3A {offsets = [0, 128], sizes = [1000, 8], strides = [1, 1]} : vector<1000x144xf32> to vector<1000x8xf32>
    %gt3A = arith.constant 0.000000e+00 : f32
    %gt3A_6 = vector.broadcast %gt3A : f32 to vector<1000x8xf32>
    %gt3A_7 = arith.cmpf ogt, %slice3A_5, %gt3A_6 : vector<1000x8xf32>
    %div3A = arith.constant 1.000000e+00 : f32
    %div3A_8 = vector.broadcast %div3A : f32 to vector<1000x8xf32>
    %div3A_9 = arith.divf %div3A_8, %slice3A_5 : vector<1000x8xf32>
    %jit3A = arith.constant 0.000000e+00 : f32
    %broadcast_in_dim3A = vector.broadcast %jit3A : f32 to vector<1000x8xf32>
    %select_n3A = arith.select %gt3A_7, %div3A_9, %broadcast_in_dim3A : vector<1000x8xi1>, vector<1000x8xf32>
    %get3A_10 = arith.constant 0 : index
    %get3A_11 = arith.constant 0 : index
    %get3A_12 = vector.load %arg4[%get3A_10, %get3A_11] : memref<8x128xf32, #tpu.memory_space<vmem>>, vector<8x128xf32>
    %dot_general3A = arith.constant dense<0.000000e+00> : vector<1000x128xf32>
    %dot_general3A_13 = tpu.matmul %select_n3A, %get3A_12, %dot_general3A {dimension_numbers = #tpu.dot_dimension_numbers<[1], [0], [0], [1], [0, 0, 1, 1], [], []>, transpose_lhs_hint = false} : vector<1000x8xf32>, vector<8x128xf32>, vector<1000x128xf32> -> vector<1000x128xf32>
    %mul3A = arith.mulf %slice3A, %dot_general3A_13 : vector<1000x128xf32>
    %get3A_14 = arith.constant 0 : index
    %get3A_15 = arith.constant 0 : index
    %get3A_16 = vector.load %arg3[%get3A_14, %get3A_15] : memref<1x128xf32, #tpu.memory_space<vmem>>, vector<1x128xf32>
    %add3A_17 = vector.broadcast %get3A_16 : vector<1x128xf32> to vector<1000x128xf32>
    %add3A_18 = arith.addf %mul3A, %add3A_17 : vector<1000x128xf32>
    %gt3A_19 = arith.constant 0.000000e+00 : f32
    %gt3A_20 = vector.broadcast %gt3A_19 : f32 to vector<1000x128xf32>
    %gt3A_21 = arith.cmpf ogt, %add3A_18, %gt3A_20 : vector<1000x128xf32>
    %exp3A = math.exp %add3A_18 : vector<1000x128xf32>
    %sub3A = arith.constant 1.000000e+00 : f32
    %sub3A_22 = vector.broadcast %sub3A : f32 to vector<1000x128xf32>
    %sub3A_23 = arith.subf %exp3A, %sub3A_22 : vector<1000x128xf32>
    %select_n3A_24 = arith.select %gt3A_21, %add3A_18, %sub3A_23 : vector<1000x128xi1>, vector<1000x128xf32>
    %get3A_25 = arith.constant 0 : index
    %get3A_26 = arith.constant 0 : index
    %get3A_27 = vector.load %arg5[%get3A_25, %get3A_26] : memref<128x128xf32, #tpu.memory_space<vmem>>, vector<128x128xf32>
    %dot_general3A_28 = arith.constant dense<0.000000e+00> : vector<1000x128xf32>
    %dot_general3A_29 = tpu.matmul %select_n3A_24, %get3A_27, %dot_general3A_28 {dimension_numbers = #tpu.dot_dimension_numbers<[1], [0], [0], [1], [0, 0, 1, 1], [], []>, transpose_lhs_hint = false} : vector<1000x128xf32>, vector<128x128xf32>, vector<1000x128xf32> -> vector<1000x128xf32>
    %get3A_30 = arith.constant 0 : index
    %get3A_31 = arith.constant 0 : index
    %get3A_32 = vector.load %arg6[%get3A_30, %get3A_31] : memref<128x16xf32, #tpu.memory_space<vmem>>, vector<128x16xf32>
    %dot_general3A_33 = arith.constant dense<0.000000e+00> : vector<1000x16xf32>
    %dot_general3A_34 = tpu.matmul %dot_general3A_29, %get3A_32, %dot_general3A_33 {dimension_numbers = #tpu.dot_dimension_numbers<[1], [0], [0], [1], [0, 0, 1, 1], [], []>, transpose_lhs_hint = false} : vector<1000x128xf32>, vector<128x16xf32>, vector<1000x16xf32> -> vector<1000x16xf32>
    %concatenate3A = tpu.concatenate %dot_general3A_29, %dot_general3A_34 in 1 : vector<1000x128xf32>, vector<1000x16xf32> -> vector<1000x144xf32>
    %swap3A = arith.constant 0 : index
    %swap3A_35 = arith.constant 0 : index
    %swap3A_36 = vector.load %arg8[%swap3A, %swap3A_35] : memref<1000x144xf32, #tpu.memory_space<vmem>>, vector<1000x144xf32>
    tpu.vector_store %arg8[%swap3A, %swap3A_35], %concatenate3A {strides = array<i32>} : memref<1000x144xf32, #tpu.memory_space<vmem>>, vector<1000x144xf32>,
    %get3A_37 = arith.constant 0 : index
    %get3A_38 = arith.constant 0 : index
    %get3A_39 = vector.load %arg7[%get3A_37, %get3A_38] : memref<128x16xf32, #tpu.memory_space<vmem>>, vector<128x16xf32>
    %dot_general3A_40 = arith.constant dense<0.000000e+00> : vector<1000x16xf32>
    %dot_general3A_41 = tpu.matmul %dot_general3A_29, %get3A_39, %dot_general3A_40 {dimension_numbers = #tpu.dot_dimension_numbers<[1], [0], [0], [1], [0, 0, 1, 1], [], []>, transpose_lhs_hint = false} : vector<1000x128xf32>, vector<128x16xf32>, vector<1000x16xf32> -> vector<1000x16xf32>
    %swap3A_42 = arith.constant 0 : index
    %swap3A_43 = arith.constant 0 : index
    %swap3A_44 = vector.load %arg9[%swap3A_42, %swap3A_43] : memref<1000x16xf32, #tpu.memory_space<vmem>>, vector<1000x16xf32>
    tpu.vector_store %arg9[%swap3A_42, %swap3A_43], %dot_general3A_41 {strides = array<i32>} : memref<1000x16xf32, #tpu.memory_space<vmem>>, vector<1000x16xf32>,
    return
  }
  func.func @transform_0(%arg0: i32) -> (i32, i32) {
    %c0_i32 = arith.constant 0 : i32
    %c0_i32_0 = arith.constant 0 : i32
    return %arg0, %c0_i32 : i32, i32
  }
  func.func @transform_1(%arg0: i32) -> (i32, i32) {
    %c0_i32 = arith.constant 0 : i32
    %c0_i32_0 = arith.constant 0 : i32
    return %arg0, %c0_i32 : i32, i32
  }
  func.func @transform_2(%arg0: i32) -> (i32, i32) {
    %c0_i32 = arith.constant 0 : i32
    %c0_i32_0 = arith.constant 0 : i32
    %c0_i32_1 = arith.constant 0 : i32
    return %c0_i32, %c0_i32_0 : i32, i32
  }
  func.func @transform_3(%arg0: i32) -> (i32, i32) {
    %c0_i32 = arith.constant 0 : i32
    %c0_i32_0 = arith.constant 0 : i32
    %c0_i32_1 = arith.constant 0 : i32
    return %c0_i32, %c0_i32_0 : i32, i32
  }
  func.func @transform_4(%arg0: i32) -> (i32, i32) {
    %c0_i32 = arith.constant 0 : i32
    %c0_i32_0 = arith.constant 0 : i32
    %c0_i32_1 = arith.constant 0 : i32
    return %c0_i32, %c0_i32_0 : i32, i32
  }
  func.func @transform_5(%arg0: i32) -> (i32, i32) {
    %c0_i32 = arith.constant 0 : i32
    %c0_i32_0 = arith.constant 0 : i32
    %c0_i32_1 = arith.constant 0 : i32
    return %c0_i32, %c0_i32_0 : i32, i32
  }
  func.func @transform_6(%arg0: i32) -> (i32, i32) {
    %c0_i32 = arith.constant 0 : i32
    %c0_i32_0 = arith.constant 0 : i32
    %c0_i32_1 = arith.constant 0 : i32
    return %c0_i32, %c0_i32_0 : i32, i32
  }
  func.func @transform_7(%arg0: i32) -> (i32, i32) {
    %c0_i32 = arith.constant 0 : i32
    %c0_i32_0 = arith.constant 0 : i32
    return %arg0, %c0_i32 : i32, i32
  }
  func.func @transform_8(%arg0: i32) -> (i32, i32) {
    %c0_i32 = arith.constant 0 : i32
    %c0_i32_0 = arith.constant 0 : i32
    return %arg0, %c0_i32 : i32, i32
  }
}

module attributes {stable_mosaic.version = 14 : i64} {
  func.func @_tc_post2_body(%arg0: i32, %arg1: memref<1000x144xf32, #tpu.memory_space<vmem>>, %arg2: memref<1000x144xf32, #tpu.memory_space<vmem>>, %arg3: memref<1x128xf32, #tpu.memory_space<vmem>>, %arg4: memref<8x128xf32, #tpu.memory_space<vmem>>, %arg5: memref<128x16xf32, #tpu.memory_space<vmem>>, %arg6: memref<1000x16xf32, #tpu.memory_space<vmem>>) attributes {dimension_semantics = [#tpu.dimension_semantics<arbitrary>], iteration_bounds = array<i64: 10>, scalar_prefetch = 0 : i64, scratch_operands = 0 : i64, tpu.core_type = #tpu.core_type<tc>, window_params = [{transform_indices = @transform_0, window_bounds = array<i64: 1000, 144>}, {transform_indices = @transform_1, window_bounds = array<i64: 1000, 144>}, {pipeline_mode = #tpu.pipeline_mode<synchronous>, transform_indices = @transform_2, window_bounds = array<i64: 1, 128>}, {pipeline_mode = #tpu.pipeline_mode<synchronous>, transform_indices = @transform_3, window_bounds = array<i64: 8, 128>}, {pipeline_mode = #tpu.pipeline_mode<synchronous>, transform_indices = @transform_4, window_bounds = array<i64: 128, 16>}, {transform_indices = @transform_5, window_bounds = array<i64: 1000, 16>}]} {
    %get3A = arith.constant 0 : index
    %get3A_0 = arith.constant 0 : index
    %get3A_1 = vector.load %arg1[%get3A, %get3A_0] : memref<1000x144xf32, #tpu.memory_space<vmem>>, vector<1000x144xf32>
    %get3A_2 = arith.constant 0 : index
    %get3A_3 = arith.constant 0 : index
    %get3A_4 = vector.load %arg2[%get3A_2, %get3A_3] : memref<1000x144xf32, #tpu.memory_space<vmem>>, vector<1000x144xf32>
    %add3A = arith.addf %get3A_1, %get3A_4 : vector<1000x144xf32>
    %slice3A = vector.extract_strided_slice %add3A {offsets = [0, 0], sizes = [1000, 128], strides = [1, 1]} : vector<1000x144xf32> to vector<1000x128xf32>
    %slice3A_5 = vector.extract_strided_slice %add3A {offsets = [0, 128], sizes = [1000, 8], strides = [1, 1]} : vector<1000x144xf32> to vector<1000x8xf32>
    %gt3A = arith.constant 0.000000e+00 : f32
    %gt3A_6 = vector.broadcast %gt3A : f32 to vector<1000x8xf32>
    %gt3A_7 = arith.cmpf ogt, %slice3A_5, %gt3A_6 : vector<1000x8xf32>
    %div3A = arith.constant 1.000000e+00 : f32
    %div3A_8 = vector.broadcast %div3A : f32 to vector<1000x8xf32>
    %div3A_9 = arith.divf %div3A_8, %slice3A_5 : vector<1000x8xf32>
    %jit3A = arith.constant 0.000000e+00 : f32
    %broadcast_in_dim3A = vector.broadcast %jit3A : f32 to vector<1000x8xf32>
    %select_n3A = arith.select %gt3A_7, %div3A_9, %broadcast_in_dim3A : vector<1000x8xi1>, vector<1000x8xf32>
    %get3A_10 = arith.constant 0 : index
    %get3A_11 = arith.constant 0 : index
    %get3A_12 = vector.load %arg4[%get3A_10, %get3A_11] : memref<8x128xf32, #tpu.memory_space<vmem>>, vector<8x128xf32>
    %dot_general3A = arith.constant dense<0.000000e+00> : vector<1000x128xf32>
    %dot_general3A_13 = tpu.matmul %select_n3A, %get3A_12, %dot_general3A {dimension_numbers = #tpu.dot_dimension_numbers<[1], [0], [0], [1], [0, 0, 1, 1], [], []>, transpose_lhs_hint = false} : vector<1000x8xf32>, vector<8x128xf32>, vector<1000x128xf32> -> vector<1000x128xf32>
    %mul3A = arith.mulf %slice3A, %dot_general3A_13 : vector<1000x128xf32>
    %get3A_14 = arith.constant 0 : index
    %get3A_15 = arith.constant 0 : index
    %get3A_16 = vector.load %arg3[%get3A_14, %get3A_15] : memref<1x128xf32, #tpu.memory_space<vmem>>, vector<1x128xf32>
    %add3A_17 = vector.broadcast %get3A_16 : vector<1x128xf32> to vector<1000x128xf32>
    %add3A_18 = arith.addf %mul3A, %add3A_17 : vector<1000x128xf32>
    %get3A_19 = arith.constant 0 : index
    %get3A_20 = arith.constant 0 : index
    %get3A_21 = vector.load %arg5[%get3A_19, %get3A_20] : memref<128x16xf32, #tpu.memory_space<vmem>>, vector<128x16xf32>
    %dot_general3A_22 = arith.constant dense<0.000000e+00> : vector<1000x16xf32>
    %dot_general3A_23 = tpu.matmul %add3A_18, %get3A_21, %dot_general3A_22 {dimension_numbers = #tpu.dot_dimension_numbers<[1], [0], [0], [1], [0, 0, 1, 1], [], []>, transpose_lhs_hint = false} : vector<1000x128xf32>, vector<128x16xf32>, vector<1000x16xf32> -> vector<1000x16xf32>
    %swap3A = arith.constant 0 : index
    %swap3A_24 = arith.constant 0 : index
    %swap3A_25 = vector.load %arg6[%swap3A, %swap3A_24] : memref<1000x16xf32, #tpu.memory_space<vmem>>, vector<1000x16xf32>
    tpu.vector_store %arg6[%swap3A, %swap3A_24], %dot_general3A_23 {strides = array<i32>} : memref<1000x16xf32, #tpu.memory_space<vmem>>, vector<1000x16xf32>,
    return
  }
  func.func @transform_0(%arg0: i32) -> (i32, i32) {
    %c0_i32 = arith.constant 0 : i32
    %c0_i32_0 = arith.constant 0 : i32
    return %arg0, %c0_i32 : i32, i32
  }
  func.func @transform_1(%arg0: i32) -> (i32, i32) {
    %c0_i32 = arith.constant 0 : i32
    %c0_i32_0 = arith.constant 0 : i32
    return %arg0, %c0_i32 : i32, i32
  }
  func.func @transform_2(%arg0: i32) -> (i32, i32) {
    %c0_i32 = arith.constant 0 : i32
    %c0_i32_0 = arith.constant 0 : i32
    %c0_i32_1 = arith.constant 0 : i32
    return %c0_i32, %c0_i32_0 : i32, i32
  }
  func.func @transform_3(%arg0: i32) -> (i32, i32) {
    %c0_i32 = arith.constant 0 : i32
    %c0_i32_0 = arith.constant 0 : i32
    %c0_i32_1 = arith.constant 0 : i32
    return %c0_i32, %c0_i32_0 : i32, i32
  }
  func.func @transform_4(%arg0: i32) -> (i32, i32) {
    %c0_i32 = arith.constant 0 : i32
    %c0_i32_0 = arith.constant 0 : i32
    %c0_i32_1 = arith.constant 0 : i32
    return %c0_i32, %c0_i32_0 : i32, i32
  }
  func.func @transform_5(%arg0: i32) -> (i32, i32) {
    %c0_i32 = arith.constant 0 : i32
    %c0_i32_0 = arith.constant 0 : i32
    return %arg0, %c0_i32 : i32, i32
  }
}

</mosaic_0001>

<sc_bundles>
// kernel: kernel.10.cloned.1.call-start
scs
__scs_entry_jumppad:
0x0: {  	(pc) =	sbr.rel $0x88, $3  }
0x1: {  	(tag) =	ssettag $0x0;
	lr =	simm.s32 $0x1  }
0x2: {  	[smem:$0x3F97] =	sst lr;
	_ =	strace $0xD0000000  }
0x3: {  	_ = 	snop  }
0x4: {  	_ = 	snop  }
0x5: {  	_ = 	snop  }
0x6: {  	_ = 	snop  }
0x7: {  	_ = 	snop  }
__scs_overlays_trampoline_lowered:
0x8: {  	[smem:$0x3FA6] =	sst s0  }
0x9: {  	[smem:$0x3FA7] =	sst s1  }
0xa: {  	[smem:$0x3FA8] =	sst s2  }
0xb: {  	[smem:$0x3FA9] =	sst s3  }
0xc: {  	[smem:$0x3FAA] =	sst s4  }
0xd: {  	[smem:$0x3FAB] =	sst s5  }
0xe: {  	[smem:$0x3FAC] =	sst s6  }
0xf: {  	[smem:$0x3FAD] =	sst s7  }
0x10: {  	[smem:$0x3FAE] =	sst s8  }
0x11: {  	[smem:$0x3FAF] =	sst s9;
	s0 =	simm.s32 @!p0 $0x0  }
0x12: {  	s1 =	sld [smem:$0x3F95];
	s0 =	simm.s32 @p0 $0x1  }
0x13: {  	[smem:$0x3FB0] =	sst s0;
	s0 =	simm.s32 @!p1 $0x0  }
0x14: {  	s2 =	sld [smem:$0x3F94];
	s0 =	simm.s32 @p1 $0x1  }
0x15: {  	[smem:$0x3FB1] =	sst s0;
	s0 =	simm.s32 @!p2 $0x0  }
0x16: {  	s3 =	sld [smem:$0x3FDB];
	s0 =	simm.s32 @p2 $0x1  }
0x17: {  	s4 =	simm.s32 $0x1BF5;
	[smem:$0x3FB3] =	sst s0  }
0x18: {  	s0 =	sld [smem:$0x3F96];
	_ =	swait.ge [sflag:s4], $0x0  }
0x19: {  	s7 =	sld [smem:$0x3F97]  }
0x1a: {  	s8 =	sadd.s32 $0xFFFFE003, lr  }
0x1b: {  	s9 =	sadd.s32 $0xFFFFFEF7, lr;
	s5 =	simm.s32 $0xFFFFFFFF;
	p2 =	slt.u32 s8, $0xFFFFF086  }
0x1c: {  	p1 =	slt.u32 s9, $0xF7A;
	s5 =	simm.s32 @!p2 $0x0  }
0x1d: {  	s5 =	simm.s32 @p1 $0x1;
	p0 =	seq.s32 s7, s2  }
0x1e: {  	s7 =	smul.u32 @!p0 $0xF7A, s2;
	p2 =	seq.s32 @!p0 s5, $0x0  }
0x1f: {  	s9 =	smul.u32 $0xF7A, s1;
	s8 =	simm.s32 @!p0 $0x1BF5;
	p2 =	por !p2, p0  }
0x20: {  	[sflag:s8] =	ssyncset.s32 @!p0 $0xFFFFF086;
	s6 =	sadd.s32 @!p0 s3, s7;
	s7 =	simm.s32 @!p0 $0x108  }
0x21: {  	s3 =	sadd.s32 s3, s9;
	s6 =	sadd.s32 @!p0 $0x88, s6;
	s7 =	simm.s32 @p2 $0x1082  }
0x22: {  	[simem:s7], [sflag:s8] =	dma.local @!p0 [hbm:s6], $0xF7A  }
0x23: {  	s9 =	sor.u32 $0xD0000000, s2;
	s6 =	simm.s32 $0x108;
	_ =	swait.ge @!p0 [sflag:s8], $0x0  }
0x24: {  	s3 =	sadd.s32 $0x88, s3;
	s6 =	simm.s32 @!p1 $0x1082;
	[sflag:s4] =	ssyncset.s32 $0xFFFFF086  }
0x25: {  	[simem:s6], [sflag:s4] =	dma.local [hbm:s3], $0xF7A  }
0x26: {  	[smem:$0x3F97] =	sst s1;
	(tag) =	ssettag s2;
	_ =	strace s9  }
0x27: {  	s1 =	sld [smem:$0x3FA7]  }
0x28: {  	s2 =	sld [smem:$0x3FA8]  }
0x29: {  	s4 =	sld [smem:$0x3FAA]  }
0x2a: {  	p0 =	seq.s32 s5, $0x0;
	s5 =	sld [smem:$0x3FAB]  }
0x2b: {  	s6 =	sld [smem:$0x3FAC]  }
0x2c: {  	s7 =	sld [smem:$0x3FAD]  }
0x2d: {  	s3 =	simm.s32 $0x108;
	s8 =	sld [smem:$0x3FAE]  }
0x2e: {  	s3 =	simm.s32 @!p0 $0x1082;
	s9 =	sld [smem:$0x3FAF]  }
0x2f: {  	lr =	sadd.s32 s0, s3;
	s0 =	sld [smem:$0x3FA6]  }
0x30: {  	s3 =	sld [smem:$0x3FA9]  }
0x31: {  	[smem:$0x3FB2] =	sst s10  }
0x32: {  	s10 =	sld [smem:$0x3FB0];
	_ =	sdelay $0x3  }
0x33: {  	p0 =	seq.s32 s10, $0x1;
	s10 =	sld [smem:$0x3FB2];
	_ =	sdelay $0x3  }
0x34: {  	[smem:$0x3FB2] =	sst s10  }
0x35: {  	s10 =	sld [smem:$0x3FB1];
	_ =	sdelay $0x3  }
0x36: {  	p1 =	seq.s32 s10, $0x1;
	s10 =	sld [smem:$0x3FB2];
	_ =	sdelay $0x3  }
0x37: {  	[smem:$0x3FB2] =	sst s10  }
0x38: {  	s10 =	sld [smem:$0x3FB3]  }
0x39: {  	_ = 	snop;
	(pc) =	sbr.ind lr, $3  }
0x3a: {  	_ = 	snop  }
0x3b: {  	_ = 	snop  }
0x3c: {  	p2 =	seq.s32 s10, $0x1;
	s10 =	sld [smem:$0x3FB2]  }
0x3d: {  	_ =	shalt  }
0x3e: {  	_ =	shalt  }
0x3f: {  	_ =	shalt  }
0x40: {  	_ =	shalt  }
0x41: {  	_ =	shalt  }
0x42: {  	_ =	shalt  }
0x43: {  	_ =	shalt  }
0x44: {  	_ =	shalt  }
0x45: {  	_ =	shalt  }
0x46: {  	_ =	shalt  }
0x47: {  	_ =	shalt  }
0x48: {  	_ =	shalt  }
0x49: {  	_ =	shalt  }
0x4a: {  	_ =	shalt  }
0x4b: {  	_ =	shalt  }
0x4c: {  	_ =	shalt  }
0x4d: {  	_ =	shalt  }
0x4e: {  	_ =	shalt  }
0x4f: {  	_ =	shalt  }
0x50: {  	_ =	shalt  }
0x51: {  	_ =	shalt  }
0x52: {  	_ =	shalt  }
0x53: {  	_ =	shalt  }
0x54: {  	_ =	shalt  }
0x55: {  	_ =	shalt  }
0x56: {  	_ =	shalt  }
0x57: {  	_ =	shalt  }
0x58: {  	_ =	shalt  }
0x59: {  	_ =	shalt  }
0x5a: {  	_ =	shalt  }
0x5b: {  	_ =	shalt  }
0x5c: {  	_ =	shalt  }
0x5d: {  	_ =	shalt  }
0x5e: {  	_ =	shalt  }
0x5f: {  	_ =	shalt  }
0x60: {  	_ =	shalt  }
0x61: {  	_ =	shalt  }
0x62: {  	_ =	shalt  }
0x63: {  	_ =	shalt  }
0x64: {  	_ =	shalt  }
0x65: {  	_ =	shalt  }
0x66: {  	_ =	shalt  }
0x67: {  	_ =	shalt  }
0x68: {  	_ =	shalt  }
0x69: {  	_ =	shalt  }
0x6a: {  	_ =	shalt  }
0x6b: {  	_ =	shalt  }
0x6c: {  	_ =	shalt  }
0x6d: {  	_ =	shalt  }
0x6e: {  	_ =	shalt  }
0x6f: {  	_ =	shalt  }
0x70: {  	_ =	shalt  }
0x71: {  	_ =	shalt  }
0x72: {  	_ =	shalt  }
0x73: {  	_ =	shalt  }
0x74: {  	_ =	shalt  }
0x75: {  	_ =	shalt  }
0x76: {  	_ =	shalt  }
0x77: {  	_ =	shalt  }
0x78: {  	_ =	shalt  }
0x79: {  	_ =	shalt  }
0x7a: {  	_ =	shalt  }
0x7b: {  	_ =	shalt  }
0x7c: {  	_ =	shalt  }
0x7d: {  	_ =	shalt  }
0x7e: {  	_ =	shalt  }
0x7f: {  	_ =	shalt  }
0x80: {  	_ =	shalt  }
0x81: {  	_ =	shalt  }
0x82: {  	_ =	shalt  }
0x83: {  	_ =	shalt  }
0x84: {  	_ =	shalt  }
0x85: {  	_ =	shalt  }
0x86: {  	_ =	shalt  }
0x87: {  	_ =	shalt  }
.Lfunc_end0:
.L_simem_size_0:
called_computation.1_lowered:
.L_overlay_start_0:
0x88: {  	s2 =	sld [smem:$0x3FD9]  }
0x89: {  	s3 =	sld [smem:$0x3FFE];
	_ =	sdelay $0x1  }
0x8a: {  	s1 =	srdreg.scid  }
0x8b: {  	s0 =	sand.u32 $0x1, s1  }
0x8c: {  	s17 =	sshll.u32 s0, $0xA;
	s2 =	sadd.s32 s3, s2  }
0x8d: {  	s2 =	sadd.s32 s2, s17  }
0x8e: {  	[smem:$0x3FBE] =	sst s2  }
0x8f: {  	_ = 	snop  }
0x90: {  	s2 =	sld [smem:$0x3FD0];
	(tm) =	ssettm $0x1  }
0x91: {  	s18 =	sld [smem:$0x3FFB];
	_ =	sdelay $0x3  }
0x92: {  	_ =	strace s18  }
0x93: {  	s3 =	sld [smem:$0x3FFC];
	_ =	sdelay $0x3  }
0x94: {  	_ =	strace s3  }
0x95: {  	s3 =	sld [smem:$0x3FFD];
	_ =	sdelay $0x3  }
0x96: {  	_ =	strace s3  }
0x97: {  	_ =	strace $0x8FFFFFFF  }
0x98: {  	s19 =	sld [smem:$0x3FDB];
	_ =	sdelay $0x1  }
0x99: {  	s4 =	simm.s32 $_scs_section_size  }
0x9a: {  	s5 =	simm.s32 $_size__tile_overlayer_lowered;
	s6 =	simm.s32 $_tile_overlayer_lowered  }
0x9b: {  	s22 =	simm.s32 $0x1BFF;
	s21 =	sshll.u32 s6, $0x1;
	s3 =	sadd.s32 s4, s19  }
0x9c: {  	s7 =	simm.s32 $0x0;
	s20 =	sshll.u32 s5, $0x1;
	s5 =	sadd.s32 s21, s3  }
0x9d: {  	[timem:s7], [sflag:s22] =	dma.local [hbm:s5], s20  }
0x9e: {  	_ =	swait.ge [sflag:s22], s20  }
0x9f: {  	s4 =	ssub.s32 $0x0, s20;
	[sflag:s22] =	ssyncset.done $0x0  }
0xa0: {  	[sflag:s22] =	ssyncadd.s32 s4;
	_ =	sdelay $0x1  }
0xa1: {  	s23 =	simm.s32 $0x1B8B  }
0xa2: {  	_ =	swait.ge [sflag:s23], $0x1  }
0xa3: {  	[sflag:s23] =	ssyncset.done $0x0  }
0xa4: {  	s25 =	simm.s32 $0x1B8E;
	s24 =	sld [smem:$0x3FFE];
	[sflag:s23] =	ssyncadd.s32 $0xFFFFFFFF  }
0xa5: {  	s26 =	simm.s32 $execute0_lowered;
	[smem:$0x3FD2] =	sst s25  }
0xa6: {  	s5 =	sshll.u32 s26, $0x1;
	_ =	strace $0x80000049;
	[dreg:$0x1] =	wrdreg $0xFFFFFFFF  }
0xa7: {  	s28 =	simm.s32 $_size_execute0_lowered;
	s3 =	sadd.s32 s3, s5;
	[dreg:$0x0] =	wrdreg $0x0  }
0xa8: {  	s5 =	sshll.u32 s28, $0x1;
	[dreg:$0x2] =	wrdreg s3  }
0xa9: {  	[dreg:$0x3] =	wrdreg s5  }
0xaa: {  	[dreg:$0x4] =	wrdreg $0xC0  }
0xab: {  	_ =	task [dreg:s7], $0x5FFFF  }
0xac: {  	[dreg:$0x1] =	wrdreg $0xFFFFFFFF  }
0xad: {  	[dreg:$0x0] =	wrdreg $0x60  }
0xae: {  	[dreg:$0x2] =	wrdreg s24  }
0xaf: {  	[dreg:$0x3] =	wrdreg s2  }
0xb0: {  	[dreg:$0x4] =	wrdreg $0x0  }
0xb1: {  	[dreg:$0x5] =	wrdreg $0x9  }
0xb2: {  	_ =	task.clear_ibuf [dreg:s7], $0x6FFFF;
	_ =	strace $0x90000049  }
0xb3: {  	s29 =	simm.s32 $0x9;
	_ =	strace $0x8000004B  }
0xb4: {  	_ =	swait.ge [sflag:s29], $0x1  }
0xb5: {  	[sflag:s29] =	ssyncadd.s32 $0xFFFFFFFF  }
0xb6: {  	_ =	strace $0x9000004B  }
0xb7: {  	_ =	sfence  }
0xb8: {  	s30 =	sld [smem:$0x0];
	_ =	sdelay $0x2  }
0xb9: {  	s31 =	sshll.u32 s1, $0xD;
	s1 =	sshrl.u32 s1, $0x2  }
0xba: {  	s3 =	sand.u32 $0x4000, s31;
	s1 =	sadd.s32 s1, s30  }
0xbb: {  	s0 =	sor.u32 s3, s0;
	s1 =	sshll.u32 s1, $0x11  }
0xbc: {  	s0 =	sor.u32 s1, s0  }
0xbd: {  	s0 =	sadd.s32 $0x8F2B, s0  }
0xbe: {  	[sflag:s0] =	ssyncadd.remote.s32 $0x1  }
0xbf: {  	_ =	sfence.sel $0xFFFF  }
0xc0: {  	[dreg:$0x0] =	wrdreg $0xFFFFFFFF;
	(pc) =	sbr.abs _section_cstart, $3  }
0xc1: {  	[dreg:$0x1] =	wrdreg $0xFFFFFFFF  }
0xc2: {  	_ =	task.clear_ibuf [dreg:s7], $0x2FFFF;
	_ =	strace $0x9FFFFFFF  }
0xc3: {  	(tm) =	ssettm $0x7FFFFFFF  }
tec
execute0_lowered:
.L_overlay_start_1:
0x0: {  	(tag) =	ssettag $0x1  }
0x1: {  	s0 =	rddreg [dreg:$0x0]  }
0x2: {  	s1 =	rddreg [dreg:$0x1]  }
0x3: {  	s2 =	rddreg [dreg:$0x2];
	s3 =	srdreg.scid;
	s4 =	simm.s32 $0x0  }
0x4: {  	s15 =	simm.s32 $0x15F90;
	s16 =	simm.s32 $0x4;
	s17 =	simm.s32 $0x16030  }
0x5: {  	s18 =	simm.s32 $0x50;
	s20 =	simm.s32 $0x15FE0;
	s21 =	simm.s32 $0x16080  }
0x6: {  	s22 =	simm.s32 $0x1;
	s23 =	simm.s32 $0x2;
	s24 =	simm.s32 $0x3  }
0x7: {  	s6 =	sand.u32 $0x1, s3;
	[smem:$0x7FF] =	sst s4;
	s3 =	stileid.u32  }
0x8: {  	s5 =	sshll.u32 s6, $0x4;
	_ =	strace $0x8000004A;
	s8 =	smul.u32 $0x2BF20, s6  }
0x9: {  	s9 =	ssub.s32 $0x2, s6;
	s6 =	sadd.s32 $0x37600, s0;
	s7 =	sor.u32 s3, s5  }
0xa: {  	s5 =	sadd.s32 $0x1800, s0;
	s10 =	sshrl.u32 s9, $0x1;
	s12 =	smul.u32 $0x2710, s7  }
0xb: {  	s7 =	sadd.s32 $0x2D800, s0;
	s0 =	sadd.s32 s8, s0;
	s13 =	ssub.s32 s9, s10  }
0xc: {  	s13 =	smax.u32 s13, $0x1;
	s14 =	sadd.s32 $0x41400, s0;
	s31 =	sshrl.u32 s12, $0x3  }
0xd: {  	s12 =	sadd.s32 $0xA0, s12;
	s8 =	sadd.s32 s6, s31;
	s11 =	sadd.s32 $0xA, s31  }
0xe: {  	v0 =	vimm.f32 $0.0e+00;
	vm0 =	vmmov $0xff;
	s9 =	sadd.s32 s7, s31;
	s10 =	sadd.s32 s6, s11;
	s11 =	sadd.s32 s7, s11  }
.LBB2_1:
0xf: {  	s0 =	simm.s32 $0x0;
	s25 =	simm.s32 $0x240  }
.LBB2_2:
0x10: {  	p0 =	sne.s32 s25, $0xB1C0;
	[tilespmem:s0+$0x161F0] =	vst v0  }
0x11: {  	[tilespmem:s0+$0x16170] =	vst v0  }
0x12: {  	[tilespmem:s0+$0x16180] =	vst v0  }
0x13: {  	[tilespmem:s0+$0x16190] =	vst v0  }
.Ltmp0:
0x14: {  	[tilespmem:s0+$0x161A0] =	vst v0;
	(pc) =	sbr.rel @p0 .LBB2_2-.Ltmp0, $4  }
0x15: {  	[tilespmem:s0+$0x161B0] =	vst v0  }
0x16: {  	[tilespmem:s0+$0x161C0] =	vst v0  }
0x17: {  	[tilespmem:s0+$0x161D0] =	vst v0  }
0x18: {  	[tilespmem:s0+$0x161E0] =	vst v0;
	s0 =	sshra.s32 s25, $0x2;
	s25 =	sadd.s32 $0x240, s25  }
0x19: {  	[tilespmem:s0+$0x161F0] =	vst v0  }
0x1a: {  	[tilespmem:s0+$0x16170] =	vst v0  }
0x1b: {  	[tilespmem:s0+$0x16180] =	vst v0  }
0x1c: {  	[tilespmem:s0+$0x16190] =	vst v0  }
0x1d: {  	[tilespmem:s0+$0x161A0] =	vst v0  }
0x1e: {  	[tilespmem:s0+$0x161B0] =	vst v0;
	s25 =	simm.s32 $0x0  }
0x1f: {  	[tilespmem:s0+$0x161C0] =	vst v0;
	s25 =	sand.u32 $0xF, s25  }
0x20: {  	[tilespmem:s0+$0x161D0] =	vst v0;
	p0 =	sne.s32 s25, s3  }
0x21: {  	[tilespmem:s0+$0x161E0] =	vst v0;
	s0 =	simm.s32 @!p0 $0x16170;
	s28 =	simm.s32 @!p0 $0x4  }
0x22: {  	[spmem:s2] =	stream.linear.scatter @!p0 [tilespmem:s0], [sflag:$0x4], $0x2D00, $0x38;
	[tilespmem:$0x1F270] =	vst v63  }
0x23: {  	s26 =	simm.s32 $0x2;
	_ =	swait.ge @!p0 [sflag:s28], $0x2D00  }
0x24: {  	s25 =	simm.s32 $0x1;
	s0 =	sadd.s32 $0x2D00, s2;
	[sflag:s28] =	ssyncset.done @!p0 $0x0  }
.LBB2_4:
0x25: {  	s29 =	sand.u32 $0xF, s25;
	s25 =	smov.u32 s26;
	s26 =	sadd.s32 $0x1, s26  }
0x26: {  	[sflag:s28] =	ssyncadd.s32 @!p0 $0xFFFFD300;
	p1 =	sne.s32 s26, $0x7D  }
.Ltmp1:
0x27: {  	p0 =	sne.s32 s29, s3;
	(pc) =	sbr.rel @p1 .LBB2_4-.Ltmp1, $4  }
0x28: {  	s29 =	simm.s32 @!p0 $0x16170;
	s28 =	simm.s32 @!p0 $0x4  }
0x29: {  	[spmem:s0] =	stream.linear.scatter @!p0 [tilespmem:s29], [sflag:$0x4], $0x2D00, $0x38;
	[tilespmem:$0x1F270] =	vst v63  }
0x2a: {  	_ =	swait.ge @!p0 [sflag:s28], $0x2D00  }
0x2b: {  	s0 =	sadd.s32 $0x2D00, s0;
	[sflag:s28] =	ssyncset.done @!p0 $0x0  }
0x2c: {  	s25 =	sand.u32 $0xF, s25  }
0x2d: {  	p1 =	sne.s32 s25, s3  }
0x2e: {  	[sflag:s28] =	ssyncadd.s32 @!p0 $0xFFFFD300;
	s25 =	simm.s32 @!p1 $0x16170;
	s26 =	simm.s32 @!p1 $0x4  }
0x2f: {  	[spmem:s0] =	stream.linear.scatter @!p1 [tilespmem:s25], [sflag:$0x4], $0x2D00, $0x38;
	[tilespmem:$0x1F270] =	vst v63  }
0x30: {  	_ =	swait.ge @!p1 [sflag:s26], $0x2D00  }
0x31: {  	[sflag:s26] =	ssyncset.done @!p1 $0x0  }
0x32: {  	[sflag:s26] =	ssyncadd.s32 @!p1 $0xFFFFD300  }
0x33: {  	s25 =	simm.s32 $0x0;
	[bflag:$0x0] =	sbarrier.arrive $0xFFFF  }
0x34: {  	[tilespmem:s15], [sflag:$0x4] =	stream.linear.gather [hbm4b:s8+s25], $0x50, $0x38;
	[tilespmem:$0x1F270] =	vst v63  }
0x35: {  	_ =	swait.ge [sflag:s16], $0x50  }
0x36: {  	[sflag:s16] =	ssyncset.done $0x0  }
0x37: {  	[sflag:s16] =	ssyncadd.s32 $0xFFFFFFB0  }
0x38: {  	[tilespmem:s17], [sflag:$0x4] =	stream.linear.gather [hbm4b:s9+s25], $0x50, $0x38;
	[tilespmem:$0x1F270] =	vst v63  }
0x39: {  	_ =	swait.ge [sflag:s16], $0x50  }
0x3a: {  	[sflag:s16] =	ssyncset.done $0x0  }
0x3b: {  	s26 =	simm.s32 $0x16170;
	[sflag:s16] =	ssyncadd.s32 $0xFFFFFFB0  }
0x3c: {  	[tilespmem:s26], [sflag:$0x1] =	stream.indirect.gather [hbm4b:s5+s18], $0x90, s15, s18, $0xb8;
	[tilespmem:$0x1F270] =	vst v63  }
0x3d: {  	s31 =	simm.s32 $0x1E870  }
0x3e: {  	[tilespmem:s31], [sflag:$0x1] =	stream.indirect.gather [hbm4b:s1+s18], $0x10, s17, s18, $0xb8;
	[tilespmem:$0x1F270] =	vst v63  }
0x3f: {  	_ = 	snop  }
0x40: {  	[tilespmem:s20], [sflag:$0x3] =	stream.linear.gather [hbm4b:s10+s25], $0x50, $0x38;
	[tilespmem:$0x1F270] =	vst v63  }
0x41: {  	p0 =	por $0x0, $0x0  }
0x42: {  	[tilespmem:s21], [sflag:$0x3] =	stream.linear.gather [hbm4b:s11+s25], $0x50, $0x38;
	[tilespmem:$0x1F270] =	vst v63  }
.LBB2_6:
0x43: {  	_ =	swait.ge [sflag:s22], $0x2D00  }
0x44: {  	[sflag:s22] =	ssyncset.done $0x0  }
0x45: {  	[sflag:s22] =	ssyncadd.s32 $0xFFFFD300  }
0x46: {  	_ =	swait.ge [sflag:s22], $0x500  }
0x47: {  	p1 =	slt.u32 s25, $0x2;
	[sflag:s22] =	ssyncset.done $0x0  }
0x48: {  	s0 =	simm.s32 @!p1 $0x2;
	[sflag:s22] =	ssyncadd.s32 $0xFFFFFB00  }
0x49: {  	p2 =	seq.s32 @!p1 s25, $0x7C;
	_ =	swait.ge @!p1 [sflag:s0], $0x2D00  }
0x4a: {  	p2 =	por p1, !p2;
	[sflag:s0] =	ssyncset.done @!p1 $0x0  }
0x4b: {  	[sflag:s0] =	ssyncadd.s32 @!p1 $0xFFFFD300;
	s0 =	sadd.s32 @p2 $0x1, s25  }
0x4c: {  	s29 =	sand.u32 @p2 $0xFF, s0  }
0x4d: {  	s29 =	smul.u32 @p2 $0xAB, s29;
	_ =	sdelay $0x1  }
0x4e: {  	s29 =	sshrl.u32 @p2 s29, $0x9  }
0x4f: {  	s29 =	smul.u32 @p2 $0x3, s29  }
0x50: {  	_ =	swait.ge @p2 [sflag:s24], $0x50  }
0x51: {  	[sflag:s24] =	ssyncset.done @p2 $0x0;
	s0 =	ssub.s32 @p2 s0, s29  }
0x52: {  	s28 =	sand.u32 $0x1, s25;
	[sflag:s24] =	ssyncadd.s32 @p2 $0xFFFFFFB0;
	s0 =	sand.u32 @p2 $0xFF, s0  }
0x53: {  	s30 =	sxor.u32 @p2 $0x1, s28;
	_ =	swait.ge @p2 [sflag:s24], $0x50;
	s0 =	smul.u32 @p2 $0xB400, s0  }
0x54: {  	[sflag:s24] =	ssyncset.done @p2 $0x0;
	s29 =	smul.u32 @p2 $0x50, s30  }
0x55: {  	[sflag:s24] =	ssyncadd.s32 @p2 $0xFFFFFFB0;
	s0 =	sshrl.u32 @p2 s0, $0x2  }
0x56: {  	s30 =	smul.u32 @p2 $0x1400, s30;
	s31 =	sadd.s32 @p2 $0x15F90, s29;
	s0 =	sadd.s32 @p2 $0x16170, s0  }
0x57: {  	[tilespmem:s0], [sflag:$0x1] =	stream.indirect.gather @p2 [hbm4b:s5+s18], $0x90, s31, s18, $0xb8;
	[tilespmem:$0x1F270] =	vst v63  }
0x58: {  	s0 =	sshrl.u32 @p2 s30, $0x2  }
0x59: {  	s19 =	smul.u32 $0xAB, s25;
	s29 =	sadd.s32 @p2 $0x16030, s29;
	s0 =	sor.u32 @p2 $0x1E870, s0  }
0x5a: {  	[tilespmem:s0], [sflag:$0x1] =	stream.indirect.gather @p2 [hbm4b:s1+s18], $0x10, s29, s18, $0xb8;
	[tilespmem:$0x1F270] =	vst v63  }
0x5b: {  	s0 =	sshrl.u32 s19, $0x9;
	s29 =	smulhi.u32 $0xAAAAAAAB, s25  }
0x5c: {  	s0 =	sand.u32 $0x7F, s0  }
0x5d: {  	s0 =	smul.u32 $0x3, s0;
	s29 =	sshrl.u32 s29, $0x1  }
0x5e: {  	s29 =	smul.u32 $0xFFFDE400, s29  }
0x5f: {  	s30 =	simm.s32 $0x1  }
0x60: {  	s30 =	simm.s32 @!p0 $0x0;
	s0 =	ssub.s32 s25, s0;
	s29 =	sshra.s32 s29, $0x2  }
0x61: {  	s30 =	smul.u32 $0x1400, s30;
	s0 =	sand.u32 $0xFF, s0;
	s19 =	sadd.s32 s29, s26  }
0x62: {  	s0 =	smul.u32 $0xB400, s0;
	v1 =	vmov s19;
	_ =	sdelay $0x1  }
0x63: {  	s29 =	sshrl.u32 s30, $0x2;
	s0 =	sshrl.u32 s0, $0x2  }
0x64: {  	s31 =	simm.s32 $0x0;
	s30 =	sor.u32 $0x1E890, s29;
	s29 =	sadd.s32 $0x16170, s0  }
.LBB2_7:
0x65: {  	s0 =	sshra.s32 s31, $0x2;
	v3 =	vld [tilespmem:s30+$0xFFFFFFE0]  }
0x66: {  	v2 =	vld.idx.msk [tilespmem:v1+s0+$0x80 ss:$0x1], $0xffff;
	_ =	sdelay $0x4  }
0x67: {  	v2 =	vadd.f32 v3, v2;
	_ =	sdelay $0x1  }
0x68: {  	v3 =	vmul.f32 $2.000000030e-01, v2  }
0x69: {  	vm1 =	vgt.f32 v2, $0.0e+00  }
0x6a: {  	v2 =	vsel vm1, v2, v3  }
0x6b: {  	v2 =	vmul.f32 $1.442695020e+00, v2;
	_ =	sdelay $0x1  }
0x6c: {  	(erf) = vpow2.f32 v2;
	_ =	sdelay $0x6  }
0x6d: {  	v2 =	vld.idx.msk [tilespmem:v1+s0+$0x0 ss:$0x1], $0xffff;
	_ =	sdelay $0x1  }
0x6e: {  	v3 =	vpop (erf)  }
0x6f: {  	v4 =	vbroadcast v3, $0x0;
	_ =	sdelay $0x1  }
0x70: {  	v33 =	vnsel vm0, $0x0, v3;
	v2 =	vmul.f32 v4, v2  }
0x71: {  	[tilespmem:v1+s0+$0x80 ss:$0x1] =	vst.idx.msk $0xffff, v33  }
0x72: {  	[tilespmem:v1+s0+$0x0 ss:$0x1] =	vst.idx.msk $0xffff, v2  }
0x73: {  	v2 =	vld.idx.msk [tilespmem:v1+s0+$0x10 ss:$0x1], $0xffff;
	_ =	sdelay $0x2  }
0x74: {  	v34 =	vbroadcast v3, $0x1;
	_ =	sdelay $0x1  }
0x75: {  	v2 =	vmul.f32 v34, v2;
	_ =	sdelay $0x1  }
0x76: {  	[tilespmem:v1+s0+$0x10 ss:$0x1] =	vst.idx.msk $0xffff, v2  }
0x77: {  	v2 =	vld.idx.msk [tilespmem:v1+s0+$0x20 ss:$0x1], $0xffff;
	_ =	sdelay $0x2  }
0x78: {  	v35 =	vbroadcast v3, $0x2;
	_ =	sdelay $0x1  }
0x79: {  	v2 =	vmul.f32 v35, v2;
	_ =	sdelay $0x1  }
0x7a: {  	[tilespmem:v1+s0+$0x20 ss:$0x1] =	vst.idx.msk $0xffff, v2  }
0x7b: {  	v2 =	vld.idx.msk [tilespmem:v1+s0+$0x30 ss:$0x1], $0xffff;
	_ =	sdelay $0x2  }
0x7c: {  	v36 =	vbroadcast v3, $0x3;
	_ =	sdelay $0x1  }
0x7d: {  	v2 =	vmul.f32 v2, v36;
	_ =	sdelay $0x1  }
0x7e: {  	[tilespmem:v1+s0+$0x30 ss:$0x1] =	vst.idx.msk $0xffff, v2  }
0x7f: {  	v2 =	vld.idx.msk [tilespmem:v1+s0+$0x40 ss:$0x1], $0xffff;
	_ =	sdelay $0x2  }
0x80: {  	v37 =	vbroadcast v3, $0x4;
	_ =	sdelay $0x1  }
0x81: {  	v2 =	vmul.f32 v2, v37;
	_ =	sdelay $0x1  }
0x82: {  	[tilespmem:v1+s0+$0x40 ss:$0x1] =	vst.idx.msk $0xffff, v2  }
0x83: {  	v2 =	vld.idx.msk [tilespmem:v1+s0+$0x50 ss:$0x1], $0xffff;
	_ =	sdelay $0x2  }
0x84: {  	v38 =	vbroadcast v3, $0x5;
	_ =	sdelay $0x1  }
0x85: {  	v2 =	vmul.f32 v2, v38;
	_ =	sdelay $0x1  }
0x86: {  	[tilespmem:v1+s0+$0x50 ss:$0x1] =	vst.idx.msk $0xffff, v2  }
0x87: {  	v2 =	vld.idx.msk [tilespmem:v1+s0+$0x60 ss:$0x1], $0xffff;
	_ =	sdelay $0x2  }
0x88: {  	v39 =	vbroadcast v3, $0x6;
	_ =	sdelay $0x1  }
0x89: {  	v2 =	vmul.f32 v2, v39;
	_ =	sdelay $0x1  }
0x8a: {  	[tilespmem:v1+s0+$0x60 ss:$0x1] =	vst.idx.msk $0xffff, v2  }
0x8b: {  	v2 =	vld.idx.msk [tilespmem:v1+s0+$0x70 ss:$0x1], $0xffff;
	_ =	sdelay $0x2  }
0x8c: {  	v3 =	vbroadcast v3, $0x7;
	_ =	sdelay $0x1  }
0x8d: {  	v2 =	vmul.f32 v2, v3;
	_ =	sdelay $0x1  }
0x8e: {  	[tilespmem:v1+s0+$0x70 ss:$0x1] =	vst.idx.msk $0xffff, v2  }
0x8f: {  	v2 =	vld.idx.msk [tilespmem:v1+s0+$0x110 ss:$0x1], $0xffff  }
0x90: {  	v3 =	vld [tilespmem:s30+$0xFFFFFFF0];
	_ =	sdelay $0x4  }
0x91: {  	v2 =	vadd.f32 v3, v2;
	_ =	sdelay $0x1  }
0x92: {  	v3 =	vmul.f32 $2.000000030e-01, v2  }
0x93: {  	vm1 =	vgt.f32 v2, $0.0e+00  }
0x94: {  	v2 =	vsel vm1, v2, v3  }
0x95: {  	v2 =	vmul.f32 $1.442695020e+00, v2;
	_ =	sdelay $0x1  }
0x96: {  	(erf) = vpow2.f32 v2;
	_ =	sdelay $0x6  }
0x97: {  	v2 =	vld.idx.msk [tilespmem:v1+s0+$0x90 ss:$0x1], $0xffff;
	_ =	sdelay $0x1  }
0x98: {  	v3 =	vpop (erf)  }
0x99: {  	v40 =	vbroadcast v3, $0x0;
	_ =	sdelay $0x1  }
0x9a: {  	v41 =	vnsel vm0, $0x0, v3;
	v2 =	vmul.f32 v40, v2  }
0x9b: {  	[tilespmem:v1+s0+$0x110 ss:$0x1] =	vst.idx.msk $0xffff, v41  }
0x9c: {  	[tilespmem:v1+s0+$0x90 ss:$0x1] =	vst.idx.msk $0xffff, v2  }
0x9d: {  	v2 =	vld.idx.msk [tilespmem:v1+s0+$0xA0 ss:$0x1], $0xffff;
	_ =	sdelay $0x2  }
0x9e: {  	v42 =	vbroadcast v3, $0x1;
	_ =	sdelay $0x1  }
0x9f: {  	v2 =	vmul.f32 v42, v2;
	_ =	sdelay $0x1  }
0xa0: {  	[tilespmem:v1+s0+$0xA0 ss:$0x1] =	vst.idx.msk $0xffff, v2  }
0xa1: {  	v2 =	vld.idx.msk [tilespmem:v1+s0+$0xB0 ss:$0x1], $0xffff;
	_ =	sdelay $0x2  }
0xa2: {  	v43 =	vbroadcast v3, $0x2;
	_ =	sdelay $0x1  }
0xa3: {  	v2 =	vmul.f32 v43, v2;
	_ =	sdelay $0x1  }
0xa4: {  	[tilespmem:v1+s0+$0xB0 ss:$0x1] =	vst.idx.msk $0xffff, v2  }
0xa5: {  	v2 =	vld.idx.msk [tilespmem:v1+s0+$0xC0 ss:$0x1], $0xffff;
	_ =	sdelay $0x2  }
0xa6: {  	v44 =	vbroadcast v3, $0x3;
	_ =	sdelay $0x1  }
0xa7: {  	v2 =	vmul.f32 v2, v44;
	_ =	sdelay $0x1  }
0xa8: {  	[tilespmem:v1+s0+$0xC0 ss:$0x1] =	vst.idx.msk $0xffff, v2  }
0xa9: {  	v2 =	vld.idx.msk [tilespmem:v1+s0+$0xD0 ss:$0x1], $0xffff;
	_ =	sdelay $0x2  }
0xaa: {  	v45 =	vbroadcast v3, $0x4;
	_ =	sdelay $0x1  }
0xab: {  	v2 =	vmul.f32 v2, v45;
	_ =	sdelay $0x1  }
0xac: {  	[tilespmem:v1+s0+$0xD0 ss:$0x1] =	vst.idx.msk $0xffff, v2  }
0xad: {  	v2 =	vld.idx.msk [tilespmem:v1+s0+$0xE0 ss:$0x1], $0xffff;
	_ =	sdelay $0x2  }
0xae: {  	v46 =	vbroadcast v3, $0x5;
	_ =	sdelay $0x1  }
0xaf: {  	v2 =	vmul.f32 v2, v46;
	_ =	sdelay $0x1  }
0xb0: {  	[tilespmem:v1+s0+$0xE0 ss:$0x1] =	vst.idx.msk $0xffff, v2  }
0xb1: {  	v2 =	vld.idx.msk [tilespmem:v1+s0+$0xF0 ss:$0x1], $0xffff;
	_ =	sdelay $0x2  }
0xb2: {  	v47 =	vbroadcast v3, $0x6;
	_ =	sdelay $0x1  }
0xb3: {  	v2 =	vmul.f32 v2, v47;
	_ =	sdelay $0x1  }
0xb4: {  	[tilespmem:v1+s0+$0xF0 ss:$0x1] =	vst.idx.msk $0xffff, v2  }
0xb5: {  	v2 =	vld.idx.msk [tilespmem:v1+s0+$0x100 ss:$0x1], $0xffff;
	_ =	sdelay $0x2  }
0xb6: {  	v3 =	vbroadcast v3, $0x7;
	_ =	sdelay $0x1  }
0xb7: {  	v2 =	vmul.f32 v2, v3;
	_ =	sdelay $0x1  }
0xb8: {  	[tilespmem:v1+s0+$0x100 ss:$0x1] =	vst.idx.msk $0xffff, v2  }
0xb9: {  	v2 =	vld.idx.msk [tilespmem:v1+s0+$0x1A0 ss:$0x1], $0xffff  }
0xba: {  	v3 =	vld [tilespmem:s30+$0x0];
	_ =	sdelay $0x4  }
0xbb: {  	v2 =	vadd.f32 v3, v2;
	_ =	sdelay $0x1  }
0xbc: {  	v3 =	vmul.f32 $2.000000030e-01, v2  }
0xbd: {  	vm1 =	vgt.f32 v2, $0.0e+00  }
0xbe: {  	v2 =	vsel vm1, v2, v3  }
0xbf: {  	v2 =	vmul.f32 $1.442695020e+00, v2;
	_ =	sdelay $0x1  }
0xc0: {  	(erf) = vpow2.f32 v2;
	_ =	sdelay $0x6  }
0xc1: {  	v2 =	vld.idx.msk [tilespmem:v1+s0+$0x120 ss:$0x1], $0xffff;
	_ =	sdelay $0x1  }
0xc2: {  	v3 =	vpop (erf)  }
0xc3: {  	v48 =	vbroadcast v3, $0x0;
	_ =	sdelay $0x1  }
0xc4: {  	v49 =	vnsel vm0, $0x0, v3;
	v2 =	vmul.f32 v48, v2  }
0xc5: {  	[tilespmem:v1+s0+$0x1A0 ss:$0x1] =	vst.idx.msk $0xffff, v49  }
0xc6: {  	[tilespmem:v1+s0+$0x120 ss:$0x1] =	vst.idx.msk $0xffff, v2  }
0xc7: {  	v2 =	vld.idx.msk [tilespmem:v1+s0+$0x130 ss:$0x1], $0xffff;
	_ =	sdelay $0x2  }
0xc8: {  	v50 =	vbroadcast v3, $0x1;
	_ =	sdelay $0x1  }
0xc9: {  	v2 =	vmul.f32 v50, v2;
	_ =	sdelay $0x1  }
0xca: {  	[tilespmem:v1+s0+$0x130 ss:$0x1] =	vst.idx.msk $0xffff, v2  }
0xcb: {  	v2 =	vld.idx.msk [tilespmem:v1+s0+$0x140 ss:$0x1], $0xffff;
	_ =	sdelay $0x2  }
0xcc: {  	v51 =	vbroadcast v3, $0x2;
	_ =	sdelay $0x1  }
0xcd: {  	v2 =	vmul.f32 v51, v2;
	_ =	sdelay $0x1  }
0xce: {  	[tilespmem:v1+s0+$0x140 ss:$0x1] =	vst.idx.msk $0xffff, v2  }
0xcf: {  	v2 =	vld.idx.msk [tilespmem:v1+s0+$0x150 ss:$0x1], $0xffff;
	_ =	sdelay $0x2  }
0xd0: {  	v52 =	vbroadcast v3, $0x3;
	_ =	sdelay $0x1  }
0xd1: {  	v2 =	vmul.f32 v2, v52;
	_ =	sdelay $0x1  }
0xd2: {  	[tilespmem:v1+s0+$0x150 ss:$0x1] =	vst.idx.msk $0xffff, v2  }
0xd3: {  	v2 =	vld.idx.msk [tilespmem:v1+s0+$0x160 ss:$0x1], $0xffff;
	_ =	sdelay $0x2  }
0xd4: {  	v53 =	vbroadcast v3, $0x4;
	_ =	sdelay $0x1  }
0xd5: {  	v2 =	vmul.f32 v2, v53;
	_ =	sdelay $0x1  }
0xd6: {  	[tilespmem:v1+s0+$0x160 ss:$0x1] =	vst.idx.msk $0xffff, v2  }
0xd7: {  	v2 =	vld.idx.msk [tilespmem:v1+s0+$0x170 ss:$0x1], $0xffff;
	_ =	sdelay $0x2  }
0xd8: {  	v54 =	vbroadcast v3, $0x5;
	_ =	sdelay $0x1  }
0xd9: {  	v2 =	vmul.f32 v2, v54;
	_ =	sdelay $0x1  }
0xda: {  	[tilespmem:v1+s0+$0x170 ss:$0x1] =	vst.idx.msk $0xffff, v2  }
0xdb: {  	v2 =	vld.idx.msk [tilespmem:v1+s0+$0x180 ss:$0x1], $0xffff;
	_ =	sdelay $0x2  }
0xdc: {  	v55 =	vbroadcast v3, $0x6;
	_ =	sdelay $0x1  }
0xdd: {  	v2 =	vmul.f32 v2, v55;
	_ =	sdelay $0x1  }
0xde: {  	[tilespmem:v1+s0+$0x180 ss:$0x1] =	vst.idx.msk $0xffff, v2  }
0xdf: {  	v2 =	vld.idx.msk [tilespmem:v1+s0+$0x190 ss:$0x1], $0xffff;
	_ =	sdelay $0x2  }
0xe0: {  	v3 =	vbroadcast v3, $0x7;
	_ =	sdelay $0x1  }
0xe1: {  	v2 =	vmul.f32 v2, v3;
	_ =	sdelay $0x1  }
0xe2: {  	[tilespmem:v1+s0+$0x190 ss:$0x1] =	vst.idx.msk $0xffff, v2  }
0xe3: {  	v2 =	vld.idx.msk [tilespmem:v1+s0+$0x230 ss:$0x1], $0xffff  }
0xe4: {  	v3 =	vld [tilespmem:s30+$0x10];
	_ =	sdelay $0x4  }
0xe5: {  	v2 =	vadd.f32 v3, v2;
	_ =	sdelay $0x1  }
0xe6: {  	v3 =	vmul.f32 $2.000000030e-01, v2  }
0xe7: {  	vm1 =	vgt.f32 v2, $0.0e+00  }
0xe8: {  	v2 =	vsel vm1, v2, v3  }
0xe9: {  	v2 =	vmul.f32 $1.442695020e+00, v2;
	_ =	sdelay $0x1  }
0xea: {  	(erf) = vpow2.f32 v2;
	_ =	sdelay $0x6  }
0xeb: {  	v2 =	vld.idx.msk [tilespmem:v1+s0+$0x1B0 ss:$0x1], $0xffff;
	_ =	sdelay $0x1  }
0xec: {  	v3 =	vpop (erf)  }
0xed: {  	v56 =	vbroadcast v3, $0x0;
	_ =	sdelay $0x1  }
0xee: {  	v57 =	vnsel vm0, $0x0, v3;
	v2 =	vmul.f32 v56, v2  }
0xef: {  	[tilespmem:v1+s0+$0x230 ss:$0x1] =	vst.idx.msk $0xffff, v57  }
0xf0: {  	[tilespmem:v1+s0+$0x1B0 ss:$0x1] =	vst.idx.msk $0xffff, v2  }
0xf1: {  	v2 =	vld.idx.msk [tilespmem:v1+s0+$0x1C0 ss:$0x1], $0xffff;
	_ =	sdelay $0x2  }
0xf2: {  	v58 =	vbroadcast v3, $0x1;
	_ =	sdelay $0x1  }
0xf3: {  	v2 =	vmul.f32 v58, v2;
	_ =	sdelay $0x1  }
0xf4: {  	[tilespmem:v1+s0+$0x1C0 ss:$0x1] =	vst.idx.msk $0xffff, v2  }
0xf5: {  	v2 =	vld.idx.msk [tilespmem:v1+s0+$0x1D0 ss:$0x1], $0xffff;
	_ =	sdelay $0x2  }
0xf6: {  	v59 =	vbroadcast v3, $0x2;
	_ =	sdelay $0x1  }
0xf7: {  	v2 =	vmul.f32 v59, v2;
	_ =	sdelay $0x1  }
0xf8: {  	[tilespmem:v1+s0+$0x1D0 ss:$0x1] =	vst.idx.msk $0xffff, v2  }
0xf9: {  	v2 =	vld.idx.msk [tilespmem:v1+s0+$0x1E0 ss:$0x1], $0xffff;
	_ =	sdelay $0x2  }
0xfa: {  	v60 =	vbroadcast v3, $0x3;
	_ =	sdelay $0x1  }
0xfb: {  	v2 =	vmul.f32 v2, v60;
	_ =	sdelay $0x1  }
0xfc: {  	[tilespmem:v1+s0+$0x1E0 ss:$0x1] =	vst.idx.msk $0xffff, v2  }
0xfd: {  	v2 =	vld.idx.msk [tilespmem:v1+s0+$0x1F0 ss:$0x1], $0xffff;
	_ =	sdelay $0x2  }
0xfe: {  	v61 =	vbroadcast v3, $0x4;
	_ =	sdelay $0x1  }
0xff: {  	v2 =	vmul.f32 v2, v61;
	_ =	sdelay $0x1  }
0x100: {  	[tilespmem:v1+s0+$0x1F0 ss:$0x1] =	vst.idx.msk $0xffff, v2  }
0x101: {  	v2 =	vld.idx.msk [tilespmem:v1+s0+$0x200 ss:$0x1], $0xffff;
	_ =	sdelay $0x2  }
0x102: {  	v62 =	vbroadcast v3, $0x5;
	_ =	sdelay $0x1  }
0x103: {  	v2 =	vmul.f32 v2, v62;
	_ =	sdelay $0x1  }
0x104: {  	[tilespmem:v1+s0+$0x200 ss:$0x1] =	vst.idx.msk $0xffff, v2  }
0x105: {  	v2 =	vld.idx.msk [tilespmem:v1+s0+$0x210 ss:$0x1], $0xffff;
	_ =	sdelay $0x2  }
0x106: {  	v63 =	vbroadcast v3, $0x6;
	_ =	sdelay $0x1  }
0x107: {  	v2 =	vmul.f32 v2, v63;
	_ =	sdelay $0x1  }
0x108: {  	[tilespmem:v1+s0+$0x210 ss:$0x1] =	vst.idx.msk $0xffff, v2  }
0x109: {  	v2 =	vld.idx.msk [tilespmem:v1+s0+$0x220 ss:$0x1], $0xffff;
	_ =	sdelay $0x1  }
0x10a: {  	p1 =	sne.s32 s31, $0xAB00  }
.Ltmp2:
0x10b: {  	v3 =	vbroadcast v3, $0x7;
	(pc) =	sbr.rel @p1 .LBB2_7-.Ltmp2, $3  }
0x10c: {  	_ = 	snop  }
0x10d: {  	v2 =	vmul.f32 v2, v3;
	_ =	sdelay $0x1  }
0x10e: {  	s31 =	sadd.s32 $0x900, s31;
	s30 =	sadd.s32 $0x40, s30;
	[tilespmem:v1+s0+$0x220 ss:$0x1] =	vst.idx.msk $0xffff, v2  }
0x10f: {  	s0 =	smul.u32 $0x50, s28;
	_ =	sdelay $0x1  }
0x110: {  	v1 =	vld [tilespmem:s0+$0x16030]  }
0x111: {  	v2 =	vld [tilespmem:s0+$0x16040]  }
0x112: {  	v3 =	vld [tilespmem:s0+$0x16050]  }
0x113: {  	v4 =	vld [tilespmem:s0+$0x16060]  }
0x114: {  	v5 =	vld [tilespmem:s0+$0x16070]  }
0x115: {  	[tilespmem:s0+$0x160D0] =	vst v1  }
0x116: {  	[tilespmem:s0+$0x160E0] =	vst v2  }
0x117: {  	[tilespmem:s0+$0x160F0] =	vst v3  }
0x118: {  	p1 =	sgt.u32 s25, $0x7A;
	[tilespmem:s0+$0x16100] =	vst v4  }
0x119: {  	s28 =	smul.u32 @!p1 $0x50, s25;
	s19 =	sadd.s32 $0x160D0, s0;
	[tilespmem:s0+$0x16110] =	vst v5  }
0x11a: {  	[spmem:s2] =	stream.indirect.scatter.add.f32 [tilespmem:s29], [sflag:$0x2], $0x90, s19, s18, $0xb8;
	[tilespmem:$0x1F270] =	vst v63  }
0x11b: {  	s19 =	sadd.s32 @!p1 s28, s12  }
0x11c: {  	s19 =	sshrl.u32 @!p1 s19, $0x3  }
0x11d: {  	s30 =	simm.s32 @!p1 $0x0;
	s28 =	sadd.s32 @!p1 $0x15F90, s0;
	s29 =	sadd.s32 @!p1 s6, s19  }
0x11e: {  	[tilespmem:s28], [sflag:$0x3] =	stream.linear.gather @!p1 [hbm4b:s29+s30], $0x50, $0x38;
	[tilespmem:$0x1F270] =	vst v63  }
0x11f: {  	s25 =	sadd.s32 $0x1, s25;
	s0 =	sadd.s32 $0x16030, s0;
	s19 =	sadd.s32 @!p1 s7, s19  }
0x120: {  	[tilespmem:s0], [sflag:$0x3] =	stream.linear.gather @!p1 [hbm4b:s19+s30], $0x50, $0x38;
	[tilespmem:$0x1F270] =	vst v63  }
0x121: {  	p1 =	sne.s32 s25, $0x7D  }
.Ltmp3:
0x122: {  	_ = 	snop;
	(pc) =	sbr.rel @p1 .LBB2_6-.Ltmp3, $2  }
0x123: {  	_ =	sdelay $0x2  }
0x124: {  	s26 =	sadd.s32 $0x2D00, s26;
	p0 =	por !p0, !p0  }
0x125: {  	_ =	swait.ge [sflag:s23], $0x2D00  }
0x126: {  	[sflag:s23] =	ssyncset.done $0x0  }
0x127: {  	s0 =	simm.s32 $0x0;
	[sflag:s23] =	ssyncadd.s32 $0xFFFFD300  }
0x128: {  	s0 =	sand.u32 $0xF, s0;
	_ =	swait.ge [sflag:s23], $0x2D00  }
0x129: {  	p0 =	sne.s32 s0, s3;
	[sflag:s23] =	ssyncset.done $0x0  }
0x12a: {  	s0 =	simm.s32 @!p0 $0x16170;
	[sflag:s23] =	ssyncadd.s32 $0xFFFFD300  }
0x12b: {  	s19 =	simm.s32 @!p0 $0x5;
	p0 =	por p0, p0;
	[bflag:$0x0] =	sbarrier.arrive $0xFFFF  }
0x12c: {  	[tilespmem:s0], [sflag:$0x5] =	stream.linear.gather @!p0 [spmem:s2], $0x2D00, $0x38;
	[tilespmem:$0x1F270] =	vst v63  }
0x12d: {  	_ =	swait.ge @!p0 [sflag:s19], $0x2D00  }
0x12e: {  	s26 =	simm.s32 $0x1;
	s25 =	simm.s32 $0x2;
	[sflag:s19] =	ssyncset.done @!p0 $0x0  }
0x12f: {  	s28 =	simm.s32 @!p0 $0x4;
	[sflag:s19] =	ssyncadd.s32 @!p0 $0xFFFFD300;
	s19 =	simm.s32 @!p0 $0x0  }
0x130: {  	[hbm4b:s14+s19] =	stream.linear.scatter @!p0 [tilespmem:s0], [sflag:$0x4], $0x2D00, $0x38;
	[tilespmem:$0x1F270] =	vst v63  }
0x131: {  	s31 =	sand.u32 $0xF, s26;
	s26 =	sadd.s32 $0x2D00, s2;
	_ =	swait.ge @!p0 [sflag:s28], $0x2D00  }
0x132: {  	p1 =	sne.s32 s31, s3;
	s0 =	sadd.s32 $0x5A0, s14;
	[sflag:s28] =	ssyncset.done @!p0 $0x0  }
.LBB2_10:
0x133: {  	s19 =	simm.s32 @!p1 $0x16170;
	s29 =	simm.s32 @!p1 $0x5;
	[sflag:s28] =	ssyncadd.s32 @!p0 $0xFFFFD300  }
0x134: {  	s30 =	smov.u32 s25;
	p0 =	por p1, p1;
	s25 =	sadd.s32 $0x1, s25  }
0x135: {  	[tilespmem:s19], [sflag:$0x5] =	stream.linear.gather @!p0 [spmem:s26], $0x2D00, $0x38;
	[tilespmem:$0x1F270] =	vst v63  }
0x136: {  	p2 =	sne.s32 s25, $0x7D;
	_ =	swait.ge @!p0 [sflag:s29], $0x2D00  }
.Ltmp4:
0x137: {  	[sflag:s29] =	ssyncset.done @!p0 $0x0;
	(pc) =	sbr.rel @p2 .LBB2_10-.Ltmp4, $4  }
0x138: {  	s28 =	simm.s32 @!p0 $0x4;
	[sflag:s29] =	ssyncadd.s32 @!p0 $0xFFFFD300;
	s29 =	simm.s32 @!p0 $0x0  }
0x139: {  	[hbm4b:s0+s29] =	stream.linear.scatter @!p0 [tilespmem:s19], [sflag:$0x4], $0x2D00, $0x38;
	[tilespmem:$0x1F270] =	vst v63  }
0x13a: {  	s26 =	sadd.s32 $0x2D00, s26;
	s19 =	sand.u32 $0xF, s30;
	_ =	swait.ge @!p0 [sflag:s28], $0x2D00  }
0x13b: {  	s0 =	sadd.s32 $0x5A0, s0;
	p1 =	sne.s32 s19, s3;
	[sflag:s28] =	ssyncset.done @!p0 $0x0  }
0x13c: {  	s19 =	simm.s32 @!p1 $0x16170  }
0x13d: {  	s25 =	simm.s32 @!p1 $0x5;
	[sflag:s28] =	ssyncadd.s32 @!p0 $0xFFFFD300;
	p0 =	por p1, p1  }
0x13e: {  	[tilespmem:s19], [sflag:$0x5] =	stream.linear.gather @!p0 [spmem:s26], $0x2D00, $0x38;
	[tilespmem:$0x1F270] =	vst v63  }
0x13f: {  	s4 =	sadd.s32 $0x1, s4;
	_ =	swait.ge @!p0 [sflag:s25], $0x2D00  }
0x140: {  	s26 =	simm.s32 @!p0 $0x4;
	p1 =	sne.s32 s4, s13;
	[sflag:s25] =	ssyncset.done @!p0 $0x0  }
.Ltmp5:
0x141: {  	[sflag:s25] =	ssyncadd.s32 @!p0 $0xFFFFD300;
	s25 =	simm.s32 @!p0 $0x0;
	(pc) =	sbr.rel @p1 .LBB2_1-.Ltmp5, $4  }
0x142: {  	[hbm4b:s0+s25] =	stream.linear.scatter @!p0 [tilespmem:s19], [sflag:$0x4], $0x2D00, $0x38;
	[tilespmem:$0x1F270] =	vst v63  }
0x143: {  	_ =	swait.ge @!p0 [sflag:s26], $0x2D00  }
0x144: {  	[sflag:s26] =	ssyncset.done @!p0 $0x0  }
0x145: {  	[sflag:s26] =	ssyncadd.s32 @!p0 $0xFFFFD300  }
0x146: {  	_ =	sfence.sel $0x180000  }
0x147: {  	[bflag:$0x0] =	sbarrier.arrive $0xFFFF  }
0x148: {  	_ =	strace $0x9000004A  }
0x149: {  	[bflag:$0x2] =	sbarrier.arrive $0xFFFF  }
0x14a: {  	p0 =	sne.s32 s3, $0x0;
	s0 =	rddreg [dreg:$0x3]  }
0x14b: {  	s0 =	sadd.s32 @!p0 $0x100000, s0  }
0x14c: {  	[sflag:s0] =	ssyncadd.tile.s32 @!p0 $0x1;
	_ =	shalt  }
.Lfunc_end2:
_tile_overlayer_lowered:
.L_overlay_start_2:
0x14d: {  	(tag) =	ssettag $0x2  }
0x14e: {  	s0 =	rddreg [dreg:$0x0];
	s2 =	stileid.u32  }
0x14f: {  	s1 =	rddreg [dreg:$0x1];
	p0 =	sne.s32 s2, $0x0  }
0x150: {  	s3 =	rddreg [dreg:$0x2];
	[bflag:$0x3] =	sbarrier.arrive $0xFFFF;
	s2 =	simm.s32 @!p0 $0x1C04  }
0x151: {  	[timem:s3], [sflag:s2] =	dma.local @!p0 [hbm:s0], s1  }
0x152: {  	s0 =	simm.s32 @!p0 $0x4  }
0x153: {  	_ =	swait.ge @!p0 [sflag:s0], s1  }
0x154: {  	s1 =	ssub.s32 @!p0 $0x0, s1;
	[sflag:s0] =	ssyncset.done @!p0 $0x0  }
0x155: {  	[sflag:s0] =	ssyncadd.s32 @!p0 s1  }
0x156: {  	[bflag:$0x3] =	sbarrier.arrive $0xFFFF  }
0x157: {  	_ =	shalt  }

// kernel: kernel.7.cloned.1.call-start
scs
__scs_entry_jumppad:
0x0: {  	(pc) =	sbr.rel $0x88, $3  }
0x1: {  	(tag) =	ssettag $0x0;
	lr =	simm.s32 $0x1  }
0x2: {  	[smem:$0x3F97] =	sst lr;
	_ =	strace $0xD0000000  }
0x3: {  	_ = 	snop  }
0x4: {  	_ = 	snop  }
0x5: {  	_ = 	snop  }
0x6: {  	_ = 	snop  }
0x7: {  	_ = 	snop  }
__scs_overlays_trampoline_lowered:
0x8: {  	[smem:$0x3FA6] =	sst s0  }
0x9: {  	[smem:$0x3FA7] =	sst s1  }
0xa: {  	[smem:$0x3FA8] =	sst s2  }
0xb: {  	[smem:$0x3FA9] =	sst s3  }
0xc: {  	[smem:$0x3FAA] =	sst s4  }
0xd: {  	[smem:$0x3FAB] =	sst s5  }
0xe: {  	[smem:$0x3FAC] =	sst s6  }
0xf: {  	[smem:$0x3FAD] =	sst s7  }
0x10: {  	[smem:$0x3FAE] =	sst s8  }
0x11: {  	[smem:$0x3FAF] =	sst s9;
	s0 =	simm.s32 @!p0 $0x0  }
0x12: {  	s1 =	sld [smem:$0x3F95];
	s0 =	simm.s32 @p0 $0x1  }
0x13: {  	[smem:$0x3FB0] =	sst s0;
	s0 =	simm.s32 @!p1 $0x0  }
0x14: {  	s2 =	sld [smem:$0x3F94];
	s0 =	simm.s32 @p1 $0x1  }
0x15: {  	[smem:$0x3FB1] =	sst s0;
	s0 =	simm.s32 @!p2 $0x0  }
0x16: {  	s3 =	sld [smem:$0x3FDB];
	s0 =	simm.s32 @p2 $0x1  }
0x17: {  	s4 =	simm.s32 $0x1BF5;
	[smem:$0x3FB3] =	sst s0  }
0x18: {  	s0 =	sld [smem:$0x3F96];
	_ =	swait.ge [sflag:s4], $0x0  }
0x19: {  	s7 =	sld [smem:$0x3F97]  }
0x1a: {  	s8 =	sadd.s32 $0xFFFFE003, lr  }
0x1b: {  	s9 =	sadd.s32 $0xFFFFFEF7, lr;
	s5 =	simm.s32 $0xFFFFFFFF;
	p2 =	slt.u32 s8, $0xFFFFF086  }
0x1c: {  	p1 =	slt.u32 s9, $0xF7A;
	s5 =	simm.s32 @!p2 $0x0  }
0x1d: {  	s5 =	simm.s32 @p1 $0x1;
	p0 =	seq.s32 s7, s2  }
0x1e: {  	s7 =	smul.u32 @!p0 $0xF7A, s2;
	p2 =	seq.s32 @!p0 s5, $0x0  }
0x1f: {  	s9 =	smul.u32 $0xF7A, s1;
	s8 =	simm.s32 @!p0 $0x1BF5;
	p2 =	por !p2, p0  }
0x20: {  	[sflag:s8] =	ssyncset.s32 @!p0 $0xFFFFF086;
	s6 =	sadd.s32 @!p0 s3, s7;
	s7 =	simm.s32 @!p0 $0x108  }
0x21: {  	s3 =	sadd.s32 s3, s9;
	s6 =	sadd.s32 @!p0 $0x88, s6;
	s7 =	simm.s32 @p2 $0x1082  }
0x22: {  	[simem:s7], [sflag:s8] =	dma.local @!p0 [hbm:s6], $0xF7A  }
0x23: {  	s9 =	sor.u32 $0xD0000000, s2;
	s6 =	simm.s32 $0x108;
	_ =	swait.ge @!p0 [sflag:s8], $0x0  }
0x24: {  	s3 =	sadd.s32 $0x88, s3;
	s6 =	simm.s32 @!p1 $0x1082;
	[sflag:s4] =	ssyncset.s32 $0xFFFFF086  }
0x25: {  	[simem:s6], [sflag:s4] =	dma.local [hbm:s3], $0xF7A  }
0x26: {  	[smem:$0x3F97] =	sst s1;
	(tag) =	ssettag s2;
	_ =	strace s9  }
0x27: {  	s1 =	sld [smem:$0x3FA7]  }
0x28: {  	s2 =	sld [smem:$0x3FA8]  }
0x29: {  	s4 =	sld [smem:$0x3FAA]  }
0x2a: {  	p0 =	seq.s32 s5, $0x0;
	s5 =	sld [smem:$0x3FAB]  }
0x2b: {  	s6 =	sld [smem:$0x3FAC]  }
0x2c: {  	s7 =	sld [smem:$0x3FAD]  }
0x2d: {  	s3 =	simm.s32 $0x108;
	s8 =	sld [smem:$0x3FAE]  }
0x2e: {  	s3 =	simm.s32 @!p0 $0x1082;
	s9 =	sld [smem:$0x3FAF]  }
0x2f: {  	lr =	sadd.s32 s0, s3;
	s0 =	sld [smem:$0x3FA6]  }
0x30: {  	s3 =	sld [smem:$0x3FA9]  }
0x31: {  	[smem:$0x3FB2] =	sst s10  }
0x32: {  	s10 =	sld [smem:$0x3FB0];
	_ =	sdelay $0x3  }
0x33: {  	p0 =	seq.s32 s10, $0x1;
	s10 =	sld [smem:$0x3FB2];
	_ =	sdelay $0x3  }
0x34: {  	[smem:$0x3FB2] =	sst s10  }
0x35: {  	s10 =	sld [smem:$0x3FB1];
	_ =	sdelay $0x3  }
0x36: {  	p1 =	seq.s32 s10, $0x1;
	s10 =	sld [smem:$0x3FB2];
	_ =	sdelay $0x3  }
0x37: {  	[smem:$0x3FB2] =	sst s10  }
0x38: {  	s10 =	sld [smem:$0x3FB3]  }
0x39: {  	_ = 	snop;
	(pc) =	sbr.ind lr, $3  }
0x3a: {  	_ = 	snop  }
0x3b: {  	_ = 	snop  }
0x3c: {  	p2 =	seq.s32 s10, $0x1;
	s10 =	sld [smem:$0x3FB2]  }
0x3d: {  	_ =	shalt  }
0x3e: {  	_ =	shalt  }
0x3f: {  	_ =	shalt  }
0x40: {  	_ =	shalt  }
0x41: {  	_ =	shalt  }
0x42: {  	_ =	shalt  }
0x43: {  	_ =	shalt  }
0x44: {  	_ =	shalt  }
0x45: {  	_ =	shalt  }
0x46: {  	_ =	shalt  }
0x47: {  	_ =	shalt  }
0x48: {  	_ =	shalt  }
0x49: {  	_ =	shalt  }
0x4a: {  	_ =	shalt  }
0x4b: {  	_ =	shalt  }
0x4c: {  	_ =	shalt  }
0x4d: {  	_ =	shalt  }
0x4e: {  	_ =	shalt  }
0x4f: {  	_ =	shalt  }
0x50: {  	_ =	shalt  }
0x51: {  	_ =	shalt  }
0x52: {  	_ =	shalt  }
0x53: {  	_ =	shalt  }
0x54: {  	_ =	shalt  }
0x55: {  	_ =	shalt  }
0x56: {  	_ =	shalt  }
0x57: {  	_ =	shalt  }
0x58: {  	_ =	shalt  }
0x59: {  	_ =	shalt  }
0x5a: {  	_ =	shalt  }
0x5b: {  	_ =	shalt  }
0x5c: {  	_ =	shalt  }
0x5d: {  	_ =	shalt  }
0x5e: {  	_ =	shalt  }
0x5f: {  	_ =	shalt  }
0x60: {  	_ =	shalt  }
0x61: {  	_ =	shalt  }
0x62: {  	_ =	shalt  }
0x63: {  	_ =	shalt  }
0x64: {  	_ =	shalt  }
0x65: {  	_ =	shalt  }
0x66: {  	_ =	shalt  }
0x67: {  	_ =	shalt  }
0x68: {  	_ =	shalt  }
0x69: {  	_ =	shalt  }
0x6a: {  	_ =	shalt  }
0x6b: {  	_ =	shalt  }
0x6c: {  	_ =	shalt  }
0x6d: {  	_ =	shalt  }
0x6e: {  	_ =	shalt  }
0x6f: {  	_ =	shalt  }
0x70: {  	_ =	shalt  }
0x71: {  	_ =	shalt  }
0x72: {  	_ =	shalt  }
0x73: {  	_ =	shalt  }
0x74: {  	_ =	shalt  }
0x75: {  	_ =	shalt  }
0x76: {  	_ =	shalt  }
0x77: {  	_ =	shalt  }
0x78: {  	_ =	shalt  }
0x79: {  	_ =	shalt  }
0x7a: {  	_ =	shalt  }
0x7b: {  	_ =	shalt  }
0x7c: {  	_ =	shalt  }
0x7d: {  	_ =	shalt  }
0x7e: {  	_ =	shalt  }
0x7f: {  	_ =	shalt  }
0x80: {  	_ =	shalt  }
0x81: {  	_ =	shalt  }
0x82: {  	_ =	shalt  }
0x83: {  	_ =	shalt  }
0x84: {  	_ =	shalt  }
0x85: {  	_ =	shalt  }
0x86: {  	_ =	shalt  }
0x87: {  	_ =	shalt  }
.Lfunc_end0:
.L_simem_size_0:
called_computation_lowered:
.L_overlay_start_0:
0x88: {  	s2 =	sld [smem:$0x3FD9]  }
0x89: {  	s3 =	sld [smem:$0x3FFE];
	_ =	sdelay $0x1  }
0x8a: {  	s1 =	srdreg.scid  }
0x8b: {  	s0 =	sand.u32 $0x1, s1  }
0x8c: {  	s17 =	sshll.u32 s0, $0xA;
	s2 =	sadd.s32 s3, s2  }
0x8d: {  	s2 =	sadd.s32 s2, s17  }
0x8e: {  	[smem:$0x3FBE] =	sst s2  }
0x8f: {  	_ = 	snop  }
0x90: {  	s2 =	sld [smem:$0x3FD0];
	(tm) =	ssettm $0x1  }
0x91: {  	s18 =	sld [smem:$0x3FFB];
	_ =	sdelay $0x3  }
0x92: {  	_ =	strace s18  }
0x93: {  	s3 =	sld [smem:$0x3FFC];
	_ =	sdelay $0x3  }
0x94: {  	_ =	strace s3  }
0x95: {  	s3 =	sld [smem:$0x3FFD];
	_ =	sdelay $0x3  }
0x96: {  	_ =	strace s3  }
0x97: {  	_ =	strace $0x8FFFFFFF  }
0x98: {  	s19 =	sld [smem:$0x3FDB];
	_ =	sdelay $0x1  }
0x99: {  	s4 =	simm.s32 $_scs_section_size  }
0x9a: {  	s5 =	simm.s32 $_size__tile_overlayer_lowered;
	s6 =	simm.s32 $_tile_overlayer_lowered  }
0x9b: {  	s22 =	simm.s32 $0x1BFF;
	s21 =	sshll.u32 s6, $0x1;
	s3 =	sadd.s32 s4, s19  }
0x9c: {  	s7 =	simm.s32 $0x0;
	s20 =	sshll.u32 s5, $0x1;
	s5 =	sadd.s32 s21, s3  }
0x9d: {  	[timem:s7], [sflag:s22] =	dma.local [hbm:s5], s20  }
0x9e: {  	_ =	swait.ge [sflag:s22], s20  }
0x9f: {  	s4 =	ssub.s32 $0x0, s20;
	[sflag:s22] =	ssyncset.done $0x0  }
0xa0: {  	[sflag:s22] =	ssyncadd.s32 s4;
	_ =	sdelay $0x1  }
0xa1: {  	s23 =	simm.s32 $0x1B8B  }
0xa2: {  	_ =	swait.ge [sflag:s23], $0x1  }
0xa3: {  	[sflag:s23] =	ssyncset.done $0x0  }
0xa4: {  	s25 =	simm.s32 $0x1B8E;
	s24 =	sld [smem:$0x3FFE];
	[sflag:s23] =	ssyncadd.s32 $0xFFFFFFFF  }
0xa5: {  	s26 =	simm.s32 $execute0_lowered;
	[smem:$0x3FD2] =	sst s25  }
0xa6: {  	s5 =	sshll.u32 s26, $0x1;
	_ =	strace $0x80000046;
	[dreg:$0x1] =	wrdreg $0xFFFFFFFF  }
0xa7: {  	s28 =	simm.s32 $_size_execute0_lowered;
	s3 =	sadd.s32 s3, s5;
	[dreg:$0x0] =	wrdreg $0x0  }
0xa8: {  	s5 =	sshll.u32 s28, $0x1;
	[dreg:$0x2] =	wrdreg s3  }
0xa9: {  	[dreg:$0x3] =	wrdreg s5  }
0xaa: {  	[dreg:$0x4] =	wrdreg $0xC0  }
0xab: {  	_ =	task [dreg:s7], $0x5FFFF  }
0xac: {  	[dreg:$0x1] =	wrdreg $0xFFFFFFFF  }
0xad: {  	[dreg:$0x0] =	wrdreg $0x60  }
0xae: {  	[dreg:$0x2] =	wrdreg s24  }
0xaf: {  	[dreg:$0x3] =	wrdreg s2  }
0xb0: {  	[dreg:$0x4] =	wrdreg $0x0  }
0xb1: {  	[dreg:$0x5] =	wrdreg $0x9  }
0xb2: {  	_ =	task.clear_ibuf [dreg:s7], $0x6FFFF;
	_ =	strace $0x90000046  }
0xb3: {  	s29 =	simm.s32 $0x9;
	_ =	strace $0x80000048  }
0xb4: {  	_ =	swait.ge [sflag:s29], $0x1  }
0xb5: {  	[sflag:s29] =	ssyncadd.s32 $0xFFFFFFFF  }
0xb6: {  	_ =	strace $0x90000048  }
0xb7: {  	_ =	sfence  }
0xb8: {  	s30 =	sld [smem:$0x0];
	_ =	sdelay $0x2  }
0xb9: {  	s31 =	sshll.u32 s1, $0xD;
	s1 =	sshrl.u32 s1, $0x2  }
0xba: {  	s3 =	sand.u32 $0x4000, s31;
	s1 =	sadd.s32 s1, s30  }
0xbb: {  	s0 =	sor.u32 s3, s0;
	s1 =	sshll.u32 s1, $0x11  }
0xbc: {  	s0 =	sor.u32 s1, s0  }
0xbd: {  	s0 =	sadd.s32 $0x8F2B, s0  }
0xbe: {  	[sflag:s0] =	ssyncadd.remote.s32 $0x1  }
0xbf: {  	_ =	sfence.sel $0xFFFF  }
0xc0: {  	[dreg:$0x0] =	wrdreg $0xFFFFFFFF;
	(pc) =	sbr.abs _section_cstart, $3  }
0xc1: {  	[dreg:$0x1] =	wrdreg $0xFFFFFFFF  }
0xc2: {  	_ =	task.clear_ibuf [dreg:s7], $0x2FFFF;
	_ =	strace $0x9FFFFFFF  }
0xc3: {  	(tm) =	ssettm $0x7FFFFFFF  }
tec
execute0_lowered:
.L_overlay_start_1:
0x0: {  	(tag) =	ssettag $0x1  }
0x1: {  	s0 =	rddreg [dreg:$0x0]  }
0x2: {  	s1 =	rddreg [dreg:$0x1]  }
0x3: {  	s2 =	rddreg [dreg:$0x2];
	s3 =	srdreg.scid;
	s4 =	simm.s32 $0x0  }
0x4: {  	s15 =	simm.s32 $0x15F90;
	s16 =	simm.s32 $0x4;
	s17 =	simm.s32 $0x16030  }
0x5: {  	s18 =	simm.s32 $0x50;
	s20 =	simm.s32 $0x15FE0;
	s21 =	simm.s32 $0x16080  }
0x6: {  	s22 =	simm.s32 $0x1;
	s23 =	simm.s32 $0x2;
	s24 =	simm.s32 $0x3  }
0x7: {  	s6 =	sand.u32 $0x1, s3;
	[smem:$0x7FF] =	sst s4;
	s3 =	stileid.u32  }
0x8: {  	s5 =	sshll.u32 s6, $0x4;
	_ =	strace $0x80000047;
	s8 =	smul.u32 $0x2BF20, s6  }
0x9: {  	s9 =	ssub.s32 $0x2, s6;
	s6 =	sadd.s32 $0x37600, s0;
	s7 =	sor.u32 s3, s5  }
0xa: {  	s5 =	sadd.s32 $0x1800, s0;
	s10 =	sshrl.u32 s9, $0x1;
	s12 =	smul.u32 $0x2710, s7  }
0xb: {  	s7 =	sadd.s32 $0x2D800, s0;
	s0 =	sadd.s32 s8, s0;
	s13 =	ssub.s32 s9, s10  }
0xc: {  	s13 =	smax.u32 s13, $0x1;
	s14 =	sadd.s32 $0x41400, s0;
	s31 =	sshrl.u32 s12, $0x3  }
0xd: {  	s12 =	sadd.s32 $0xA0, s12;
	s8 =	sadd.s32 s6, s31;
	s11 =	sadd.s32 $0xA, s31  }
0xe: {  	v0 =	vimm.f32 $0.0e+00;
	vm0 =	vmmov $0xff;
	s9 =	sadd.s32 s7, s31;
	s10 =	sadd.s32 s6, s11;
	s11 =	sadd.s32 s7, s11  }
.LBB2_1:
0xf: {  	s0 =	simm.s32 $0x0;
	s25 =	simm.s32 $0x240  }
.LBB2_2:
0x10: {  	p0 =	sne.s32 s25, $0xB1C0;
	[tilespmem:s0+$0x161F0] =	vst v0  }
0x11: {  	[tilespmem:s0+$0x16170] =	vst v0  }
0x12: {  	[tilespmem:s0+$0x16180] =	vst v0  }
0x13: {  	[tilespmem:s0+$0x16190] =	vst v0  }
.Ltmp0:
0x14: {  	[tilespmem:s0+$0x161A0] =	vst v0;
	(pc) =	sbr.rel @p0 .LBB2_2-.Ltmp0, $4  }
0x15: {  	[tilespmem:s0+$0x161B0] =	vst v0  }
0x16: {  	[tilespmem:s0+$0x161C0] =	vst v0  }
0x17: {  	[tilespmem:s0+$0x161D0] =	vst v0  }
0x18: {  	[tilespmem:s0+$0x161E0] =	vst v0;
	s0 =	sshra.s32 s25, $0x2;
	s25 =	sadd.s32 $0x240, s25  }
0x19: {  	[tilespmem:s0+$0x161F0] =	vst v0  }
0x1a: {  	[tilespmem:s0+$0x16170] =	vst v0  }
0x1b: {  	[tilespmem:s0+$0x16180] =	vst v0  }
0x1c: {  	[tilespmem:s0+$0x16190] =	vst v0  }
0x1d: {  	[tilespmem:s0+$0x161A0] =	vst v0  }
0x1e: {  	[tilespmem:s0+$0x161B0] =	vst v0;
	s25 =	simm.s32 $0x0  }
0x1f: {  	[tilespmem:s0+$0x161C0] =	vst v0;
	s25 =	sand.u32 $0xF, s25  }
0x20: {  	[tilespmem:s0+$0x161D0] =	vst v0;
	p0 =	sne.s32 s25, s3  }
0x21: {  	[tilespmem:s0+$0x161E0] =	vst v0;
	s0 =	simm.s32 @!p0 $0x16170;
	s28 =	simm.s32 @!p0 $0x4  }
0x22: {  	[spmem:s2] =	stream.linear.scatter @!p0 [tilespmem:s0], [sflag:$0x4], $0x2D00, $0x38;
	[tilespmem:$0x1F270] =	vst v63  }
0x23: {  	s26 =	simm.s32 $0x2;
	_ =	swait.ge @!p0 [sflag:s28], $0x2D00  }
0x24: {  	s25 =	simm.s32 $0x1;
	s0 =	sadd.s32 $0x2D00, s2;
	[sflag:s28] =	ssyncset.done @!p0 $0x0  }
.LBB2_4:
0x25: {  	s29 =	sand.u32 $0xF, s25;
	s25 =	smov.u32 s26;
	s26 =	sadd.s32 $0x1, s26  }
0x26: {  	[sflag:s28] =	ssyncadd.s32 @!p0 $0xFFFFD300;
	p1 =	sne.s32 s26, $0x7D  }
.Ltmp1:
0x27: {  	p0 =	sne.s32 s29, s3;
	(pc) =	sbr.rel @p1 .LBB2_4-.Ltmp1, $4  }
0x28: {  	s29 =	simm.s32 @!p0 $0x16170;
	s28 =	simm.s32 @!p0 $0x4  }
0x29: {  	[spmem:s0] =	stream.linear.scatter @!p0 [tilespmem:s29], [sflag:$0x4], $0x2D00, $0x38;
	[tilespmem:$0x1F270] =	vst v63  }
0x2a: {  	_ =	swait.ge @!p0 [sflag:s28], $0x2D00  }
0x2b: {  	s0 =	sadd.s32 $0x2D00, s0;
	[sflag:s28] =	ssyncset.done @!p0 $0x0  }
0x2c: {  	s25 =	sand.u32 $0xF, s25  }
0x2d: {  	p1 =	sne.s32 s25, s3  }
0x2e: {  	[sflag:s28] =	ssyncadd.s32 @!p0 $0xFFFFD300;
	s25 =	simm.s32 @!p1 $0x16170;
	s26 =	simm.s32 @!p1 $0x4  }
0x2f: {  	[spmem:s0] =	stream.linear.scatter @!p1 [tilespmem:s25], [sflag:$0x4], $0x2D00, $0x38;
	[tilespmem:$0x1F270] =	vst v63  }
0x30: {  	_ =	swait.ge @!p1 [sflag:s26], $0x2D00  }
0x31: {  	[sflag:s26] =	ssyncset.done @!p1 $0x0  }
0x32: {  	[sflag:s26] =	ssyncadd.s32 @!p1 $0xFFFFD300  }
0x33: {  	s25 =	simm.s32 $0x0;
	[bflag:$0x0] =	sbarrier.arrive $0xFFFF  }
0x34: {  	[tilespmem:s15], [sflag:$0x4] =	stream.linear.gather [hbm4b:s8+s25], $0x50, $0x38;
	[tilespmem:$0x1F270] =	vst v63  }
0x35: {  	_ =	swait.ge [sflag:s16], $0x50  }
0x36: {  	[sflag:s16] =	ssyncset.done $0x0  }
0x37: {  	[sflag:s16] =	ssyncadd.s32 $0xFFFFFFB0  }
0x38: {  	[tilespmem:s17], [sflag:$0x4] =	stream.linear.gather [hbm4b:s9+s25], $0x50, $0x38;
	[tilespmem:$0x1F270] =	vst v63  }
0x39: {  	_ =	swait.ge [sflag:s16], $0x50  }
0x3a: {  	[sflag:s16] =	ssyncset.done $0x0  }
0x3b: {  	s26 =	simm.s32 $0x16170;
	[sflag:s16] =	ssyncadd.s32 $0xFFFFFFB0  }
0x3c: {  	[tilespmem:s26], [sflag:$0x1] =	stream.indirect.gather [hbm4b:s5+s18], $0x90, s15, s18, $0xb8;
	[tilespmem:$0x1F270] =	vst v63  }
0x3d: {  	s31 =	simm.s32 $0x1E870  }
0x3e: {  	[tilespmem:s31], [sflag:$0x1] =	stream.indirect.gather [hbm4b:s1+s18], $0x10, s17, s18, $0xb8;
	[tilespmem:$0x1F270] =	vst v63  }
0x3f: {  	_ = 	snop  }
0x40: {  	[tilespmem:s20], [sflag:$0x3] =	stream.linear.gather [hbm4b:s10+s25], $0x50, $0x38;
	[tilespmem:$0x1F270] =	vst v63  }
0x41: {  	p0 =	por $0x0, $0x0  }
0x42: {  	[tilespmem:s21], [sflag:$0x3] =	stream.linear.gather [hbm4b:s11+s25], $0x50, $0x38;
	[tilespmem:$0x1F270] =	vst v63  }
.LBB2_6:
0x43: {  	_ =	swait.ge [sflag:s22], $0x2D00  }
0x44: {  	[sflag:s22] =	ssyncset.done $0x0  }
0x45: {  	[sflag:s22] =	ssyncadd.s32 $0xFFFFD300  }
0x46: {  	_ =	swait.ge [sflag:s22], $0x500  }
0x47: {  	p1 =	slt.u32 s25, $0x2;
	[sflag:s22] =	ssyncset.done $0x0  }
0x48: {  	s0 =	simm.s32 @!p1 $0x2;
	[sflag:s22] =	ssyncadd.s32 $0xFFFFFB00  }
0x49: {  	p2 =	seq.s32 @!p1 s25, $0x7C;
	_ =	swait.ge @!p1 [sflag:s0], $0x2D00  }
0x4a: {  	p2 =	por p1, !p2;
	[sflag:s0] =	ssyncset.done @!p1 $0x0  }
0x4b: {  	[sflag:s0] =	ssyncadd.s32 @!p1 $0xFFFFD300;
	s0 =	sadd.s32 @p2 $0x1, s25  }
0x4c: {  	s29 =	sand.u32 @p2 $0xFF, s0  }
0x4d: {  	s29 =	smul.u32 @p2 $0xAB, s29;
	_ =	sdelay $0x1  }
0x4e: {  	s29 =	sshrl.u32 @p2 s29, $0x9  }
0x4f: {  	s29 =	smul.u32 @p2 $0x3, s29  }
0x50: {  	_ =	swait.ge @p2 [sflag:s24], $0x50  }
0x51: {  	[sflag:s24] =	ssyncset.done @p2 $0x0;
	s0 =	ssub.s32 @p2 s0, s29  }
0x52: {  	s28 =	sand.u32 $0x1, s25;
	[sflag:s24] =	ssyncadd.s32 @p2 $0xFFFFFFB0;
	s0 =	sand.u32 @p2 $0xFF, s0  }
0x53: {  	s30 =	sxor.u32 @p2 $0x1, s28;
	_ =	swait.ge @p2 [sflag:s24], $0x50;
	s0 =	smul.u32 @p2 $0xB400, s0  }
0x54: {  	[sflag:s24] =	ssyncset.done @p2 $0x0;
	s29 =	smul.u32 @p2 $0x50, s30  }
0x55: {  	[sflag:s24] =	ssyncadd.s32 @p2 $0xFFFFFFB0;
	s0 =	sshrl.u32 @p2 s0, $0x2  }
0x56: {  	s30 =	smul.u32 @p2 $0x1400, s30;
	s31 =	sadd.s32 @p2 $0x15F90, s29;
	s0 =	sadd.s32 @p2 $0x16170, s0  }
0x57: {  	[tilespmem:s0], [sflag:$0x1] =	stream.indirect.gather @p2 [hbm4b:s5+s18], $0x90, s31, s18, $0xb8;
	[tilespmem:$0x1F270] =	vst v63  }
0x58: {  	s0 =	sshrl.u32 @p2 s30, $0x2  }
0x59: {  	s19 =	smul.u32 $0xAB, s25;
	s29 =	sadd.s32 @p2 $0x16030, s29;
	s0 =	sor.u32 @p2 $0x1E870, s0  }
0x5a: {  	[tilespmem:s0], [sflag:$0x1] =	stream.indirect.gather @p2 [hbm4b:s1+s18], $0x10, s29, s18, $0xb8;
	[tilespmem:$0x1F270] =	vst v63  }
0x5b: {  	s0 =	sshrl.u32 s19, $0x9;
	s29 =	smulhi.u32 $0xAAAAAAAB, s25  }
0x5c: {  	s0 =	sand.u32 $0x7F, s0  }
0x5d: {  	s0 =	smul.u32 $0x3, s0;
	s29 =	sshrl.u32 s29, $0x1  }
0x5e: {  	s29 =	smul.u32 $0xFFFDE400, s29  }
0x5f: {  	s30 =	simm.s32 $0x1  }
0x60: {  	s30 =	simm.s32 @!p0 $0x0;
	s0 =	ssub.s32 s25, s0;
	s29 =	sshra.s32 s29, $0x2  }
0x61: {  	s30 =	smul.u32 $0x1400, s30;
	s0 =	sand.u32 $0xFF, s0;
	s19 =	sadd.s32 s29, s26  }
0x62: {  	s0 =	smul.u32 $0xB400, s0;
	v1 =	vmov s19;
	_ =	sdelay $0x1  }
0x63: {  	s29 =	sshrl.u32 s30, $0x2;
	s0 =	sshrl.u32 s0, $0x2  }
0x64: {  	s31 =	simm.s32 $0x0;
	s30 =	sor.u32 $0x1E890, s29;
	s29 =	sadd.s32 $0x16170, s0  }
.LBB2_7:
0x65: {  	s0 =	sshra.s32 s31, $0x2;
	v3 =	vld [tilespmem:s30+$0xFFFFFFE0]  }
0x66: {  	v2 =	vld.idx.msk [tilespmem:v1+s0+$0x80 ss:$0x1], $0xffff;
	_ =	sdelay $0x4  }
0x67: {  	v2 =	vadd.f32 v3, v2;
	_ =	sdelay $0x1  }
0x68: {  	v3 =	vmul.f32 $2.000000030e-01, v2  }
0x69: {  	vm1 =	vgt.f32 v2, $0.0e+00  }
0x6a: {  	v2 =	vsel vm1, v2, v3  }
0x6b: {  	v2 =	vmul.f32 $1.442695020e+00, v2;
	_ =	sdelay $0x1  }
0x6c: {  	(erf) = vpow2.f32 v2;
	_ =	sdelay $0x6  }
0x6d: {  	v2 =	vld.idx.msk [tilespmem:v1+s0+$0x0 ss:$0x1], $0xffff;
	_ =	sdelay $0x1  }
0x6e: {  	v3 =	vpop (erf)  }
0x6f: {  	v4 =	vbroadcast v3, $0x0;
	_ =	sdelay $0x1  }
0x70: {  	v33 =	vnsel vm0, $0x0, v3;
	v2 =	vmul.f32 v4, v2  }
0x71: {  	[tilespmem:v1+s0+$0x80 ss:$0x1] =	vst.idx.msk $0xffff, v33  }
0x72: {  	[tilespmem:v1+s0+$0x0 ss:$0x1] =	vst.idx.msk $0xffff, v2  }
0x73: {  	v2 =	vld.idx.msk [tilespmem:v1+s0+$0x10 ss:$0x1], $0xffff;
	_ =	sdelay $0x2  }
0x74: {  	v34 =	vbroadcast v3, $0x1;
	_ =	sdelay $0x1  }
0x75: {  	v2 =	vmul.f32 v34, v2;
	_ =	sdelay $0x1  }
0x76: {  	[tilespmem:v1+s0+$0x10 ss:$0x1] =	vst.idx.msk $0xffff, v2  }
0x77: {  	v2 =	vld.idx.msk [tilespmem:v1+s0+$0x20 ss:$0x1], $0xffff;
	_ =	sdelay $0x2  }
0x78: {  	v35 =	vbroadcast v3, $0x2;
	_ =	sdelay $0x1  }
0x79: {  	v2 =	vmul.f32 v35, v2;
	_ =	sdelay $0x1  }
0x7a: {  	[tilespmem:v1+s0+$0x20 ss:$0x1] =	vst.idx.msk $0xffff, v2  }
0x7b: {  	v2 =	vld.idx.msk [tilespmem:v1+s0+$0x30 ss:$0x1], $0xffff;
	_ =	sdelay $0x2  }
0x7c: {  	v36 =	vbroadcast v3, $0x3;
	_ =	sdelay $0x1  }
0x7d: {  	v2 =	vmul.f32 v2, v36;
	_ =	sdelay $0x1  }
0x7e: {  	[tilespmem:v1+s0+$0x30 ss:$0x1] =	vst.idx.msk $0xffff, v2  }
0x7f: {  	v2 =	vld.idx.msk [tilespmem:v1+s0+$0x40 ss:$0x1], $0xffff;
	_ =	sdelay $0x2  }
0x80: {  	v37 =	vbroadcast v3, $0x4;
	_ =	sdelay $0x1  }
0x81: {  	v2 =	vmul.f32 v2, v37;
	_ =	sdelay $0x1  }
0x82: {  	[tilespmem:v1+s0+$0x40 ss:$0x1] =	vst.idx.msk $0xffff, v2  }
0x83: {  	v2 =	vld.idx.msk [tilespmem:v1+s0+$0x50 ss:$0x1], $0xffff;
	_ =	sdelay $0x2  }
0x84: {  	v38 =	vbroadcast v3, $0x5;
	_ =	sdelay $0x1  }
0x85: {  	v2 =	vmul.f32 v2, v38;
	_ =	sdelay $0x1  }
0x86: {  	[tilespmem:v1+s0+$0x50 ss:$0x1] =	vst.idx.msk $0xffff, v2  }
0x87: {  	v2 =	vld.idx.msk [tilespmem:v1+s0+$0x60 ss:$0x1], $0xffff;
	_ =	sdelay $0x2  }
0x88: {  	v39 =	vbroadcast v3, $0x6;
	_ =	sdelay $0x1  }
0x89: {  	v2 =	vmul.f32 v2, v39;
	_ =	sdelay $0x1  }
0x8a: {  	[tilespmem:v1+s0+$0x60 ss:$0x1] =	vst.idx.msk $0xffff, v2  }
0x8b: {  	v2 =	vld.idx.msk [tilespmem:v1+s0+$0x70 ss:$0x1], $0xffff;
	_ =	sdelay $0x2  }
0x8c: {  	v3 =	vbroadcast v3, $0x7;
	_ =	sdelay $0x1  }
0x8d: {  	v2 =	vmul.f32 v2, v3;
	_ =	sdelay $0x1  }
0x8e: {  	[tilespmem:v1+s0+$0x70 ss:$0x1] =	vst.idx.msk $0xffff, v2  }
0x8f: {  	v2 =	vld.idx.msk [tilespmem:v1+s0+$0x110 ss:$0x1], $0xffff  }
0x90: {  	v3 =	vld [tilespmem:s30+$0xFFFFFFF0];
	_ =	sdelay $0x4  }
0x91: {  	v2 =	vadd.f32 v3, v2;
	_ =	sdelay $0x1  }
0x92: {  	v3 =	vmul.f32 $2.000000030e-01, v2  }
0x93: {  	vm1 =	vgt.f32 v2, $0.0e+00  }
0x94: {  	v2 =	vsel vm1, v2, v3  }
0x95: {  	v2 =	vmul.f32 $1.442695020e+00, v2;
	_ =	sdelay $0x1  }
0x96: {  	(erf) = vpow2.f32 v2;
	_ =	sdelay $0x6  }
0x97: {  	v2 =	vld.idx.msk [tilespmem:v1+s0+$0x90 ss:$0x1], $0xffff;
	_ =	sdelay $0x1  }
0x98: {  	v3 =	vpop (erf)  }
0x99: {  	v40 =	vbroadcast v3, $0x0;
	_ =	sdelay $0x1  }
0x9a: {  	v41 =	vnsel vm0, $0x0, v3;
	v2 =	vmul.f32 v40, v2  }
0x9b: {  	[tilespmem:v1+s0+$0x110 ss:$0x1] =	vst.idx.msk $0xffff, v41  }
0x9c: {  	[tilespmem:v1+s0+$0x90 ss:$0x1] =	vst.idx.msk $0xffff, v2  }
0x9d: {  	v2 =	vld.idx.msk [tilespmem:v1+s0+$0xA0 ss:$0x1], $0xffff;
	_ =	sdelay $0x2  }
0x9e: {  	v42 =	vbroadcast v3, $0x1;
	_ =	sdelay $0x1  }
0x9f: {  	v2 =	vmul.f32 v42, v2;
	_ =	sdelay $0x1  }
0xa0: {  	[tilespmem:v1+s0+$0xA0 ss:$0x1] =	vst.idx.msk $0xffff, v2  }
0xa1: {  	v2 =	vld.idx.msk [tilespmem:v1+s0+$0xB0 ss:$0x1], $0xffff;
	_ =	sdelay $0x2  }
0xa2: {  	v43 =	vbroadcast v3, $0x2;
	_ =	sdelay $0x1  }
0xa3: {  	v2 =	vmul.f32 v43, v2;
	_ =	sdelay $0x1  }
0xa4: {  	[tilespmem:v1+s0+$0xB0 ss:$0x1] =	vst.idx.msk $0xffff, v2  }
0xa5: {  	v2 =	vld.idx.msk [tilespmem:v1+s0+$0xC0 ss:$0x1], $0xffff;
	_ =	sdelay $0x2  }
0xa6: {  	v44 =	vbroadcast v3, $0x3;
	_ =	sdelay $0x1  }
0xa7: {  	v2 =	vmul.f32 v2, v44;
	_ =	sdelay $0x1  }
0xa8: {  	[tilespmem:v1+s0+$0xC0 ss:$0x1] =	vst.idx.msk $0xffff, v2  }
0xa9: {  	v2 =	vld.idx.msk [tilespmem:v1+s0+$0xD0 ss:$0x1], $0xffff;
	_ =	sdelay $0x2  }
0xaa: {  	v45 =	vbroadcast v3, $0x4;
	_ =	sdelay $0x1  }
0xab: {  	v2 =	vmul.f32 v2, v45;
	_ =	sdelay $0x1  }
0xac: {  	[tilespmem:v1+s0+$0xD0 ss:$0x1] =	vst.idx.msk $0xffff, v2  }
0xad: {  	v2 =	vld.idx.msk [tilespmem:v1+s0+$0xE0 ss:$0x1], $0xffff;
	_ =	sdelay $0x2  }
0xae: {  	v46 =	vbroadcast v3, $0x5;
	_ =	sdelay $0x1  }
0xaf: {  	v2 =	vmul.f32 v2, v46;
	_ =	sdelay $0x1  }
0xb0: {  	[tilespmem:v1+s0+$0xE0 ss:$0x1] =	vst.idx.msk $0xffff, v2  }
0xb1: {  	v2 =	vld.idx.msk [tilespmem:v1+s0+$0xF0 ss:$0x1], $0xffff;
	_ =	sdelay $0x2  }
0xb2: {  	v47 =	vbroadcast v3, $0x6;
	_ =	sdelay $0x1  }
0xb3: {  	v2 =	vmul.f32 v2, v47;
	_ =	sdelay $0x1  }
0xb4: {  	[tilespmem:v1+s0+$0xF0 ss:$0x1] =	vst.idx.msk $0xffff, v2  }
0xb5: {  	v2 =	vld.idx.msk [tilespmem:v1+s0+$0x100 ss:$0x1], $0xffff;
	_ =	sdelay $0x2  }
0xb6: {  	v3 =	vbroadcast v3, $0x7;
	_ =	sdelay $0x1  }
0xb7: {  	v2 =	vmul.f32 v2, v3;
	_ =	sdelay $0x1  }
0xb8: {  	[tilespmem:v1+s0+$0x100 ss:$0x1] =	vst.idx.msk $0xffff, v2  }
0xb9: {  	v2 =	vld.idx.msk [tilespmem:v1+s0+$0x1A0 ss:$0x1], $0xffff  }
0xba: {  	v3 =	vld [tilespmem:s30+$0x0];
	_ =	sdelay $0x4  }
0xbb: {  	v2 =	vadd.f32 v3, v2;
	_ =	sdelay $0x1  }
0xbc: {  	v3 =	vmul.f32 $2.000000030e-01, v2  }
0xbd: {  	vm1 =	vgt.f32 v2, $0.0e+00  }
0xbe: {  	v2 =	vsel vm1, v2, v3  }
0xbf: {  	v2 =	vmul.f32 $1.442695020e+00, v2;
	_ =	sdelay $0x1  }
0xc0: {  	(erf) = vpow2.f32 v2;
	_ =	sdelay $0x6  }
0xc1: {  	v2 =	vld.idx.msk [tilespmem:v1+s0+$0x120 ss:$0x1], $0xffff;
	_ =	sdelay $0x1  }
0xc2: {  	v3 =	vpop (erf)  }
0xc3: {  	v48 =	vbroadcast v3, $0x0;
	_ =	sdelay $0x1  }
0xc4: {  	v49 =	vnsel vm0, $0x0, v3;
	v2 =	vmul.f32 v48, v2  }
0xc5: {  	[tilespmem:v1+s0+$0x1A0 ss:$0x1] =	vst.idx.msk $0xffff, v49  }
0xc6: {  	[tilespmem:v1+s0+$0x120 ss:$0x1] =	vst.idx.msk $0xffff, v2  }
0xc7: {  	v2 =	vld.idx.msk [tilespmem:v1+s0+$0x130 ss:$0x1], $0xffff;
	_ =	sdelay $0x2  }
0xc8: {  	v50 =	vbroadcast v3, $0x1;
	_ =	sdelay $0x1  }
0xc9: {  	v2 =	vmul.f32 v50, v2;
	_ =	sdelay $0x1  }
0xca: {  	[tilespmem:v1+s0+$0x130 ss:$0x1] =	vst.idx.msk $0xffff, v2  }
0xcb: {  	v2 =	vld.idx.msk [tilespmem:v1+s0+$0x140 ss:$0x1], $0xffff;
	_ =	sdelay $0x2  }
0xcc: {  	v51 =	vbroadcast v3, $0x2;
	_ =	sdelay $0x1  }
0xcd: {  	v2 =	vmul.f32 v51, v2;
	_ =	sdelay $0x1  }
0xce: {  	[tilespmem:v1+s0+$0x140 ss:$0x1] =	vst.idx.msk $0xffff, v2  }
0xcf: {  	v2 =	vld.idx.msk [tilespmem:v1+s0+$0x150 ss:$0x1], $0xffff;
	_ =	sdelay $0x2  }
0xd0: {  	v52 =	vbroadcast v3, $0x3;
	_ =	sdelay $0x1  }
0xd1: {  	v2 =	vmul.f32 v2, v52;
	_ =	sdelay $0x1  }
0xd2: {  	[tilespmem:v1+s0+$0x150 ss:$0x1] =	vst.idx.msk $0xffff, v2  }
0xd3: {  	v2 =	vld.idx.msk [tilespmem:v1+s0+$0x160 ss:$0x1], $0xffff;
	_ =	sdelay $0x2  }
0xd4: {  	v53 =	vbroadcast v3, $0x4;
	_ =	sdelay $0x1  }
0xd5: {  	v2 =	vmul.f32 v2, v53;
	_ =	sdelay $0x1  }
0xd6: {  	[tilespmem:v1+s0+$0x160 ss:$0x1] =	vst.idx.msk $0xffff, v2  }
0xd7: {  	v2 =	vld.idx.msk [tilespmem:v1+s0+$0x170 ss:$0x1], $0xffff;
	_ =	sdelay $0x2  }
0xd8: {  	v54 =	vbroadcast v3, $0x5;
	_ =	sdelay $0x1  }
0xd9: {  	v2 =	vmul.f32 v2, v54;
	_ =	sdelay $0x1  }
0xda: {  	[tilespmem:v1+s0+$0x170 ss:$0x1] =	vst.idx.msk $0xffff, v2  }
0xdb: {  	v2 =	vld.idx.msk [tilespmem:v1+s0+$0x180 ss:$0x1], $0xffff;
	_ =	sdelay $0x2  }
0xdc: {  	v55 =	vbroadcast v3, $0x6;
	_ =	sdelay $0x1  }
0xdd: {  	v2 =	vmul.f32 v2, v55;
	_ =	sdelay $0x1  }
0xde: {  	[tilespmem:v1+s0+$0x180 ss:$0x1] =	vst.idx.msk $0xffff, v2  }
0xdf: {  	v2 =	vld.idx.msk [tilespmem:v1+s0+$0x190 ss:$0x1], $0xffff;
	_ =	sdelay $0x2  }
0xe0: {  	v3 =	vbroadcast v3, $0x7;
	_ =	sdelay $0x1  }
0xe1: {  	v2 =	vmul.f32 v2, v3;
	_ =	sdelay $0x1  }
0xe2: {  	[tilespmem:v1+s0+$0x190 ss:$0x1] =	vst.idx.msk $0xffff, v2  }
0xe3: {  	v2 =	vld.idx.msk [tilespmem:v1+s0+$0x230 ss:$0x1], $0xffff  }
0xe4: {  	v3 =	vld [tilespmem:s30+$0x10];
	_ =	sdelay $0x4  }
0xe5: {  	v2 =	vadd.f32 v3, v2;
	_ =	sdelay $0x1  }
0xe6: {  	v3 =	vmul.f32 $2.000000030e-01, v2  }
0xe7: {  	vm1 =	vgt.f32 v2, $0.0e+00  }
0xe8: {  	v2 =	vsel vm1, v2, v3  }
0xe9: {  	v2 =	vmul.f32 $1.442695020e+00, v2;
	_ =	sdelay $0x1  }
0xea: {  	(erf) = vpow2.f32 v2;
	_ =	sdelay $0x6  }
0xeb: {  	v2 =	vld.idx.msk [tilespmem:v1+s0+$0x1B0 ss:$0x1], $0xffff;
	_ =	sdelay $0x1  }
0xec: {  	v3 =	vpop (erf)  }
0xed: {  	v56 =	vbroadcast v3, $0x0;
	_ =	sdelay $0x1  }
0xee: {  	v57 =	vnsel vm0, $0x0, v3;
	v2 =	vmul.f32 v56, v2  }
0xef: {  	[tilespmem:v1+s0+$0x230 ss:$0x1] =	vst.idx.msk $0xffff, v57  }
0xf0: {  	[tilespmem:v1+s0+$0x1B0 ss:$0x1] =	vst.idx.msk $0xffff, v2  }
0xf1: {  	v2 =	vld.idx.msk [tilespmem:v1+s0+$0x1C0 ss:$0x1], $0xffff;
	_ =	sdelay $0x2  }
0xf2: {  	v58 =	vbroadcast v3, $0x1;
	_ =	sdelay $0x1  }
0xf3: {  	v2 =	vmul.f32 v58, v2;
	_ =	sdelay $0x1  }
0xf4: {  	[tilespmem:v1+s0+$0x1C0 ss:$0x1] =	vst.idx.msk $0xffff, v2  }
0xf5: {  	v2 =	vld.idx.msk [tilespmem:v1+s0+$0x1D0 ss:$0x1], $0xffff;
	_ =	sdelay $0x2  }
0xf6: {  	v59 =	vbroadcast v3, $0x2;
	_ =	sdelay $0x1  }
0xf7: {  	v2 =	vmul.f32 v59, v2;
	_ =	sdelay $0x1  }
0xf8: {  	[tilespmem:v1+s0+$0x1D0 ss:$0x1] =	vst.idx.msk $0xffff, v2  }
0xf9: {  	v2 =	vld.idx.msk [tilespmem:v1+s0+$0x1E0 ss:$0x1], $0xffff;
	_ =	sdelay $0x2  }
0xfa: {  	v60 =	vbroadcast v3, $0x3;
	_ =	sdelay $0x1  }
0xfb: {  	v2 =	vmul.f32 v2, v60;
	_ =	sdelay $0x1  }
0xfc: {  	[tilespmem:v1+s0+$0x1E0 ss:$0x1] =	vst.idx.msk $0xffff, v2  }
0xfd: {  	v2 =	vld.idx.msk [tilespmem:v1+s0+$0x1F0 ss:$0x1], $0xffff;
	_ =	sdelay $0x2  }
0xfe: {  	v61 =	vbroadcast v3, $0x4;
	_ =	sdelay $0x1  }
0xff: {  	v2 =	vmul.f32 v2, v61;
	_ =	sdelay $0x1  }
0x100: {  	[tilespmem:v1+s0+$0x1F0 ss:$0x1] =	vst.idx.msk $0xffff, v2  }
0x101: {  	v2 =	vld.idx.msk [tilespmem:v1+s0+$0x200 ss:$0x1], $0xffff;
	_ =	sdelay $0x2  }
0x102: {  	v62 =	vbroadcast v3, $0x5;
	_ =	sdelay $0x1  }
0x103: {  	v2 =	vmul.f32 v2, v62;
	_ =	sdelay $0x1  }
0x104: {  	[tilespmem:v1+s0+$0x200 ss:$0x1] =	vst.idx.msk $0xffff, v2  }
0x105: {  	v2 =	vld.idx.msk [tilespmem:v1+s0+$0x210 ss:$0x1], $0xffff;
	_ =	sdelay $0x2  }
0x106: {  	v63 =	vbroadcast v3, $0x6;
	_ =	sdelay $0x1  }
0x107: {  	v2 =	vmul.f32 v2, v63;
	_ =	sdelay $0x1  }
0x108: {  	[tilespmem:v1+s0+$0x210 ss:$0x1] =	vst.idx.msk $0xffff, v2  }
0x109: {  	v2 =	vld.idx.msk [tilespmem:v1+s0+$0x220 ss:$0x1], $0xffff;
	_ =	sdelay $0x1  }
0x10a: {  	p1 =	sne.s32 s31, $0xAB00  }
.Ltmp2:
0x10b: {  	v3 =	vbroadcast v3, $0x7;
	(pc) =	sbr.rel @p1 .LBB2_7-.Ltmp2, $3  }
0x10c: {  	_ = 	snop  }
0x10d: {  	v2 =	vmul.f32 v2, v3;
	_ =	sdelay $0x1  }
0x10e: {  	s31 =	sadd.s32 $0x900, s31;
	s30 =	sadd.s32 $0x40, s30;
	[tilespmem:v1+s0+$0x220 ss:$0x1] =	vst.idx.msk $0xffff, v2  }
0x10f: {  	s0 =	smul.u32 $0x50, s28;
	_ =	sdelay $0x1  }
0x110: {  	v1 =	vld [tilespmem:s0+$0x16030]  }
0x111: {  	v2 =	vld [tilespmem:s0+$0x16040]  }
0x112: {  	v3 =	vld [tilespmem:s0+$0x16050]  }
0x113: {  	v4 =	vld [tilespmem:s0+$0x16060]  }
0x114: {  	v5 =	vld [tilespmem:s0+$0x16070]  }
0x115: {  	[tilespmem:s0+$0x160D0] =	vst v1  }
0x116: {  	[tilespmem:s0+$0x160E0] =	vst v2  }
0x117: {  	[tilespmem:s0+$0x160F0] =	vst v3  }
0x118: {  	p1 =	sgt.u32 s25, $0x7A;
	[tilespmem:s0+$0x16100] =	vst v4  }
0x119: {  	s28 =	smul.u32 @!p1 $0x50, s25;
	s19 =	sadd.s32 $0x160D0, s0;
	[tilespmem:s0+$0x16110] =	vst v5  }
0x11a: {  	[spmem:s2] =	stream.indirect.scatter.add.f32 [tilespmem:s29], [sflag:$0x2], $0x90, s19, s18, $0xb8;
	[tilespmem:$0x1F270] =	vst v63  }
0x11b: {  	s19 =	sadd.s32 @!p1 s28, s12  }
0x11c: {  	s19 =	sshrl.u32 @!p1 s19, $0x3  }
0x11d: {  	s30 =	simm.s32 @!p1 $0x0;
	s28 =	sadd.s32 @!p1 $0x15F90, s0;
	s29 =	sadd.s32 @!p1 s6, s19  }
0x11e: {  	[tilespmem:s28], [sflag:$0x3] =	stream.linear.gather @!p1 [hbm4b:s29+s30], $0x50, $0x38;
	[tilespmem:$0x1F270] =	vst v63  }
0x11f: {  	s25 =	sadd.s32 $0x1, s25;
	s0 =	sadd.s32 $0x16030, s0;
	s19 =	sadd.s32 @!p1 s7, s19  }
0x120: {  	[tilespmem:s0], [sflag:$0x3] =	stream.linear.gather @!p1 [hbm4b:s19+s30], $0x50, $0x38;
	[tilespmem:$0x1F270] =	vst v63  }
0x121: {  	p1 =	sne.s32 s25, $0x7D  }
.Ltmp3:
0x122: {  	_ = 	snop;
	(pc) =	sbr.rel @p1 .LBB2_6-.Ltmp3, $2  }
0x123: {  	_ =	sdelay $0x2  }
0x124: {  	s26 =	sadd.s32 $0x2D00, s26;
	p0 =	por !p0, !p0  }
0x125: {  	_ =	swait.ge [sflag:s23], $0x2D00  }
0x126: {  	[sflag:s23] =	ssyncset.done $0x0  }
0x127: {  	s0 =	simm.s32 $0x0;
	[sflag:s23] =	ssyncadd.s32 $0xFFFFD300  }
0x128: {  	s0 =	sand.u32 $0xF, s0;
	_ =	swait.ge [sflag:s23], $0x2D00  }
0x129: {  	p0 =	sne.s32 s0, s3;
	[sflag:s23] =	ssyncset.done $0x0  }
0x12a: {  	s0 =	simm.s32 @!p0 $0x16170;
	[sflag:s23] =	ssyncadd.s32 $0xFFFFD300  }
0x12b: {  	s19 =	simm.s32 @!p0 $0x5;
	p0 =	por p0, p0;
	[bflag:$0x0] =	sbarrier.arrive $0xFFFF  }
0x12c: {  	[tilespmem:s0], [sflag:$0x5] =	stream.linear.gather @!p0 [spmem:s2], $0x2D00, $0x38;
	[tilespmem:$0x1F270] =	vst v63  }
0x12d: {  	_ =	swait.ge @!p0 [sflag:s19], $0x2D00  }
0x12e: {  	s26 =	simm.s32 $0x1;
	s25 =	simm.s32 $0x2;
	[sflag:s19] =	ssyncset.done @!p0 $0x0  }
0x12f: {  	s28 =	simm.s32 @!p0 $0x4;
	[sflag:s19] =	ssyncadd.s32 @!p0 $0xFFFFD300;
	s19 =	simm.s32 @!p0 $0x0  }
0x130: {  	[hbm4b:s14+s19] =	stream.linear.scatter @!p0 [tilespmem:s0], [sflag:$0x4], $0x2D00, $0x38;
	[tilespmem:$0x1F270] =	vst v63  }
0x131: {  	s31 =	sand.u32 $0xF, s26;
	s26 =	sadd.s32 $0x2D00, s2;
	_ =	swait.ge @!p0 [sflag:s28], $0x2D00  }
0x132: {  	p1 =	sne.s32 s31, s3;
	s0 =	sadd.s32 $0x5A0, s14;
	[sflag:s28] =	ssyncset.done @!p0 $0x0  }
.LBB2_10:
0x133: {  	s19 =	simm.s32 @!p1 $0x16170;
	s29 =	simm.s32 @!p1 $0x5;
	[sflag:s28] =	ssyncadd.s32 @!p0 $0xFFFFD300  }
0x134: {  	s30 =	smov.u32 s25;
	p0 =	por p1, p1;
	s25 =	sadd.s32 $0x1, s25  }
0x135: {  	[tilespmem:s19], [sflag:$0x5] =	stream.linear.gather @!p0 [spmem:s26], $0x2D00, $0x38;
	[tilespmem:$0x1F270] =	vst v63  }
0x136: {  	p2 =	sne.s32 s25, $0x7D;
	_ =	swait.ge @!p0 [sflag:s29], $0x2D00  }
.Ltmp4:
0x137: {  	[sflag:s29] =	ssyncset.done @!p0 $0x0;
	(pc) =	sbr.rel @p2 .LBB2_10-.Ltmp4, $4  }
0x138: {  	s28 =	simm.s32 @!p0 $0x4;
	[sflag:s29] =	ssyncadd.s32 @!p0 $0xFFFFD300;
	s29 =	simm.s32 @!p0 $0x0  }
0x139: {  	[hbm4b:s0+s29] =	stream.linear.scatter @!p0 [tilespmem:s19], [sflag:$0x4], $0x2D00, $0x38;
	[tilespmem:$0x1F270] =	vst v63  }
0x13a: {  	s26 =	sadd.s32 $0x2D00, s26;
	s19 =	sand.u32 $0xF, s30;
	_ =	swait.ge @!p0 [sflag:s28], $0x2D00  }
0x13b: {  	s0 =	sadd.s32 $0x5A0, s0;
	p1 =	sne.s32 s19, s3;
	[sflag:s28] =	ssyncset.done @!p0 $0x0  }
0x13c: {  	s19 =	simm.s32 @!p1 $0x16170  }
0x13d: {  	s25 =	simm.s32 @!p1 $0x5;
	[sflag:s28] =	ssyncadd.s32 @!p0 $0xFFFFD300;
	p0 =	por p1, p1  }
0x13e: {  	[tilespmem:s19], [sflag:$0x5] =	stream.linear.gather @!p0 [spmem:s26], $0x2D00, $0x38;
	[tilespmem:$0x1F270] =	vst v63  }
0x13f: {  	s4 =	sadd.s32 $0x1, s4;
	_ =	swait.ge @!p0 [sflag:s25], $0x2D00  }
0x140: {  	s26 =	simm.s32 @!p0 $0x4;
	p1 =	sne.s32 s4, s13;
	[sflag:s25] =	ssyncset.done @!p0 $0x0  }
.Ltmp5:
0x141: {  	[sflag:s25] =	ssyncadd.s32 @!p0 $0xFFFFD300;
	s25 =	simm.s32 @!p0 $0x0;
	(pc) =	sbr.rel @p1 .LBB2_1-.Ltmp5, $4  }
0x142: {  	[hbm4b:s0+s25] =	stream.linear.scatter @!p0 [tilespmem:s19], [sflag:$0x4], $0x2D00, $0x38;
	[tilespmem:$0x1F270] =	vst v63  }
0x143: {  	_ =	swait.ge @!p0 [sflag:s26], $0x2D00  }
0x144: {  	[sflag:s26] =	ssyncset.done @!p0 $0x0  }
0x145: {  	[sflag:s26] =	ssyncadd.s32 @!p0 $0xFFFFD300  }
0x146: {  	_ =	sfence.sel $0x180000  }
0x147: {  	[bflag:$0x0] =	sbarrier.arrive $0xFFFF  }
0x148: {  	_ =	strace $0x90000047  }
0x149: {  	[bflag:$0x2] =	sbarrier.arrive $0xFFFF  }
0x14a: {  	p0 =	sne.s32 s3, $0x0;
	s0 =	rddreg [dreg:$0x3]  }
0x14b: {  	s0 =	sadd.s32 @!p0 $0x100000, s0  }
0x14c: {  	[sflag:s0] =	ssyncadd.tile.s32 @!p0 $0x1;
	_ =	shalt  }
.Lfunc_end2:
_tile_overlayer_lowered:
.L_overlay_start_2:
0x14d: {  	(tag) =	ssettag $0x2  }
0x14e: {  	s0 =	rddreg [dreg:$0x0];
	s2 =	stileid.u32  }
0x14f: {  	s1 =	rddreg [dreg:$0x1];
	p0 =	sne.s32 s2, $0x0  }
0x150: {  	s3 =	rddreg [dreg:$0x2];
	[bflag:$0x3] =	sbarrier.arrive $0xFFFF;
	s2 =	simm.s32 @!p0 $0x1C04  }
0x151: {  	[timem:s3], [sflag:s2] =	dma.local @!p0 [hbm:s0], s1  }
0x152: {  	s0 =	simm.s32 @!p0 $0x4  }
0x153: {  	_ =	swait.ge @!p0 [sflag:s0], s1  }
0x154: {  	s1 =	ssub.s32 @!p0 $0x0, s1;
	[sflag:s0] =	ssyncset.done @!p0 $0x0  }
0x155: {  	[sflag:s0] =	ssyncadd.s32 @!p0 s1  }
0x156: {  	[bflag:$0x3] =	sbarrier.arrive $0xFFFF  }
0x157: {  	_ =	shalt  }

</sc_bundles>
